<compile_context>
chip_gen: v7x
topology: tpu7x:2x2x1
jax: 0.10.2.dev20260603
libtpu: 0.0.44.dev20260713+nightly
codegen_flags: <defaults>
</compile_context>

<pallas_src>
import functools

import jax
import jax.numpy as jnp
from jax import lax
from jax.experimental import pallas as pl
from jax.experimental.pallas import tpu as pltpu
from jax.experimental.pallas import tpu_sc as plsc

N = 10000
E = 320000
H = 64
NG = 64
NC = 2
NS = 16
NW = NC * NS
EPW = 10240
NGRP = 80
NPAD = 10240
RPT = NPAD // NS
NB = 8
LA = 4
HW = 32
NGRP2 = 160


_mesh = plsc.VectorSubcoreMesh(
    core_axis_name="c", subcore_axis_name="s", num_cores=NC, num_subcores=NS)
_sc_params = pltpu.CompilerParams(use_tc_tiling_on_sc=False)


@functools.partial(
    pl.kernel,
    mesh=_mesh,
    compiler_params=_sc_params,
    out_type=jax.ShapeDtypeStruct((NC, NPAD, 16), jnp.float32),
    scratch_types=[
        pltpu.VMEM((NGRP, 128), jnp.int32),
        pltpu.VMEM((128, 16), jnp.float32),
        [pltpu.SemaphoreType.DMA] * NB,
        pltpu.VMEM_SHARED((NPAD, 16), jnp.float32),
    ],
)
def _deg_sc(dst_hbm, zeros_hbm, ones_hbm, out_hbm, didx, onesv, sem, acc):
    c = lax.axis_index("c")
    s = lax.axis_index("s")
    wid = s * NC + c
    for k in range(RPT // 128):
        sl = pl.ds(s * RPT + k * 128, 128)
        pltpu.async_copy(zeros_hbm, acc.at[sl], sem[k])
    pltpu.async_copy(ones_hbm, onesv, sem[5])
    pltpu.async_copy(dst_hbm.at[wid], didx, sem[6])
    for k in range(RPT // 128):
        sl = pl.ds(s * RPT + k * 128, 128)
        pltpu.make_async_copy(zeros_hbm, acc.at[sl], sem[k]).wait()
    pltpu.make_async_copy(ones_hbm, onesv, sem[5]).wait()
    pltpu.make_async_copy(dst_hbm.at[wid], didx, sem[6]).wait()
    plsc.subcore_barrier()

    def step(t, carry):
        for b in range(NB):
            j = t * NB + b

            @pl.when(j >= NB)
            def _():
                pltpu.make_async_copy(
                    onesv, acc.at[didx.at[j - NB]], sem[b]).wait()

            pltpu.async_copy(onesv, acc.at[didx.at[j]], sem[b], add=True)
        return carry

    lax.fori_loop(0, NGRP // NB, step, 0)
    for b in range(NB):
        pltpu.make_async_copy(
            onesv, acc.at[didx.at[NGRP - NB + b]], sem[b]).wait()
    plsc.subcore_barrier()
    for k in range(RPT // 128):
        sl = pl.ds(s * RPT + k * 128, 128)
        pltpu.async_copy(acc.at[sl], out_hbm.at[c, sl], sem[k])
    for k in range(RPT // 128):
        sl = pl.ds(s * RPT + k * 128, 128)
        pltpu.make_async_copy(acc.at[sl], out_hbm.at[c, sl], sem[k]).wait()


@functools.partial(
    pl.kernel,
    mesh=_mesh,
    compiler_params=_sc_params,
    out_type=jax.ShapeDtypeStruct((NC, NPAD, HW), jnp.float32),
    scratch_types=[
        pltpu.VMEM((NGRP2, 128), jnp.int32),
        pltpu.VMEM((NGRP2, 128), jnp.int32),
        [pltpu.VMEM((128, HW), jnp.float32)] * NB,
        [pltpu.SemaphoreType.DMA] * NB,
        [pltpu.SemaphoreType.DMA] * NB,
        pltpu.VMEM_SHARED((NPAD, HW), jnp.float32),
        pltpu.VMEM_SHARED((NPAD, HW), jnp.float32),
    ],
)
def _gather_scatter_sc(table_hbm, src_hbm, dst_hbm, zeros_hbm, out_hbm,
                       sidx, didx, gb, gsem, ssem, acc, tbl):
    c = lax.axis_index("c")
    s = lax.axis_index("s")
    for k in range(RPT // 128):
        sl = pl.ds(s * RPT + k * 128, 128)
        pltpu.async_copy(table_hbm.at[c, sl], tbl.at[sl], gsem[k])
        pltpu.async_copy(zeros_hbm, acc.at[sl], ssem[k])
    pltpu.async_copy(src_hbm.at[s], sidx, gsem[5])
    pltpu.async_copy(dst_hbm.at[s], didx, gsem[6])
    for k in range(RPT // 128):
        sl = pl.ds(s * RPT + k * 128, 128)
        pltpu.make_async_copy(table_hbm.at[c, sl], tbl.at[sl], gsem[k]).wait()
        pltpu.make_async_copy(zeros_hbm, acc.at[sl], ssem[k]).wait()
    pltpu.make_async_copy(src_hbm.at[s], sidx, gsem[5]).wait()
    pltpu.make_async_copy(dst_hbm.at[s], didx, gsem[6]).wait()
    plsc.subcore_barrier()

    for b in range(LA):
        pltpu.async_copy(tbl.at[sidx.at[b]], gb[b], gsem[b])

    def step(t, carry):
        for b in range(NB):
            j = t * NB + b
            bn = (b + LA) % NB
            pltpu.make_async_copy(
                tbl.at[sidx.at[j]], gb[b], gsem[b]).wait()
            pltpu.async_copy(gb[b], acc.at[didx.at[j]], ssem[b], add=True)
            jn = j + LA

            @pl.when(jn < NGRP2)
            def _():
                @pl.when(jn >= NB)
                def _():
                    pltpu.make_async_copy(
                        gb[bn], acc.at[didx.at[jn - NB]], ssem[bn]).wait()

                pltpu.async_copy(tbl.at[sidx.at[jn]], gb[bn], gsem[bn])
        return carry

    lax.fori_loop(0, NGRP2 // NB, step, 0)
    for b in range(NB):
        pltpu.make_async_copy(
            gb[b], acc.at[didx.at[NGRP2 - NB + b]], ssem[b]).wait()
    plsc.subcore_barrier()
    for k in range(RPT // 128):
        sl = pl.ds(s * RPT + k * 128, 128)
        pltpu.async_copy(acc.at[sl], out_hbm.at[c, sl], gsem[k])
    for k in range(RPT // 128):
        sl = pl.ds(s * RPT + k * 128, 128)
        pltpu.make_async_copy(acc.at[sl], out_hbm.at[c, sl], gsem[k]).wait()


def _split_store(o_ref, val):
    zpad = jnp.zeros((NPAD - N, HW), jnp.float32)
    o_ref[0, pl.ds(0, N), :] = val[:, :HW]
    o_ref[1, pl.ds(0, N), :] = val[:, HW:]
    o_ref[0, pl.ds(N, NPAD - N), :] = zpad
    o_ref[1, pl.ds(N, NPAD - N), :] = zpad


def _tc_prep(degp_ref, x_ref, lw_ref, lb_ref, w_ref, dis_ref, hp_ref):
    deg = jnp.sum(degp_ref[...], axis=(0, 2)) * (1.0 / 16.0) + 1.0
    dis = lax.rsqrt(deg)[:, None]
    dis_ref[...] = dis
    h0 = (
        jnp.dot(x_ref[...], lw_ref[...], preferred_element_type=jnp.float32)
        + lb_ref[...]
    )
    val = (
        jnp.dot(h0, w_ref[...], preferred_element_type=jnp.float32)
        * dis[:N]
    )
    _split_store(hp_ref, val)


def _relu_combine(s_ref, hp_ref, dis, b_ref):
    sarr = s_ref[...]
    hparr = hp_ref[...]
    svs = jnp.concatenate([sarr[0, :N], sarr[1, :N]], axis=-1)
    hpf = jnp.concatenate([hparr[0, :N], hparr[1, :N]], axis=-1)
    return jax.nn.relu(dis * (svs + hpf) + b_ref[...])


def _tc_mid(s_ref, hp_ref, dis_ref, b_ref, wn_ref, o_ref):
    dis = dis_ref[...][:N]
    h = _relu_combine(s_ref, hp_ref, dis, b_ref)
    val = jnp.dot(h, wn_ref[...], preferred_element_type=jnp.float32) * dis
    _split_store(o_ref, val)


def _tc_final(s_ref, hp_ref, dis_ref, b_ref, ew_ref, eb_ref, batch_ref,
              pw_ref, pb_ref, o_ref):
    dis = dis_ref[...][:N]
    h = _relu_combine(s_ref, hp_ref, dis, b_ref)
    z = jax.nn.relu(
        jnp.dot(h, ew_ref[...], preferred_element_type=jnp.float32) + eb_ref[...]
    )
    seg = lax.broadcasted_iota(jnp.int32, (N, NG), 1)
    onehot = (batch_ref[...] == seg).astype(jnp.float32)
    g = lax.dot_general(
        onehot, z, (((0,), (0,)), ((), ())),
        preferred_element_type=jnp.float32,
    )
    o_ref[...] = (
        jnp.dot(g, pw_ref[...], preferred_element_type=jnp.float32) + pb_ref[...]
    )


_prep_call = pl.pallas_call(
    _tc_prep,
    out_shape=(jax.ShapeDtypeStruct((NPAD, 1), jnp.float32),
               jax.ShapeDtypeStruct((NC, NPAD, HW), jnp.float32)))
_mid_call = pl.pallas_call(
    _tc_mid, out_shape=jax.ShapeDtypeStruct((NC, NPAD, HW), jnp.float32))
_final_call = pl.pallas_call(
    _tc_final, out_shape=jax.ShapeDtypeStruct((NG, 1), jnp.float32))


def kernel(x, edge_index, batch, lin_W, lin_b, W1, b1, W2, b2, W3, b3,
           emb_W, emb_b, pred_W, pred_b):
    dst = edge_index[1].reshape(NW, E // NW)
    pad = EPW - E // NW
    dst3 = jnp.pad(dst, ((0, 0), (0, pad)), constant_values=N).reshape(
        NW, NGRP, 128)
    src2 = edge_index[0].reshape(NS, E // NS)
    dst2 = edge_index[1].reshape(NS, E // NS)
    pad2 = NGRP2 * 128 - E // NS
    src3b = jnp.pad(src2, ((0, 0), (0, pad2))).reshape(NS, NGRP2, 128)
    dst3b = jnp.pad(dst2, ((0, 0), (0, pad2)), constant_values=N).reshape(
        NS, NGRP2, 128)
    zeros16 = jnp.zeros((128, 16), jnp.float32)
    ones16 = jnp.ones((128, 16), jnp.float32)
    zeros32 = jnp.zeros((128, HW), jnp.float32)

    degp = _deg_sc(dst3, zeros16, ones16)
    dis, hp = _prep_call(degp, x, lin_W, lin_b.reshape(1, H), W1)
    for Wn, b in ((W2, b1), (W3, b2)):
        s_part = _gather_scatter_sc(hp, src3b, dst3b, zeros32)
        hp = _mid_call(s_part, hp, dis, b.reshape(1, H), Wn)
    s_part = _gather_scatter_sc(hp, src3b, dst3b, zeros32)
    out = _final_call(s_part, hp, dis, b3.reshape(1, H), emb_W,
                      emb_b.reshape(1, H), batch.reshape(N, 1),
                      pred_W, pred_b.reshape(1, 1))
    return out.reshape(-1)

# --- scband reference (transcript-rebuilt; emitter-appended) ---
"""Pipeline reference for scband-gcn-37993280701217 (READ-ONLY COPY).

The authoritative reference and input builder live on the scoring server;
editing this copy changes nothing except your own understanding.
"""

import jax, jax.numpy as jnp
import numpy as np

N_NODES = 10000
N_EDGES = 320000
NODE_DIM = 128
HID = 64
NUM_GRAPHS = 64


def setup_inputs(seed: int = 0) -> dict:
    key = jax.random.key(seed)
    ks = jax.random.split(key, 16)
    inp = {}
    inp["x"] = jax.random.normal(ks[0], (N_NODES, NODE_DIM), dtype=jnp.float32)
    inp["edge_index"] = jax.random.randint(ks[1], (2, N_EDGES), 0, N_NODES, dtype=jnp.int32)
    inp["batch"] = jnp.sort(jax.random.randint(ks[2], (N_NODES,), 0, NUM_GRAPHS, dtype=jnp.int32))
    # parameters
    inp["lin_W"] = jax.random.normal(ks[3], (NODE_DIM, HID), dtype=jnp.float32) * 0.05
    inp["lin_b"] = jnp.zeros((HID,), dtype=jnp.float32)
    inp["W1"] = jax.random.normal(ks[4], (HID, HID), dtype=jnp.float32) * 0.05
    inp["b1"] = jnp.zeros((HID,), dtype=jnp.float32)
    inp["W2"] = jax.random.normal(ks[5], (HID, HID), dtype=jnp.float32) * 0.05
    inp["b2"] = jnp.zeros((HID,), dtype=jnp.float32)
    inp["W3"] = jax.random.normal(ks[6], (HID, HID), dtype=jnp.float32) * 0.05
    inp["b3"] = jnp.zeros((HID,), dtype=jnp.float32)
    inp["emb_W"] = jax.random.normal(ks[7], (HID, HID), dtype=jnp.float32) * 0.05
    inp["emb_b"] = jnp.zeros((HID,), dtype=jnp.float32)
    inp["pred_W"] = jax.random.normal(ks[8], (HID, 1), dtype=jnp.float32) * 0.05
    inp["pred_b"] = jnp.zeros((1,), dtype=jnp.float32)
    return inp


def _gcn_conv(h, src, dst, W, b, n):
    # PyG GCNConv: h' = W h; add self-loops; sym-normalize; scatter-add at dst; + bias
    h = h @ W
    loop = jnp.arange(n, dtype=src.dtype)
    s = jnp.concatenate([src, loop])
    d = jnp.concatenate([dst, loop])
    deg = jnp.zeros((n,), dtype=h.dtype).at[d].add(1.0)
    dis = jnp.where(deg > 0, jax.lax.rsqrt(jnp.maximum(deg, 1e-12)), 0.0)
    norm = dis[s] * dis[d]
    msg = h[s] * norm[:, None]
    out = jnp.zeros_like(h).at[d].add(msg)
    return out + b


def reference(x, edge_index, batch, lin_W, lin_b, W1, b1, W2, b2, W3, b3, emb_W, emb_b, pred_W, pred_b):
    src = edge_index[0]
    dst = edge_index[1]
    n = x.shape[0]
    h = x @ lin_W + lin_b  # linatoms
    for W, b in ((W1, b1), (W2, b2), (W3, b3)):
        h = _gcn_conv(h, src, dst, W, b, n)
        h = jax.nn.relu(h)  # conv_act
    # graph_emb: Linear + ReLU (emb_set2set=False)
    h = jax.nn.relu(h @ emb_W + emb_b)
    # global_add_pool
    g = jax.ops.segment_sum(h, batch, num_segments=NUM_GRAPHS)
    out = g @ pred_W + pred_b
    return out.reshape(-1)

if __name__ == "__main__":
    import jax
    _d = setup_inputs()
    print(jax.jit(kernel)(*tuple(_d.values())))

</pallas_src>

<mosaic_0001>
#map = affine_map<(d0, d1) -> (0, 0, 0)>
#map1 = affine_map<(d0, d1) -> (0, 0)>
module attributes {stable_mosaic.version = 14 : i64} {
  func.func @_gather_scatter_sc(%arg0: i32, %arg1: i32, %arg2: memref<2x10240x32xf32, #tpu.memory_space<hbm>>, %arg3: memref<16x160x128xi32, #tpu.memory_space<hbm>>, %arg4: memref<16x160x128xi32, #tpu.memory_space<hbm>>, %arg5: memref<128x32xf32, #tpu.memory_space<hbm>>, %arg6: memref<2x10240x32xf32, #tpu.memory_space<hbm>>, %arg7: memref<160x128xi32, #tpu.memory_space<vmem>>, %arg8: memref<160x128xi32, #tpu.memory_space<vmem>>, %arg9: memref<128x32xf32, #tpu.memory_space<vmem>>, %arg10: memref<128x32xf32, #tpu.memory_space<vmem>>, %arg11: memref<128x32xf32, #tpu.memory_space<vmem>>, %arg12: memref<128x32xf32, #tpu.memory_space<vmem>>, %arg13: memref<128x32xf32, #tpu.memory_space<vmem>>, %arg14: memref<128x32xf32, #tpu.memory_space<vmem>>, %arg15: memref<128x32xf32, #tpu.memory_space<vmem>>, %arg16: memref<128x32xf32, #tpu.memory_space<vmem>>, %arg17: memref<!tpu.dma_semaphore, #tpu.memory_space<semaphore_mem>>, %arg18: memref<!tpu.dma_semaphore, #tpu.memory_space<semaphore_mem>>, %arg19: memref<!tpu.dma_semaphore, #tpu.memory_space<semaphore_mem>>, %arg20: memref<!tpu.dma_semaphore, #tpu.memory_space<semaphore_mem>>, %arg21: memref<!tpu.dma_semaphore, #tpu.memory_space<semaphore_mem>>, %arg22: memref<!tpu.dma_semaphore, #tpu.memory_space<semaphore_mem>>, %arg23: memref<!tpu.dma_semaphore, #tpu.memory_space<semaphore_mem>>, %arg24: memref<!tpu.dma_semaphore, #tpu.memory_space<semaphore_mem>>, %arg25: memref<!tpu.dma_semaphore, #tpu.memory_space<semaphore_mem>>, %arg26: memref<!tpu.dma_semaphore, #tpu.memory_space<semaphore_mem>>, %arg27: memref<!tpu.dma_semaphore, #tpu.memory_space<semaphore_mem>>, %arg28: memref<!tpu.dma_semaphore, #tpu.memory_space<semaphore_mem>>, %arg29: memref<!tpu.dma_semaphore, #tpu.memory_space<semaphore_mem>>, %arg30: memref<!tpu.dma_semaphore, #tpu.memory_space<semaphore_mem>>, %arg31: memref<!tpu.dma_semaphore, #tpu.memory_space<semaphore_mem>>, %arg32: memref<!tpu.dma_semaphore, #tpu.memory_space<semaphore_mem>>, %arg33: memref<10240x32xf32, #tpu.memory_space<vmem_shared>>, %arg34: memref<10240x32xf32, #tpu.memory_space<vmem_shared>>) attributes {dimension_semantics = [#tpu.dimension_semantics<core_parallel>, #tpu.dimension_semantics<subcore_parallel>], iteration_bounds = array<i64: 2, 16>, scalar_prefetch = 0 : i64, scratch_operands = 28 : i64, tpu.core_type = #tpu.core_type<sc_vector_subcore>, window_params = [{transform_indices = #map}, {transform_indices = #map}, {transform_indices = #map}, {transform_indices = #map1}, {transform_indices = #map}]} {
    %mul3A = arith.constant 640 : i32
    %mul3A_0 = arith.muli %arg1, %mul3A : i32
    %add3A = arith.constant 0 : i32
    %add3A_1 = arith.addi %mul3A_0, %add3A : i32
    %dma_start3A = arith.constant 0 : i32
    %dma_start3A_2 = tpu.memref_slice %arg34[%add3A_1, %dma_start3A] : memref<10240x32xf32, #tpu.memory_space<vmem_shared>> -> memref<128x32xf32, #tpu.memory_space<vmem_shared>>
    %dma_start3A_3 = arith.constant 0 : i32
    %dma_start3A_4 = tpu.memref_slice %arg2[%arg0, %add3A_1, %dma_start3A_3] : memref<2x10240x32xf32, #tpu.memory_space<hbm>> -> memref<1x128x32xf32, #tpu.memory_space<hbm>>
    %dma_start3A_5 = tpu.memref_squeeze %dma_start3A_4 : memref<1x128x32xf32, #tpu.memory_space<hbm>> -> memref<128x32xf32, #tpu.memory_space<hbm>>
    tpu.enqueue_dma source(%dma_start3A_5 : memref<128x32xf32, #tpu.memory_space<hbm>>) target(%dma_start3A_2 : memref<128x32xf32, #tpu.memory_space<vmem_shared>>) target_semaphore(%arg17 : memref<!tpu.dma_semaphore, #tpu.memory_space<semaphore_mem>>)
    %dma_start3A_6 = arith.constant 0 : i32
    %dma_start3A_7 = tpu.memref_slice %arg33[%add3A_1, %dma_start3A_6] : memref<10240x32xf32, #tpu.memory_space<vmem_shared>> -> memref<128x32xf32, #tpu.memory_space<vmem_shared>>
    tpu.enqueue_dma source(%arg5 : memref<128x32xf32, #tpu.memory_space<hbm>>) target(%dma_start3A_7 : memref<128x32xf32, #tpu.memory_space<vmem_shared>>) target_semaphore(%arg25 : memref<!tpu.dma_semaphore, #tpu.memory_space<semaphore_mem>>)
    %mul3A_8 = arith.constant 640 : i32
    %mul3A_9 = arith.muli %arg1, %mul3A_8 : i32
    %add3A_10 = arith.constant 128 : i32
    %add3A_11 = arith.addi %mul3A_9, %add3A_10 : i32
    %dma_start3A_12 = arith.constant 0 : i32
    %dma_start3A_13 = tpu.memref_slice %arg34[%add3A_11, %dma_start3A_12] : memref<10240x32xf32, #tpu.memory_space<vmem_shared>> -> memref<128x32xf32, #tpu.memory_space<vmem_shared>>
    %dma_start3A_14 = arith.constant 0 : i32
    %dma_start3A_15 = tpu.memref_slice %arg2[%arg0, %add3A_11, %dma_start3A_14] : memref<2x10240x32xf32, #tpu.memory_space<hbm>> -> memref<1x128x32xf32, #tpu.memory_space<hbm>>
    %dma_start3A_16 = tpu.memref_squeeze %dma_start3A_15 : memref<1x128x32xf32, #tpu.memory_space<hbm>> -> memref<128x32xf32, #tpu.memory_space<hbm>>
    tpu.enqueue_dma source(%dma_start3A_16 : memref<128x32xf32, #tpu.memory_space<hbm>>) target(%dma_start3A_13 : memref<128x32xf32, #tpu.memory_space<vmem_shared>>) target_semaphore(%arg18 : memref<!tpu.dma_semaphore, #tpu.memory_space<semaphore_mem>>)
    %dma_start3A_17 = arith.constant 0 : i32
    %dma_start3A_18 = tpu.memref_slice %arg33[%add3A_11, %dma_start3A_17] : memref<10240x32xf32, #tpu.memory_space<vmem_shared>> -> memref<128x32xf32, #tpu.memory_space<vmem_shared>>
    tpu.enqueue_dma source(%arg5 : memref<128x32xf32, #tpu.memory_space<hbm>>) target(%dma_start3A_18 : memref<128x32xf32, #tpu.memory_space<vmem_shared>>) target_semaphore(%arg26 : memref<!tpu.dma_semaphore, #tpu.memory_space<semaphore_mem>>)
    %mul3A_19 = arith.constant 640 : i32
    %mul3A_20 = arith.muli %arg1, %mul3A_19 : i32
    %add3A_21 = arith.constant 256 : i32
    %add3A_22 = arith.addi %mul3A_20, %add3A_21 : i32
    %dma_start3A_23 = arith.constant 0 : i32
    %dma_start3A_24 = tpu.memref_slice %arg34[%add3A_22, %dma_start3A_23] : memref<10240x32xf32, #tpu.memory_space<vmem_shared>> -> memref<128x32xf32, #tpu.memory_space<vmem_shared>>
    %dma_start3A_25 = arith.constant 0 : i32
    %dma_start3A_26 = tpu.memref_slice %arg2[%arg0, %add3A_22, %dma_start3A_25] : memref<2x10240x32xf32, #tpu.memory_space<hbm>> -> memref<1x128x32xf32, #tpu.memory_space<hbm>>
    %dma_start3A_27 = tpu.memref_squeeze %dma_start3A_26 : memref<1x128x32xf32, #tpu.memory_space<hbm>> -> memref<128x32xf32, #tpu.memory_space<hbm>>
    tpu.enqueue_dma source(%dma_start3A_27 : memref<128x32xf32, #tpu.memory_space<hbm>>) target(%dma_start3A_24 : memref<128x32xf32, #tpu.memory_space<vmem_shared>>) target_semaphore(%arg19 : memref<!tpu.dma_semaphore, #tpu.memory_space<semaphore_mem>>)
    %dma_start3A_28 = arith.constant 0 : i32
    %dma_start3A_29 = tpu.memref_slice %arg33[%add3A_22, %dma_start3A_28] : memref<10240x32xf32, #tpu.memory_space<vmem_shared>> -> memref<128x32xf32, #tpu.memory_space<vmem_shared>>
    tpu.enqueue_dma source(%arg5 : memref<128x32xf32, #tpu.memory_space<hbm>>) target(%dma_start3A_29 : memref<128x32xf32, #tpu.memory_space<vmem_shared>>) target_semaphore(%arg27 : memref<!tpu.dma_semaphore, #tpu.memory_space<semaphore_mem>>)
    %mul3A_30 = arith.constant 640 : i32
    %mul3A_31 = arith.muli %arg1, %mul3A_30 : i32
    %add3A_32 = arith.constant 384 : i32
    %add3A_33 = arith.addi %mul3A_31, %add3A_32 : i32
    %dma_start3A_34 = arith.constant 0 : i32
    %dma_start3A_35 = tpu.memref_slice %arg34[%add3A_33, %dma_start3A_34] : memref<10240x32xf32, #tpu.memory_space<vmem_shared>> -> memref<128x32xf32, #tpu.memory_space<vmem_shared>>
    %dma_start3A_36 = arith.constant 0 : i32
    %dma_start3A_37 = tpu.memref_slice %arg2[%arg0, %add3A_33, %dma_start3A_36] : memref<2x10240x32xf32, #tpu.memory_space<hbm>> -> memref<1x128x32xf32, #tpu.memory_space<hbm>>
    %dma_start3A_38 = tpu.memref_squeeze %dma_start3A_37 : memref<1x128x32xf32, #tpu.memory_space<hbm>> -> memref<128x32xf32, #tpu.memory_space<hbm>>
    tpu.enqueue_dma source(%dma_start3A_38 : memref<128x32xf32, #tpu.memory_space<hbm>>) target(%dma_start3A_35 : memref<128x32xf32, #tpu.memory_space<vmem_shared>>) target_semaphore(%arg20 : memref<!tpu.dma_semaphore, #tpu.memory_space<semaphore_mem>>)
    %dma_start3A_39 = arith.constant 0 : i32
    %dma_start3A_40 = tpu.memref_slice %arg33[%add3A_33, %dma_start3A_39] : memref<10240x32xf32, #tpu.memory_space<vmem_shared>> -> memref<128x32xf32, #tpu.memory_space<vmem_shared>>
    tpu.enqueue_dma source(%arg5 : memref<128x32xf32, #tpu.memory_space<hbm>>) target(%dma_start3A_40 : memref<128x32xf32, #tpu.memory_space<vmem_shared>>) target_semaphore(%arg28 : memref<!tpu.dma_semaphore, #tpu.memory_space<semaphore_mem>>)
    %mul3A_41 = arith.constant 640 : i32
    %mul3A_42 = arith.muli %arg1, %mul3A_41 : i32
    %add3A_43 = arith.constant 512 : i32
    %add3A_44 = arith.addi %mul3A_42, %add3A_43 : i32
    %dma_start3A_45 = arith.constant 0 : i32
    %dma_start3A_46 = tpu.memref_slice %arg34[%add3A_44, %dma_start3A_45] : memref<10240x32xf32, #tpu.memory_space<vmem_shared>> -> memref<128x32xf32, #tpu.memory_space<vmem_shared>>
    %dma_start3A_47 = arith.constant 0 : i32
    %dma_start3A_48 = tpu.memref_slice %arg2[%arg0, %add3A_44, %dma_start3A_47] : memref<2x10240x32xf32, #tpu.memory_space<hbm>> -> memref<1x128x32xf32, #tpu.memory_space<hbm>>
    %dma_start3A_49 = tpu.memref_squeeze %dma_start3A_48 : memref<1x128x32xf32, #tpu.memory_space<hbm>> -> memref<128x32xf32, #tpu.memory_space<hbm>>
    tpu.enqueue_dma source(%dma_start3A_49 : memref<128x32xf32, #tpu.memory_space<hbm>>) target(%dma_start3A_46 : memref<128x32xf32, #tpu.memory_space<vmem_shared>>) target_semaphore(%arg21 : memref<!tpu.dma_semaphore, #tpu.memory_space<semaphore_mem>>)
    %dma_start3A_50 = arith.constant 0 : i32
    %dma_start3A_51 = tpu.memref_slice %arg33[%add3A_44, %dma_start3A_50] : memref<10240x32xf32, #tpu.memory_space<vmem_shared>> -> memref<128x32xf32, #tpu.memory_space<vmem_shared>>
    tpu.enqueue_dma source(%arg5 : memref<128x32xf32, #tpu.memory_space<hbm>>) target(%dma_start3A_51 : memref<128x32xf32, #tpu.memory_space<vmem_shared>>) target_semaphore(%arg29 : memref<!tpu.dma_semaphore, #tpu.memory_space<semaphore_mem>>)
    %dma_start3A_52 = arith.constant 0 : i32
    %dma_start3A_53 = arith.constant 0 : i32
    %dma_start3A_54 = tpu.memref_slice %arg3[%arg1, %dma_start3A_52, %dma_start3A_53] : memref<16x160x128xi32, #tpu.memory_space<hbm>> -> memref<1x160x128xi32, #tpu.memory_space<hbm>>
    %dma_start3A_55 = tpu.memref_squeeze %dma_start3A_54 : memref<1x160x128xi32, #tpu.memory_space<hbm>> -> memref<160x128xi32, #tpu.memory_space<hbm>>
    %dma_start3A_56 = arith.constant 0 : i32
    %dma_start3A_57 = arith.constant 0 : i32
    %dma_start3A_58 = tpu.memref_slice %arg3[%arg1, %dma_start3A_56, %dma_start3A_57] : memref<16x160x128xi32, #tpu.memory_space<hbm>> -> memref<1x160x128xi32, #tpu.memory_space<hbm>>
    %dma_start3A_59 = tpu.memref_squeeze %dma_start3A_58 : memref<1x160x128xi32, #tpu.memory_space<hbm>> -> memref<160x128xi32, #tpu.memory_space<hbm>>
    tpu.enqueue_dma source(%dma_start3A_59 : memref<160x128xi32, #tpu.memory_space<hbm>>) target(%arg7 : memref<160x128xi32, #tpu.memory_space<vmem>>) target_semaphore(%arg22 : memref<!tpu.dma_semaphore, #tpu.memory_space<semaphore_mem>>)
    %dma_start3A_60 = arith.constant 0 : i32
    %dma_start3A_61 = arith.constant 0 : i32
    %dma_start3A_62 = tpu.memref_slice %arg4[%arg1, %dma_start3A_60, %dma_start3A_61] : memref<16x160x128xi32, #tpu.memory_space<hbm>> -> memref<1x160x128xi32, #tpu.memory_space<hbm>>
    %dma_start3A_63 = tpu.memref_squeeze %dma_start3A_62 : memref<1x160x128xi32, #tpu.memory_space<hbm>> -> memref<160x128xi32, #tpu.memory_space<hbm>>
    %dma_start3A_64 = arith.constant 0 : i32
    %dma_start3A_65 = arith.constant 0 : i32
    %dma_start3A_66 = tpu.memref_slice %arg4[%arg1, %dma_start3A_64, %dma_start3A_65] : memref<16x160x128xi32, #tpu.memory_space<hbm>> -> memref<1x160x128xi32, #tpu.memory_space<hbm>>
    %dma_start3A_67 = tpu.memref_squeeze %dma_start3A_66 : memref<1x160x128xi32, #tpu.memory_space<hbm>> -> memref<160x128xi32, #tpu.memory_space<hbm>>
    tpu.enqueue_dma source(%dma_start3A_67 : memref<160x128xi32, #tpu.memory_space<hbm>>) target(%arg8 : memref<160x128xi32, #tpu.memory_space<vmem>>) target_semaphore(%arg23 : memref<!tpu.dma_semaphore, #tpu.memory_space<semaphore_mem>>)
    %mul3A_68 = arith.constant 640 : i32
    %mul3A_69 = arith.muli %arg1, %mul3A_68 : i32
    %add3A_70 = arith.constant 0 : i32
    %add3A_71 = arith.addi %mul3A_69, %add3A_70 : i32
    %dma_wait3A = arith.constant 0 : i32
    %dma_wait3A_72 = tpu.memref_slice %arg34[%add3A_71, %dma_wait3A] : memref<10240x32xf32, #tpu.memory_space<vmem_shared>> -> memref<128x32xf32, #tpu.memory_space<vmem_shared>>
    %dma_wait3A_73 = arith.constant 0 : i32
    %dma_wait3A_74 = tpu.memref_slice %arg2[%arg0, %add3A_71, %dma_wait3A_73] : memref<2x10240x32xf32, #tpu.memory_space<hbm>> -> memref<1x128x32xf32, #tpu.memory_space<hbm>>
    %dma_wait3A_75 = tpu.memref_squeeze %dma_wait3A_74 : memref<1x128x32xf32, #tpu.memory_space<hbm>> -> memref<128x32xf32, #tpu.memory_space<hbm>>
    tpu.wait_dma2 semaphore(%arg17 : memref<!tpu.dma_semaphore, #tpu.memory_space<semaphore_mem>>) src(%dma_wait3A_75 : memref<128x32xf32, #tpu.memory_space<hbm>>) dst(%dma_wait3A_72 : memref<128x32xf32, #tpu.memory_space<vmem_shared>>)
    %dma_wait3A_76 = arith.constant 0 : i32
    %dma_wait3A_77 = tpu.memref_slice %arg33[%add3A_71, %dma_wait3A_76] : memref<10240x32xf32, #tpu.memory_space<vmem_shared>> -> memref<128x32xf32, #tpu.memory_space<vmem_shared>>
    tpu.wait_dma2 semaphore(%arg25 : memref<!tpu.dma_semaphore, #tpu.memory_space<semaphore_mem>>) src(%arg5 : memref<128x32xf32, #tpu.memory_space<hbm>>) dst(%dma_wait3A_77 : memref<128x32xf32, #tpu.memory_space<vmem_shared>>)
    %mul3A_78 = arith.constant 640 : i32
    %mul3A_79 = arith.muli %arg1, %mul3A_78 : i32
    %add3A_80 = arith.constant 128 : i32
    %add3A_81 = arith.addi %mul3A_79, %add3A_80 : i32
    %dma_wait3A_82 = arith.constant 0 : i32
    %dma_wait3A_83 = tpu.memref_slice %arg34[%add3A_81, %dma_wait3A_82] : memref<10240x32xf32, #tpu.memory_space<vmem_shared>> -> memref<128x32xf32, #tpu.memory_space<vmem_shared>>
    %dma_wait3A_84 = arith.constant 0 : i32
    %dma_wait3A_85 = tpu.memref_slice %arg2[%arg0, %add3A_81, %dma_wait3A_84] : memref<2x10240x32xf32, #tpu.memory_space<hbm>> -> memref<1x128x32xf32, #tpu.memory_space<hbm>>
    %dma_wait3A_86 = tpu.memref_squeeze %dma_wait3A_85 : memref<1x128x32xf32, #tpu.memory_space<hbm>> -> memref<128x32xf32, #tpu.memory_space<hbm>>
    tpu.wait_dma2 semaphore(%arg18 : memref<!tpu.dma_semaphore, #tpu.memory_space<semaphore_mem>>) src(%dma_wait3A_86 : memref<128x32xf32, #tpu.memory_space<hbm>>) dst(%dma_wait3A_83 : memref<128x32xf32, #tpu.memory_space<vmem_shared>>)
    %dma_wait3A_87 = arith.constant 0 : i32
    %dma_wait3A_88 = tpu.memref_slice %arg33[%add3A_81, %dma_wait3A_87] : memref<10240x32xf32, #tpu.memory_space<vmem_shared>> -> memref<128x32xf32, #tpu.memory_space<vmem_shared>>
    tpu.wait_dma2 semaphore(%arg26 : memref<!tpu.dma_semaphore, #tpu.memory_space<semaphore_mem>>) src(%arg5 : memref<128x32xf32, #tpu.memory_space<hbm>>) dst(%dma_wait3A_88 : memref<128x32xf32, #tpu.memory_space<vmem_shared>>)
    %mul3A_89 = arith.constant 640 : i32
    %mul3A_90 = arith.muli %arg1, %mul3A_89 : i32
    %add3A_91 = arith.constant 256 : i32
    %add3A_92 = arith.addi %mul3A_90, %add3A_91 : i32
    %dma_wait3A_93 = arith.constant 0 : i32
    %dma_wait3A_94 = tpu.memref_slice %arg34[%add3A_92, %dma_wait3A_93] : memref<10240x32xf32, #tpu.memory_space<vmem_shared>> -> memref<128x32xf32, #tpu.memory_space<vmem_shared>>
    %dma_wait3A_95 = arith.constant 0 : i32
    %dma_wait3A_96 = tpu.memref_slice %arg2[%arg0, %add3A_92, %dma_wait3A_95] : memref<2x10240x32xf32, #tpu.memory_space<hbm>> -> memref<1x128x32xf32, #tpu.memory_space<hbm>>
    %dma_wait3A_97 = tpu.memref_squeeze %dma_wait3A_96 : memref<1x128x32xf32, #tpu.memory_space<hbm>> -> memref<128x32xf32, #tpu.memory_space<hbm>>
    tpu.wait_dma2 semaphore(%arg19 : memref<!tpu.dma_semaphore, #tpu.memory_space<semaphore_mem>>) src(%dma_wait3A_97 : memref<128x32xf32, #tpu.memory_space<hbm>>) dst(%dma_wait3A_94 : memref<128x32xf32, #tpu.memory_space<vmem_shared>>)
    %dma_wait3A_98 = arith.constant 0 : i32
    %dma_wait3A_99 = tpu.memref_slice %arg33[%add3A_92, %dma_wait3A_98] : memref<10240x32xf32, #tpu.memory_space<vmem_shared>> -> memref<128x32xf32, #tpu.memory_space<vmem_shared>>
    tpu.wait_dma2 semaphore(%arg27 : memref<!tpu.dma_semaphore, #tpu.memory_space<semaphore_mem>>) src(%arg5 : memref<128x32xf32, #tpu.memory_space<hbm>>) dst(%dma_wait3A_99 : memref<128x32xf32, #tpu.memory_space<vmem_shared>>)
    %mul3A_100 = arith.constant 640 : i32
    %mul3A_101 = arith.muli %arg1, %mul3A_100 : i32
    %add3A_102 = arith.constant 384 : i32
    %add3A_103 = arith.addi %mul3A_101, %add3A_102 : i32
    %dma_wait3A_104 = arith.constant 0 : i32
    %dma_wait3A_105 = tpu.memref_slice %arg34[%add3A_103, %dma_wait3A_104] : memref<10240x32xf32, #tpu.memory_space<vmem_shared>> -> memref<128x32xf32, #tpu.memory_space<vmem_shared>>
    %dma_wait3A_106 = arith.constant 0 : i32
    %dma_wait3A_107 = tpu.memref_slice %arg2[%arg0, %add3A_103, %dma_wait3A_106] : memref<2x10240x32xf32, #tpu.memory_space<hbm>> -> memref<1x128x32xf32, #tpu.memory_space<hbm>>
    %dma_wait3A_108 = tpu.memref_squeeze %dma_wait3A_107 : memref<1x128x32xf32, #tpu.memory_space<hbm>> -> memref<128x32xf32, #tpu.memory_space<hbm>>
    tpu.wait_dma2 semaphore(%arg20 : memref<!tpu.dma_semaphore, #tpu.memory_space<semaphore_mem>>) src(%dma_wait3A_108 : memref<128x32xf32, #tpu.memory_space<hbm>>) dst(%dma_wait3A_105 : memref<128x32xf32, #tpu.memory_space<vmem_shared>>)
    %dma_wait3A_109 = arith.constant 0 : i32
    %dma_wait3A_110 = tpu.memref_slice %arg33[%add3A_103, %dma_wait3A_109] : memref<10240x32xf32, #tpu.memory_space<vmem_shared>> -> memref<128x32xf32, #tpu.memory_space<vmem_shared>>
    tpu.wait_dma2 semaphore(%arg28 : memref<!tpu.dma_semaphore, #tpu.memory_space<semaphore_mem>>) src(%arg5 : memref<128x32xf32, #tpu.memory_space<hbm>>) dst(%dma_wait3A_110 : memref<128x32xf32, #tpu.memory_space<vmem_shared>>)
    %mul3A_111 = arith.constant 640 : i32
    %mul3A_112 = arith.muli %arg1, %mul3A_111 : i32
    %add3A_113 = arith.constant 512 : i32
    %add3A_114 = arith.addi %mul3A_112, %add3A_113 : i32
    %dma_wait3A_115 = arith.constant 0 : i32
    %dma_wait3A_116 = tpu.memref_slice %arg34[%add3A_114, %dma_wait3A_115] : memref<10240x32xf32, #tpu.memory_space<vmem_shared>> -> memref<128x32xf32, #tpu.memory_space<vmem_shared>>
    %dma_wait3A_117 = arith.constant 0 : i32
    %dma_wait3A_118 = tpu.memref_slice %arg2[%arg0, %add3A_114, %dma_wait3A_117] : memref<2x10240x32xf32, #tpu.memory_space<hbm>> -> memref<1x128x32xf32, #tpu.memory_space<hbm>>
    %dma_wait3A_119 = tpu.memref_squeeze %dma_wait3A_118 : memref<1x128x32xf32, #tpu.memory_space<hbm>> -> memref<128x32xf32, #tpu.memory_space<hbm>>
    tpu.wait_dma2 semaphore(%arg21 : memref<!tpu.dma_semaphore, #tpu.memory_space<semaphore_mem>>) src(%dma_wait3A_119 : memref<128x32xf32, #tpu.memory_space<hbm>>) dst(%dma_wait3A_116 : memref<128x32xf32, #tpu.memory_space<vmem_shared>>)
    %dma_wait3A_120 = arith.constant 0 : i32
    %dma_wait3A_121 = tpu.memref_slice %arg33[%add3A_114, %dma_wait3A_120] : memref<10240x32xf32, #tpu.memory_space<vmem_shared>> -> memref<128x32xf32, #tpu.memory_space<vmem_shared>>
    tpu.wait_dma2 semaphore(%arg29 : memref<!tpu.dma_semaphore, #tpu.memory_space<semaphore_mem>>) src(%arg5 : memref<128x32xf32, #tpu.memory_space<hbm>>) dst(%dma_wait3A_121 : memref<128x32xf32, #tpu.memory_space<vmem_shared>>)
    %dma_wait3A_122 = arith.constant 0 : i32
    %dma_wait3A_123 = arith.constant 0 : i32
    %dma_wait3A_124 = tpu.memref_slice %arg3[%arg1, %dma_wait3A_122, %dma_wait3A_123] : memref<16x160x128xi32, #tpu.memory_space<hbm>> -> memref<1x160x128xi32, #tpu.memory_space<hbm>>
    %dma_wait3A_125 = tpu.memref_squeeze %dma_wait3A_124 : memref<1x160x128xi32, #tpu.memory_space<hbm>> -> memref<160x128xi32, #tpu.memory_space<hbm>>
    %dma_wait3A_126 = arith.constant 0 : i32
    %dma_wait3A_127 = arith.constant 0 : i32
    %dma_wait3A_128 = tpu.memref_slice %arg3[%arg1, %dma_wait3A_126, %dma_wait3A_127] : memref<16x160x128xi32, #tpu.memory_space<hbm>> -> memref<1x160x128xi32, #tpu.memory_space<hbm>>
    %dma_wait3A_129 = tpu.memref_squeeze %dma_wait3A_128 : memref<1x160x128xi32, #tpu.memory_space<hbm>> -> memref<160x128xi32, #tpu.memory_space<hbm>>
    tpu.wait_dma2 semaphore(%arg22 : memref<!tpu.dma_semaphore, #tpu.memory_space<semaphore_mem>>) src(%dma_wait3A_129 : memref<160x128xi32, #tpu.memory_space<hbm>>) dst(%arg7 : memref<160x128xi32, #tpu.memory_space<vmem>>)
    %dma_wait3A_130 = arith.constant 0 : i32
    %dma_wait3A_131 = arith.constant 0 : i32
    %dma_wait3A_132 = tpu.memref_slice %arg4[%arg1, %dma_wait3A_130, %dma_wait3A_131] : memref<16x160x128xi32, #tpu.memory_space<hbm>> -> memref<1x160x128xi32, #tpu.memory_space<hbm>>
    %dma_wait3A_133 = tpu.memref_squeeze %dma_wait3A_132 : memref<1x160x128xi32, #tpu.memory_space<hbm>> -> memref<160x128xi32, #tpu.memory_space<hbm>>
    %dma_wait3A_134 = arith.constant 0 : i32
    %dma_wait3A_135 = arith.constant 0 : i32
    %dma_wait3A_136 = tpu.memref_slice %arg4[%arg1, %dma_wait3A_134, %dma_wait3A_135] : memref<16x160x128xi32, #tpu.memory_space<hbm>> -> memref<1x160x128xi32, #tpu.memory_space<hbm>>
    %dma_wait3A_137 = tpu.memref_squeeze %dma_wait3A_136 : memref<1x160x128xi32, #tpu.memory_space<hbm>> -> memref<160x128xi32, #tpu.memory_space<hbm>>
    tpu.wait_dma2 semaphore(%arg23 : memref<!tpu.dma_semaphore, #tpu.memory_space<semaphore_mem>>) src(%dma_wait3A_137 : memref<160x128xi32, #tpu.memory_space<hbm>>) dst(%arg8 : memref<160x128xi32, #tpu.memory_space<vmem>>)
    %barrier3A = arith.constant 0 : index
    tpu.barrier barrier_id(%barrier3A)
    %dma_start3A_138 = arith.constant 0 : i32
    %dma_start3A_139 = arith.constant 0 : i32
    %dma_start3A_140 = tpu.memref_slice %arg7[%dma_start3A_138, %dma_start3A_139] : memref<160x128xi32, #tpu.memory_space<vmem>> -> memref<1x128xi32, #tpu.memory_space<vmem>>
    %dma_start3A_141 = tpu.memref_squeeze %dma_start3A_140 : memref<1x128xi32, #tpu.memory_space<vmem>> -> memref<128xi32, #tpu.memory_space<vmem>>
    %dma_start3A_142 = arith.constant 0 : i32
    %dma_start3A_143 = arith.constant 0 : i32
    %dma_start3A_144 = tpu.memref_slice %arg34[%dma_start3A_142, %dma_start3A_143] : memref<10240x32xf32, #tpu.memory_space<vmem_shared>> -> memref<10240x32xf32, #tpu.memory_space<vmem_shared>>
    tpu.enqueue_indirect_dma source(%dma_start3A_144 : memref<10240x32xf32, #tpu.memory_space<vmem_shared>>) target(%arg9 : memref<128x32xf32, #tpu.memory_space<vmem>>) offsets(%dma_start3A_141 : memref<128xi32, #tpu.memory_space<vmem>>) semaphore(%arg17 : memref<!tpu.dma_semaphore, #tpu.memory_space<semaphore_mem>>)
    %dma_start3A_145 = arith.constant 1 : i32
    %dma_start3A_146 = arith.constant 0 : i32
    %dma_start3A_147 = tpu.memref_slice %arg7[%dma_start3A_145, %dma_start3A_146] : memref<160x128xi32, #tpu.memory_space<vmem>> -> memref<1x128xi32, #tpu.memory_space<vmem>>
    %dma_start3A_148 = tpu.memref_squeeze %dma_start3A_147 : memref<1x128xi32, #tpu.memory_space<vmem>> -> memref<128xi32, #tpu.memory_space<vmem>>
    %dma_start3A_149 = arith.constant 0 : i32
    %dma_start3A_150 = arith.constant 0 : i32
    %dma_start3A_151 = tpu.memref_slice %arg34[%dma_start3A_149, %dma_start3A_150] : memref<10240x32xf32, #tpu.memory_space<vmem_shared>> -> memref<10240x32xf32, #tpu.memory_space<vmem_shared>>
    tpu.enqueue_indirect_dma source(%dma_start3A_151 : memref<10240x32xf32, #tpu.memory_space<vmem_shared>>) target(%arg10 : memref<128x32xf32, #tpu.memory_space<vmem>>) offsets(%dma_start3A_148 : memref<128xi32, #tpu.memory_space<vmem>>) semaphore(%arg18 : memref<!tpu.dma_semaphore, #tpu.memory_space<semaphore_mem>>)
    %dma_start3A_152 = arith.constant 2 : i32
    %dma_start3A_153 = arith.constant 0 : i32
    %dma_start3A_154 = tpu.memref_slice %arg7[%dma_start3A_152, %dma_start3A_153] : memref<160x128xi32, #tpu.memory_space<vmem>> -> memref<1x128xi32, #tpu.memory_space<vmem>>
    %dma_start3A_155 = tpu.memref_squeeze %dma_start3A_154 : memref<1x128xi32, #tpu.memory_space<vmem>> -> memref<128xi32, #tpu.memory_space<vmem>>
    %dma_start3A_156 = arith.constant 0 : i32
    %dma_start3A_157 = arith.constant 0 : i32
    %dma_start3A_158 = tpu.memref_slice %arg34[%dma_start3A_156, %dma_start3A_157] : memref<10240x32xf32, #tpu.memory_space<vmem_shared>> -> memref<10240x32xf32, #tpu.memory_space<vmem_shared>>
    tpu.enqueue_indirect_dma source(%dma_start3A_158 : memref<10240x32xf32, #tpu.memory_space<vmem_shared>>) target(%arg11 : memref<128x32xf32, #tpu.memory_space<vmem>>) offsets(%dma_start3A_155 : memref<128xi32, #tpu.memory_space<vmem>>) semaphore(%arg19 : memref<!tpu.dma_semaphore, #tpu.memory_space<semaphore_mem>>)
    %dma_start3A_159 = arith.constant 3 : i32
    %dma_start3A_160 = arith.constant 0 : i32
    %dma_start3A_161 = tpu.memref_slice %arg7[%dma_start3A_159, %dma_start3A_160] : memref<160x128xi32, #tpu.memory_space<vmem>> -> memref<1x128xi32, #tpu.memory_space<vmem>>
    %dma_start3A_162 = tpu.memref_squeeze %dma_start3A_161 : memref<1x128xi32, #tpu.memory_space<vmem>> -> memref<128xi32, #tpu.memory_space<vmem>>
    %dma_start3A_163 = arith.constant 0 : i32
    %dma_start3A_164 = arith.constant 0 : i32
    %dma_start3A_165 = tpu.memref_slice %arg34[%dma_start3A_163, %dma_start3A_164] : memref<10240x32xf32, #tpu.memory_space<vmem_shared>> -> memref<10240x32xf32, #tpu.memory_space<vmem_shared>>
    tpu.enqueue_indirect_dma source(%dma_start3A_165 : memref<10240x32xf32, #tpu.memory_space<vmem_shared>>) target(%arg12 : memref<128x32xf32, #tpu.memory_space<vmem>>) offsets(%dma_start3A_162 : memref<128xi32, #tpu.memory_space<vmem>>) semaphore(%arg20 : memref<!tpu.dma_semaphore, #tpu.memory_space<semaphore_mem>>)
    %scan3A = arith.constant 0 : i32
    %scan3A_166 = arith.constant 0 : i32
    %scan3A_167 = arith.constant 20 : i32
    %scan3A_168 = arith.addi %scan3A_166, %scan3A_167 : i32
    %scan3A_169 = arith.constant 1 : i32
    scf.for %scan3A_318 = %scan3A_166 to %scan3A_168 step %scan3A_169  : i32 {
      %mul3A_319 = arith.constant 8 : i32
      %mul3A_320 = arith.muli %scan3A_318, %mul3A_319 : i32
      %add3A_321 = arith.constant 0 : i32
      %add3A_322 = arith.addi %mul3A_320, %add3A_321 : i32
      %dma_wait3A_323 = arith.constant 0 : i32
      %dma_wait3A_324 = tpu.memref_slice %arg7[%add3A_322, %dma_wait3A_323] : memref<160x128xi32, #tpu.memory_space<vmem>> -> memref<1x128xi32, #tpu.memory_space<vmem>>
      %dma_wait3A_325 = tpu.memref_squeeze %dma_wait3A_324 : memref<1x128xi32, #tpu.memory_space<vmem>> -> memref<128xi32, #tpu.memory_space<vmem>>
      %dma_wait3A_326 = arith.constant 0 : i32
      %dma_wait3A_327 = arith.constant 0 : i32
      %dma_wait3A_328 = tpu.memref_slice %arg34[%dma_wait3A_326, %dma_wait3A_327] : memref<10240x32xf32, #tpu.memory_space<vmem_shared>> -> memref<10240x32xf32, #tpu.memory_space<vmem_shared>>
      tpu.wait_indirect_dma semaphore(%arg17 : memref<!tpu.dma_semaphore, #tpu.memory_space<semaphore_mem>>) src(%dma_wait3A_328 : memref<10240x32xf32, #tpu.memory_space<vmem_shared>>) dst(%arg9 : memref<128x32xf32, #tpu.memory_space<vmem>>)
      %dma_start3A_329 = arith.constant 0 : i32
      %dma_start3A_330 = tpu.memref_slice %arg8[%add3A_322, %dma_start3A_329] : memref<160x128xi32, #tpu.memory_space<vmem>> -> memref<1x128xi32, #tpu.memory_space<vmem>>
      %dma_start3A_331 = tpu.memref_squeeze %dma_start3A_330 : memref<1x128xi32, #tpu.memory_space<vmem>> -> memref<128xi32, #tpu.memory_space<vmem>>
      %dma_start3A_332 = arith.constant 0 : i32
      %dma_start3A_333 = arith.constant 0 : i32
      %dma_start3A_334 = tpu.memref_slice %arg33[%dma_start3A_332, %dma_start3A_333] : memref<10240x32xf32, #tpu.memory_space<vmem_shared>> -> memref<10240x32xf32, #tpu.memory_space<vmem_shared>>
      tpu.enqueue_indirect_dma source(%arg9 : memref<128x32xf32, #tpu.memory_space<vmem>>) target(%dma_start3A_334 : memref<10240x32xf32, #tpu.memory_space<vmem_shared>>) offsets(%dma_start3A_331 : memref<128xi32, #tpu.memory_space<vmem>>) semaphore(%arg25 : memref<!tpu.dma_semaphore, #tpu.memory_space<semaphore_mem>>) {add = true}
      %add3A_335 = arith.constant 4 : i32
      %add3A_336 = arith.addi %add3A_322, %add3A_335 : i32
      %lt3A = arith.constant 160 : i32
      %lt3A_337 = arith.cmpi slt, %add3A_336, %lt3A : i32
      %convert_element_type3A = arith.extui %lt3A_337 : i1 to i32
      %cond3A = arith.constant 0 : i32
      %cond3A_338 = arith.cmpi ne, %convert_element_type3A, %cond3A : i32
      scf.if %cond3A_338 {
        %ge3A = arith.constant 8 : i32
        %ge3A_500 = arith.cmpi sge, %add3A_336, %ge3A : i32
        %convert_element_type3A_501 = arith.extui %ge3A_500 : i1 to i32
        %cond3A_502 = arith.constant 0 : i32
        %cond3A_503 = arith.cmpi ne, %convert_element_type3A_501, %cond3A_502 : i32
        scf.if %cond3A_503 {
          %sub3A = arith.constant 8 : i32
          %sub3A_510 = arith.subi %add3A_336, %sub3A : i32
          %dma_wait3A_511 = arith.constant 0 : i32
          %dma_wait3A_512 = tpu.memref_slice %arg8[%sub3A_510, %dma_wait3A_511] : memref<160x128xi32, #tpu.memory_space<vmem>> -> memref<1x128xi32, #tpu.memory_space<vmem>>
          %dma_wait3A_513 = tpu.memref_squeeze %dma_wait3A_512 : memref<1x128xi32, #tpu.memory_space<vmem>> -> memref<128xi32, #tpu.memory_space<vmem>>
          %dma_wait3A_514 = arith.constant 0 : i32
          %dma_wait3A_515 = arith.constant 0 : i32
          %dma_wait3A_516 = tpu.memref_slice %arg33[%dma_wait3A_514, %dma_wait3A_515] : memref<10240x32xf32, #tpu.memory_space<vmem_shared>> -> memref<10240x32xf32, #tpu.memory_space<vmem_shared>>
          tpu.wait_indirect_dma semaphore(%arg29 : memref<!tpu.dma_semaphore, #tpu.memory_space<semaphore_mem>>) src(%arg13 : memref<128x32xf32, #tpu.memory_space<vmem>>) dst(%dma_wait3A_516 : memref<10240x32xf32, #tpu.memory_space<vmem_shared>>)
        } else {
        }
        %dma_start3A_504 = arith.constant 0 : i32
        %dma_start3A_505 = tpu.memref_slice %arg7[%add3A_336, %dma_start3A_504] : memref<160x128xi32, #tpu.memory_space<vmem>> -> memref<1x128xi32, #tpu.memory_space<vmem>>
        %dma_start3A_506 = tpu.memref_squeeze %dma_start3A_505 : memref<1x128xi32, #tpu.memory_space<vmem>> -> memref<128xi32, #tpu.memory_space<vmem>>
        %dma_start3A_507 = arith.constant 0 : i32
        %dma_start3A_508 = arith.constant 0 : i32
        %dma_start3A_509 = tpu.memref_slice %arg34[%dma_start3A_507, %dma_start3A_508] : memref<10240x32xf32, #tpu.memory_space<vmem_shared>> -> memref<10240x32xf32, #tpu.memory_space<vmem_shared>>
        tpu.enqueue_indirect_dma source(%dma_start3A_509 : memref<10240x32xf32, #tpu.memory_space<vmem_shared>>) target(%arg13 : memref<128x32xf32, #tpu.memory_space<vmem>>) offsets(%dma_start3A_506 : memref<128xi32, #tpu.memory_space<vmem>>) semaphore(%arg21 : memref<!tpu.dma_semaphore, #tpu.memory_space<semaphore_mem>>)
      } else {
      }
      %mul3A_339 = arith.constant 8 : i32
      %mul3A_340 = arith.muli %scan3A_318, %mul3A_339 : i32
      %add3A_341 = arith.constant 1 : i32
      %add3A_342 = arith.addi %mul3A_340, %add3A_341 : i32
      %dma_wait3A_343 = arith.constant 0 : i32
      %dma_wait3A_344 = tpu.memref_slice %arg7[%add3A_342, %dma_wait3A_343] : memref<160x128xi32, #tpu.memory_space<vmem>> -> memref<1x128xi32, #tpu.memory_space<vmem>>
      %dma_wait3A_345 = tpu.memref_squeeze %dma_wait3A_344 : memref<1x128xi32, #tpu.memory_space<vmem>> -> memref<128xi32, #tpu.memory_space<vmem>>
      %dma_wait3A_346 = arith.constant 0 : i32
      %dma_wait3A_347 = arith.constant 0 : i32
      %dma_wait3A_348 = tpu.memref_slice %arg34[%dma_wait3A_346, %dma_wait3A_347] : memref<10240x32xf32, #tpu.memory_space<vmem_shared>> -> memref<10240x32xf32, #tpu.memory_space<vmem_shared>>
      tpu.wait_indirect_dma semaphore(%arg18 : memref<!tpu.dma_semaphore, #tpu.memory_space<semaphore_mem>>) src(%dma_wait3A_348 : memref<10240x32xf32, #tpu.memory_space<vmem_shared>>) dst(%arg10 : memref<128x32xf32, #tpu.memory_space<vmem>>)
      %dma_start3A_349 = arith.constant 0 : i32
      %dma_start3A_350 = tpu.memref_slice %arg8[%add3A_342, %dma_start3A_349] : memref<160x128xi32, #tpu.memory_space<vmem>> -> memref<1x128xi32, #tpu.memory_space<vmem>>
      %dma_start3A_351 = tpu.memref_squeeze %dma_start3A_350 : memref<1x128xi32, #tpu.memory_space<vmem>> -> memref<128xi32, #tpu.memory_space<vmem>>
      %dma_start3A_352 = arith.constant 0 : i32
      %dma_start3A_353 = arith.constant 0 : i32
      %dma_start3A_354 = tpu.memref_slice %arg33[%dma_start3A_352, %dma_start3A_353] : memref<10240x32xf32, #tpu.memory_space<vmem_shared>> -> memref<10240x32xf32, #tpu.memory_space<vmem_shared>>
      tpu.enqueue_indirect_dma source(%arg10 : memref<128x32xf32, #tpu.memory_space<vmem>>) target(%dma_start3A_354 : memref<10240x32xf32, #tpu.memory_space<vmem_shared>>) offsets(%dma_start3A_351 : memref<128xi32, #tpu.memory_space<vmem>>) semaphore(%arg26 : memref<!tpu.dma_semaphore, #tpu.memory_space<semaphore_mem>>) {add = true}
      %add3A_355 = arith.constant 4 : i32
      %add3A_356 = arith.addi %add3A_342, %add3A_355 : i32
      %lt3A_357 = arith.constant 160 : i32
      %lt3A_358 = arith.cmpi slt, %add3A_356, %lt3A_357 : i32
      %convert_element_type3A_359 = arith.extui %lt3A_358 : i1 to i32
      %cond3A_360 = arith.constant 0 : i32
      %cond3A_361 = arith.cmpi ne, %convert_element_type3A_359, %cond3A_360 : i32
      scf.if %cond3A_361 {
        %ge3A = arith.constant 8 : i32
        %ge3A_500 = arith.cmpi sge, %add3A_356, %ge3A : i32
        %convert_element_type3A_501 = arith.extui %ge3A_500 : i1 to i32
        %cond3A_502 = arith.constant 0 : i32
        %cond3A_503 = arith.cmpi ne, %convert_element_type3A_501, %cond3A_502 : i32
        scf.if %cond3A_503 {
          %sub3A = arith.constant 8 : i32
          %sub3A_510 = arith.subi %add3A_356, %sub3A : i32
          %dma_wait3A_511 = arith.constant 0 : i32
          %dma_wait3A_512 = tpu.memref_slice %arg8[%sub3A_510, %dma_wait3A_511] : memref<160x128xi32, #tpu.memory_space<vmem>> -> memref<1x128xi32, #tpu.memory_space<vmem>>
          %dma_wait3A_513 = tpu.memref_squeeze %dma_wait3A_512 : memref<1x128xi32, #tpu.memory_space<vmem>> -> memref<128xi32, #tpu.memory_space<vmem>>
          %dma_wait3A_514 = arith.constant 0 : i32
          %dma_wait3A_515 = arith.constant 0 : i32
          %dma_wait3A_516 = tpu.memref_slice %arg33[%dma_wait3A_514, %dma_wait3A_515] : memref<10240x32xf32, #tpu.memory_space<vmem_shared>> -> memref<10240x32xf32, #tpu.memory_space<vmem_shared>>
          tpu.wait_indirect_dma semaphore(%arg30 : memref<!tpu.dma_semaphore, #tpu.memory_space<semaphore_mem>>) src(%arg14 : memref<128x32xf32, #tpu.memory_space<vmem>>) dst(%dma_wait3A_516 : memref<10240x32xf32, #tpu.memory_space<vmem_shared>>)
        } else {
        }
        %dma_start3A_504 = arith.constant 0 : i32
        %dma_start3A_505 = tpu.memref_slice %arg7[%add3A_356, %dma_start3A_504] : memref<160x128xi32, #tpu.memory_space<vmem>> -> memref<1x128xi32, #tpu.memory_space<vmem>>
        %dma_start3A_506 = tpu.memref_squeeze %dma_start3A_505 : memref<1x128xi32, #tpu.memory_space<vmem>> -> memref<128xi32, #tpu.memory_space<vmem>>
        %dma_start3A_507 = arith.constant 0 : i32
        %dma_start3A_508 = arith.constant 0 : i32
        %dma_start3A_509 = tpu.memref_slice %arg34[%dma_start3A_507, %dma_start3A_508] : memref<10240x32xf32, #tpu.memory_space<vmem_shared>> -> memref<10240x32xf32, #tpu.memory_space<vmem_shared>>
        tpu.enqueue_indirect_dma source(%dma_start3A_509 : memref<10240x32xf32, #tpu.memory_space<vmem_shared>>) target(%arg14 : memref<128x32xf32, #tpu.memory_space<vmem>>) offsets(%dma_start3A_506 : memref<128xi32, #tpu.memory_space<vmem>>) semaphore(%arg22 : memref<!tpu.dma_semaphore, #tpu.memory_space<semaphore_mem>>)
      } else {
      }
      %mul3A_362 = arith.constant 8 : i32
      %mul3A_363 = arith.muli %scan3A_318, %mul3A_362 : i32
      %add3A_364 = arith.constant 2 : i32
      %add3A_365 = arith.addi %mul3A_363, %add3A_364 : i32
      %dma_wait3A_366 = arith.constant 0 : i32
      %dma_wait3A_367 = tpu.memref_slice %arg7[%add3A_365, %dma_wait3A_366] : memref<160x128xi32, #tpu.memory_space<vmem>> -> memref<1x128xi32, #tpu.memory_space<vmem>>
      %dma_wait3A_368 = tpu.memref_squeeze %dma_wait3A_367 : memref<1x128xi32, #tpu.memory_space<vmem>> -> memref<128xi32, #tpu.memory_space<vmem>>
      %dma_wait3A_369 = arith.constant 0 : i32
      %dma_wait3A_370 = arith.constant 0 : i32
      %dma_wait3A_371 = tpu.memref_slice %arg34[%dma_wait3A_369, %dma_wait3A_370] : memref<10240x32xf32, #tpu.memory_space<vmem_shared>> -> memref<10240x32xf32, #tpu.memory_space<vmem_shared>>
      tpu.wait_indirect_dma semaphore(%arg19 : memref<!tpu.dma_semaphore, #tpu.memory_space<semaphore_mem>>) src(%dma_wait3A_371 : memref<10240x32xf32, #tpu.memory_space<vmem_shared>>) dst(%arg11 : memref<128x32xf32, #tpu.memory_space<vmem>>)
      %dma_start3A_372 = arith.constant 0 : i32
      %dma_start3A_373 = tpu.memref_slice %arg8[%add3A_365, %dma_start3A_372] : memref<160x128xi32, #tpu.memory_space<vmem>> -> memref<1x128xi32, #tpu.memory_space<vmem>>
      %dma_start3A_374 = tpu.memref_squeeze %dma_start3A_373 : memref<1x128xi32, #tpu.memory_space<vmem>> -> memref<128xi32, #tpu.memory_space<vmem>>
      %dma_start3A_375 = arith.constant 0 : i32
      %dma_start3A_376 = arith.constant 0 : i32
      %dma_start3A_377 = tpu.memref_slice %arg33[%dma_start3A_375, %dma_start3A_376] : memref<10240x32xf32, #tpu.memory_space<vmem_shared>> -> memref<10240x32xf32, #tpu.memory_space<vmem_shared>>
      tpu.enqueue_indirect_dma source(%arg11 : memref<128x32xf32, #tpu.memory_space<vmem>>) target(%dma_start3A_377 : memref<10240x32xf32, #tpu.memory_space<vmem_shared>>) offsets(%dma_start3A_374 : memref<128xi32, #tpu.memory_space<vmem>>) semaphore(%arg27 : memref<!tpu.dma_semaphore, #tpu.memory_space<semaphore_mem>>) {add = true}
      %add3A_378 = arith.constant 4 : i32
      %add3A_379 = arith.addi %add3A_365, %add3A_378 : i32
      %lt3A_380 = arith.constant 160 : i32
      %lt3A_381 = arith.cmpi slt, %add3A_379, %lt3A_380 : i32
      %convert_element_type3A_382 = arith.extui %lt3A_381 : i1 to i32
      %cond3A_383 = arith.constant 0 : i32
      %cond3A_384 = arith.cmpi ne, %convert_element_type3A_382, %cond3A_383 : i32
      scf.if %cond3A_384 {
        %ge3A = arith.constant 8 : i32
        %ge3A_500 = arith.cmpi sge, %add3A_379, %ge3A : i32
        %convert_element_type3A_501 = arith.extui %ge3A_500 : i1 to i32
        %cond3A_502 = arith.constant 0 : i32
        %cond3A_503 = arith.cmpi ne, %convert_element_type3A_501, %cond3A_502 : i32
        scf.if %cond3A_503 {
          %sub3A = arith.constant 8 : i32
          %sub3A_510 = arith.subi %add3A_379, %sub3A : i32
          %dma_wait3A_511 = arith.constant 0 : i32
          %dma_wait3A_512 = tpu.memref_slice %arg8[%sub3A_510, %dma_wait3A_511] : memref<160x128xi32, #tpu.memory_space<vmem>> -> memref<1x128xi32, #tpu.memory_space<vmem>>
          %dma_wait3A_513 = tpu.memref_squeeze %dma_wait3A_512 : memref<1x128xi32, #tpu.memory_space<vmem>> -> memref<128xi32, #tpu.memory_space<vmem>>
          %dma_wait3A_514 = arith.constant 0 : i32
          %dma_wait3A_515 = arith.constant 0 : i32
          %dma_wait3A_516 = tpu.memref_slice %arg33[%dma_wait3A_514, %dma_wait3A_515] : memref<10240x32xf32, #tpu.memory_space<vmem_shared>> -> memref<10240x32xf32, #tpu.memory_space<vmem_shared>>
          tpu.wait_indirect_dma semaphore(%arg31 : memref<!tpu.dma_semaphore, #tpu.memory_space<semaphore_mem>>) src(%arg15 : memref<128x32xf32, #tpu.memory_space<vmem>>) dst(%dma_wait3A_516 : memref<10240x32xf32, #tpu.memory_space<vmem_shared>>)
        } else {
        }
        %dma_start3A_504 = arith.constant 0 : i32
        %dma_start3A_505 = tpu.memref_slice %arg7[%add3A_379, %dma_start3A_504] : memref<160x128xi32, #tpu.memory_space<vmem>> -> memref<1x128xi32, #tpu.memory_space<vmem>>
        %dma_start3A_506 = tpu.memref_squeeze %dma_start3A_505 : memref<1x128xi32, #tpu.memory_space<vmem>> -> memref<128xi32, #tpu.memory_space<vmem>>
        %dma_start3A_507 = arith.constant 0 : i32
        %dma_start3A_508 = arith.constant 0 : i32
        %dma_start3A_509 = tpu.memref_slice %arg34[%dma_start3A_507, %dma_start3A_508] : memref<10240x32xf32, #tpu.memory_space<vmem_shared>> -> memref<10240x32xf32, #tpu.memory_space<vmem_shared>>
        tpu.enqueue_indirect_dma source(%dma_start3A_509 : memref<10240x32xf32, #tpu.memory_space<vmem_shared>>) target(%arg15 : memref<128x32xf32, #tpu.memory_space<vmem>>) offsets(%dma_start3A_506 : memref<128xi32, #tpu.memory_space<vmem>>) semaphore(%arg23 : memref<!tpu.dma_semaphore, #tpu.memory_space<semaphore_mem>>)
      } else {
      }
      %mul3A_385 = arith.constant 8 : i32
      %mul3A_386 = arith.muli %scan3A_318, %mul3A_385 : i32
      %add3A_387 = arith.constant 3 : i32
      %add3A_388 = arith.addi %mul3A_386, %add3A_387 : i32
      %dma_wait3A_389 = arith.constant 0 : i32
      %dma_wait3A_390 = tpu.memref_slice %arg7[%add3A_388, %dma_wait3A_389] : memref<160x128xi32, #tpu.memory_space<vmem>> -> memref<1x128xi32, #tpu.memory_space<vmem>>
      %dma_wait3A_391 = tpu.memref_squeeze %dma_wait3A_390 : memref<1x128xi32, #tpu.memory_space<vmem>> -> memref<128xi32, #tpu.memory_space<vmem>>
      %dma_wait3A_392 = arith.constant 0 : i32
      %dma_wait3A_393 = arith.constant 0 : i32
      %dma_wait3A_394 = tpu.memref_slice %arg34[%dma_wait3A_392, %dma_wait3A_393] : memref<10240x32xf32, #tpu.memory_space<vmem_shared>> -> memref<10240x32xf32, #tpu.memory_space<vmem_shared>>
      tpu.wait_indirect_dma semaphore(%arg20 : memref<!tpu.dma_semaphore, #tpu.memory_space<semaphore_mem>>) src(%dma_wait3A_394 : memref<10240x32xf32, #tpu.memory_space<vmem_shared>>) dst(%arg12 : memref<128x32xf32, #tpu.memory_space<vmem>>)
      %dma_start3A_395 = arith.constant 0 : i32
      %dma_start3A_396 = tpu.memref_slice %arg8[%add3A_388, %dma_start3A_395] : memref<160x128xi32, #tpu.memory_space<vmem>> -> memref<1x128xi32, #tpu.memory_space<vmem>>
      %dma_start3A_397 = tpu.memref_squeeze %dma_start3A_396 : memref<1x128xi32, #tpu.memory_space<vmem>> -> memref<128xi32, #tpu.memory_space<vmem>>
      %dma_start3A_398 = arith.constant 0 : i32
      %dma_start3A_399 = arith.constant 0 : i32
      %dma_start3A_400 = tpu.memref_slice %arg33[%dma_start3A_398, %dma_start3A_399] : memref<10240x32xf32, #tpu.memory_space<vmem_shared>> -> memref<10240x32xf32, #tpu.memory_space<vmem_shared>>
      tpu.enqueue_indirect_dma source(%arg12 : memref<128x32xf32, #tpu.memory_space<vmem>>) target(%dma_start3A_400 : memref<10240x32xf32, #tpu.memory_space<vmem_shared>>) offsets(%dma_start3A_397 : memref<128xi32, #tpu.memory_space<vmem>>) semaphore(%arg28 : memref<!tpu.dma_semaphore, #tpu.memory_space<semaphore_mem>>) {add = true}
      %add3A_401 = arith.constant 4 : i32
      %add3A_402 = arith.addi %add3A_388, %add3A_401 : i32
      %lt3A_403 = arith.constant 160 : i32
      %lt3A_404 = arith.cmpi slt, %add3A_402, %lt3A_403 : i32
      %convert_element_type3A_405 = arith.extui %lt3A_404 : i1 to i32
      %cond3A_406 = arith.constant 0 : i32
      %cond3A_407 = arith.cmpi ne, %convert_element_type3A_405, %cond3A_406 : i32
      scf.if %cond3A_407 {
        %ge3A = arith.constant 8 : i32
        %ge3A_500 = arith.cmpi sge, %add3A_402, %ge3A : i32
        %convert_element_type3A_501 = arith.extui %ge3A_500 : i1 to i32
        %cond3A_502 = arith.constant 0 : i32
        %cond3A_503 = arith.cmpi ne, %convert_element_type3A_501, %cond3A_502 : i32
        scf.if %cond3A_503 {
          %sub3A = arith.constant 8 : i32
          %sub3A_510 = arith.subi %add3A_402, %sub3A : i32
          %dma_wait3A_511 = arith.constant 0 : i32
          %dma_wait3A_512 = tpu.memref_slice %arg8[%sub3A_510, %dma_wait3A_511] : memref<160x128xi32, #tpu.memory_space<vmem>> -> memref<1x128xi32, #tpu.memory_space<vmem>>
          %dma_wait3A_513 = tpu.memref_squeeze %dma_wait3A_512 : memref<1x128xi32, #tpu.memory_space<vmem>> -> memref<128xi32, #tpu.memory_space<vmem>>
          %dma_wait3A_514 = arith.constant 0 : i32
          %dma_wait3A_515 = arith.constant 0 : i32
          %dma_wait3A_516 = tpu.memref_slice %arg33[%dma_wait3A_514, %dma_wait3A_515] : memref<10240x32xf32, #tpu.memory_space<vmem_shared>> -> memref<10240x32xf32, #tpu.memory_space<vmem_shared>>
          tpu.wait_indirect_dma semaphore(%arg32 : memref<!tpu.dma_semaphore, #tpu.memory_space<semaphore_mem>>) src(%arg16 : memref<128x32xf32, #tpu.memory_space<vmem>>) dst(%dma_wait3A_516 : memref<10240x32xf32, #tpu.memory_space<vmem_shared>>)
        } else {
        }
        %dma_start3A_504 = arith.constant 0 : i32
        %dma_start3A_505 = tpu.memref_slice %arg7[%add3A_402, %dma_start3A_504] : memref<160x128xi32, #tpu.memory_space<vmem>> -> memref<1x128xi32, #tpu.memory_space<vmem>>
        %dma_start3A_506 = tpu.memref_squeeze %dma_start3A_505 : memref<1x128xi32, #tpu.memory_space<vmem>> -> memref<128xi32, #tpu.memory_space<vmem>>
        %dma_start3A_507 = arith.constant 0 : i32
        %dma_start3A_508 = arith.constant 0 : i32
        %dma_start3A_509 = tpu.memref_slice %arg34[%dma_start3A_507, %dma_start3A_508] : memref<10240x32xf32, #tpu.memory_space<vmem_shared>> -> memref<10240x32xf32, #tpu.memory_space<vmem_shared>>
        tpu.enqueue_indirect_dma source(%dma_start3A_509 : memref<10240x32xf32, #tpu.memory_space<vmem_shared>>) target(%arg16 : memref<128x32xf32, #tpu.memory_space<vmem>>) offsets(%dma_start3A_506 : memref<128xi32, #tpu.memory_space<vmem>>) semaphore(%arg24 : memref<!tpu.dma_semaphore, #tpu.memory_space<semaphore_mem>>)
      } else {
      }
      %mul3A_408 = arith.constant 8 : i32
      %mul3A_409 = arith.muli %scan3A_318, %mul3A_408 : i32
      %add3A_410 = arith.constant 4 : i32
      %add3A_411 = arith.addi %mul3A_409, %add3A_410 : i32
      %dma_wait3A_412 = arith.constant 0 : i32
      %dma_wait3A_413 = tpu.memref_slice %arg7[%add3A_411, %dma_wait3A_412] : memref<160x128xi32, #tpu.memory_space<vmem>> -> memref<1x128xi32, #tpu.memory_space<vmem>>
      %dma_wait3A_414 = tpu.memref_squeeze %dma_wait3A_413 : memref<1x128xi32, #tpu.memory_space<vmem>> -> memref<128xi32, #tpu.memory_space<vmem>>
      %dma_wait3A_415 = arith.constant 0 : i32
      %dma_wait3A_416 = arith.constant 0 : i32
      %dma_wait3A_417 = tpu.memref_slice %arg34[%dma_wait3A_415, %dma_wait3A_416] : memref<10240x32xf32, #tpu.memory_space<vmem_shared>> -> memref<10240x32xf32, #tpu.memory_space<vmem_shared>>
      tpu.wait_indirect_dma semaphore(%arg21 : memref<!tpu.dma_semaphore, #tpu.memory_space<semaphore_mem>>) src(%dma_wait3A_417 : memref<10240x32xf32, #tpu.memory_space<vmem_shared>>) dst(%arg13 : memref<128x32xf32, #tpu.memory_space<vmem>>)
      %dma_start3A_418 = arith.constant 0 : i32
      %dma_start3A_419 = tpu.memref_slice %arg8[%add3A_411, %dma_start3A_418] : memref<160x128xi32, #tpu.memory_space<vmem>> -> memref<1x128xi32, #tpu.memory_space<vmem>>
      %dma_start3A_420 = tpu.memref_squeeze %dma_start3A_419 : memref<1x128xi32, #tpu.memory_space<vmem>> -> memref<128xi32, #tpu.memory_space<vmem>>
      %dma_start3A_421 = arith.constant 0 : i32
      %dma_start3A_422 = arith.constant 0 : i32
      %dma_start3A_423 = tpu.memref_slice %arg33[%dma_start3A_421, %dma_start3A_422] : memref<10240x32xf32, #tpu.memory_space<vmem_shared>> -> memref<10240x32xf32, #tpu.memory_space<vmem_shared>>
      tpu.enqueue_indirect_dma source(%arg13 : memref<128x32xf32, #tpu.memory_space<vmem>>) target(%dma_start3A_423 : memref<10240x32xf32, #tpu.memory_space<vmem_shared>>) offsets(%dma_start3A_420 : memref<128xi32, #tpu.memory_space<vmem>>) semaphore(%arg29 : memref<!tpu.dma_semaphore, #tpu.memory_space<semaphore_mem>>) {add = true}
      %add3A_424 = arith.constant 4 : i32
      %add3A_425 = arith.addi %add3A_411, %add3A_424 : i32
      %lt3A_426 = arith.constant 160 : i32
      %lt3A_427 = arith.cmpi slt, %add3A_425, %lt3A_426 : i32
      %convert_element_type3A_428 = arith.extui %lt3A_427 : i1 to i32
      %cond3A_429 = arith.constant 0 : i32
      %cond3A_430 = arith.cmpi ne, %convert_element_type3A_428, %cond3A_429 : i32
      scf.if %cond3A_430 {
        %ge3A = arith.constant 8 : i32
        %ge3A_500 = arith.cmpi sge, %add3A_425, %ge3A : i32
        %convert_element_type3A_501 = arith.extui %ge3A_500 : i1 to i32
        %cond3A_502 = arith.constant 0 : i32
        %cond3A_503 = arith.cmpi ne, %convert_element_type3A_501, %cond3A_502 : i32
        scf.if %cond3A_503 {
          %sub3A = arith.constant 8 : i32
          %sub3A_510 = arith.subi %add3A_425, %sub3A : i32
          %dma_wait3A_511 = arith.constant 0 : i32
          %dma_wait3A_512 = tpu.memref_slice %arg8[%sub3A_510, %dma_wait3A_511] : memref<160x128xi32, #tpu.memory_space<vmem>> -> memref<1x128xi32, #tpu.memory_space<vmem>>
          %dma_wait3A_513 = tpu.memref_squeeze %dma_wait3A_512 : memref<1x128xi32, #tpu.memory_space<vmem>> -> memref<128xi32, #tpu.memory_space<vmem>>
          %dma_wait3A_514 = arith.constant 0 : i32
          %dma_wait3A_515 = arith.constant 0 : i32
          %dma_wait3A_516 = tpu.memref_slice %arg33[%dma_wait3A_514, %dma_wait3A_515] : memref<10240x32xf32, #tpu.memory_space<vmem_shared>> -> memref<10240x32xf32, #tpu.memory_space<vmem_shared>>
          tpu.wait_indirect_dma semaphore(%arg25 : memref<!tpu.dma_semaphore, #tpu.memory_space<semaphore_mem>>) src(%arg9 : memref<128x32xf32, #tpu.memory_space<vmem>>) dst(%dma_wait3A_516 : memref<10240x32xf32, #tpu.memory_space<vmem_shared>>)
        } else {
        }
        %dma_start3A_504 = arith.constant 0 : i32
        %dma_start3A_505 = tpu.memref_slice %arg7[%add3A_425, %dma_start3A_504] : memref<160x128xi32, #tpu.memory_space<vmem>> -> memref<1x128xi32, #tpu.memory_space<vmem>>
        %dma_start3A_506 = tpu.memref_squeeze %dma_start3A_505 : memref<1x128xi32, #tpu.memory_space<vmem>> -> memref<128xi32, #tpu.memory_space<vmem>>
        %dma_start3A_507 = arith.constant 0 : i32
        %dma_start3A_508 = arith.constant 0 : i32
        %dma_start3A_509 = tpu.memref_slice %arg34[%dma_start3A_507, %dma_start3A_508] : memref<10240x32xf32, #tpu.memory_space<vmem_shared>> -> memref<10240x32xf32, #tpu.memory_space<vmem_shared>>
        tpu.enqueue_indirect_dma source(%dma_start3A_509 : memref<10240x32xf32, #tpu.memory_space<vmem_shared>>) target(%arg9 : memref<128x32xf32, #tpu.memory_space<vmem>>) offsets(%dma_start3A_506 : memref<128xi32, #tpu.memory_space<vmem>>) semaphore(%arg17 : memref<!tpu.dma_semaphore, #tpu.memory_space<semaphore_mem>>)
      } else {
      }
      %mul3A_431 = arith.constant 8 : i32
      %mul3A_432 = arith.muli %scan3A_318, %mul3A_431 : i32
      %add3A_433 = arith.constant 5 : i32
      %add3A_434 = arith.addi %mul3A_432, %add3A_433 : i32
      %dma_wait3A_435 = arith.constant 0 : i32
      %dma_wait3A_436 = tpu.memref_slice %arg7[%add3A_434, %dma_wait3A_435] : memref<160x128xi32, #tpu.memory_space<vmem>> -> memref<1x128xi32, #tpu.memory_space<vmem>>
      %dma_wait3A_437 = tpu.memref_squeeze %dma_wait3A_436 : memref<1x128xi32, #tpu.memory_space<vmem>> -> memref<128xi32, #tpu.memory_space<vmem>>
      %dma_wait3A_438 = arith.constant 0 : i32
      %dma_wait3A_439 = arith.constant 0 : i32
      %dma_wait3A_440 = tpu.memref_slice %arg34[%dma_wait3A_438, %dma_wait3A_439] : memref<10240x32xf32, #tpu.memory_space<vmem_shared>> -> memref<10240x32xf32, #tpu.memory_space<vmem_shared>>
      tpu.wait_indirect_dma semaphore(%arg22 : memref<!tpu.dma_semaphore, #tpu.memory_space<semaphore_mem>>) src(%dma_wait3A_440 : memref<10240x32xf32, #tpu.memory_space<vmem_shared>>) dst(%arg14 : memref<128x32xf32, #tpu.memory_space<vmem>>)
      %dma_start3A_441 = arith.constant 0 : i32
      %dma_start3A_442 = tpu.memref_slice %arg8[%add3A_434, %dma_start3A_441] : memref<160x128xi32, #tpu.memory_space<vmem>> -> memref<1x128xi32, #tpu.memory_space<vmem>>
      %dma_start3A_443 = tpu.memref_squeeze %dma_start3A_442 : memref<1x128xi32, #tpu.memory_space<vmem>> -> memref<128xi32, #tpu.memory_space<vmem>>
      %dma_start3A_444 = arith.constant 0 : i32
      %dma_start3A_445 = arith.constant 0 : i32
      %dma_start3A_446 = tpu.memref_slice %arg33[%dma_start3A_444, %dma_start3A_445] : memref<10240x32xf32, #tpu.memory_space<vmem_shared>> -> memref<10240x32xf32, #tpu.memory_space<vmem_shared>>
      tpu.enqueue_indirect_dma source(%arg14 : memref<128x32xf32, #tpu.memory_space<vmem>>) target(%dma_start3A_446 : memref<10240x32xf32, #tpu.memory_space<vmem_shared>>) offsets(%dma_start3A_443 : memref<128xi32, #tpu.memory_space<vmem>>) semaphore(%arg30 : memref<!tpu.dma_semaphore, #tpu.memory_space<semaphore_mem>>) {add = true}
      %add3A_447 = arith.constant 4 : i32
      %add3A_448 = arith.addi %add3A_434, %add3A_447 : i32
      %lt3A_449 = arith.constant 160 : i32
      %lt3A_450 = arith.cmpi slt, %add3A_448, %lt3A_449 : i32
      %convert_element_type3A_451 = arith.extui %lt3A_450 : i1 to i32
      %cond3A_452 = arith.constant 0 : i32
      %cond3A_453 = arith.cmpi ne, %convert_element_type3A_451, %cond3A_452 : i32
      scf.if %cond3A_453 {
        %ge3A = arith.constant 8 : i32
        %ge3A_500 = arith.cmpi sge, %add3A_448, %ge3A : i32
        %convert_element_type3A_501 = arith.extui %ge3A_500 : i1 to i32
        %cond3A_502 = arith.constant 0 : i32
        %cond3A_503 = arith.cmpi ne, %convert_element_type3A_501, %cond3A_502 : i32
        scf.if %cond3A_503 {
          %sub3A = arith.constant 8 : i32
          %sub3A_510 = arith.subi %add3A_448, %sub3A : i32
          %dma_wait3A_511 = arith.constant 0 : i32
          %dma_wait3A_512 = tpu.memref_slice %arg8[%sub3A_510, %dma_wait3A_511] : memref<160x128xi32, #tpu.memory_space<vmem>> -> memref<1x128xi32, #tpu.memory_space<vmem>>
          %dma_wait3A_513 = tpu.memref_squeeze %dma_wait3A_512 : memref<1x128xi32, #tpu.memory_space<vmem>> -> memref<128xi32, #tpu.memory_space<vmem>>
          %dma_wait3A_514 = arith.constant 0 : i32
          %dma_wait3A_515 = arith.constant 0 : i32
          %dma_wait3A_516 = tpu.memref_slice %arg33[%dma_wait3A_514, %dma_wait3A_515] : memref<10240x32xf32, #tpu.memory_space<vmem_shared>> -> memref<10240x32xf32, #tpu.memory_space<vmem_shared>>
          tpu.wait_indirect_dma semaphore(%arg26 : memref<!tpu.dma_semaphore, #tpu.memory_space<semaphore_mem>>) src(%arg10 : memref<128x32xf32, #tpu.memory_space<vmem>>) dst(%dma_wait3A_516 : memref<10240x32xf32, #tpu.memory_space<vmem_shared>>)
        } else {
        }
        %dma_start3A_504 = arith.constant 0 : i32
        %dma_start3A_505 = tpu.memref_slice %arg7[%add3A_448, %dma_start3A_504] : memref<160x128xi32, #tpu.memory_space<vmem>> -> memref<1x128xi32, #tpu.memory_space<vmem>>
        %dma_start3A_506 = tpu.memref_squeeze %dma_start3A_505 : memref<1x128xi32, #tpu.memory_space<vmem>> -> memref<128xi32, #tpu.memory_space<vmem>>
        %dma_start3A_507 = arith.constant 0 : i32
        %dma_start3A_508 = arith.constant 0 : i32
        %dma_start3A_509 = tpu.memref_slice %arg34[%dma_start3A_507, %dma_start3A_508] : memref<10240x32xf32, #tpu.memory_space<vmem_shared>> -> memref<10240x32xf32, #tpu.memory_space<vmem_shared>>
        tpu.enqueue_indirect_dma source(%dma_start3A_509 : memref<10240x32xf32, #tpu.memory_space<vmem_shared>>) target(%arg10 : memref<128x32xf32, #tpu.memory_space<vmem>>) offsets(%dma_start3A_506 : memref<128xi32, #tpu.memory_space<vmem>>) semaphore(%arg18 : memref<!tpu.dma_semaphore, #tpu.memory_space<semaphore_mem>>)
      } else {
      }
      %mul3A_454 = arith.constant 8 : i32
      %mul3A_455 = arith.muli %scan3A_318, %mul3A_454 : i32
      %add3A_456 = arith.constant 6 : i32
      %add3A_457 = arith.addi %mul3A_455, %add3A_456 : i32
      %dma_wait3A_458 = arith.constant 0 : i32
      %dma_wait3A_459 = tpu.memref_slice %arg7[%add3A_457, %dma_wait3A_458] : memref<160x128xi32, #tpu.memory_space<vmem>> -> memref<1x128xi32, #tpu.memory_space<vmem>>
      %dma_wait3A_460 = tpu.memref_squeeze %dma_wait3A_459 : memref<1x128xi32, #tpu.memory_space<vmem>> -> memref<128xi32, #tpu.memory_space<vmem>>
      %dma_wait3A_461 = arith.constant 0 : i32
      %dma_wait3A_462 = arith.constant 0 : i32
      %dma_wait3A_463 = tpu.memref_slice %arg34[%dma_wait3A_461, %dma_wait3A_462] : memref<10240x32xf32, #tpu.memory_space<vmem_shared>> -> memref<10240x32xf32, #tpu.memory_space<vmem_shared>>
      tpu.wait_indirect_dma semaphore(%arg23 : memref<!tpu.dma_semaphore, #tpu.memory_space<semaphore_mem>>) src(%dma_wait3A_463 : memref<10240x32xf32, #tpu.memory_space<vmem_shared>>) dst(%arg15 : memref<128x32xf32, #tpu.memory_space<vmem>>)
      %dma_start3A_464 = arith.constant 0 : i32
      %dma_start3A_465 = tpu.memref_slice %arg8[%add3A_457, %dma_start3A_464] : memref<160x128xi32, #tpu.memory_space<vmem>> -> memref<1x128xi32, #tpu.memory_space<vmem>>
      %dma_start3A_466 = tpu.memref_squeeze %dma_start3A_465 : memref<1x128xi32, #tpu.memory_space<vmem>> -> memref<128xi32, #tpu.memory_space<vmem>>
      %dma_start3A_467 = arith.constant 0 : i32
      %dma_start3A_468 = arith.constant 0 : i32
      %dma_start3A_469 = tpu.memref_slice %arg33[%dma_start3A_467, %dma_start3A_468] : memref<10240x32xf32, #tpu.memory_space<vmem_shared>> -> memref<10240x32xf32, #tpu.memory_space<vmem_shared>>
      tpu.enqueue_indirect_dma source(%arg15 : memref<128x32xf32, #tpu.memory_space<vmem>>) target(%dma_start3A_469 : memref<10240x32xf32, #tpu.memory_space<vmem_shared>>) offsets(%dma_start3A_466 : memref<128xi32, #tpu.memory_space<vmem>>) semaphore(%arg31 : memref<!tpu.dma_semaphore, #tpu.memory_space<semaphore_mem>>) {add = true}
      %add3A_470 = arith.constant 4 : i32
      %add3A_471 = arith.addi %add3A_457, %add3A_470 : i32
      %lt3A_472 = arith.constant 160 : i32
      %lt3A_473 = arith.cmpi slt, %add3A_471, %lt3A_472 : i32
      %convert_element_type3A_474 = arith.extui %lt3A_473 : i1 to i32
      %cond3A_475 = arith.constant 0 : i32
      %cond3A_476 = arith.cmpi ne, %convert_element_type3A_474, %cond3A_475 : i32
      scf.if %cond3A_476 {
        %ge3A = arith.constant 8 : i32
        %ge3A_500 = arith.cmpi sge, %add3A_471, %ge3A : i32
        %convert_element_type3A_501 = arith.extui %ge3A_500 : i1 to i32
        %cond3A_502 = arith.constant 0 : i32
        %cond3A_503 = arith.cmpi ne, %convert_element_type3A_501, %cond3A_502 : i32
        scf.if %cond3A_503 {
          %sub3A = arith.constant 8 : i32
          %sub3A_510 = arith.subi %add3A_471, %sub3A : i32
          %dma_wait3A_511 = arith.constant 0 : i32
          %dma_wait3A_512 = tpu.memref_slice %arg8[%sub3A_510, %dma_wait3A_511] : memref<160x128xi32, #tpu.memory_space<vmem>> -> memref<1x128xi32, #tpu.memory_space<vmem>>
          %dma_wait3A_513 = tpu.memref_squeeze %dma_wait3A_512 : memref<1x128xi32, #tpu.memory_space<vmem>> -> memref<128xi32, #tpu.memory_space<vmem>>
          %dma_wait3A_514 = arith.constant 0 : i32
          %dma_wait3A_515 = arith.constant 0 : i32
          %dma_wait3A_516 = tpu.memref_slice %arg33[%dma_wait3A_514, %dma_wait3A_515] : memref<10240x32xf32, #tpu.memory_space<vmem_shared>> -> memref<10240x32xf32, #tpu.memory_space<vmem_shared>>
          tpu.wait_indirect_dma semaphore(%arg27 : memref<!tpu.dma_semaphore, #tpu.memory_space<semaphore_mem>>) src(%arg11 : memref<128x32xf32, #tpu.memory_space<vmem>>) dst(%dma_wait3A_516 : memref<10240x32xf32, #tpu.memory_space<vmem_shared>>)
        } else {
        }
        %dma_start3A_504 = arith.constant 0 : i32
        %dma_start3A_505 = tpu.memref_slice %arg7[%add3A_471, %dma_start3A_504] : memref<160x128xi32, #tpu.memory_space<vmem>> -> memref<1x128xi32, #tpu.memory_space<vmem>>
        %dma_start3A_506 = tpu.memref_squeeze %dma_start3A_505 : memref<1x128xi32, #tpu.memory_space<vmem>> -> memref<128xi32, #tpu.memory_space<vmem>>
        %dma_start3A_507 = arith.constant 0 : i32
        %dma_start3A_508 = arith.constant 0 : i32
        %dma_start3A_509 = tpu.memref_slice %arg34[%dma_start3A_507, %dma_start3A_508] : memref<10240x32xf32, #tpu.memory_space<vmem_shared>> -> memref<10240x32xf32, #tpu.memory_space<vmem_shared>>
        tpu.enqueue_indirect_dma source(%dma_start3A_509 : memref<10240x32xf32, #tpu.memory_space<vmem_shared>>) target(%arg11 : memref<128x32xf32, #tpu.memory_space<vmem>>) offsets(%dma_start3A_506 : memref<128xi32, #tpu.memory_space<vmem>>) semaphore(%arg19 : memref<!tpu.dma_semaphore, #tpu.memory_space<semaphore_mem>>)
      } else {
      }
      %mul3A_477 = arith.constant 8 : i32
      %mul3A_478 = arith.muli %scan3A_318, %mul3A_477 : i32
      %add3A_479 = arith.constant 7 : i32
      %add3A_480 = arith.addi %mul3A_478, %add3A_479 : i32
      %dma_wait3A_481 = arith.constant 0 : i32
      %dma_wait3A_482 = tpu.memref_slice %arg7[%add3A_480, %dma_wait3A_481] : memref<160x128xi32, #tpu.memory_space<vmem>> -> memref<1x128xi32, #tpu.memory_space<vmem>>
      %dma_wait3A_483 = tpu.memref_squeeze %dma_wait3A_482 : memref<1x128xi32, #tpu.memory_space<vmem>> -> memref<128xi32, #tpu.memory_space<vmem>>
      %dma_wait3A_484 = arith.constant 0 : i32
      %dma_wait3A_485 = arith.constant 0 : i32
      %dma_wait3A_486 = tpu.memref_slice %arg34[%dma_wait3A_484, %dma_wait3A_485] : memref<10240x32xf32, #tpu.memory_space<vmem_shared>> -> memref<10240x32xf32, #tpu.memory_space<vmem_shared>>
      tpu.wait_indirect_dma semaphore(%arg24 : memref<!tpu.dma_semaphore, #tpu.memory_space<semaphore_mem>>) src(%dma_wait3A_486 : memref<10240x32xf32, #tpu.memory_space<vmem_shared>>) dst(%arg16 : memref<128x32xf32, #tpu.memory_space<vmem>>)
      %dma_start3A_487 = arith.constant 0 : i32
      %dma_start3A_488 = tpu.memref_slice %arg8[%add3A_480, %dma_start3A_487] : memref<160x128xi32, #tpu.memory_space<vmem>> -> memref<1x128xi32, #tpu.memory_space<vmem>>
      %dma_start3A_489 = tpu.memref_squeeze %dma_start3A_488 : memref<1x128xi32, #tpu.memory_space<vmem>> -> memref<128xi32, #tpu.memory_space<vmem>>
      %dma_start3A_490 = arith.constant 0 : i32
      %dma_start3A_491 = arith.constant 0 : i32
      %dma_start3A_492 = tpu.memref_slice %arg33[%dma_start3A_490, %dma_start3A_491] : memref<10240x32xf32, #tpu.memory_space<vmem_shared>> -> memref<10240x32xf32, #tpu.memory_space<vmem_shared>>
      tpu.enqueue_indirect_dma source(%arg16 : memref<128x32xf32, #tpu.memory_space<vmem>>) target(%dma_start3A_492 : memref<10240x32xf32, #tpu.memory_space<vmem_shared>>) offsets(%dma_start3A_489 : memref<128xi32, #tpu.memory_space<vmem>>) semaphore(%arg32 : memref<!tpu.dma_semaphore, #tpu.memory_space<semaphore_mem>>) {add = true}
      %add3A_493 = arith.constant 4 : i32
      %add3A_494 = arith.addi %add3A_480, %add3A_493 : i32
      %lt3A_495 = arith.constant 160 : i32
      %lt3A_496 = arith.cmpi slt, %add3A_494, %lt3A_495 : i32
      %convert_element_type3A_497 = arith.extui %lt3A_496 : i1 to i32
      %cond3A_498 = arith.constant 0 : i32
      %cond3A_499 = arith.cmpi ne, %convert_element_type3A_497, %cond3A_498 : i32
      scf.if %cond3A_499 {
        %ge3A = arith.constant 8 : i32
        %ge3A_500 = arith.cmpi sge, %add3A_494, %ge3A : i32
        %convert_element_type3A_501 = arith.extui %ge3A_500 : i1 to i32
        %cond3A_502 = arith.constant 0 : i32
        %cond3A_503 = arith.cmpi ne, %convert_element_type3A_501, %cond3A_502 : i32
        scf.if %cond3A_503 {
          %sub3A = arith.constant 8 : i32
          %sub3A_510 = arith.subi %add3A_494, %sub3A : i32
          %dma_wait3A_511 = arith.constant 0 : i32
          %dma_wait3A_512 = tpu.memref_slice %arg8[%sub3A_510, %dma_wait3A_511] : memref<160x128xi32, #tpu.memory_space<vmem>> -> memref<1x128xi32, #tpu.memory_space<vmem>>
          %dma_wait3A_513 = tpu.memref_squeeze %dma_wait3A_512 : memref<1x128xi32, #tpu.memory_space<vmem>> -> memref<128xi32, #tpu.memory_space<vmem>>
          %dma_wait3A_514 = arith.constant 0 : i32
          %dma_wait3A_515 = arith.constant 0 : i32
          %dma_wait3A_516 = tpu.memref_slice %arg33[%dma_wait3A_514, %dma_wait3A_515] : memref<10240x32xf32, #tpu.memory_space<vmem_shared>> -> memref<10240x32xf32, #tpu.memory_space<vmem_shared>>
          tpu.wait_indirect_dma semaphore(%arg28 : memref<!tpu.dma_semaphore, #tpu.memory_space<semaphore_mem>>) src(%arg12 : memref<128x32xf32, #tpu.memory_space<vmem>>) dst(%dma_wait3A_516 : memref<10240x32xf32, #tpu.memory_space<vmem_shared>>)
        } else {
        }
        %dma_start3A_504 = arith.constant 0 : i32
        %dma_start3A_505 = tpu.memref_slice %arg7[%add3A_494, %dma_start3A_504] : memref<160x128xi32, #tpu.memory_space<vmem>> -> memref<1x128xi32, #tpu.memory_space<vmem>>
        %dma_start3A_506 = tpu.memref_squeeze %dma_start3A_505 : memref<1x128xi32, #tpu.memory_space<vmem>> -> memref<128xi32, #tpu.memory_space<vmem>>
        %dma_start3A_507 = arith.constant 0 : i32
        %dma_start3A_508 = arith.constant 0 : i32
        %dma_start3A_509 = tpu.memref_slice %arg34[%dma_start3A_507, %dma_start3A_508] : memref<10240x32xf32, #tpu.memory_space<vmem_shared>> -> memref<10240x32xf32, #tpu.memory_space<vmem_shared>>
        tpu.enqueue_indirect_dma source(%dma_start3A_509 : memref<10240x32xf32, #tpu.memory_space<vmem_shared>>) target(%arg12 : memref<128x32xf32, #tpu.memory_space<vmem>>) offsets(%dma_start3A_506 : memref<128xi32, #tpu.memory_space<vmem>>) semaphore(%arg20 : memref<!tpu.dma_semaphore, #tpu.memory_space<semaphore_mem>>)
      } else {
      }
    }
    %scan3A_170 = arith.constant 20 : i32
    %dma_wait3A_171 = arith.constant 152 : i32
    %dma_wait3A_172 = arith.constant 0 : i32
    %dma_wait3A_173 = tpu.memref_slice %arg8[%dma_wait3A_171, %dma_wait3A_172] : memref<160x128xi32, #tpu.memory_space<vmem>> -> memref<1x128xi32, #tpu.memory_space<vmem>>
    %dma_wait3A_174 = tpu.memref_squeeze %dma_wait3A_173 : memref<1x128xi32, #tpu.memory_space<vmem>> -> memref<128xi32, #tpu.memory_space<vmem>>
    %dma_wait3A_175 = arith.constant 0 : i32
    %dma_wait3A_176 = arith.constant 0 : i32
    %dma_wait3A_177 = tpu.memref_slice %arg33[%dma_wait3A_175, %dma_wait3A_176] : memref<10240x32xf32, #tpu.memory_space<vmem_shared>> -> memref<10240x32xf32, #tpu.memory_space<vmem_shared>>
    tpu.wait_indirect_dma semaphore(%arg25 : memref<!tpu.dma_semaphore, #tpu.memory_space<semaphore_mem>>) src(%arg9 : memref<128x32xf32, #tpu.memory_space<vmem>>) dst(%dma_wait3A_177 : memref<10240x32xf32, #tpu.memory_space<vmem_shared>>)
    %dma_wait3A_178 = arith.constant 153 : i32
    %dma_wait3A_179 = arith.constant 0 : i32
    %dma_wait3A_180 = tpu.memref_slice %arg8[%dma_wait3A_178, %dma_wait3A_179] : memref<160x128xi32, #tpu.memory_space<vmem>> -> memref<1x128xi32, #tpu.memory_space<vmem>>
    %dma_wait3A_181 = tpu.memref_squeeze %dma_wait3A_180 : memref<1x128xi32, #tpu.memory_space<vmem>> -> memref<128xi32, #tpu.memory_space<vmem>>
    %dma_wait3A_182 = arith.constant 0 : i32
    %dma_wait3A_183 = arith.constant 0 : i32
    %dma_wait3A_184 = tpu.memref_slice %arg33[%dma_wait3A_182, %dma_wait3A_183] : memref<10240x32xf32, #tpu.memory_space<vmem_shared>> -> memref<10240x32xf32, #tpu.memory_space<vmem_shared>>
    tpu.wait_indirect_dma semaphore(%arg26 : memref<!tpu.dma_semaphore, #tpu.memory_space<semaphore_mem>>) src(%arg10 : memref<128x32xf32, #tpu.memory_space<vmem>>) dst(%dma_wait3A_184 : memref<10240x32xf32, #tpu.memory_space<vmem_shared>>)
    %dma_wait3A_185 = arith.constant 154 : i32
    %dma_wait3A_186 = arith.constant 0 : i32
    %dma_wait3A_187 = tpu.memref_slice %arg8[%dma_wait3A_185, %dma_wait3A_186] : memref<160x128xi32, #tpu.memory_space<vmem>> -> memref<1x128xi32, #tpu.memory_space<vmem>>
    %dma_wait3A_188 = tpu.memref_squeeze %dma_wait3A_187 : memref<1x128xi32, #tpu.memory_space<vmem>> -> memref<128xi32, #tpu.memory_space<vmem>>
    %dma_wait3A_189 = arith.constant 0 : i32
    %dma_wait3A_190 = arith.constant 0 : i32
    %dma_wait3A_191 = tpu.memref_slice %arg33[%dma_wait3A_189, %dma_wait3A_190] : memref<10240x32xf32, #tpu.memory_space<vmem_shared>> -> memref<10240x32xf32, #tpu.memory_space<vmem_shared>>
    tpu.wait_indirect_dma semaphore(%arg27 : memref<!tpu.dma_semaphore, #tpu.memory_space<semaphore_mem>>) src(%arg11 : memref<128x32xf32, #tpu.memory_space<vmem>>) dst(%dma_wait3A_191 : memref<10240x32xf32, #tpu.memory_space<vmem_shared>>)
    %dma_wait3A_192 = arith.constant 155 : i32
    %dma_wait3A_193 = arith.constant 0 : i32
    %dma_wait3A_194 = tpu.memref_slice %arg8[%dma_wait3A_192, %dma_wait3A_193] : memref<160x128xi32, #tpu.memory_space<vmem>> -> memref<1x128xi32, #tpu.memory_space<vmem>>
    %dma_wait3A_195 = tpu.memref_squeeze %dma_wait3A_194 : memref<1x128xi32, #tpu.memory_space<vmem>> -> memref<128xi32, #tpu.memory_space<vmem>>
    %dma_wait3A_196 = arith.constant 0 : i32
    %dma_wait3A_197 = arith.constant 0 : i32
    %dma_wait3A_198 = tpu.memref_slice %arg33[%dma_wait3A_196, %dma_wait3A_197] : memref<10240x32xf32, #tpu.memory_space<vmem_shared>> -> memref<10240x32xf32, #tpu.memory_space<vmem_shared>>
    tpu.wait_indirect_dma semaphore(%arg28 : memref<!tpu.dma_semaphore, #tpu.memory_space<semaphore_mem>>) src(%arg12 : memref<128x32xf32, #tpu.memory_space<vmem>>) dst(%dma_wait3A_198 : memref<10240x32xf32, #tpu.memory_space<vmem_shared>>)
    %dma_wait3A_199 = arith.constant 156 : i32
    %dma_wait3A_200 = arith.constant 0 : i32
    %dma_wait3A_201 = tpu.memref_slice %arg8[%dma_wait3A_199, %dma_wait3A_200] : memref<160x128xi32, #tpu.memory_space<vmem>> -> memref<1x128xi32, #tpu.memory_space<vmem>>
    %dma_wait3A_202 = tpu.memref_squeeze %dma_wait3A_201 : memref<1x128xi32, #tpu.memory_space<vmem>> -> memref<128xi32, #tpu.memory_space<vmem>>
    %dma_wait3A_203 = arith.constant 0 : i32
    %dma_wait3A_204 = arith.constant 0 : i32
    %dma_wait3A_205 = tpu.memref_slice %arg33[%dma_wait3A_203, %dma_wait3A_204] : memref<10240x32xf32, #tpu.memory_space<vmem_shared>> -> memref<10240x32xf32, #tpu.memory_space<vmem_shared>>
    tpu.wait_indirect_dma semaphore(%arg29 : memref<!tpu.dma_semaphore, #tpu.memory_space<semaphore_mem>>) src(%arg13 : memref<128x32xf32, #tpu.memory_space<vmem>>) dst(%dma_wait3A_205 : memref<10240x32xf32, #tpu.memory_space<vmem_shared>>)
    %dma_wait3A_206 = arith.constant 157 : i32
    %dma_wait3A_207 = arith.constant 0 : i32
    %dma_wait3A_208 = tpu.memref_slice %arg8[%dma_wait3A_206, %dma_wait3A_207] : memref<160x128xi32, #tpu.memory_space<vmem>> -> memref<1x128xi32, #tpu.memory_space<vmem>>
    %dma_wait3A_209 = tpu.memref_squeeze %dma_wait3A_208 : memref<1x128xi32, #tpu.memory_space<vmem>> -> memref<128xi32, #tpu.memory_space<vmem>>
    %dma_wait3A_210 = arith.constant 0 : i32
    %dma_wait3A_211 = arith.constant 0 : i32
    %dma_wait3A_212 = tpu.memref_slice %arg33[%dma_wait3A_210, %dma_wait3A_211] : memref<10240x32xf32, #tpu.memory_space<vmem_shared>> -> memref<10240x32xf32, #tpu.memory_space<vmem_shared>>
    tpu.wait_indirect_dma semaphore(%arg30 : memref<!tpu.dma_semaphore, #tpu.memory_space<semaphore_mem>>) src(%arg14 : memref<128x32xf32, #tpu.memory_space<vmem>>) dst(%dma_wait3A_212 : memref<10240x32xf32, #tpu.memory_space<vmem_shared>>)
    %dma_wait3A_213 = arith.constant 158 : i32
    %dma_wait3A_214 = arith.constant 0 : i32
    %dma_wait3A_215 = tpu.memref_slice %arg8[%dma_wait3A_213, %dma_wait3A_214] : memref<160x128xi32, #tpu.memory_space<vmem>> -> memref<1x128xi32, #tpu.memory_space<vmem>>
    %dma_wait3A_216 = tpu.memref_squeeze %dma_wait3A_215 : memref<1x128xi32, #tpu.memory_space<vmem>> -> memref<128xi32, #tpu.memory_space<vmem>>
    %dma_wait3A_217 = arith.constant 0 : i32
    %dma_wait3A_218 = arith.constant 0 : i32
    %dma_wait3A_219 = tpu.memref_slice %arg33[%dma_wait3A_217, %dma_wait3A_218] : memref<10240x32xf32, #tpu.memory_space<vmem_shared>> -> memref<10240x32xf32, #tpu.memory_space<vmem_shared>>
    tpu.wait_indirect_dma semaphore(%arg31 : memref<!tpu.dma_semaphore, #tpu.memory_space<semaphore_mem>>) src(%arg15 : memref<128x32xf32, #tpu.memory_space<vmem>>) dst(%dma_wait3A_219 : memref<10240x32xf32, #tpu.memory_space<vmem_shared>>)
    %dma_wait3A_220 = arith.constant 159 : i32
    %dma_wait3A_221 = arith.constant 0 : i32
    %dma_wait3A_222 = tpu.memref_slice %arg8[%dma_wait3A_220, %dma_wait3A_221] : memref<160x128xi32, #tpu.memory_space<vmem>> -> memref<1x128xi32, #tpu.memory_space<vmem>>
    %dma_wait3A_223 = tpu.memref_squeeze %dma_wait3A_222 : memref<1x128xi32, #tpu.memory_space<vmem>> -> memref<128xi32, #tpu.memory_space<vmem>>
    %dma_wait3A_224 = arith.constant 0 : i32
    %dma_wait3A_225 = arith.constant 0 : i32
    %dma_wait3A_226 = tpu.memref_slice %arg33[%dma_wait3A_224, %dma_wait3A_225] : memref<10240x32xf32, #tpu.memory_space<vmem_shared>> -> memref<10240x32xf32, #tpu.memory_space<vmem_shared>>
    tpu.wait_indirect_dma semaphore(%arg32 : memref<!tpu.dma_semaphore, #tpu.memory_space<semaphore_mem>>) src(%arg16 : memref<128x32xf32, #tpu.memory_space<vmem>>) dst(%dma_wait3A_226 : memref<10240x32xf32, #tpu.memory_space<vmem_shared>>)
    %barrier3A_227 = arith.constant 0 : index
    tpu.barrier barrier_id(%barrier3A_227)
    %mul3A_228 = arith.constant 640 : i32
    %mul3A_229 = arith.muli %arg1, %mul3A_228 : i32
    %add3A_230 = arith.constant 0 : i32
    %add3A_231 = arith.addi %mul3A_229, %add3A_230 : i32
    %dma_start3A_232 = arith.constant 0 : i32
    %dma_start3A_233 = tpu.memref_slice %arg6[%arg0, %add3A_231, %dma_start3A_232] : memref<2x10240x32xf32, #tpu.memory_space<hbm>> -> memref<1x128x32xf32, #tpu.memory_space<hbm>>
    %dma_start3A_234 = tpu.memref_squeeze %dma_start3A_233 : memref<1x128x32xf32, #tpu.memory_space<hbm>> -> memref<128x32xf32, #tpu.memory_space<hbm>>
    %dma_start3A_235 = arith.constant 0 : i32
    %dma_start3A_236 = tpu.memref_slice %arg33[%add3A_231, %dma_start3A_235] : memref<10240x32xf32, #tpu.memory_space<vmem_shared>> -> memref<128x32xf32, #tpu.memory_space<vmem_shared>>
    tpu.enqueue_dma source(%dma_start3A_236 : memref<128x32xf32, #tpu.memory_space<vmem_shared>>) target(%dma_start3A_234 : memref<128x32xf32, #tpu.memory_space<hbm>>) target_semaphore(%arg17 : memref<!tpu.dma_semaphore, #tpu.memory_space<semaphore_mem>>)
    %mul3A_237 = arith.constant 640 : i32
    %mul3A_238 = arith.muli %arg1, %mul3A_237 : i32
    %add3A_239 = arith.constant 128 : i32
    %add3A_240 = arith.addi %mul3A_238, %add3A_239 : i32
    %dma_start3A_241 = arith.constant 0 : i32
    %dma_start3A_242 = tpu.memref_slice %arg6[%arg0, %add3A_240, %dma_start3A_241] : memref<2x10240x32xf32, #tpu.memory_space<hbm>> -> memref<1x128x32xf32, #tpu.memory_space<hbm>>
    %dma_start3A_243 = tpu.memref_squeeze %dma_start3A_242 : memref<1x128x32xf32, #tpu.memory_space<hbm>> -> memref<128x32xf32, #tpu.memory_space<hbm>>
    %dma_start3A_244 = arith.constant 0 : i32
    %dma_start3A_245 = tpu.memref_slice %arg33[%add3A_240, %dma_start3A_244] : memref<10240x32xf32, #tpu.memory_space<vmem_shared>> -> memref<128x32xf32, #tpu.memory_space<vmem_shared>>
    tpu.enqueue_dma source(%dma_start3A_245 : memref<128x32xf32, #tpu.memory_space<vmem_shared>>) target(%dma_start3A_243 : memref<128x32xf32, #tpu.memory_space<hbm>>) target_semaphore(%arg18 : memref<!tpu.dma_semaphore, #tpu.memory_space<semaphore_mem>>)
    %mul3A_246 = arith.constant 640 : i32
    %mul3A_247 = arith.muli %arg1, %mul3A_246 : i32
    %add3A_248 = arith.constant 256 : i32
    %add3A_249 = arith.addi %mul3A_247, %add3A_248 : i32
    %dma_start3A_250 = arith.constant 0 : i32
    %dma_start3A_251 = tpu.memref_slice %arg6[%arg0, %add3A_249, %dma_start3A_250] : memref<2x10240x32xf32, #tpu.memory_space<hbm>> -> memref<1x128x32xf32, #tpu.memory_space<hbm>>
    %dma_start3A_252 = tpu.memref_squeeze %dma_start3A_251 : memref<1x128x32xf32, #tpu.memory_space<hbm>> -> memref<128x32xf32, #tpu.memory_space<hbm>>
    %dma_start3A_253 = arith.constant 0 : i32
    %dma_start3A_254 = tpu.memref_slice %arg33[%add3A_249, %dma_start3A_253] : memref<10240x32xf32, #tpu.memory_space<vmem_shared>> -> memref<128x32xf32, #tpu.memory_space<vmem_shared>>
    tpu.enqueue_dma source(%dma_start3A_254 : memref<128x32xf32, #tpu.memory_space<vmem_shared>>) target(%dma_start3A_252 : memref<128x32xf32, #tpu.memory_space<hbm>>) target_semaphore(%arg19 : memref<!tpu.dma_semaphore, #tpu.memory_space<semaphore_mem>>)
    %mul3A_255 = arith.constant 640 : i32
    %mul3A_256 = arith.muli %arg1, %mul3A_255 : i32
    %add3A_257 = arith.constant 384 : i32
    %add3A_258 = arith.addi %mul3A_256, %add3A_257 : i32
    %dma_start3A_259 = arith.constant 0 : i32
    %dma_start3A_260 = tpu.memref_slice %arg6[%arg0, %add3A_258, %dma_start3A_259] : memref<2x10240x32xf32, #tpu.memory_space<hbm>> -> memref<1x128x32xf32, #tpu.memory_space<hbm>>
    %dma_start3A_261 = tpu.memref_squeeze %dma_start3A_260 : memref<1x128x32xf32, #tpu.memory_space<hbm>> -> memref<128x32xf32, #tpu.memory_space<hbm>>
    %dma_start3A_262 = arith.constant 0 : i32
    %dma_start3A_263 = tpu.memref_slice %arg33[%add3A_258, %dma_start3A_262] : memref<10240x32xf32, #tpu.memory_space<vmem_shared>> -> memref<128x32xf32, #tpu.memory_space<vmem_shared>>
    tpu.enqueue_dma source(%dma_start3A_263 : memref<128x32xf32, #tpu.memory_space<vmem_shared>>) target(%dma_start3A_261 : memref<128x32xf32, #tpu.memory_space<hbm>>) target_semaphore(%arg20 : memref<!tpu.dma_semaphore, #tpu.memory_space<semaphore_mem>>)
    %mul3A_264 = arith.constant 640 : i32
    %mul3A_265 = arith.muli %arg1, %mul3A_264 : i32
    %add3A_266 = arith.constant 512 : i32
    %add3A_267 = arith.addi %mul3A_265, %add3A_266 : i32
    %dma_start3A_268 = arith.constant 0 : i32
    %dma_start3A_269 = tpu.memref_slice %arg6[%arg0, %add3A_267, %dma_start3A_268] : memref<2x10240x32xf32, #tpu.memory_space<hbm>> -> memref<1x128x32xf32, #tpu.memory_space<hbm>>
    %dma_start3A_270 = tpu.memref_squeeze %dma_start3A_269 : memref<1x128x32xf32, #tpu.memory_space<hbm>> -> memref<128x32xf32, #tpu.memory_space<hbm>>
    %dma_start3A_271 = arith.constant 0 : i32
    %dma_start3A_272 = tpu.memref_slice %arg33[%add3A_267, %dma_start3A_271] : memref<10240x32xf32, #tpu.memory_space<vmem_shared>> -> memref<128x32xf32, #tpu.memory_space<vmem_shared>>
    tpu.enqueue_dma source(%dma_start3A_272 : memref<128x32xf32, #tpu.memory_space<vmem_shared>>) target(%dma_start3A_270 : memref<128x32xf32, #tpu.memory_space<hbm>>) target_semaphore(%arg21 : memref<!tpu.dma_semaphore, #tpu.memory_space<semaphore_mem>>)
    %mul3A_273 = arith.constant 640 : i32
    %mul3A_274 = arith.muli %arg1, %mul3A_273 : i32
    %add3A_275 = arith.constant 0 : i32
    %add3A_276 = arith.addi %mul3A_274, %add3A_275 : i32
    %dma_wait3A_277 = arith.constant 0 : i32
    %dma_wait3A_278 = tpu.memref_slice %arg6[%arg0, %add3A_276, %dma_wait3A_277] : memref<2x10240x32xf32, #tpu.memory_space<hbm>> -> memref<1x128x32xf32, #tpu.memory_space<hbm>>
    %dma_wait3A_279 = tpu.memref_squeeze %dma_wait3A_278 : memref<1x128x32xf32, #tpu.memory_space<hbm>> -> memref<128x32xf32, #tpu.memory_space<hbm>>
    %dma_wait3A_280 = arith.constant 0 : i32
    %dma_wait3A_281 = tpu.memref_slice %arg33[%add3A_276, %dma_wait3A_280] : memref<10240x32xf32, #tpu.memory_space<vmem_shared>> -> memref<128x32xf32, #tpu.memory_space<vmem_shared>>
    tpu.wait_dma2 semaphore(%arg17 : memref<!tpu.dma_semaphore, #tpu.memory_space<semaphore_mem>>) src(%dma_wait3A_281 : memref<128x32xf32, #tpu.memory_space<vmem_shared>>) dst(%dma_wait3A_279 : memref<128x32xf32, #tpu.memory_space<hbm>>)
    %mul3A_282 = arith.constant 640 : i32
    %mul3A_283 = arith.muli %arg1, %mul3A_282 : i32
    %add3A_284 = arith.constant 128 : i32
    %add3A_285 = arith.addi %mul3A_283, %add3A_284 : i32
    %dma_wait3A_286 = arith.constant 0 : i32
    %dma_wait3A_287 = tpu.memref_slice %arg6[%arg0, %add3A_285, %dma_wait3A_286] : memref<2x10240x32xf32, #tpu.memory_space<hbm>> -> memref<1x128x32xf32, #tpu.memory_space<hbm>>
    %dma_wait3A_288 = tpu.memref_squeeze %dma_wait3A_287 : memref<1x128x32xf32, #tpu.memory_space<hbm>> -> memref<128x32xf32, #tpu.memory_space<hbm>>
    %dma_wait3A_289 = arith.constant 0 : i32
    %dma_wait3A_290 = tpu.memref_slice %arg33[%add3A_285, %dma_wait3A_289] : memref<10240x32xf32, #tpu.memory_space<vmem_shared>> -> memref<128x32xf32, #tpu.memory_space<vmem_shared>>
    tpu.wait_dma2 semaphore(%arg18 : memref<!tpu.dma_semaphore, #tpu.memory_space<semaphore_mem>>) src(%dma_wait3A_290 : memref<128x32xf32, #tpu.memory_space<vmem_shared>>) dst(%dma_wait3A_288 : memref<128x32xf32, #tpu.memory_space<hbm>>)
    %mul3A_291 = arith.constant 640 : i32
    %mul3A_292 = arith.muli %arg1, %mul3A_291 : i32
    %add3A_293 = arith.constant 256 : i32
    %add3A_294 = arith.addi %mul3A_292, %add3A_293 : i32
    %dma_wait3A_295 = arith.constant 0 : i32
    %dma_wait3A_296 = tpu.memref_slice %arg6[%arg0, %add3A_294, %dma_wait3A_295] : memref<2x10240x32xf32, #tpu.memory_space<hbm>> -> memref<1x128x32xf32, #tpu.memory_space<hbm>>
    %dma_wait3A_297 = tpu.memref_squeeze %dma_wait3A_296 : memref<1x128x32xf32, #tpu.memory_space<hbm>> -> memref<128x32xf32, #tpu.memory_space<hbm>>
    %dma_wait3A_298 = arith.constant 0 : i32
    %dma_wait3A_299 = tpu.memref_slice %arg33[%add3A_294, %dma_wait3A_298] : memref<10240x32xf32, #tpu.memory_space<vmem_shared>> -> memref<128x32xf32, #tpu.memory_space<vmem_shared>>
    tpu.wait_dma2 semaphore(%arg19 : memref<!tpu.dma_semaphore, #tpu.memory_space<semaphore_mem>>) src(%dma_wait3A_299 : memref<128x32xf32, #tpu.memory_space<vmem_shared>>) dst(%dma_wait3A_297 : memref<128x32xf32, #tpu.memory_space<hbm>>)
    %mul3A_300 = arith.constant 640 : i32
    %mul3A_301 = arith.muli %arg1, %mul3A_300 : i32
    %add3A_302 = arith.constant 384 : i32
    %add3A_303 = arith.addi %mul3A_301, %add3A_302 : i32
    %dma_wait3A_304 = arith.constant 0 : i32
    %dma_wait3A_305 = tpu.memref_slice %arg6[%arg0, %add3A_303, %dma_wait3A_304] : memref<2x10240x32xf32, #tpu.memory_space<hbm>> -> memref<1x128x32xf32, #tpu.memory_space<hbm>>
    %dma_wait3A_306 = tpu.memref_squeeze %dma_wait3A_305 : memref<1x128x32xf32, #tpu.memory_space<hbm>> -> memref<128x32xf32, #tpu.memory_space<hbm>>
    %dma_wait3A_307 = arith.constant 0 : i32
    %dma_wait3A_308 = tpu.memref_slice %arg33[%add3A_303, %dma_wait3A_307] : memref<10240x32xf32, #tpu.memory_space<vmem_shared>> -> memref<128x32xf32, #tpu.memory_space<vmem_shared>>
    tpu.wait_dma2 semaphore(%arg20 : memref<!tpu.dma_semaphore, #tpu.memory_space<semaphore_mem>>) src(%dma_wait3A_308 : memref<128x32xf32, #tpu.memory_space<vmem_shared>>) dst(%dma_wait3A_306 : memref<128x32xf32, #tpu.memory_space<hbm>>)
    %mul3A_309 = arith.constant 640 : i32
    %mul3A_310 = arith.muli %arg1, %mul3A_309 : i32
    %add3A_311 = arith.constant 512 : i32
    %add3A_312 = arith.addi %mul3A_310, %add3A_311 : i32
    %dma_wait3A_313 = arith.constant 0 : i32
    %dma_wait3A_314 = tpu.memref_slice %arg6[%arg0, %add3A_312, %dma_wait3A_313] : memref<2x10240x32xf32, #tpu.memory_space<hbm>> -> memref<1x128x32xf32, #tpu.memory_space<hbm>>
    %dma_wait3A_315 = tpu.memref_squeeze %dma_wait3A_314 : memref<1x128x32xf32, #tpu.memory_space<hbm>> -> memref<128x32xf32, #tpu.memory_space<hbm>>
    %dma_wait3A_316 = arith.constant 0 : i32
    %dma_wait3A_317 = tpu.memref_slice %arg33[%add3A_312, %dma_wait3A_316] : memref<10240x32xf32, #tpu.memory_space<vmem_shared>> -> memref<128x32xf32, #tpu.memory_space<vmem_shared>>
    tpu.wait_dma2 semaphore(%arg21 : memref<!tpu.dma_semaphore, #tpu.memory_space<semaphore_mem>>) src(%dma_wait3A_317 : memref<128x32xf32, #tpu.memory_space<vmem_shared>>) dst(%dma_wait3A_315 : memref<128x32xf32, #tpu.memory_space<hbm>>)
    return
  }
}

#map = affine_map<(d0, d1) -> (0, 0, 0)>
#map1 = affine_map<(d0, d1) -> (0, 0)>
module attributes {stable_mosaic.version = 14 : i64} {
  func.func @_gather_scatter_sc(%arg0: i32, %arg1: i32, %arg2: memref<2x10240x32xf32, #tpu.memory_space<hbm>>, %arg3: memref<16x160x128xi32, #tpu.memory_space<hbm>>, %arg4: memref<16x160x128xi32, #tpu.memory_space<hbm>>, %arg5: memref<128x32xf32, #tpu.memory_space<hbm>>, %arg6: memref<2x10240x32xf32, #tpu.memory_space<hbm>>, %arg7: memref<160x128xi32, #tpu.memory_space<vmem>>, %arg8: memref<160x128xi32, #tpu.memory_space<vmem>>, %arg9: memref<128x32xf32, #tpu.memory_space<vmem>>, %arg10: memref<128x32xf32, #tpu.memory_space<vmem>>, %arg11: memref<128x32xf32, #tpu.memory_space<vmem>>, %arg12: memref<128x32xf32, #tpu.memory_space<vmem>>, %arg13: memref<128x32xf32, #tpu.memory_space<vmem>>, %arg14: memref<128x32xf32, #tpu.memory_space<vmem>>, %arg15: memref<128x32xf32, #tpu.memory_space<vmem>>, %arg16: memref<128x32xf32, #tpu.memory_space<vmem>>, %arg17: memref<!tpu.dma_semaphore, #tpu.memory_space<semaphore_mem>>, %arg18: memref<!tpu.dma_semaphore, #tpu.memory_space<semaphore_mem>>, %arg19: memref<!tpu.dma_semaphore, #tpu.memory_space<semaphore_mem>>, %arg20: memref<!tpu.dma_semaphore, #tpu.memory_space<semaphore_mem>>, %arg21: memref<!tpu.dma_semaphore, #tpu.memory_space<semaphore_mem>>, %arg22: memref<!tpu.dma_semaphore, #tpu.memory_space<semaphore_mem>>, %arg23: memref<!tpu.dma_semaphore, #tpu.memory_space<semaphore_mem>>, %arg24: memref<!tpu.dma_semaphore, #tpu.memory_space<semaphore_mem>>, %arg25: memref<!tpu.dma_semaphore, #tpu.memory_space<semaphore_mem>>, %arg26: memref<!tpu.dma_semaphore, #tpu.memory_space<semaphore_mem>>, %arg27: memref<!tpu.dma_semaphore, #tpu.memory_space<semaphore_mem>>, %arg28: memref<!tpu.dma_semaphore, #tpu.memory_space<semaphore_mem>>, %arg29: memref<!tpu.dma_semaphore, #tpu.memory_space<semaphore_mem>>, %arg30: memref<!tpu.dma_semaphore, #tpu.memory_space<semaphore_mem>>, %arg31: memref<!tpu.dma_semaphore, #tpu.memory_space<semaphore_mem>>, %arg32: memref<!tpu.dma_semaphore, #tpu.memory_space<semaphore_mem>>, %arg33: memref<10240x32xf32, #tpu.memory_space<vmem_shared>>, %arg34: memref<10240x32xf32, #tpu.memory_space<vmem_shared>>) attributes {dimension_semantics = [#tpu.dimension_semantics<core_parallel>, #tpu.dimension_semantics<subcore_parallel>], iteration_bounds = array<i64: 2, 16>, scalar_prefetch = 0 : i64, scratch_operands = 28 : i64, tpu.core_type = #tpu.core_type<sc_vector_subcore>, window_params = [{transform_indices = #map}, {transform_indices = #map}, {transform_indices = #map}, {transform_indices = #map1}, {transform_indices = #map}]} {
    %mul3A = arith.constant 640 : i32
    %mul3A_0 = arith.muli %arg1, %mul3A : i32
    %add3A = arith.constant 0 : i32
    %add3A_1 = arith.addi %mul3A_0, %add3A : i32
    %dma_start3A = arith.constant 0 : i32
    %dma_start3A_2 = tpu.memref_slice %arg34[%add3A_1, %dma_start3A] : memref<10240x32xf32, #tpu.memory_space<vmem_shared>> -> memref<128x32xf32, #tpu.memory_space<vmem_shared>>
    %dma_start3A_3 = arith.constant 0 : i32
    %dma_start3A_4 = tpu.memref_slice %arg2[%arg0, %add3A_1, %dma_start3A_3] : memref<2x10240x32xf32, #tpu.memory_space<hbm>> -> memref<1x128x32xf32, #tpu.memory_space<hbm>>
    %dma_start3A_5 = tpu.memref_squeeze %dma_start3A_4 : memref<1x128x32xf32, #tpu.memory_space<hbm>> -> memref<128x32xf32, #tpu.memory_space<hbm>>
    tpu.enqueue_dma source(%dma_start3A_5 : memref<128x32xf32, #tpu.memory_space<hbm>>) target(%dma_start3A_2 : memref<128x32xf32, #tpu.memory_space<vmem_shared>>) target_semaphore(%arg17 : memref<!tpu.dma_semaphore, #tpu.memory_space<semaphore_mem>>)
    %dma_start3A_6 = arith.constant 0 : i32
    %dma_start3A_7 = tpu.memref_slice %arg33[%add3A_1, %dma_start3A_6] : memref<10240x32xf32, #tpu.memory_space<vmem_shared>> -> memref<128x32xf32, #tpu.memory_space<vmem_shared>>
    tpu.enqueue_dma source(%arg5 : memref<128x32xf32, #tpu.memory_space<hbm>>) target(%dma_start3A_7 : memref<128x32xf32, #tpu.memory_space<vmem_shared>>) target_semaphore(%arg25 : memref<!tpu.dma_semaphore, #tpu.memory_space<semaphore_mem>>)
    %mul3A_8 = arith.constant 640 : i32
    %mul3A_9 = arith.muli %arg1, %mul3A_8 : i32
    %add3A_10 = arith.constant 128 : i32
    %add3A_11 = arith.addi %mul3A_9, %add3A_10 : i32
    %dma_start3A_12 = arith.constant 0 : i32
    %dma_start3A_13 = tpu.memref_slice %arg34[%add3A_11, %dma_start3A_12] : memref<10240x32xf32, #tpu.memory_space<vmem_shared>> -> memref<128x32xf32, #tpu.memory_space<vmem_shared>>
    %dma_start3A_14 = arith.constant 0 : i32
    %dma_start3A_15 = tpu.memref_slice %arg2[%arg0, %add3A_11, %dma_start3A_14] : memref<2x10240x32xf32, #tpu.memory_space<hbm>> -> memref<1x128x32xf32, #tpu.memory_space<hbm>>
    %dma_start3A_16 = tpu.memref_squeeze %dma_start3A_15 : memref<1x128x32xf32, #tpu.memory_space<hbm>> -> memref<128x32xf32, #tpu.memory_space<hbm>>
    tpu.enqueue_dma source(%dma_start3A_16 : memref<128x32xf32, #tpu.memory_space<hbm>>) target(%dma_start3A_13 : memref<128x32xf32, #tpu.memory_space<vmem_shared>>) target_semaphore(%arg18 : memref<!tpu.dma_semaphore, #tpu.memory_space<semaphore_mem>>)
    %dma_start3A_17 = arith.constant 0 : i32
    %dma_start3A_18 = tpu.memref_slice %arg33[%add3A_11, %dma_start3A_17] : memref<10240x32xf32, #tpu.memory_space<vmem_shared>> -> memref<128x32xf32, #tpu.memory_space<vmem_shared>>
    tpu.enqueue_dma source(%arg5 : memref<128x32xf32, #tpu.memory_space<hbm>>) target(%dma_start3A_18 : memref<128x32xf32, #tpu.memory_space<vmem_shared>>) target_semaphore(%arg26 : memref<!tpu.dma_semaphore, #tpu.memory_space<semaphore_mem>>)
    %mul3A_19 = arith.constant 640 : i32
    %mul3A_20 = arith.muli %arg1, %mul3A_19 : i32
    %add3A_21 = arith.constant 256 : i32
    %add3A_22 = arith.addi %mul3A_20, %add3A_21 : i32
    %dma_start3A_23 = arith.constant 0 : i32
    %dma_start3A_24 = tpu.memref_slice %arg34[%add3A_22, %dma_start3A_23] : memref<10240x32xf32, #tpu.memory_space<vmem_shared>> -> memref<128x32xf32, #tpu.memory_space<vmem_shared>>
    %dma_start3A_25 = arith.constant 0 : i32
    %dma_start3A_26 = tpu.memref_slice %arg2[%arg0, %add3A_22, %dma_start3A_25] : memref<2x10240x32xf32, #tpu.memory_space<hbm>> -> memref<1x128x32xf32, #tpu.memory_space<hbm>>
    %dma_start3A_27 = tpu.memref_squeeze %dma_start3A_26 : memref<1x128x32xf32, #tpu.memory_space<hbm>> -> memref<128x32xf32, #tpu.memory_space<hbm>>
    tpu.enqueue_dma source(%dma_start3A_27 : memref<128x32xf32, #tpu.memory_space<hbm>>) target(%dma_start3A_24 : memref<128x32xf32, #tpu.memory_space<vmem_shared>>) target_semaphore(%arg19 : memref<!tpu.dma_semaphore, #tpu.memory_space<semaphore_mem>>)
    %dma_start3A_28 = arith.constant 0 : i32
    %dma_start3A_29 = tpu.memref_slice %arg33[%add3A_22, %dma_start3A_28] : memref<10240x32xf32, #tpu.memory_space<vmem_shared>> -> memref<128x32xf32, #tpu.memory_space<vmem_shared>>
    tpu.enqueue_dma source(%arg5 : memref<128x32xf32, #tpu.memory_space<hbm>>) target(%dma_start3A_29 : memref<128x32xf32, #tpu.memory_space<vmem_shared>>) target_semaphore(%arg27 : memref<!tpu.dma_semaphore, #tpu.memory_space<semaphore_mem>>)
    %mul3A_30 = arith.constant 640 : i32
    %mul3A_31 = arith.muli %arg1, %mul3A_30 : i32
    %add3A_32 = arith.constant 384 : i32
    %add3A_33 = arith.addi %mul3A_31, %add3A_32 : i32
    %dma_start3A_34 = arith.constant 0 : i32
    %dma_start3A_35 = tpu.memref_slice %arg34[%add3A_33, %dma_start3A_34] : memref<10240x32xf32, #tpu.memory_space<vmem_shared>> -> memref<128x32xf32, #tpu.memory_space<vmem_shared>>
    %dma_start3A_36 = arith.constant 0 : i32
    %dma_start3A_37 = tpu.memref_slice %arg2[%arg0, %add3A_33, %dma_start3A_36] : memref<2x10240x32xf32, #tpu.memory_space<hbm>> -> memref<1x128x32xf32, #tpu.memory_space<hbm>>
    %dma_start3A_38 = tpu.memref_squeeze %dma_start3A_37 : memref<1x128x32xf32, #tpu.memory_space<hbm>> -> memref<128x32xf32, #tpu.memory_space<hbm>>
    tpu.enqueue_dma source(%dma_start3A_38 : memref<128x32xf32, #tpu.memory_space<hbm>>) target(%dma_start3A_35 : memref<128x32xf32, #tpu.memory_space<vmem_shared>>) target_semaphore(%arg20 : memref<!tpu.dma_semaphore, #tpu.memory_space<semaphore_mem>>)
    %dma_start3A_39 = arith.constant 0 : i32
    %dma_start3A_40 = tpu.memref_slice %arg33[%add3A_33, %dma_start3A_39] : memref<10240x32xf32, #tpu.memory_space<vmem_shared>> -> memref<128x32xf32, #tpu.memory_space<vmem_shared>>
    tpu.enqueue_dma source(%arg5 : memref<128x32xf32, #tpu.memory_space<hbm>>) target(%dma_start3A_40 : memref<128x32xf32, #tpu.memory_space<vmem_shared>>) target_semaphore(%arg28 : memref<!tpu.dma_semaphore, #tpu.memory_space<semaphore_mem>>)
    %mul3A_41 = arith.constant 640 : i32
    %mul3A_42 = arith.muli %arg1, %mul3A_41 : i32
    %add3A_43 = arith.constant 512 : i32
    %add3A_44 = arith.addi %mul3A_42, %add3A_43 : i32
    %dma_start3A_45 = arith.constant 0 : i32
    %dma_start3A_46 = tpu.memref_slice %arg34[%add3A_44, %dma_start3A_45] : memref<10240x32xf32, #tpu.memory_space<vmem_shared>> -> memref<128x32xf32, #tpu.memory_space<vmem_shared>>
    %dma_start3A_47 = arith.constant 0 : i32
    %dma_start3A_48 = tpu.memref_slice %arg2[%arg0, %add3A_44, %dma_start3A_47] : memref<2x10240x32xf32, #tpu.memory_space<hbm>> -> memref<1x128x32xf32, #tpu.memory_space<hbm>>
    %dma_start3A_49 = tpu.memref_squeeze %dma_start3A_48 : memref<1x128x32xf32, #tpu.memory_space<hbm>> -> memref<128x32xf32, #tpu.memory_space<hbm>>
    tpu.enqueue_dma source(%dma_start3A_49 : memref<128x32xf32, #tpu.memory_space<hbm>>) target(%dma_start3A_46 : memref<128x32xf32, #tpu.memory_space<vmem_shared>>) target_semaphore(%arg21 : memref<!tpu.dma_semaphore, #tpu.memory_space<semaphore_mem>>)
    %dma_start3A_50 = arith.constant 0 : i32
    %dma_start3A_51 = tpu.memref_slice %arg33[%add3A_44, %dma_start3A_50] : memref<10240x32xf32, #tpu.memory_space<vmem_shared>> -> memref<128x32xf32, #tpu.memory_space<vmem_shared>>
    tpu.enqueue_dma source(%arg5 : memref<128x32xf32, #tpu.memory_space<hbm>>) target(%dma_start3A_51 : memref<128x32xf32, #tpu.memory_space<vmem_shared>>) target_semaphore(%arg29 : memref<!tpu.dma_semaphore, #tpu.memory_space<semaphore_mem>>)
    %dma_start3A_52 = arith.constant 0 : i32
    %dma_start3A_53 = arith.constant 0 : i32
    %dma_start3A_54 = tpu.memref_slice %arg3[%arg1, %dma_start3A_52, %dma_start3A_53] : memref<16x160x128xi32, #tpu.memory_space<hbm>> -> memref<1x160x128xi32, #tpu.memory_space<hbm>>
    %dma_start3A_55 = tpu.memref_squeeze %dma_start3A_54 : memref<1x160x128xi32, #tpu.memory_space<hbm>> -> memref<160x128xi32, #tpu.memory_space<hbm>>
    %dma_start3A_56 = arith.constant 0 : i32
    %dma_start3A_57 = arith.constant 0 : i32
    %dma_start3A_58 = tpu.memref_slice %arg3[%arg1, %dma_start3A_56, %dma_start3A_57] : memref<16x160x128xi32, #tpu.memory_space<hbm>> -> memref<1x160x128xi32, #tpu.memory_space<hbm>>
    %dma_start3A_59 = tpu.memref_squeeze %dma_start3A_58 : memref<1x160x128xi32, #tpu.memory_space<hbm>> -> memref<160x128xi32, #tpu.memory_space<hbm>>
    tpu.enqueue_dma source(%dma_start3A_59 : memref<160x128xi32, #tpu.memory_space<hbm>>) target(%arg7 : memref<160x128xi32, #tpu.memory_space<vmem>>) target_semaphore(%arg22 : memref<!tpu.dma_semaphore, #tpu.memory_space<semaphore_mem>>)
    %dma_start3A_60 = arith.constant 0 : i32
    %dma_start3A_61 = arith.constant 0 : i32
    %dma_start3A_62 = tpu.memref_slice %arg4[%arg1, %dma_start3A_60, %dma_start3A_61] : memref<16x160x128xi32, #tpu.memory_space<hbm>> -> memref<1x160x128xi32, #tpu.memory_space<hbm>>
    %dma_start3A_63 = tpu.memref_squeeze %dma_start3A_62 : memref<1x160x128xi32, #tpu.memory_space<hbm>> -> memref<160x128xi32, #tpu.memory_space<hbm>>
    %dma_start3A_64 = arith.constant 0 : i32
    %dma_start3A_65 = arith.constant 0 : i32
    %dma_start3A_66 = tpu.memref_slice %arg4[%arg1, %dma_start3A_64, %dma_start3A_65] : memref<16x160x128xi32, #tpu.memory_space<hbm>> -> memref<1x160x128xi32, #tpu.memory_space<hbm>>
    %dma_start3A_67 = tpu.memref_squeeze %dma_start3A_66 : memref<1x160x128xi32, #tpu.memory_space<hbm>> -> memref<160x128xi32, #tpu.memory_space<hbm>>
    tpu.enqueue_dma source(%dma_start3A_67 : memref<160x128xi32, #tpu.memory_space<hbm>>) target(%arg8 : memref<160x128xi32, #tpu.memory_space<vmem>>) target_semaphore(%arg23 : memref<!tpu.dma_semaphore, #tpu.memory_space<semaphore_mem>>)
    %mul3A_68 = arith.constant 640 : i32
    %mul3A_69 = arith.muli %arg1, %mul3A_68 : i32
    %add3A_70 = arith.constant 0 : i32
    %add3A_71 = arith.addi %mul3A_69, %add3A_70 : i32
    %dma_wait3A = arith.constant 0 : i32
    %dma_wait3A_72 = tpu.memref_slice %arg34[%add3A_71, %dma_wait3A] : memref<10240x32xf32, #tpu.memory_space<vmem_shared>> -> memref<128x32xf32, #tpu.memory_space<vmem_shared>>
    %dma_wait3A_73 = arith.constant 0 : i32
    %dma_wait3A_74 = tpu.memref_slice %arg2[%arg0, %add3A_71, %dma_wait3A_73] : memref<2x10240x32xf32, #tpu.memory_space<hbm>> -> memref<1x128x32xf32, #tpu.memory_space<hbm>>
    %dma_wait3A_75 = tpu.memref_squeeze %dma_wait3A_74 : memref<1x128x32xf32, #tpu.memory_space<hbm>> -> memref<128x32xf32, #tpu.memory_space<hbm>>
    tpu.wait_dma2 semaphore(%arg17 : memref<!tpu.dma_semaphore, #tpu.memory_space<semaphore_mem>>) src(%dma_wait3A_75 : memref<128x32xf32, #tpu.memory_space<hbm>>) dst(%dma_wait3A_72 : memref<128x32xf32, #tpu.memory_space<vmem_shared>>)
    %dma_wait3A_76 = arith.constant 0 : i32
    %dma_wait3A_77 = tpu.memref_slice %arg33[%add3A_71, %dma_wait3A_76] : memref<10240x32xf32, #tpu.memory_space<vmem_shared>> -> memref<128x32xf32, #tpu.memory_space<vmem_shared>>
    tpu.wait_dma2 semaphore(%arg25 : memref<!tpu.dma_semaphore, #tpu.memory_space<semaphore_mem>>) src(%arg5 : memref<128x32xf32, #tpu.memory_space<hbm>>) dst(%dma_wait3A_77 : memref<128x32xf32, #tpu.memory_space<vmem_shared>>)
    %mul3A_78 = arith.constant 640 : i32
    %mul3A_79 = arith.muli %arg1, %mul3A_78 : i32
    %add3A_80 = arith.constant 128 : i32
    %add3A_81 = arith.addi %mul3A_79, %add3A_80 : i32
    %dma_wait3A_82 = arith.constant 0 : i32
    %dma_wait3A_83 = tpu.memref_slice %arg34[%add3A_81, %dma_wait3A_82] : memref<10240x32xf32, #tpu.memory_space<vmem_shared>> -> memref<128x32xf32, #tpu.memory_space<vmem_shared>>
    %dma_wait3A_84 = arith.constant 0 : i32
    %dma_wait3A_85 = tpu.memref_slice %arg2[%arg0, %add3A_81, %dma_wait3A_84] : memref<2x10240x32xf32, #tpu.memory_space<hbm>> -> memref<1x128x32xf32, #tpu.memory_space<hbm>>
    %dma_wait3A_86 = tpu.memref_squeeze %dma_wait3A_85 : memref<1x128x32xf32, #tpu.memory_space<hbm>> -> memref<128x32xf32, #tpu.memory_space<hbm>>
    tpu.wait_dma2 semaphore(%arg18 : memref<!tpu.dma_semaphore, #tpu.memory_space<semaphore_mem>>) src(%dma_wait3A_86 : memref<128x32xf32, #tpu.memory_space<hbm>>) dst(%dma_wait3A_83 : memref<128x32xf32, #tpu.memory_space<vmem_shared>>)
    %dma_wait3A_87 = arith.constant 0 : i32
    %dma_wait3A_88 = tpu.memref_slice %arg33[%add3A_81, %dma_wait3A_87] : memref<10240x32xf32, #tpu.memory_space<vmem_shared>> -> memref<128x32xf32, #tpu.memory_space<vmem_shared>>
    tpu.wait_dma2 semaphore(%arg26 : memref<!tpu.dma_semaphore, #tpu.memory_space<semaphore_mem>>) src(%arg5 : memref<128x32xf32, #tpu.memory_space<hbm>>) dst(%dma_wait3A_88 : memref<128x32xf32, #tpu.memory_space<vmem_shared>>)
    %mul3A_89 = arith.constant 640 : i32
    %mul3A_90 = arith.muli %arg1, %mul3A_89 : i32
    %add3A_91 = arith.constant 256 : i32
    %add3A_92 = arith.addi %mul3A_90, %add3A_91 : i32
    %dma_wait3A_93 = arith.constant 0 : i32
    %dma_wait3A_94 = tpu.memref_slice %arg34[%add3A_92, %dma_wait3A_93] : memref<10240x32xf32, #tpu.memory_space<vmem_shared>> -> memref<128x32xf32, #tpu.memory_space<vmem_shared>>
    %dma_wait3A_95 = arith.constant 0 : i32
    %dma_wait3A_96 = tpu.memref_slice %arg2[%arg0, %add3A_92, %dma_wait3A_95] : memref<2x10240x32xf32, #tpu.memory_space<hbm>> -> memref<1x128x32xf32, #tpu.memory_space<hbm>>
    %dma_wait3A_97 = tpu.memref_squeeze %dma_wait3A_96 : memref<1x128x32xf32, #tpu.memory_space<hbm>> -> memref<128x32xf32, #tpu.memory_space<hbm>>
    tpu.wait_dma2 semaphore(%arg19 : memref<!tpu.dma_semaphore, #tpu.memory_space<semaphore_mem>>) src(%dma_wait3A_97 : memref<128x32xf32, #tpu.memory_space<hbm>>) dst(%dma_wait3A_94 : memref<128x32xf32, #tpu.memory_space<vmem_shared>>)
    %dma_wait3A_98 = arith.constant 0 : i32
    %dma_wait3A_99 = tpu.memref_slice %arg33[%add3A_92, %dma_wait3A_98] : memref<10240x32xf32, #tpu.memory_space<vmem_shared>> -> memref<128x32xf32, #tpu.memory_space<vmem_shared>>
    tpu.wait_dma2 semaphore(%arg27 : memref<!tpu.dma_semaphore, #tpu.memory_space<semaphore_mem>>) src(%arg5 : memref<128x32xf32, #tpu.memory_space<hbm>>) dst(%dma_wait3A_99 : memref<128x32xf32, #tpu.memory_space<vmem_shared>>)
    %mul3A_100 = arith.constant 640 : i32
    %mul3A_101 = arith.muli %arg1, %mul3A_100 : i32
    %add3A_102 = arith.constant 384 : i32
    %add3A_103 = arith.addi %mul3A_101, %add3A_102 : i32
    %dma_wait3A_104 = arith.constant 0 : i32
    %dma_wait3A_105 = tpu.memref_slice %arg34[%add3A_103, %dma_wait3A_104] : memref<10240x32xf32, #tpu.memory_space<vmem_shared>> -> memref<128x32xf32, #tpu.memory_space<vmem_shared>>
    %dma_wait3A_106 = arith.constant 0 : i32
    %dma_wait3A_107 = tpu.memref_slice %arg2[%arg0, %add3A_103, %dma_wait3A_106] : memref<2x10240x32xf32, #tpu.memory_space<hbm>> -> memref<1x128x32xf32, #tpu.memory_space<hbm>>
    %dma_wait3A_108 = tpu.memref_squeeze %dma_wait3A_107 : memref<1x128x32xf32, #tpu.memory_space<hbm>> -> memref<128x32xf32, #tpu.memory_space<hbm>>
    tpu.wait_dma2 semaphore(%arg20 : memref<!tpu.dma_semaphore, #tpu.memory_space<semaphore_mem>>) src(%dma_wait3A_108 : memref<128x32xf32, #tpu.memory_space<hbm>>) dst(%dma_wait3A_105 : memref<128x32xf32, #tpu.memory_space<vmem_shared>>)
    %dma_wait3A_109 = arith.constant 0 : i32
    %dma_wait3A_110 = tpu.memref_slice %arg33[%add3A_103, %dma_wait3A_109] : memref<10240x32xf32, #tpu.memory_space<vmem_shared>> -> memref<128x32xf32, #tpu.memory_space<vmem_shared>>
    tpu.wait_dma2 semaphore(%arg28 : memref<!tpu.dma_semaphore, #tpu.memory_space<semaphore_mem>>) src(%arg5 : memref<128x32xf32, #tpu.memory_space<hbm>>) dst(%dma_wait3A_110 : memref<128x32xf32, #tpu.memory_space<vmem_shared>>)
    %mul3A_111 = arith.constant 640 : i32
    %mul3A_112 = arith.muli %arg1, %mul3A_111 : i32
    %add3A_113 = arith.constant 512 : i32
    %add3A_114 = arith.addi %mul3A_112, %add3A_113 : i32
    %dma_wait3A_115 = arith.constant 0 : i32
    %dma_wait3A_116 = tpu.memref_slice %arg34[%add3A_114, %dma_wait3A_115] : memref<10240x32xf32, #tpu.memory_space<vmem_shared>> -> memref<128x32xf32, #tpu.memory_space<vmem_shared>>
    %dma_wait3A_117 = arith.constant 0 : i32
    %dma_wait3A_118 = tpu.memref_slice %arg2[%arg0, %add3A_114, %dma_wait3A_117] : memref<2x10240x32xf32, #tpu.memory_space<hbm>> -> memref<1x128x32xf32, #tpu.memory_space<hbm>>
    %dma_wait3A_119 = tpu.memref_squeeze %dma_wait3A_118 : memref<1x128x32xf32, #tpu.memory_space<hbm>> -> memref<128x32xf32, #tpu.memory_space<hbm>>
    tpu.wait_dma2 semaphore(%arg21 : memref<!tpu.dma_semaphore, #tpu.memory_space<semaphore_mem>>) src(%dma_wait3A_119 : memref<128x32xf32, #tpu.memory_space<hbm>>) dst(%dma_wait3A_116 : memref<128x32xf32, #tpu.memory_space<vmem_shared>>)
    %dma_wait3A_120 = arith.constant 0 : i32
    %dma_wait3A_121 = tpu.memref_slice %arg33[%add3A_114, %dma_wait3A_120] : memref<10240x32xf32, #tpu.memory_space<vmem_shared>> -> memref<128x32xf32, #tpu.memory_space<vmem_shared>>
    tpu.wait_dma2 semaphore(%arg29 : memref<!tpu.dma_semaphore, #tpu.memory_space<semaphore_mem>>) src(%arg5 : memref<128x32xf32, #tpu.memory_space<hbm>>) dst(%dma_wait3A_121 : memref<128x32xf32, #tpu.memory_space<vmem_shared>>)
    %dma_wait3A_122 = arith.constant 0 : i32
    %dma_wait3A_123 = arith.constant 0 : i32
    %dma_wait3A_124 = tpu.memref_slice %arg3[%arg1, %dma_wait3A_122, %dma_wait3A_123] : memref<16x160x128xi32, #tpu.memory_space<hbm>> -> memref<1x160x128xi32, #tpu.memory_space<hbm>>
    %dma_wait3A_125 = tpu.memref_squeeze %dma_wait3A_124 : memref<1x160x128xi32, #tpu.memory_space<hbm>> -> memref<160x128xi32, #tpu.memory_space<hbm>>
    %dma_wait3A_126 = arith.constant 0 : i32
    %dma_wait3A_127 = arith.constant 0 : i32
    %dma_wait3A_128 = tpu.memref_slice %arg3[%arg1, %dma_wait3A_126, %dma_wait3A_127] : memref<16x160x128xi32, #tpu.memory_space<hbm>> -> memref<1x160x128xi32, #tpu.memory_space<hbm>>
    %dma_wait3A_129 = tpu.memref_squeeze %dma_wait3A_128 : memref<1x160x128xi32, #tpu.memory_space<hbm>> -> memref<160x128xi32, #tpu.memory_space<hbm>>
    tpu.wait_dma2 semaphore(%arg22 : memref<!tpu.dma_semaphore, #tpu.memory_space<semaphore_mem>>) src(%dma_wait3A_129 : memref<160x128xi32, #tpu.memory_space<hbm>>) dst(%arg7 : memref<160x128xi32, #tpu.memory_space<vmem>>)
    %dma_wait3A_130 = arith.constant 0 : i32
    %dma_wait3A_131 = arith.constant 0 : i32
    %dma_wait3A_132 = tpu.memref_slice %arg4[%arg1, %dma_wait3A_130, %dma_wait3A_131] : memref<16x160x128xi32, #tpu.memory_space<hbm>> -> memref<1x160x128xi32, #tpu.memory_space<hbm>>
    %dma_wait3A_133 = tpu.memref_squeeze %dma_wait3A_132 : memref<1x160x128xi32, #tpu.memory_space<hbm>> -> memref<160x128xi32, #tpu.memory_space<hbm>>
    %dma_wait3A_134 = arith.constant 0 : i32
    %dma_wait3A_135 = arith.constant 0 : i32
    %dma_wait3A_136 = tpu.memref_slice %arg4[%arg1, %dma_wait3A_134, %dma_wait3A_135] : memref<16x160x128xi32, #tpu.memory_space<hbm>> -> memref<1x160x128xi32, #tpu.memory_space<hbm>>
    %dma_wait3A_137 = tpu.memref_squeeze %dma_wait3A_136 : memref<1x160x128xi32, #tpu.memory_space<hbm>> -> memref<160x128xi32, #tpu.memory_space<hbm>>
    tpu.wait_dma2 semaphore(%arg23 : memref<!tpu.dma_semaphore, #tpu.memory_space<semaphore_mem>>) src(%dma_wait3A_137 : memref<160x128xi32, #tpu.memory_space<hbm>>) dst(%arg8 : memref<160x128xi32, #tpu.memory_space<vmem>>)
    %barrier3A = arith.constant 0 : index
    tpu.barrier barrier_id(%barrier3A)
    %dma_start3A_138 = arith.constant 0 : i32
    %dma_start3A_139 = arith.constant 0 : i32
    %dma_start3A_140 = tpu.memref_slice %arg7[%dma_start3A_138, %dma_start3A_139] : memref<160x128xi32, #tpu.memory_space<vmem>> -> memref<1x128xi32, #tpu.memory_space<vmem>>
    %dma_start3A_141 = tpu.memref_squeeze %dma_start3A_140 : memref<1x128xi32, #tpu.memory_space<vmem>> -> memref<128xi32, #tpu.memory_space<vmem>>
    %dma_start3A_142 = arith.constant 0 : i32
    %dma_start3A_143 = arith.constant 0 : i32
    %dma_start3A_144 = tpu.memref_slice %arg34[%dma_start3A_142, %dma_start3A_143] : memref<10240x32xf32, #tpu.memory_space<vmem_shared>> -> memref<10240x32xf32, #tpu.memory_space<vmem_shared>>
    tpu.enqueue_indirect_dma source(%dma_start3A_144 : memref<10240x32xf32, #tpu.memory_space<vmem_shared>>) target(%arg9 : memref<128x32xf32, #tpu.memory_space<vmem>>) offsets(%dma_start3A_141 : memref<128xi32, #tpu.memory_space<vmem>>) semaphore(%arg17 : memref<!tpu.dma_semaphore, #tpu.memory_space<semaphore_mem>>)
    %dma_start3A_145 = arith.constant 1 : i32
    %dma_start3A_146 = arith.constant 0 : i32
    %dma_start3A_147 = tpu.memref_slice %arg7[%dma_start3A_145, %dma_start3A_146] : memref<160x128xi32, #tpu.memory_space<vmem>> -> memref<1x128xi32, #tpu.memory_space<vmem>>
    %dma_start3A_148 = tpu.memref_squeeze %dma_start3A_147 : memref<1x128xi32, #tpu.memory_space<vmem>> -> memref<128xi32, #tpu.memory_space<vmem>>
    %dma_start3A_149 = arith.constant 0 : i32
    %dma_start3A_150 = arith.constant 0 : i32
    %dma_start3A_151 = tpu.memref_slice %arg34[%dma_start3A_149, %dma_start3A_150] : memref<10240x32xf32, #tpu.memory_space<vmem_shared>> -> memref<10240x32xf32, #tpu.memory_space<vmem_shared>>
    tpu.enqueue_indirect_dma source(%dma_start3A_151 : memref<10240x32xf32, #tpu.memory_space<vmem_shared>>) target(%arg10 : memref<128x32xf32, #tpu.memory_space<vmem>>) offsets(%dma_start3A_148 : memref<128xi32, #tpu.memory_space<vmem>>) semaphore(%arg18 : memref<!tpu.dma_semaphore, #tpu.memory_space<semaphore_mem>>)
    %dma_start3A_152 = arith.constant 2 : i32
    %dma_start3A_153 = arith.constant 0 : i32
    %dma_start3A_154 = tpu.memref_slice %arg7[%dma_start3A_152, %dma_start3A_153] : memref<160x128xi32, #tpu.memory_space<vmem>> -> memref<1x128xi32, #tpu.memory_space<vmem>>
    %dma_start3A_155 = tpu.memref_squeeze %dma_start3A_154 : memref<1x128xi32, #tpu.memory_space<vmem>> -> memref<128xi32, #tpu.memory_space<vmem>>
    %dma_start3A_156 = arith.constant 0 : i32
    %dma_start3A_157 = arith.constant 0 : i32
    %dma_start3A_158 = tpu.memref_slice %arg34[%dma_start3A_156, %dma_start3A_157] : memref<10240x32xf32, #tpu.memory_space<vmem_shared>> -> memref<10240x32xf32, #tpu.memory_space<vmem_shared>>
    tpu.enqueue_indirect_dma source(%dma_start3A_158 : memref<10240x32xf32, #tpu.memory_space<vmem_shared>>) target(%arg11 : memref<128x32xf32, #tpu.memory_space<vmem>>) offsets(%dma_start3A_155 : memref<128xi32, #tpu.memory_space<vmem>>) semaphore(%arg19 : memref<!tpu.dma_semaphore, #tpu.memory_space<semaphore_mem>>)
    %dma_start3A_159 = arith.constant 3 : i32
    %dma_start3A_160 = arith.constant 0 : i32
    %dma_start3A_161 = tpu.memref_slice %arg7[%dma_start3A_159, %dma_start3A_160] : memref<160x128xi32, #tpu.memory_space<vmem>> -> memref<1x128xi32, #tpu.memory_space<vmem>>
    %dma_start3A_162 = tpu.memref_squeeze %dma_start3A_161 : memref<1x128xi32, #tpu.memory_space<vmem>> -> memref<128xi32, #tpu.memory_space<vmem>>
    %dma_start3A_163 = arith.constant 0 : i32
    %dma_start3A_164 = arith.constant 0 : i32
    %dma_start3A_165 = tpu.memref_slice %arg34[%dma_start3A_163, %dma_start3A_164] : memref<10240x32xf32, #tpu.memory_space<vmem_shared>> -> memref<10240x32xf32, #tpu.memory_space<vmem_shared>>
    tpu.enqueue_indirect_dma source(%dma_start3A_165 : memref<10240x32xf32, #tpu.memory_space<vmem_shared>>) target(%arg12 : memref<128x32xf32, #tpu.memory_space<vmem>>) offsets(%dma_start3A_162 : memref<128xi32, #tpu.memory_space<vmem>>) semaphore(%arg20 : memref<!tpu.dma_semaphore, #tpu.memory_space<semaphore_mem>>)
    %scan3A = arith.constant 0 : i32
    %scan3A_166 = arith.constant 0 : i32
    %scan3A_167 = arith.constant 20 : i32
    %scan3A_168 = arith.addi %scan3A_166, %scan3A_167 : i32
    %scan3A_169 = arith.constant 1 : i32
    scf.for %scan3A_318 = %scan3A_166 to %scan3A_168 step %scan3A_169  : i32 {
      %mul3A_319 = arith.constant 8 : i32
      %mul3A_320 = arith.muli %scan3A_318, %mul3A_319 : i32
      %add3A_321 = arith.constant 0 : i32
      %add3A_322 = arith.addi %mul3A_320, %add3A_321 : i32
      %dma_wait3A_323 = arith.constant 0 : i32
      %dma_wait3A_324 = tpu.memref_slice %arg7[%add3A_322, %dma_wait3A_323] : memref<160x128xi32, #tpu.memory_space<vmem>> -> memref<1x128xi32, #tpu.memory_space<vmem>>
      %dma_wait3A_325 = tpu.memref_squeeze %dma_wait3A_324 : memref<1x128xi32, #tpu.memory_space<vmem>> -> memref<128xi32, #tpu.memory_space<vmem>>
      %dma_wait3A_326 = arith.constant 0 : i32
      %dma_wait3A_327 = arith.constant 0 : i32
      %dma_wait3A_328 = tpu.memref_slice %arg34[%dma_wait3A_326, %dma_wait3A_327] : memref<10240x32xf32, #tpu.memory_space<vmem_shared>> -> memref<10240x32xf32, #tpu.memory_space<vmem_shared>>
      tpu.wait_indirect_dma semaphore(%arg17 : memref<!tpu.dma_semaphore, #tpu.memory_space<semaphore_mem>>) src(%dma_wait3A_328 : memref<10240x32xf32, #tpu.memory_space<vmem_shared>>) dst(%arg9 : memref<128x32xf32, #tpu.memory_space<vmem>>)
      %dma_start3A_329 = arith.constant 0 : i32
      %dma_start3A_330 = tpu.memref_slice %arg8[%add3A_322, %dma_start3A_329] : memref<160x128xi32, #tpu.memory_space<vmem>> -> memref<1x128xi32, #tpu.memory_space<vmem>>
      %dma_start3A_331 = tpu.memref_squeeze %dma_start3A_330 : memref<1x128xi32, #tpu.memory_space<vmem>> -> memref<128xi32, #tpu.memory_space<vmem>>
      %dma_start3A_332 = arith.constant 0 : i32
      %dma_start3A_333 = arith.constant 0 : i32
      %dma_start3A_334 = tpu.memref_slice %arg33[%dma_start3A_332, %dma_start3A_333] : memref<10240x32xf32, #tpu.memory_space<vmem_shared>> -> memref<10240x32xf32, #tpu.memory_space<vmem_shared>>
      tpu.enqueue_indirect_dma source(%arg9 : memref<128x32xf32, #tpu.memory_space<vmem>>) target(%dma_start3A_334 : memref<10240x32xf32, #tpu.memory_space<vmem_shared>>) offsets(%dma_start3A_331 : memref<128xi32, #tpu.memory_space<vmem>>) semaphore(%arg25 : memref<!tpu.dma_semaphore, #tpu.memory_space<semaphore_mem>>) {add = true}
      %add3A_335 = arith.constant 4 : i32
      %add3A_336 = arith.addi %add3A_322, %add3A_335 : i32
      %lt3A = arith.constant 160 : i32
      %lt3A_337 = arith.cmpi slt, %add3A_336, %lt3A : i32
      %convert_element_type3A = arith.extui %lt3A_337 : i1 to i32
      %cond3A = arith.constant 0 : i32
      %cond3A_338 = arith.cmpi ne, %convert_element_type3A, %cond3A : i32
      scf.if %cond3A_338 {
        %ge3A = arith.constant 8 : i32
        %ge3A_500 = arith.cmpi sge, %add3A_336, %ge3A : i32
        %convert_element_type3A_501 = arith.extui %ge3A_500 : i1 to i32
        %cond3A_502 = arith.constant 0 : i32
        %cond3A_503 = arith.cmpi ne, %convert_element_type3A_501, %cond3A_502 : i32
        scf.if %cond3A_503 {
          %sub3A = arith.constant 8 : i32
          %sub3A_510 = arith.subi %add3A_336, %sub3A : i32
          %dma_wait3A_511 = arith.constant 0 : i32
          %dma_wait3A_512 = tpu.memref_slice %arg8[%sub3A_510, %dma_wait3A_511] : memref<160x128xi32, #tpu.memory_space<vmem>> -> memref<1x128xi32, #tpu.memory_space<vmem>>
          %dma_wait3A_513 = tpu.memref_squeeze %dma_wait3A_512 : memref<1x128xi32, #tpu.memory_space<vmem>> -> memref<128xi32, #tpu.memory_space<vmem>>
          %dma_wait3A_514 = arith.constant 0 : i32
          %dma_wait3A_515 = arith.constant 0 : i32
          %dma_wait3A_516 = tpu.memref_slice %arg33[%dma_wait3A_514, %dma_wait3A_515] : memref<10240x32xf32, #tpu.memory_space<vmem_shared>> -> memref<10240x32xf32, #tpu.memory_space<vmem_shared>>
          tpu.wait_indirect_dma semaphore(%arg29 : memref<!tpu.dma_semaphore, #tpu.memory_space<semaphore_mem>>) src(%arg13 : memref<128x32xf32, #tpu.memory_space<vmem>>) dst(%dma_wait3A_516 : memref<10240x32xf32, #tpu.memory_space<vmem_shared>>)
        } else {
        }
        %dma_start3A_504 = arith.constant 0 : i32
        %dma_start3A_505 = tpu.memref_slice %arg7[%add3A_336, %dma_start3A_504] : memref<160x128xi32, #tpu.memory_space<vmem>> -> memref<1x128xi32, #tpu.memory_space<vmem>>
        %dma_start3A_506 = tpu.memref_squeeze %dma_start3A_505 : memref<1x128xi32, #tpu.memory_space<vmem>> -> memref<128xi32, #tpu.memory_space<vmem>>
        %dma_start3A_507 = arith.constant 0 : i32
        %dma_start3A_508 = arith.constant 0 : i32
        %dma_start3A_509 = tpu.memref_slice %arg34[%dma_start3A_507, %dma_start3A_508] : memref<10240x32xf32, #tpu.memory_space<vmem_shared>> -> memref<10240x32xf32, #tpu.memory_space<vmem_shared>>
        tpu.enqueue_indirect_dma source(%dma_start3A_509 : memref<10240x32xf32, #tpu.memory_space<vmem_shared>>) target(%arg13 : memref<128x32xf32, #tpu.memory_space<vmem>>) offsets(%dma_start3A_506 : memref<128xi32, #tpu.memory_space<vmem>>) semaphore(%arg21 : memref<!tpu.dma_semaphore, #tpu.memory_space<semaphore_mem>>)
      } else {
      }
      %mul3A_339 = arith.constant 8 : i32
      %mul3A_340 = arith.muli %scan3A_318, %mul3A_339 : i32
      %add3A_341 = arith.constant 1 : i32
      %add3A_342 = arith.addi %mul3A_340, %add3A_341 : i32
      %dma_wait3A_343 = arith.constant 0 : i32
      %dma_wait3A_344 = tpu.memref_slice %arg7[%add3A_342, %dma_wait3A_343] : memref<160x128xi32, #tpu.memory_space<vmem>> -> memref<1x128xi32, #tpu.memory_space<vmem>>
      %dma_wait3A_345 = tpu.memref_squeeze %dma_wait3A_344 : memref<1x128xi32, #tpu.memory_space<vmem>> -> memref<128xi32, #tpu.memory_space<vmem>>
      %dma_wait3A_346 = arith.constant 0 : i32
      %dma_wait3A_347 = arith.constant 0 : i32
      %dma_wait3A_348 = tpu.memref_slice %arg34[%dma_wait3A_346, %dma_wait3A_347] : memref<10240x32xf32, #tpu.memory_space<vmem_shared>> -> memref<10240x32xf32, #tpu.memory_space<vmem_shared>>
      tpu.wait_indirect_dma semaphore(%arg18 : memref<!tpu.dma_semaphore, #tpu.memory_space<semaphore_mem>>) src(%dma_wait3A_348 : memref<10240x32xf32, #tpu.memory_space<vmem_shared>>) dst(%arg10 : memref<128x32xf32, #tpu.memory_space<vmem>>)
      %dma_start3A_349 = arith.constant 0 : i32
      %dma_start3A_350 = tpu.memref_slice %arg8[%add3A_342, %dma_start3A_349] : memref<160x128xi32, #tpu.memory_space<vmem>> -> memref<1x128xi32, #tpu.memory_space<vmem>>
      %dma_start3A_351 = tpu.memref_squeeze %dma_start3A_350 : memref<1x128xi32, #tpu.memory_space<vmem>> -> memref<128xi32, #tpu.memory_space<vmem>>
      %dma_start3A_352 = arith.constant 0 : i32
      %dma_start3A_353 = arith.constant 0 : i32
      %dma_start3A_354 = tpu.memref_slice %arg33[%dma_start3A_352, %dma_start3A_353] : memref<10240x32xf32, #tpu.memory_space<vmem_shared>> -> memref<10240x32xf32, #tpu.memory_space<vmem_shared>>
      tpu.enqueue_indirect_dma source(%arg10 : memref<128x32xf32, #tpu.memory_space<vmem>>) target(%dma_start3A_354 : memref<10240x32xf32, #tpu.memory_space<vmem_shared>>) offsets(%dma_start3A_351 : memref<128xi32, #tpu.memory_space<vmem>>) semaphore(%arg26 : memref<!tpu.dma_semaphore, #tpu.memory_space<semaphore_mem>>) {add = true}
      %add3A_355 = arith.constant 4 : i32
      %add3A_356 = arith.addi %add3A_342, %add3A_355 : i32
      %lt3A_357 = arith.constant 160 : i32
      %lt3A_358 = arith.cmpi slt, %add3A_356, %lt3A_357 : i32
      %convert_element_type3A_359 = arith.extui %lt3A_358 : i1 to i32
      %cond3A_360 = arith.constant 0 : i32
      %cond3A_361 = arith.cmpi ne, %convert_element_type3A_359, %cond3A_360 : i32
      scf.if %cond3A_361 {
        %ge3A = arith.constant 8 : i32
        %ge3A_500 = arith.cmpi sge, %add3A_356, %ge3A : i32
        %convert_element_type3A_501 = arith.extui %ge3A_500 : i1 to i32
        %cond3A_502 = arith.constant 0 : i32
        %cond3A_503 = arith.cmpi ne, %convert_element_type3A_501, %cond3A_502 : i32
        scf.if %cond3A_503 {
          %sub3A = arith.constant 8 : i32
          %sub3A_510 = arith.subi %add3A_356, %sub3A : i32
          %dma_wait3A_511 = arith.constant 0 : i32
          %dma_wait3A_512 = tpu.memref_slice %arg8[%sub3A_510, %dma_wait3A_511] : memref<160x128xi32, #tpu.memory_space<vmem>> -> memref<1x128xi32, #tpu.memory_space<vmem>>
          %dma_wait3A_513 = tpu.memref_squeeze %dma_wait3A_512 : memref<1x128xi32, #tpu.memory_space<vmem>> -> memref<128xi32, #tpu.memory_space<vmem>>
          %dma_wait3A_514 = arith.constant 0 : i32
          %dma_wait3A_515 = arith.constant 0 : i32
          %dma_wait3A_516 = tpu.memref_slice %arg33[%dma_wait3A_514, %dma_wait3A_515] : memref<10240x32xf32, #tpu.memory_space<vmem_shared>> -> memref<10240x32xf32, #tpu.memory_space<vmem_shared>>
          tpu.wait_indirect_dma semaphore(%arg30 : memref<!tpu.dma_semaphore, #tpu.memory_space<semaphore_mem>>) src(%arg14 : memref<128x32xf32, #tpu.memory_space<vmem>>) dst(%dma_wait3A_516 : memref<10240x32xf32, #tpu.memory_space<vmem_shared>>)
        } else {
        }
        %dma_start3A_504 = arith.constant 0 : i32
        %dma_start3A_505 = tpu.memref_slice %arg7[%add3A_356, %dma_start3A_504] : memref<160x128xi32, #tpu.memory_space<vmem>> -> memref<1x128xi32, #tpu.memory_space<vmem>>
        %dma_start3A_506 = tpu.memref_squeeze %dma_start3A_505 : memref<1x128xi32, #tpu.memory_space<vmem>> -> memref<128xi32, #tpu.memory_space<vmem>>
        %dma_start3A_507 = arith.constant 0 : i32
        %dma_start3A_508 = arith.constant 0 : i32
        %dma_start3A_509 = tpu.memref_slice %arg34[%dma_start3A_507, %dma_start3A_508] : memref<10240x32xf32, #tpu.memory_space<vmem_shared>> -> memref<10240x32xf32, #tpu.memory_space<vmem_shared>>
        tpu.enqueue_indirect_dma source(%dma_start3A_509 : memref<10240x32xf32, #tpu.memory_space<vmem_shared>>) target(%arg14 : memref<128x32xf32, #tpu.memory_space<vmem>>) offsets(%dma_start3A_506 : memref<128xi32, #tpu.memory_space<vmem>>) semaphore(%arg22 : memref<!tpu.dma_semaphore, #tpu.memory_space<semaphore_mem>>)
      } else {
      }
      %mul3A_362 = arith.constant 8 : i32
      %mul3A_363 = arith.muli %scan3A_318, %mul3A_362 : i32
      %add3A_364 = arith.constant 2 : i32
      %add3A_365 = arith.addi %mul3A_363, %add3A_364 : i32
      %dma_wait3A_366 = arith.constant 0 : i32
      %dma_wait3A_367 = tpu.memref_slice %arg7[%add3A_365, %dma_wait3A_366] : memref<160x128xi32, #tpu.memory_space<vmem>> -> memref<1x128xi32, #tpu.memory_space<vmem>>
      %dma_wait3A_368 = tpu.memref_squeeze %dma_wait3A_367 : memref<1x128xi32, #tpu.memory_space<vmem>> -> memref<128xi32, #tpu.memory_space<vmem>>
      %dma_wait3A_369 = arith.constant 0 : i32
      %dma_wait3A_370 = arith.constant 0 : i32
      %dma_wait3A_371 = tpu.memref_slice %arg34[%dma_wait3A_369, %dma_wait3A_370] : memref<10240x32xf32, #tpu.memory_space<vmem_shared>> -> memref<10240x32xf32, #tpu.memory_space<vmem_shared>>
      tpu.wait_indirect_dma semaphore(%arg19 : memref<!tpu.dma_semaphore, #tpu.memory_space<semaphore_mem>>) src(%dma_wait3A_371 : memref<10240x32xf32, #tpu.memory_space<vmem_shared>>) dst(%arg11 : memref<128x32xf32, #tpu.memory_space<vmem>>)
      %dma_start3A_372 = arith.constant 0 : i32
      %dma_start3A_373 = tpu.memref_slice %arg8[%add3A_365, %dma_start3A_372] : memref<160x128xi32, #tpu.memory_space<vmem>> -> memref<1x128xi32, #tpu.memory_space<vmem>>
      %dma_start3A_374 = tpu.memref_squeeze %dma_start3A_373 : memref<1x128xi32, #tpu.memory_space<vmem>> -> memref<128xi32, #tpu.memory_space<vmem>>
      %dma_start3A_375 = arith.constant 0 : i32
      %dma_start3A_376 = arith.constant 0 : i32
      %dma_start3A_377 = tpu.memref_slice %arg33[%dma_start3A_375, %dma_start3A_376] : memref<10240x32xf32, #tpu.memory_space<vmem_shared>> -> memref<10240x32xf32, #tpu.memory_space<vmem_shared>>
      tpu.enqueue_indirect_dma source(%arg11 : memref<128x32xf32, #tpu.memory_space<vmem>>) target(%dma_start3A_377 : memref<10240x32xf32, #tpu.memory_space<vmem_shared>>) offsets(%dma_start3A_374 : memref<128xi32, #tpu.memory_space<vmem>>) semaphore(%arg27 : memref<!tpu.dma_semaphore, #tpu.memory_space<semaphore_mem>>) {add = true}
      %add3A_378 = arith.constant 4 : i32
      %add3A_379 = arith.addi %add3A_365, %add3A_378 : i32
      %lt3A_380 = arith.constant 160 : i32
      %lt3A_381 = arith.cmpi slt, %add3A_379, %lt3A_380 : i32
      %convert_element_type3A_382 = arith.extui %lt3A_381 : i1 to i32
      %cond3A_383 = arith.constant 0 : i32
      %cond3A_384 = arith.cmpi ne, %convert_element_type3A_382, %cond3A_383 : i32
      scf.if %cond3A_384 {
        %ge3A = arith.constant 8 : i32
        %ge3A_500 = arith.cmpi sge, %add3A_379, %ge3A : i32
        %convert_element_type3A_501 = arith.extui %ge3A_500 : i1 to i32
        %cond3A_502 = arith.constant 0 : i32
        %cond3A_503 = arith.cmpi ne, %convert_element_type3A_501, %cond3A_502 : i32
        scf.if %cond3A_503 {
          %sub3A = arith.constant 8 : i32
          %sub3A_510 = arith.subi %add3A_379, %sub3A : i32
          %dma_wait3A_511 = arith.constant 0 : i32
          %dma_wait3A_512 = tpu.memref_slice %arg8[%sub3A_510, %dma_wait3A_511] : memref<160x128xi32, #tpu.memory_space<vmem>> -> memref<1x128xi32, #tpu.memory_space<vmem>>
          %dma_wait3A_513 = tpu.memref_squeeze %dma_wait3A_512 : memref<1x128xi32, #tpu.memory_space<vmem>> -> memref<128xi32, #tpu.memory_space<vmem>>
          %dma_wait3A_514 = arith.constant 0 : i32
          %dma_wait3A_515 = arith.constant 0 : i32
          %dma_wait3A_516 = tpu.memref_slice %arg33[%dma_wait3A_514, %dma_wait3A_515] : memref<10240x32xf32, #tpu.memory_space<vmem_shared>> -> memref<10240x32xf32, #tpu.memory_space<vmem_shared>>
          tpu.wait_indirect_dma semaphore(%arg31 : memref<!tpu.dma_semaphore, #tpu.memory_space<semaphore_mem>>) src(%arg15 : memref<128x32xf32, #tpu.memory_space<vmem>>) dst(%dma_wait3A_516 : memref<10240x32xf32, #tpu.memory_space<vmem_shared>>)
        } else {
        }
        %dma_start3A_504 = arith.constant 0 : i32
        %dma_start3A_505 = tpu.memref_slice %arg7[%add3A_379, %dma_start3A_504] : memref<160x128xi32, #tpu.memory_space<vmem>> -> memref<1x128xi32, #tpu.memory_space<vmem>>
        %dma_start3A_506 = tpu.memref_squeeze %dma_start3A_505 : memref<1x128xi32, #tpu.memory_space<vmem>> -> memref<128xi32, #tpu.memory_space<vmem>>
        %dma_start3A_507 = arith.constant 0 : i32
        %dma_start3A_508 = arith.constant 0 : i32
        %dma_start3A_509 = tpu.memref_slice %arg34[%dma_start3A_507, %dma_start3A_508] : memref<10240x32xf32, #tpu.memory_space<vmem_shared>> -> memref<10240x32xf32, #tpu.memory_space<vmem_shared>>
        tpu.enqueue_indirect_dma source(%dma_start3A_509 : memref<10240x32xf32, #tpu.memory_space<vmem_shared>>) target(%arg15 : memref<128x32xf32, #tpu.memory_space<vmem>>) offsets(%dma_start3A_506 : memref<128xi32, #tpu.memory_space<vmem>>) semaphore(%arg23 : memref<!tpu.dma_semaphore, #tpu.memory_space<semaphore_mem>>)
      } else {
      }
      %mul3A_385 = arith.constant 8 : i32
      %mul3A_386 = arith.muli %scan3A_318, %mul3A_385 : i32
      %add3A_387 = arith.constant 3 : i32
      %add3A_388 = arith.addi %mul3A_386, %add3A_387 : i32
      %dma_wait3A_389 = arith.constant 0 : i32
      %dma_wait3A_390 = tpu.memref_slice %arg7[%add3A_388, %dma_wait3A_389] : memref<160x128xi32, #tpu.memory_space<vmem>> -> memref<1x128xi32, #tpu.memory_space<vmem>>
      %dma_wait3A_391 = tpu.memref_squeeze %dma_wait3A_390 : memref<1x128xi32, #tpu.memory_space<vmem>> -> memref<128xi32, #tpu.memory_space<vmem>>
      %dma_wait3A_392 = arith.constant 0 : i32
      %dma_wait3A_393 = arith.constant 0 : i32
      %dma_wait3A_394 = tpu.memref_slice %arg34[%dma_wait3A_392, %dma_wait3A_393] : memref<10240x32xf32, #tpu.memory_space<vmem_shared>> -> memref<10240x32xf32, #tpu.memory_space<vmem_shared>>
      tpu.wait_indirect_dma semaphore(%arg20 : memref<!tpu.dma_semaphore, #tpu.memory_space<semaphore_mem>>) src(%dma_wait3A_394 : memref<10240x32xf32, #tpu.memory_space<vmem_shared>>) dst(%arg12 : memref<128x32xf32, #tpu.memory_space<vmem>>)
      %dma_start3A_395 = arith.constant 0 : i32
      %dma_start3A_396 = tpu.memref_slice %arg8[%add3A_388, %dma_start3A_395] : memref<160x128xi32, #tpu.memory_space<vmem>> -> memref<1x128xi32, #tpu.memory_space<vmem>>
      %dma_start3A_397 = tpu.memref_squeeze %dma_start3A_396 : memref<1x128xi32, #tpu.memory_space<vmem>> -> memref<128xi32, #tpu.memory_space<vmem>>
      %dma_start3A_398 = arith.constant 0 : i32
      %dma_start3A_399 = arith.constant 0 : i32
      %dma_start3A_400 = tpu.memref_slice %arg33[%dma_start3A_398, %dma_start3A_399] : memref<10240x32xf32, #tpu.memory_space<vmem_shared>> -> memref<10240x32xf32, #tpu.memory_space<vmem_shared>>
      tpu.enqueue_indirect_dma source(%arg12 : memref<128x32xf32, #tpu.memory_space<vmem>>) target(%dma_start3A_400 : memref<10240x32xf32, #tpu.memory_space<vmem_shared>>) offsets(%dma_start3A_397 : memref<128xi32, #tpu.memory_space<vmem>>) semaphore(%arg28 : memref<!tpu.dma_semaphore, #tpu.memory_space<semaphore_mem>>) {add = true}
      %add3A_401 = arith.constant 4 : i32
      %add3A_402 = arith.addi %add3A_388, %add3A_401 : i32
      %lt3A_403 = arith.constant 160 : i32
      %lt3A_404 = arith.cmpi slt, %add3A_402, %lt3A_403 : i32
      %convert_element_type3A_405 = arith.extui %lt3A_404 : i1 to i32
      %cond3A_406 = arith.constant 0 : i32
      %cond3A_407 = arith.cmpi ne, %convert_element_type3A_405, %cond3A_406 : i32
      scf.if %cond3A_407 {
        %ge3A = arith.constant 8 : i32
        %ge3A_500 = arith.cmpi sge, %add3A_402, %ge3A : i32
        %convert_element_type3A_501 = arith.extui %ge3A_500 : i1 to i32
        %cond3A_502 = arith.constant 0 : i32
        %cond3A_503 = arith.cmpi ne, %convert_element_type3A_501, %cond3A_502 : i32
        scf.if %cond3A_503 {
          %sub3A = arith.constant 8 : i32
          %sub3A_510 = arith.subi %add3A_402, %sub3A : i32
          %dma_wait3A_511 = arith.constant 0 : i32
          %dma_wait3A_512 = tpu.memref_slice %arg8[%sub3A_510, %dma_wait3A_511] : memref<160x128xi32, #tpu.memory_space<vmem>> -> memref<1x128xi32, #tpu.memory_space<vmem>>
          %dma_wait3A_513 = tpu.memref_squeeze %dma_wait3A_512 : memref<1x128xi32, #tpu.memory_space<vmem>> -> memref<128xi32, #tpu.memory_space<vmem>>
          %dma_wait3A_514 = arith.constant 0 : i32
          %dma_wait3A_515 = arith.constant 0 : i32
          %dma_wait3A_516 = tpu.memref_slice %arg33[%dma_wait3A_514, %dma_wait3A_515] : memref<10240x32xf32, #tpu.memory_space<vmem_shared>> -> memref<10240x32xf32, #tpu.memory_space<vmem_shared>>
          tpu.wait_indirect_dma semaphore(%arg32 : memref<!tpu.dma_semaphore, #tpu.memory_space<semaphore_mem>>) src(%arg16 : memref<128x32xf32, #tpu.memory_space<vmem>>) dst(%dma_wait3A_516 : memref<10240x32xf32, #tpu.memory_space<vmem_shared>>)
        } else {
        }
        %dma_start3A_504 = arith.constant 0 : i32
        %dma_start3A_505 = tpu.memref_slice %arg7[%add3A_402, %dma_start3A_504] : memref<160x128xi32, #tpu.memory_space<vmem>> -> memref<1x128xi32, #tpu.memory_space<vmem>>
        %dma_start3A_506 = tpu.memref_squeeze %dma_start3A_505 : memref<1x128xi32, #tpu.memory_space<vmem>> -> memref<128xi32, #tpu.memory_space<vmem>>
        %dma_start3A_507 = arith.constant 0 : i32
        %dma_start3A_508 = arith.constant 0 : i32
        %dma_start3A_509 = tpu.memref_slice %arg34[%dma_start3A_507, %dma_start3A_508] : memref<10240x32xf32, #tpu.memory_space<vmem_shared>> -> memref<10240x32xf32, #tpu.memory_space<vmem_shared>>
        tpu.enqueue_indirect_dma source(%dma_start3A_509 : memref<10240x32xf32, #tpu.memory_space<vmem_shared>>) target(%arg16 : memref<128x32xf32, #tpu.memory_space<vmem>>) offsets(%dma_start3A_506 : memref<128xi32, #tpu.memory_space<vmem>>) semaphore(%arg24 : memref<!tpu.dma_semaphore, #tpu.memory_space<semaphore_mem>>)
      } else {
      }
      %mul3A_408 = arith.constant 8 : i32
      %mul3A_409 = arith.muli %scan3A_318, %mul3A_408 : i32
      %add3A_410 = arith.constant 4 : i32
      %add3A_411 = arith.addi %mul3A_409, %add3A_410 : i32
      %dma_wait3A_412 = arith.constant 0 : i32
      %dma_wait3A_413 = tpu.memref_slice %arg7[%add3A_411, %dma_wait3A_412] : memref<160x128xi32, #tpu.memory_space<vmem>> -> memref<1x128xi32, #tpu.memory_space<vmem>>
      %dma_wait3A_414 = tpu.memref_squeeze %dma_wait3A_413 : memref<1x128xi32, #tpu.memory_space<vmem>> -> memref<128xi32, #tpu.memory_space<vmem>>
      %dma_wait3A_415 = arith.constant 0 : i32
      %dma_wait3A_416 = arith.constant 0 : i32
      %dma_wait3A_417 = tpu.memref_slice %arg34[%dma_wait3A_415, %dma_wait3A_416] : memref<10240x32xf32, #tpu.memory_space<vmem_shared>> -> memref<10240x32xf32, #tpu.memory_space<vmem_shared>>
      tpu.wait_indirect_dma semaphore(%arg21 : memref<!tpu.dma_semaphore, #tpu.memory_space<semaphore_mem>>) src(%dma_wait3A_417 : memref<10240x32xf32, #tpu.memory_space<vmem_shared>>) dst(%arg13 : memref<128x32xf32, #tpu.memory_space<vmem>>)
      %dma_start3A_418 = arith.constant 0 : i32
      %dma_start3A_419 = tpu.memref_slice %arg8[%add3A_411, %dma_start3A_418] : memref<160x128xi32, #tpu.memory_space<vmem>> -> memref<1x128xi32, #tpu.memory_space<vmem>>
      %dma_start3A_420 = tpu.memref_squeeze %dma_start3A_419 : memref<1x128xi32, #tpu.memory_space<vmem>> -> memref<128xi32, #tpu.memory_space<vmem>>
      %dma_start3A_421 = arith.constant 0 : i32
      %dma_start3A_422 = arith.constant 0 : i32
      %dma_start3A_423 = tpu.memref_slice %arg33[%dma_start3A_421, %dma_start3A_422] : memref<10240x32xf32, #tpu.memory_space<vmem_shared>> -> memref<10240x32xf32, #tpu.memory_space<vmem_shared>>
      tpu.enqueue_indirect_dma source(%arg13 : memref<128x32xf32, #tpu.memory_space<vmem>>) target(%dma_start3A_423 : memref<10240x32xf32, #tpu.memory_space<vmem_shared>>) offsets(%dma_start3A_420 : memref<128xi32, #tpu.memory_space<vmem>>) semaphore(%arg29 : memref<!tpu.dma_semaphore, #tpu.memory_space<semaphore_mem>>) {add = true}
      %add3A_424 = arith.constant 4 : i32
      %add3A_425 = arith.addi %add3A_411, %add3A_424 : i32
      %lt3A_426 = arith.constant 160 : i32
      %lt3A_427 = arith.cmpi slt, %add3A_425, %lt3A_426 : i32
      %convert_element_type3A_428 = arith.extui %lt3A_427 : i1 to i32
      %cond3A_429 = arith.constant 0 : i32
      %cond3A_430 = arith.cmpi ne, %convert_element_type3A_428, %cond3A_429 : i32
      scf.if %cond3A_430 {
        %ge3A = arith.constant 8 : i32
        %ge3A_500 = arith.cmpi sge, %add3A_425, %ge3A : i32
        %convert_element_type3A_501 = arith.extui %ge3A_500 : i1 to i32
        %cond3A_502 = arith.constant 0 : i32
        %cond3A_503 = arith.cmpi ne, %convert_element_type3A_501, %cond3A_502 : i32
        scf.if %cond3A_503 {
          %sub3A = arith.constant 8 : i32
          %sub3A_510 = arith.subi %add3A_425, %sub3A : i32
          %dma_wait3A_511 = arith.constant 0 : i32
          %dma_wait3A_512 = tpu.memref_slice %arg8[%sub3A_510, %dma_wait3A_511] : memref<160x128xi32, #tpu.memory_space<vmem>> -> memref<1x128xi32, #tpu.memory_space<vmem>>
          %dma_wait3A_513 = tpu.memref_squeeze %dma_wait3A_512 : memref<1x128xi32, #tpu.memory_space<vmem>> -> memref<128xi32, #tpu.memory_space<vmem>>
          %dma_wait3A_514 = arith.constant 0 : i32
          %dma_wait3A_515 = arith.constant 0 : i32
          %dma_wait3A_516 = tpu.memref_slice %arg33[%dma_wait3A_514, %dma_wait3A_515] : memref<10240x32xf32, #tpu.memory_space<vmem_shared>> -> memref<10240x32xf32, #tpu.memory_space<vmem_shared>>
          tpu.wait_indirect_dma semaphore(%arg25 : memref<!tpu.dma_semaphore, #tpu.memory_space<semaphore_mem>>) src(%arg9 : memref<128x32xf32, #tpu.memory_space<vmem>>) dst(%dma_wait3A_516 : memref<10240x32xf32, #tpu.memory_space<vmem_shared>>)
        } else {
        }
        %dma_start3A_504 = arith.constant 0 : i32
        %dma_start3A_505 = tpu.memref_slice %arg7[%add3A_425, %dma_start3A_504] : memref<160x128xi32, #tpu.memory_space<vmem>> -> memref<1x128xi32, #tpu.memory_space<vmem>>
        %dma_start3A_506 = tpu.memref_squeeze %dma_start3A_505 : memref<1x128xi32, #tpu.memory_space<vmem>> -> memref<128xi32, #tpu.memory_space<vmem>>
        %dma_start3A_507 = arith.constant 0 : i32
        %dma_start3A_508 = arith.constant 0 : i32
        %dma_start3A_509 = tpu.memref_slice %arg34[%dma_start3A_507, %dma_start3A_508] : memref<10240x32xf32, #tpu.memory_space<vmem_shared>> -> memref<10240x32xf32, #tpu.memory_space<vmem_shared>>
        tpu.enqueue_indirect_dma source(%dma_start3A_509 : memref<10240x32xf32, #tpu.memory_space<vmem_shared>>) target(%arg9 : memref<128x32xf32, #tpu.memory_space<vmem>>) offsets(%dma_start3A_506 : memref<128xi32, #tpu.memory_space<vmem>>) semaphore(%arg17 : memref<!tpu.dma_semaphore, #tpu.memory_space<semaphore_mem>>)
      } else {
      }
      %mul3A_431 = arith.constant 8 : i32
      %mul3A_432 = arith.muli %scan3A_318, %mul3A_431 : i32
      %add3A_433 = arith.constant 5 : i32
      %add3A_434 = arith.addi %mul3A_432, %add3A_433 : i32
      %dma_wait3A_435 = arith.constant 0 : i32
      %dma_wait3A_436 = tpu.memref_slice %arg7[%add3A_434, %dma_wait3A_435] : memref<160x128xi32, #tpu.memory_space<vmem>> -> memref<1x128xi32, #tpu.memory_space<vmem>>
      %dma_wait3A_437 = tpu.memref_squeeze %dma_wait3A_436 : memref<1x128xi32, #tpu.memory_space<vmem>> -> memref<128xi32, #tpu.memory_space<vmem>>
      %dma_wait3A_438 = arith.constant 0 : i32
      %dma_wait3A_439 = arith.constant 0 : i32
      %dma_wait3A_440 = tpu.memref_slice %arg34[%dma_wait3A_438, %dma_wait3A_439] : memref<10240x32xf32, #tpu.memory_space<vmem_shared>> -> memref<10240x32xf32, #tpu.memory_space<vmem_shared>>
      tpu.wait_indirect_dma semaphore(%arg22 : memref<!tpu.dma_semaphore, #tpu.memory_space<semaphore_mem>>) src(%dma_wait3A_440 : memref<10240x32xf32, #tpu.memory_space<vmem_shared>>) dst(%arg14 : memref<128x32xf32, #tpu.memory_space<vmem>>)
      %dma_start3A_441 = arith.constant 0 : i32
      %dma_start3A_442 = tpu.memref_slice %arg8[%add3A_434, %dma_start3A_441] : memref<160x128xi32, #tpu.memory_space<vmem>> -> memref<1x128xi32, #tpu.memory_space<vmem>>
      %dma_start3A_443 = tpu.memref_squeeze %dma_start3A_442 : memref<1x128xi32, #tpu.memory_space<vmem>> -> memref<128xi32, #tpu.memory_space<vmem>>
      %dma_start3A_444 = arith.constant 0 : i32
      %dma_start3A_445 = arith.constant 0 : i32
      %dma_start3A_446 = tpu.memref_slice %arg33[%dma_start3A_444, %dma_start3A_445] : memref<10240x32xf32, #tpu.memory_space<vmem_shared>> -> memref<10240x32xf32, #tpu.memory_space<vmem_shared>>
      tpu.enqueue_indirect_dma source(%arg14 : memref<128x32xf32, #tpu.memory_space<vmem>>) target(%dma_start3A_446 : memref<10240x32xf32, #tpu.memory_space<vmem_shared>>) offsets(%dma_start3A_443 : memref<128xi32, #tpu.memory_space<vmem>>) semaphore(%arg30 : memref<!tpu.dma_semaphore, #tpu.memory_space<semaphore_mem>>) {add = true}
      %add3A_447 = arith.constant 4 : i32
      %add3A_448 = arith.addi %add3A_434, %add3A_447 : i32
      %lt3A_449 = arith.constant 160 : i32
      %lt3A_450 = arith.cmpi slt, %add3A_448, %lt3A_449 : i32
      %convert_element_type3A_451 = arith.extui %lt3A_450 : i1 to i32
      %cond3A_452 = arith.constant 0 : i32
      %cond3A_453 = arith.cmpi ne, %convert_element_type3A_451, %cond3A_452 : i32
      scf.if %cond3A_453 {
        %ge3A = arith.constant 8 : i32
        %ge3A_500 = arith.cmpi sge, %add3A_448, %ge3A : i32
        %convert_element_type3A_501 = arith.extui %ge3A_500 : i1 to i32
        %cond3A_502 = arith.constant 0 : i32
        %cond3A_503 = arith.cmpi ne, %convert_element_type3A_501, %cond3A_502 : i32
        scf.if %cond3A_503 {
          %sub3A = arith.constant 8 : i32
          %sub3A_510 = arith.subi %add3A_448, %sub3A : i32
          %dma_wait3A_511 = arith.constant 0 : i32
          %dma_wait3A_512 = tpu.memref_slice %arg8[%sub3A_510, %dma_wait3A_511] : memref<160x128xi32, #tpu.memory_space<vmem>> -> memref<1x128xi32, #tpu.memory_space<vmem>>
          %dma_wait3A_513 = tpu.memref_squeeze %dma_wait3A_512 : memref<1x128xi32, #tpu.memory_space<vmem>> -> memref<128xi32, #tpu.memory_space<vmem>>
          %dma_wait3A_514 = arith.constant 0 : i32
          %dma_wait3A_515 = arith.constant 0 : i32
          %dma_wait3A_516 = tpu.memref_slice %arg33[%dma_wait3A_514, %dma_wait3A_515] : memref<10240x32xf32, #tpu.memory_space<vmem_shared>> -> memref<10240x32xf32, #tpu.memory_space<vmem_shared>>
          tpu.wait_indirect_dma semaphore(%arg26 : memref<!tpu.dma_semaphore, #tpu.memory_space<semaphore_mem>>) src(%arg10 : memref<128x32xf32, #tpu.memory_space<vmem>>) dst(%dma_wait3A_516 : memref<10240x32xf32, #tpu.memory_space<vmem_shared>>)
        } else {
        }
        %dma_start3A_504 = arith.constant 0 : i32
        %dma_start3A_505 = tpu.memref_slice %arg7[%add3A_448, %dma_start3A_504] : memref<160x128xi32, #tpu.memory_space<vmem>> -> memref<1x128xi32, #tpu.memory_space<vmem>>
        %dma_start3A_506 = tpu.memref_squeeze %dma_start3A_505 : memref<1x128xi32, #tpu.memory_space<vmem>> -> memref<128xi32, #tpu.memory_space<vmem>>
        %dma_start3A_507 = arith.constant 0 : i32
        %dma_start3A_508 = arith.constant 0 : i32
        %dma_start3A_509 = tpu.memref_slice %arg34[%dma_start3A_507, %dma_start3A_508] : memref<10240x32xf32, #tpu.memory_space<vmem_shared>> -> memref<10240x32xf32, #tpu.memory_space<vmem_shared>>
        tpu.enqueue_indirect_dma source(%dma_start3A_509 : memref<10240x32xf32, #tpu.memory_space<vmem_shared>>) target(%arg10 : memref<128x32xf32, #tpu.memory_space<vmem>>) offsets(%dma_start3A_506 : memref<128xi32, #tpu.memory_space<vmem>>) semaphore(%arg18 : memref<!tpu.dma_semaphore, #tpu.memory_space<semaphore_mem>>)
      } else {
      }
      %mul3A_454 = arith.constant 8 : i32
      %mul3A_455 = arith.muli %scan3A_318, %mul3A_454 : i32
      %add3A_456 = arith.constant 6 : i32
      %add3A_457 = arith.addi %mul3A_455, %add3A_456 : i32
      %dma_wait3A_458 = arith.constant 0 : i32
      %dma_wait3A_459 = tpu.memref_slice %arg7[%add3A_457, %dma_wait3A_458] : memref<160x128xi32, #tpu.memory_space<vmem>> -> memref<1x128xi32, #tpu.memory_space<vmem>>
      %dma_wait3A_460 = tpu.memref_squeeze %dma_wait3A_459 : memref<1x128xi32, #tpu.memory_space<vmem>> -> memref<128xi32, #tpu.memory_space<vmem>>
      %dma_wait3A_461 = arith.constant 0 : i32
      %dma_wait3A_462 = arith.constant 0 : i32
      %dma_wait3A_463 = tpu.memref_slice %arg34[%dma_wait3A_461, %dma_wait3A_462] : memref<10240x32xf32, #tpu.memory_space<vmem_shared>> -> memref<10240x32xf32, #tpu.memory_space<vmem_shared>>
      tpu.wait_indirect_dma semaphore(%arg23 : memref<!tpu.dma_semaphore, #tpu.memory_space<semaphore_mem>>) src(%dma_wait3A_463 : memref<10240x32xf32, #tpu.memory_space<vmem_shared>>) dst(%arg15 : memref<128x32xf32, #tpu.memory_space<vmem>>)
      %dma_start3A_464 = arith.constant 0 : i32
      %dma_start3A_465 = tpu.memref_slice %arg8[%add3A_457, %dma_start3A_464] : memref<160x128xi32, #tpu.memory_space<vmem>> -> memref<1x128xi32, #tpu.memory_space<vmem>>
      %dma_start3A_466 = tpu.memref_squeeze %dma_start3A_465 : memref<1x128xi32, #tpu.memory_space<vmem>> -> memref<128xi32, #tpu.memory_space<vmem>>
      %dma_start3A_467 = arith.constant 0 : i32
      %dma_start3A_468 = arith.constant 0 : i32
      %dma_start3A_469 = tpu.memref_slice %arg33[%dma_start3A_467, %dma_start3A_468] : memref<10240x32xf32, #tpu.memory_space<vmem_shared>> -> memref<10240x32xf32, #tpu.memory_space<vmem_shared>>
      tpu.enqueue_indirect_dma source(%arg15 : memref<128x32xf32, #tpu.memory_space<vmem>>) target(%dma_start3A_469 : memref<10240x32xf32, #tpu.memory_space<vmem_shared>>) offsets(%dma_start3A_466 : memref<128xi32, #tpu.memory_space<vmem>>) semaphore(%arg31 : memref<!tpu.dma_semaphore, #tpu.memory_space<semaphore_mem>>) {add = true}
      %add3A_470 = arith.constant 4 : i32
      %add3A_471 = arith.addi %add3A_457, %add3A_470 : i32
      %lt3A_472 = arith.constant 160 : i32
      %lt3A_473 = arith.cmpi slt, %add3A_471, %lt3A_472 : i32
      %convert_element_type3A_474 = arith.extui %lt3A_473 : i1 to i32
      %cond3A_475 = arith.constant 0 : i32
      %cond3A_476 = arith.cmpi ne, %convert_element_type3A_474, %cond3A_475 : i32
      scf.if %cond3A_476 {
        %ge3A = arith.constant 8 : i32
        %ge3A_500 = arith.cmpi sge, %add3A_471, %ge3A : i32
        %convert_element_type3A_501 = arith.extui %ge3A_500 : i1 to i32
        %cond3A_502 = arith.constant 0 : i32
        %cond3A_503 = arith.cmpi ne, %convert_element_type3A_501, %cond3A_502 : i32
        scf.if %cond3A_503 {
          %sub3A = arith.constant 8 : i32
          %sub3A_510 = arith.subi %add3A_471, %sub3A : i32
          %dma_wait3A_511 = arith.constant 0 : i32
          %dma_wait3A_512 = tpu.memref_slice %arg8[%sub3A_510, %dma_wait3A_511] : memref<160x128xi32, #tpu.memory_space<vmem>> -> memref<1x128xi32, #tpu.memory_space<vmem>>
          %dma_wait3A_513 = tpu.memref_squeeze %dma_wait3A_512 : memref<1x128xi32, #tpu.memory_space<vmem>> -> memref<128xi32, #tpu.memory_space<vmem>>
          %dma_wait3A_514 = arith.constant 0 : i32
          %dma_wait3A_515 = arith.constant 0 : i32
          %dma_wait3A_516 = tpu.memref_slice %arg33[%dma_wait3A_514, %dma_wait3A_515] : memref<10240x32xf32, #tpu.memory_space<vmem_shared>> -> memref<10240x32xf32, #tpu.memory_space<vmem_shared>>
          tpu.wait_indirect_dma semaphore(%arg27 : memref<!tpu.dma_semaphore, #tpu.memory_space<semaphore_mem>>) src(%arg11 : memref<128x32xf32, #tpu.memory_space<vmem>>) dst(%dma_wait3A_516 : memref<10240x32xf32, #tpu.memory_space<vmem_shared>>)
        } else {
        }
        %dma_start3A_504 = arith.constant 0 : i32
        %dma_start3A_505 = tpu.memref_slice %arg7[%add3A_471, %dma_start3A_504] : memref<160x128xi32, #tpu.memory_space<vmem>> -> memref<1x128xi32, #tpu.memory_space<vmem>>
        %dma_start3A_506 = tpu.memref_squeeze %dma_start3A_505 : memref<1x128xi32, #tpu.memory_space<vmem>> -> memref<128xi32, #tpu.memory_space<vmem>>
        %dma_start3A_507 = arith.constant 0 : i32
        %dma_start3A_508 = arith.constant 0 : i32
        %dma_start3A_509 = tpu.memref_slice %arg34[%dma_start3A_507, %dma_start3A_508] : memref<10240x32xf32, #tpu.memory_space<vmem_shared>> -> memref<10240x32xf32, #tpu.memory_space<vmem_shared>>
        tpu.enqueue_indirect_dma source(%dma_start3A_509 : memref<10240x32xf32, #tpu.memory_space<vmem_shared>>) target(%arg11 : memref<128x32xf32, #tpu.memory_space<vmem>>) offsets(%dma_start3A_506 : memref<128xi32, #tpu.memory_space<vmem>>) semaphore(%arg19 : memref<!tpu.dma_semaphore, #tpu.memory_space<semaphore_mem>>)
      } else {
      }
      %mul3A_477 = arith.constant 8 : i32
      %mul3A_478 = arith.muli %scan3A_318, %mul3A_477 : i32
      %add3A_479 = arith.constant 7 : i32
      %add3A_480 = arith.addi %mul3A_478, %add3A_479 : i32
      %dma_wait3A_481 = arith.constant 0 : i32
      %dma_wait3A_482 = tpu.memref_slice %arg7[%add3A_480, %dma_wait3A_481] : memref<160x128xi32, #tpu.memory_space<vmem>> -> memref<1x128xi32, #tpu.memory_space<vmem>>
      %dma_wait3A_483 = tpu.memref_squeeze %dma_wait3A_482 : memref<1x128xi32, #tpu.memory_space<vmem>> -> memref<128xi32, #tpu.memory_space<vmem>>
      %dma_wait3A_484 = arith.constant 0 : i32
      %dma_wait3A_485 = arith.constant 0 : i32
      %dma_wait3A_486 = tpu.memref_slice %arg34[%dma_wait3A_484, %dma_wait3A_485] : memref<10240x32xf32, #tpu.memory_space<vmem_shared>> -> memref<10240x32xf32, #tpu.memory_space<vmem_shared>>
      tpu.wait_indirect_dma semaphore(%arg24 : memref<!tpu.dma_semaphore, #tpu.memory_space<semaphore_mem>>) src(%dma_wait3A_486 : memref<10240x32xf32, #tpu.memory_space<vmem_shared>>) dst(%arg16 : memref<128x32xf32, #tpu.memory_space<vmem>>)
      %dma_start3A_487 = arith.constant 0 : i32
      %dma_start3A_488 = tpu.memref_slice %arg8[%add3A_480, %dma_start3A_487] : memref<160x128xi32, #tpu.memory_space<vmem>> -> memref<1x128xi32, #tpu.memory_space<vmem>>
      %dma_start3A_489 = tpu.memref_squeeze %dma_start3A_488 : memref<1x128xi32, #tpu.memory_space<vmem>> -> memref<128xi32, #tpu.memory_space<vmem>>
      %dma_start3A_490 = arith.constant 0 : i32
      %dma_start3A_491 = arith.constant 0 : i32
      %dma_start3A_492 = tpu.memref_slice %arg33[%dma_start3A_490, %dma_start3A_491] : memref<10240x32xf32, #tpu.memory_space<vmem_shared>> -> memref<10240x32xf32, #tpu.memory_space<vmem_shared>>
      tpu.enqueue_indirect_dma source(%arg16 : memref<128x32xf32, #tpu.memory_space<vmem>>) target(%dma_start3A_492 : memref<10240x32xf32, #tpu.memory_space<vmem_shared>>) offsets(%dma_start3A_489 : memref<128xi32, #tpu.memory_space<vmem>>) semaphore(%arg32 : memref<!tpu.dma_semaphore, #tpu.memory_space<semaphore_mem>>) {add = true}
      %add3A_493 = arith.constant 4 : i32
      %add3A_494 = arith.addi %add3A_480, %add3A_493 : i32
      %lt3A_495 = arith.constant 160 : i32
      %lt3A_496 = arith.cmpi slt, %add3A_494, %lt3A_495 : i32
      %convert_element_type3A_497 = arith.extui %lt3A_496 : i1 to i32
      %cond3A_498 = arith.constant 0 : i32
      %cond3A_499 = arith.cmpi ne, %convert_element_type3A_497, %cond3A_498 : i32
      scf.if %cond3A_499 {
        %ge3A = arith.constant 8 : i32
        %ge3A_500 = arith.cmpi sge, %add3A_494, %ge3A : i32
        %convert_element_type3A_501 = arith.extui %ge3A_500 : i1 to i32
        %cond3A_502 = arith.constant 0 : i32
        %cond3A_503 = arith.cmpi ne, %convert_element_type3A_501, %cond3A_502 : i32
        scf.if %cond3A_503 {
          %sub3A = arith.constant 8 : i32
          %sub3A_510 = arith.subi %add3A_494, %sub3A : i32
          %dma_wait3A_511 = arith.constant 0 : i32
          %dma_wait3A_512 = tpu.memref_slice %arg8[%sub3A_510, %dma_wait3A_511] : memref<160x128xi32, #tpu.memory_space<vmem>> -> memref<1x128xi32, #tpu.memory_space<vmem>>
          %dma_wait3A_513 = tpu.memref_squeeze %dma_wait3A_512 : memref<1x128xi32, #tpu.memory_space<vmem>> -> memref<128xi32, #tpu.memory_space<vmem>>
          %dma_wait3A_514 = arith.constant 0 : i32
          %dma_wait3A_515 = arith.constant 0 : i32
          %dma_wait3A_516 = tpu.memref_slice %arg33[%dma_wait3A_514, %dma_wait3A_515] : memref<10240x32xf32, #tpu.memory_space<vmem_shared>> -> memref<10240x32xf32, #tpu.memory_space<vmem_shared>>
          tpu.wait_indirect_dma semaphore(%arg28 : memref<!tpu.dma_semaphore, #tpu.memory_space<semaphore_mem>>) src(%arg12 : memref<128x32xf32, #tpu.memory_space<vmem>>) dst(%dma_wait3A_516 : memref<10240x32xf32, #tpu.memory_space<vmem_shared>>)
        } else {
        }
        %dma_start3A_504 = arith.constant 0 : i32
        %dma_start3A_505 = tpu.memref_slice %arg7[%add3A_494, %dma_start3A_504] : memref<160x128xi32, #tpu.memory_space<vmem>> -> memref<1x128xi32, #tpu.memory_space<vmem>>
        %dma_start3A_506 = tpu.memref_squeeze %dma_start3A_505 : memref<1x128xi32, #tpu.memory_space<vmem>> -> memref<128xi32, #tpu.memory_space<vmem>>
        %dma_start3A_507 = arith.constant 0 : i32
        %dma_start3A_508 = arith.constant 0 : i32
        %dma_start3A_509 = tpu.memref_slice %arg34[%dma_start3A_507, %dma_start3A_508] : memref<10240x32xf32, #tpu.memory_space<vmem_shared>> -> memref<10240x32xf32, #tpu.memory_space<vmem_shared>>
        tpu.enqueue_indirect_dma source(%dma_start3A_509 : memref<10240x32xf32, #tpu.memory_space<vmem_shared>>) target(%arg12 : memref<128x32xf32, #tpu.memory_space<vmem>>) offsets(%dma_start3A_506 : memref<128xi32, #tpu.memory_space<vmem>>) semaphore(%arg20 : memref<!tpu.dma_semaphore, #tpu.memory_space<semaphore_mem>>)
      } else {
      }
    }
    %scan3A_170 = arith.constant 20 : i32
    %dma_wait3A_171 = arith.constant 152 : i32
    %dma_wait3A_172 = arith.constant 0 : i32
    %dma_wait3A_173 = tpu.memref_slice %arg8[%dma_wait3A_171, %dma_wait3A_172] : memref<160x128xi32, #tpu.memory_space<vmem>> -> memref<1x128xi32, #tpu.memory_space<vmem>>
    %dma_wait3A_174 = tpu.memref_squeeze %dma_wait3A_173 : memref<1x128xi32, #tpu.memory_space<vmem>> -> memref<128xi32, #tpu.memory_space<vmem>>
    %dma_wait3A_175 = arith.constant 0 : i32
    %dma_wait3A_176 = arith.constant 0 : i32
    %dma_wait3A_177 = tpu.memref_slice %arg33[%dma_wait3A_175, %dma_wait3A_176] : memref<10240x32xf32, #tpu.memory_space<vmem_shared>> -> memref<10240x32xf32, #tpu.memory_space<vmem_shared>>
    tpu.wait_indirect_dma semaphore(%arg25 : memref<!tpu.dma_semaphore, #tpu.memory_space<semaphore_mem>>) src(%arg9 : memref<128x32xf32, #tpu.memory_space<vmem>>) dst(%dma_wait3A_177 : memref<10240x32xf32, #tpu.memory_space<vmem_shared>>)
    %dma_wait3A_178 = arith.constant 153 : i32
    %dma_wait3A_179 = arith.constant 0 : i32
    %dma_wait3A_180 = tpu.memref_slice %arg8[%dma_wait3A_178, %dma_wait3A_179] : memref<160x128xi32, #tpu.memory_space<vmem>> -> memref<1x128xi32, #tpu.memory_space<vmem>>
    %dma_wait3A_181 = tpu.memref_squeeze %dma_wait3A_180 : memref<1x128xi32, #tpu.memory_space<vmem>> -> memref<128xi32, #tpu.memory_space<vmem>>
    %dma_wait3A_182 = arith.constant 0 : i32
    %dma_wait3A_183 = arith.constant 0 : i32
    %dma_wait3A_184 = tpu.memref_slice %arg33[%dma_wait3A_182, %dma_wait3A_183] : memref<10240x32xf32, #tpu.memory_space<vmem_shared>> -> memref<10240x32xf32, #tpu.memory_space<vmem_shared>>
    tpu.wait_indirect_dma semaphore(%arg26 : memref<!tpu.dma_semaphore, #tpu.memory_space<semaphore_mem>>) src(%arg10 : memref<128x32xf32, #tpu.memory_space<vmem>>) dst(%dma_wait3A_184 : memref<10240x32xf32, #tpu.memory_space<vmem_shared>>)
    %dma_wait3A_185 = arith.constant 154 : i32
    %dma_wait3A_186 = arith.constant 0 : i32
    %dma_wait3A_187 = tpu.memref_slice %arg8[%dma_wait3A_185, %dma_wait3A_186] : memref<160x128xi32, #tpu.memory_space<vmem>> -> memref<1x128xi32, #tpu.memory_space<vmem>>
    %dma_wait3A_188 = tpu.memref_squeeze %dma_wait3A_187 : memref<1x128xi32, #tpu.memory_space<vmem>> -> memref<128xi32, #tpu.memory_space<vmem>>
    %dma_wait3A_189 = arith.constant 0 : i32
    %dma_wait3A_190 = arith.constant 0 : i32
    %dma_wait3A_191 = tpu.memref_slice %arg33[%dma_wait3A_189, %dma_wait3A_190] : memref<10240x32xf32, #tpu.memory_space<vmem_shared>> -> memref<10240x32xf32, #tpu.memory_space<vmem_shared>>
    tpu.wait_indirect_dma semaphore(%arg27 : memref<!tpu.dma_semaphore, #tpu.memory_space<semaphore_mem>>) src(%arg11 : memref<128x32xf32, #tpu.memory_space<vmem>>) dst(%dma_wait3A_191 : memref<10240x32xf32, #tpu.memory_space<vmem_shared>>)
    %dma_wait3A_192 = arith.constant 155 : i32
    %dma_wait3A_193 = arith.constant 0 : i32
    %dma_wait3A_194 = tpu.memref_slice %arg8[%dma_wait3A_192, %dma_wait3A_193] : memref<160x128xi32, #tpu.memory_space<vmem>> -> memref<1x128xi32, #tpu.memory_space<vmem>>
    %dma_wait3A_195 = tpu.memref_squeeze %dma_wait3A_194 : memref<1x128xi32, #tpu.memory_space<vmem>> -> memref<128xi32, #tpu.memory_space<vmem>>
    %dma_wait3A_196 = arith.constant 0 : i32
    %dma_wait3A_197 = arith.constant 0 : i32
    %dma_wait3A_198 = tpu.memref_slice %arg33[%dma_wait3A_196, %dma_wait3A_197] : memref<10240x32xf32, #tpu.memory_space<vmem_shared>> -> memref<10240x32xf32, #tpu.memory_space<vmem_shared>>
    tpu.wait_indirect_dma semaphore(%arg28 : memref<!tpu.dma_semaphore, #tpu.memory_space<semaphore_mem>>) src(%arg12 : memref<128x32xf32, #tpu.memory_space<vmem>>) dst(%dma_wait3A_198 : memref<10240x32xf32, #tpu.memory_space<vmem_shared>>)
    %dma_wait3A_199 = arith.constant 156 : i32
    %dma_wait3A_200 = arith.constant 0 : i32
    %dma_wait3A_201 = tpu.memref_slice %arg8[%dma_wait3A_199, %dma_wait3A_200] : memref<160x128xi32, #tpu.memory_space<vmem>> -> memref<1x128xi32, #tpu.memory_space<vmem>>
    %dma_wait3A_202 = tpu.memref_squeeze %dma_wait3A_201 : memref<1x128xi32, #tpu.memory_space<vmem>> -> memref<128xi32, #tpu.memory_space<vmem>>
    %dma_wait3A_203 = arith.constant 0 : i32
    %dma_wait3A_204 = arith.constant 0 : i32
    %dma_wait3A_205 = tpu.memref_slice %arg33[%dma_wait3A_203, %dma_wait3A_204] : memref<10240x32xf32, #tpu.memory_space<vmem_shared>> -> memref<10240x32xf32, #tpu.memory_space<vmem_shared>>
    tpu.wait_indirect_dma semaphore(%arg29 : memref<!tpu.dma_semaphore, #tpu.memory_space<semaphore_mem>>) src(%arg13 : memref<128x32xf32, #tpu.memory_space<vmem>>) dst(%dma_wait3A_205 : memref<10240x32xf32, #tpu.memory_space<vmem_shared>>)
    %dma_wait3A_206 = arith.constant 157 : i32
    %dma_wait3A_207 = arith.constant 0 : i32
    %dma_wait3A_208 = tpu.memref_slice %arg8[%dma_wait3A_206, %dma_wait3A_207] : memref<160x128xi32, #tpu.memory_space<vmem>> -> memref<1x128xi32, #tpu.memory_space<vmem>>
    %dma_wait3A_209 = tpu.memref_squeeze %dma_wait3A_208 : memref<1x128xi32, #tpu.memory_space<vmem>> -> memref<128xi32, #tpu.memory_space<vmem>>
    %dma_wait3A_210 = arith.constant 0 : i32
    %dma_wait3A_211 = arith.constant 0 : i32
    %dma_wait3A_212 = tpu.memref_slice %arg33[%dma_wait3A_210, %dma_wait3A_211] : memref<10240x32xf32, #tpu.memory_space<vmem_shared>> -> memref<10240x32xf32, #tpu.memory_space<vmem_shared>>
    tpu.wait_indirect_dma semaphore(%arg30 : memref<!tpu.dma_semaphore, #tpu.memory_space<semaphore_mem>>) src(%arg14 : memref<128x32xf32, #tpu.memory_space<vmem>>) dst(%dma_wait3A_212 : memref<10240x32xf32, #tpu.memory_space<vmem_shared>>)
    %dma_wait3A_213 = arith.constant 158 : i32
    %dma_wait3A_214 = arith.constant 0 : i32
    %dma_wait3A_215 = tpu.memref_slice %arg8[%dma_wait3A_213, %dma_wait3A_214] : memref<160x128xi32, #tpu.memory_space<vmem>> -> memref<1x128xi32, #tpu.memory_space<vmem>>
    %dma_wait3A_216 = tpu.memref_squeeze %dma_wait3A_215 : memref<1x128xi32, #tpu.memory_space<vmem>> -> memref<128xi32, #tpu.memory_space<vmem>>
    %dma_wait3A_217 = arith.constant 0 : i32
    %dma_wait3A_218 = arith.constant 0 : i32
    %dma_wait3A_219 = tpu.memref_slice %arg33[%dma_wait3A_217, %dma_wait3A_218] : memref<10240x32xf32, #tpu.memory_space<vmem_shared>> -> memref<10240x32xf32, #tpu.memory_space<vmem_shared>>
    tpu.wait_indirect_dma semaphore(%arg31 : memref<!tpu.dma_semaphore, #tpu.memory_space<semaphore_mem>>) src(%arg15 : memref<128x32xf32, #tpu.memory_space<vmem>>) dst(%dma_wait3A_219 : memref<10240x32xf32, #tpu.memory_space<vmem_shared>>)
    %dma_wait3A_220 = arith.constant 159 : i32
    %dma_wait3A_221 = arith.constant 0 : i32
    %dma_wait3A_222 = tpu.memref_slice %arg8[%dma_wait3A_220, %dma_wait3A_221] : memref<160x128xi32, #tpu.memory_space<vmem>> -> memref<1x128xi32, #tpu.memory_space<vmem>>
    %dma_wait3A_223 = tpu.memref_squeeze %dma_wait3A_222 : memref<1x128xi32, #tpu.memory_space<vmem>> -> memref<128xi32, #tpu.memory_space<vmem>>
    %dma_wait3A_224 = arith.constant 0 : i32
    %dma_wait3A_225 = arith.constant 0 : i32
    %dma_wait3A_226 = tpu.memref_slice %arg33[%dma_wait3A_224, %dma_wait3A_225] : memref<10240x32xf32, #tpu.memory_space<vmem_shared>> -> memref<10240x32xf32, #tpu.memory_space<vmem_shared>>
    tpu.wait_indirect_dma semaphore(%arg32 : memref<!tpu.dma_semaphore, #tpu.memory_space<semaphore_mem>>) src(%arg16 : memref<128x32xf32, #tpu.memory_space<vmem>>) dst(%dma_wait3A_226 : memref<10240x32xf32, #tpu.memory_space<vmem_shared>>)
    %barrier3A_227 = arith.constant 0 : index
    tpu.barrier barrier_id(%barrier3A_227)
    %mul3A_228 = arith.constant 640 : i32
    %mul3A_229 = arith.muli %arg1, %mul3A_228 : i32
    %add3A_230 = arith.constant 0 : i32
    %add3A_231 = arith.addi %mul3A_229, %add3A_230 : i32
    %dma_start3A_232 = arith.constant 0 : i32
    %dma_start3A_233 = tpu.memref_slice %arg6[%arg0, %add3A_231, %dma_start3A_232] : memref<2x10240x32xf32, #tpu.memory_space<hbm>> -> memref<1x128x32xf32, #tpu.memory_space<hbm>>
    %dma_start3A_234 = tpu.memref_squeeze %dma_start3A_233 : memref<1x128x32xf32, #tpu.memory_space<hbm>> -> memref<128x32xf32, #tpu.memory_space<hbm>>
    %dma_start3A_235 = arith.constant 0 : i32
    %dma_start3A_236 = tpu.memref_slice %arg33[%add3A_231, %dma_start3A_235] : memref<10240x32xf32, #tpu.memory_space<vmem_shared>> -> memref<128x32xf32, #tpu.memory_space<vmem_shared>>
    tpu.enqueue_dma source(%dma_start3A_236 : memref<128x32xf32, #tpu.memory_space<vmem_shared>>) target(%dma_start3A_234 : memref<128x32xf32, #tpu.memory_space<hbm>>) target_semaphore(%arg17 : memref<!tpu.dma_semaphore, #tpu.memory_space<semaphore_mem>>)
    %mul3A_237 = arith.constant 640 : i32
    %mul3A_238 = arith.muli %arg1, %mul3A_237 : i32
    %add3A_239 = arith.constant 128 : i32
    %add3A_240 = arith.addi %mul3A_238, %add3A_239 : i32
    %dma_start3A_241 = arith.constant 0 : i32
    %dma_start3A_242 = tpu.memref_slice %arg6[%arg0, %add3A_240, %dma_start3A_241] : memref<2x10240x32xf32, #tpu.memory_space<hbm>> -> memref<1x128x32xf32, #tpu.memory_space<hbm>>
    %dma_start3A_243 = tpu.memref_squeeze %dma_start3A_242 : memref<1x128x32xf32, #tpu.memory_space<hbm>> -> memref<128x32xf32, #tpu.memory_space<hbm>>
    %dma_start3A_244 = arith.constant 0 : i32
    %dma_start3A_245 = tpu.memref_slice %arg33[%add3A_240, %dma_start3A_244] : memref<10240x32xf32, #tpu.memory_space<vmem_shared>> -> memref<128x32xf32, #tpu.memory_space<vmem_shared>>
    tpu.enqueue_dma source(%dma_start3A_245 : memref<128x32xf32, #tpu.memory_space<vmem_shared>>) target(%dma_start3A_243 : memref<128x32xf32, #tpu.memory_space<hbm>>) target_semaphore(%arg18 : memref<!tpu.dma_semaphore, #tpu.memory_space<semaphore_mem>>)
    %mul3A_246 = arith.constant 640 : i32
    %mul3A_247 = arith.muli %arg1, %mul3A_246 : i32
    %add3A_248 = arith.constant 256 : i32
    %add3A_249 = arith.addi %mul3A_247, %add3A_248 : i32
    %dma_start3A_250 = arith.constant 0 : i32
    %dma_start3A_251 = tpu.memref_slice %arg6[%arg0, %add3A_249, %dma_start3A_250] : memref<2x10240x32xf32, #tpu.memory_space<hbm>> -> memref<1x128x32xf32, #tpu.memory_space<hbm>>
    %dma_start3A_252 = tpu.memref_squeeze %dma_start3A_251 : memref<1x128x32xf32, #tpu.memory_space<hbm>> -> memref<128x32xf32, #tpu.memory_space<hbm>>
    %dma_start3A_253 = arith.constant 0 : i32
    %dma_start3A_254 = tpu.memref_slice %arg33[%add3A_249, %dma_start3A_253] : memref<10240x32xf32, #tpu.memory_space<vmem_shared>> -> memref<128x32xf32, #tpu.memory_space<vmem_shared>>
    tpu.enqueue_dma source(%dma_start3A_254 : memref<128x32xf32, #tpu.memory_space<vmem_shared>>) target(%dma_start3A_252 : memref<128x32xf32, #tpu.memory_space<hbm>>) target_semaphore(%arg19 : memref<!tpu.dma_semaphore, #tpu.memory_space<semaphore_mem>>)
    %mul3A_255 = arith.constant 640 : i32
    %mul3A_256 = arith.muli %arg1, %mul3A_255 : i32
    %add3A_257 = arith.constant 384 : i32
    %add3A_258 = arith.addi %mul3A_256, %add3A_257 : i32
    %dma_start3A_259 = arith.constant 0 : i32
    %dma_start3A_260 = tpu.memref_slice %arg6[%arg0, %add3A_258, %dma_start3A_259] : memref<2x10240x32xf32, #tpu.memory_space<hbm>> -> memref<1x128x32xf32, #tpu.memory_space<hbm>>
    %dma_start3A_261 = tpu.memref_squeeze %dma_start3A_260 : memref<1x128x32xf32, #tpu.memory_space<hbm>> -> memref<128x32xf32, #tpu.memory_space<hbm>>
    %dma_start3A_262 = arith.constant 0 : i32
    %dma_start3A_263 = tpu.memref_slice %arg33[%add3A_258, %dma_start3A_262] : memref<10240x32xf32, #tpu.memory_space<vmem_shared>> -> memref<128x32xf32, #tpu.memory_space<vmem_shared>>
    tpu.enqueue_dma source(%dma_start3A_263 : memref<128x32xf32, #tpu.memory_space<vmem_shared>>) target(%dma_start3A_261 : memref<128x32xf32, #tpu.memory_space<hbm>>) target_semaphore(%arg20 : memref<!tpu.dma_semaphore, #tpu.memory_space<semaphore_mem>>)
    %mul3A_264 = arith.constant 640 : i32
    %mul3A_265 = arith.muli %arg1, %mul3A_264 : i32
    %add3A_266 = arith.constant 512 : i32
    %add3A_267 = arith.addi %mul3A_265, %add3A_266 : i32
    %dma_start3A_268 = arith.constant 0 : i32
    %dma_start3A_269 = tpu.memref_slice %arg6[%arg0, %add3A_267, %dma_start3A_268] : memref<2x10240x32xf32, #tpu.memory_space<hbm>> -> memref<1x128x32xf32, #tpu.memory_space<hbm>>
    %dma_start3A_270 = tpu.memref_squeeze %dma_start3A_269 : memref<1x128x32xf32, #tpu.memory_space<hbm>> -> memref<128x32xf32, #tpu.memory_space<hbm>>
    %dma_start3A_271 = arith.constant 0 : i32
    %dma_start3A_272 = tpu.memref_slice %arg33[%add3A_267, %dma_start3A_271] : memref<10240x32xf32, #tpu.memory_space<vmem_shared>> -> memref<128x32xf32, #tpu.memory_space<vmem_shared>>
    tpu.enqueue_dma source(%dma_start3A_272 : memref<128x32xf32, #tpu.memory_space<vmem_shared>>) target(%dma_start3A_270 : memref<128x32xf32, #tpu.memory_space<hbm>>) target_semaphore(%arg21 : memref<!tpu.dma_semaphore, #tpu.memory_space<semaphore_mem>>)
    %mul3A_273 = arith.constant 640 : i32
    %mul3A_274 = arith.muli %arg1, %mul3A_273 : i32
    %add3A_275 = arith.constant 0 : i32
    %add3A_276 = arith.addi %mul3A_274, %add3A_275 : i32
    %dma_wait3A_277 = arith.constant 0 : i32
    %dma_wait3A_278 = tpu.memref_slice %arg6[%arg0, %add3A_276, %dma_wait3A_277] : memref<2x10240x32xf32, #tpu.memory_space<hbm>> -> memref<1x128x32xf32, #tpu.memory_space<hbm>>
    %dma_wait3A_279 = tpu.memref_squeeze %dma_wait3A_278 : memref<1x128x32xf32, #tpu.memory_space<hbm>> -> memref<128x32xf32, #tpu.memory_space<hbm>>
    %dma_wait3A_280 = arith.constant 0 : i32
    %dma_wait3A_281 = tpu.memref_slice %arg33[%add3A_276, %dma_wait3A_280] : memref<10240x32xf32, #tpu.memory_space<vmem_shared>> -> memref<128x32xf32, #tpu.memory_space<vmem_shared>>
    tpu.wait_dma2 semaphore(%arg17 : memref<!tpu.dma_semaphore, #tpu.memory_space<semaphore_mem>>) src(%dma_wait3A_281 : memref<128x32xf32, #tpu.memory_space<vmem_shared>>) dst(%dma_wait3A_279 : memref<128x32xf32, #tpu.memory_space<hbm>>)
    %mul3A_282 = arith.constant 640 : i32
    %mul3A_283 = arith.muli %arg1, %mul3A_282 : i32
    %add3A_284 = arith.constant 128 : i32
    %add3A_285 = arith.addi %mul3A_283, %add3A_284 : i32
    %dma_wait3A_286 = arith.constant 0 : i32
    %dma_wait3A_287 = tpu.memref_slice %arg6[%arg0, %add3A_285, %dma_wait3A_286] : memref<2x10240x32xf32, #tpu.memory_space<hbm>> -> memref<1x128x32xf32, #tpu.memory_space<hbm>>
    %dma_wait3A_288 = tpu.memref_squeeze %dma_wait3A_287 : memref<1x128x32xf32, #tpu.memory_space<hbm>> -> memref<128x32xf32, #tpu.memory_space<hbm>>
    %dma_wait3A_289 = arith.constant 0 : i32
    %dma_wait3A_290 = tpu.memref_slice %arg33[%add3A_285, %dma_wait3A_289] : memref<10240x32xf32, #tpu.memory_space<vmem_shared>> -> memref<128x32xf32, #tpu.memory_space<vmem_shared>>
    tpu.wait_dma2 semaphore(%arg18 : memref<!tpu.dma_semaphore, #tpu.memory_space<semaphore_mem>>) src(%dma_wait3A_290 : memref<128x32xf32, #tpu.memory_space<vmem_shared>>) dst(%dma_wait3A_288 : memref<128x32xf32, #tpu.memory_space<hbm>>)
    %mul3A_291 = arith.constant 640 : i32
    %mul3A_292 = arith.muli %arg1, %mul3A_291 : i32
    %add3A_293 = arith.constant 256 : i32
    %add3A_294 = arith.addi %mul3A_292, %add3A_293 : i32
    %dma_wait3A_295 = arith.constant 0 : i32
    %dma_wait3A_296 = tpu.memref_slice %arg6[%arg0, %add3A_294, %dma_wait3A_295] : memref<2x10240x32xf32, #tpu.memory_space<hbm>> -> memref<1x128x32xf32, #tpu.memory_space<hbm>>
    %dma_wait3A_297 = tpu.memref_squeeze %dma_wait3A_296 : memref<1x128x32xf32, #tpu.memory_space<hbm>> -> memref<128x32xf32, #tpu.memory_space<hbm>>
    %dma_wait3A_298 = arith.constant 0 : i32
    %dma_wait3A_299 = tpu.memref_slice %arg33[%add3A_294, %dma_wait3A_298] : memref<10240x32xf32, #tpu.memory_space<vmem_shared>> -> memref<128x32xf32, #tpu.memory_space<vmem_shared>>
    tpu.wait_dma2 semaphore(%arg19 : memref<!tpu.dma_semaphore, #tpu.memory_space<semaphore_mem>>) src(%dma_wait3A_299 : memref<128x32xf32, #tpu.memory_space<vmem_shared>>) dst(%dma_wait3A_297 : memref<128x32xf32, #tpu.memory_space<hbm>>)
    %mul3A_300 = arith.constant 640 : i32
    %mul3A_301 = arith.muli %arg1, %mul3A_300 : i32
    %add3A_302 = arith.constant 384 : i32
    %add3A_303 = arith.addi %mul3A_301, %add3A_302 : i32
    %dma_wait3A_304 = arith.constant 0 : i32
    %dma_wait3A_305 = tpu.memref_slice %arg6[%arg0, %add3A_303, %dma_wait3A_304] : memref<2x10240x32xf32, #tpu.memory_space<hbm>> -> memref<1x128x32xf32, #tpu.memory_space<hbm>>
    %dma_wait3A_306 = tpu.memref_squeeze %dma_wait3A_305 : memref<1x128x32xf32, #tpu.memory_space<hbm>> -> memref<128x32xf32, #tpu.memory_space<hbm>>
    %dma_wait3A_307 = arith.constant 0 : i32
    %dma_wait3A_308 = tpu.memref_slice %arg33[%add3A_303, %dma_wait3A_307] : memref<10240x32xf32, #tpu.memory_space<vmem_shared>> -> memref<128x32xf32, #tpu.memory_space<vmem_shared>>
    tpu.wait_dma2 semaphore(%arg20 : memref<!tpu.dma_semaphore, #tpu.memory_space<semaphore_mem>>) src(%dma_wait3A_308 : memref<128x32xf32, #tpu.memory_space<vmem_shared>>) dst(%dma_wait3A_306 : memref<128x32xf32, #tpu.memory_space<hbm>>)
    %mul3A_309 = arith.constant 640 : i32
    %mul3A_310 = arith.muli %arg1, %mul3A_309 : i32
    %add3A_311 = arith.constant 512 : i32
    %add3A_312 = arith.addi %mul3A_310, %add3A_311 : i32
    %dma_wait3A_313 = arith.constant 0 : i32
    %dma_wait3A_314 = tpu.memref_slice %arg6[%arg0, %add3A_312, %dma_wait3A_313] : memref<2x10240x32xf32, #tpu.memory_space<hbm>> -> memref<1x128x32xf32, #tpu.memory_space<hbm>>
    %dma_wait3A_315 = tpu.memref_squeeze %dma_wait3A_314 : memref<1x128x32xf32, #tpu.memory_space<hbm>> -> memref<128x32xf32, #tpu.memory_space<hbm>>
    %dma_wait3A_316 = arith.constant 0 : i32
    %dma_wait3A_317 = tpu.memref_slice %arg33[%add3A_312, %dma_wait3A_316] : memref<10240x32xf32, #tpu.memory_space<vmem_shared>> -> memref<128x32xf32, #tpu.memory_space<vmem_shared>>
    tpu.wait_dma2 semaphore(%arg21 : memref<!tpu.dma_semaphore, #tpu.memory_space<semaphore_mem>>) src(%dma_wait3A_317 : memref<128x32xf32, #tpu.memory_space<vmem_shared>>) dst(%dma_wait3A_315 : memref<128x32xf32, #tpu.memory_space<hbm>>)
    return
  }
}

#map = affine_map<(d0, d1) -> (0, 0, 0)>
#map1 = affine_map<(d0, d1) -> (0, 0)>
module attributes {stable_mosaic.version = 14 : i64} {
  func.func @_deg_sc(%arg0: i32, %arg1: i32, %arg2: memref<32x80x128xi32, #tpu.memory_space<hbm>>, %arg3: memref<128x16xf32, #tpu.memory_space<hbm>>, %arg4: memref<128x16xf32, #tpu.memory_space<hbm>>, %arg5: memref<2x10240x16xf32, #tpu.memory_space<hbm>>, %arg6: memref<80x128xi32, #tpu.memory_space<vmem>>, %arg7: memref<128x16xf32, #tpu.memory_space<vmem>>, %arg8: memref<!tpu.dma_semaphore, #tpu.memory_space<semaphore_mem>>, %arg9: memref<!tpu.dma_semaphore, #tpu.memory_space<semaphore_mem>>, %arg10: memref<!tpu.dma_semaphore, #tpu.memory_space<semaphore_mem>>, %arg11: memref<!tpu.dma_semaphore, #tpu.memory_space<semaphore_mem>>, %arg12: memref<!tpu.dma_semaphore, #tpu.memory_space<semaphore_mem>>, %arg13: memref<!tpu.dma_semaphore, #tpu.memory_space<semaphore_mem>>, %arg14: memref<!tpu.dma_semaphore, #tpu.memory_space<semaphore_mem>>, %arg15: memref<!tpu.dma_semaphore, #tpu.memory_space<semaphore_mem>>, %arg16: memref<10240x16xf32, #tpu.memory_space<vmem_shared>>) attributes {dimension_semantics = [#tpu.dimension_semantics<core_parallel>, #tpu.dimension_semantics<subcore_parallel>], iteration_bounds = array<i64: 2, 16>, scalar_prefetch = 0 : i64, scratch_operands = 11 : i64, tpu.core_type = #tpu.core_type<sc_vector_subcore>, window_params = [{transform_indices = #map}, {transform_indices = #map1}, {transform_indices = #map1}, {transform_indices = #map}]} {
    %mul3A = arith.constant 2 : i32
    %mul3A_0 = arith.muli %arg1, %mul3A : i32
    %add3A = arith.addi %mul3A_0, %arg0 : i32
    %mul3A_1 = arith.constant 640 : i32
    %mul3A_2 = arith.muli %arg1, %mul3A_1 : i32
    %add3A_3 = arith.constant 0 : i32
    %add3A_4 = arith.addi %mul3A_2, %add3A_3 : i32
    %dma_start3A = arith.constant 0 : i32
    %dma_start3A_5 = tpu.memref_slice %arg16[%add3A_4, %dma_start3A] : memref<10240x16xf32, #tpu.memory_space<vmem_shared>> -> memref<128x16xf32, #tpu.memory_space<vmem_shared>>
    tpu.enqueue_dma source(%arg3 : memref<128x16xf32, #tpu.memory_space<hbm>>) target(%dma_start3A_5 : memref<128x16xf32, #tpu.memory_space<vmem_shared>>) target_semaphore(%arg8 : memref<!tpu.dma_semaphore, #tpu.memory_space<semaphore_mem>>)
    %mul3A_6 = arith.constant 640 : i32
    %mul3A_7 = arith.muli %arg1, %mul3A_6 : i32
    %add3A_8 = arith.constant 128 : i32
    %add3A_9 = arith.addi %mul3A_7, %add3A_8 : i32
    %dma_start3A_10 = arith.constant 0 : i32
    %dma_start3A_11 = tpu.memref_slice %arg16[%add3A_9, %dma_start3A_10] : memref<10240x16xf32, #tpu.memory_space<vmem_shared>> -> memref<128x16xf32, #tpu.memory_space<vmem_shared>>
    tpu.enqueue_dma source(%arg3 : memref<128x16xf32, #tpu.memory_space<hbm>>) target(%dma_start3A_11 : memref<128x16xf32, #tpu.memory_space<vmem_shared>>) target_semaphore(%arg9 : memref<!tpu.dma_semaphore, #tpu.memory_space<semaphore_mem>>)
    %mul3A_12 = arith.constant 640 : i32
    %mul3A_13 = arith.muli %arg1, %mul3A_12 : i32
    %add3A_14 = arith.constant 256 : i32
    %add3A_15 = arith.addi %mul3A_13, %add3A_14 : i32
    %dma_start3A_16 = arith.constant 0 : i32
    %dma_start3A_17 = tpu.memref_slice %arg16[%add3A_15, %dma_start3A_16] : memref<10240x16xf32, #tpu.memory_space<vmem_shared>> -> memref<128x16xf32, #tpu.memory_space<vmem_shared>>
    tpu.enqueue_dma source(%arg3 : memref<128x16xf32, #tpu.memory_space<hbm>>) target(%dma_start3A_17 : memref<128x16xf32, #tpu.memory_space<vmem_shared>>) target_semaphore(%arg10 : memref<!tpu.dma_semaphore, #tpu.memory_space<semaphore_mem>>)
    %mul3A_18 = arith.constant 640 : i32
    %mul3A_19 = arith.muli %arg1, %mul3A_18 : i32
    %add3A_20 = arith.constant 384 : i32
    %add3A_21 = arith.addi %mul3A_19, %add3A_20 : i32
    %dma_start3A_22 = arith.constant 0 : i32
    %dma_start3A_23 = tpu.memref_slice %arg16[%add3A_21, %dma_start3A_22] : memref<10240x16xf32, #tpu.memory_space<vmem_shared>> -> memref<128x16xf32, #tpu.memory_space<vmem_shared>>
    tpu.enqueue_dma source(%arg3 : memref<128x16xf32, #tpu.memory_space<hbm>>) target(%dma_start3A_23 : memref<128x16xf32, #tpu.memory_space<vmem_shared>>) target_semaphore(%arg11 : memref<!tpu.dma_semaphore, #tpu.memory_space<semaphore_mem>>)
    %mul3A_24 = arith.constant 640 : i32
    %mul3A_25 = arith.muli %arg1, %mul3A_24 : i32
    %add3A_26 = arith.constant 512 : i32
    %add3A_27 = arith.addi %mul3A_25, %add3A_26 : i32
    %dma_start3A_28 = arith.constant 0 : i32
    %dma_start3A_29 = tpu.memref_slice %arg16[%add3A_27, %dma_start3A_28] : memref<10240x16xf32, #tpu.memory_space<vmem_shared>> -> memref<128x16xf32, #tpu.memory_space<vmem_shared>>
    tpu.enqueue_dma source(%arg3 : memref<128x16xf32, #tpu.memory_space<hbm>>) target(%dma_start3A_29 : memref<128x16xf32, #tpu.memory_space<vmem_shared>>) target_semaphore(%arg12 : memref<!tpu.dma_semaphore, #tpu.memory_space<semaphore_mem>>)
    tpu.enqueue_dma source(%arg4 : memref<128x16xf32, #tpu.memory_space<hbm>>) target(%arg7 : memref<128x16xf32, #tpu.memory_space<vmem>>) target_semaphore(%arg13 : memref<!tpu.dma_semaphore, #tpu.memory_space<semaphore_mem>>)
    %dma_start3A_30 = arith.constant 0 : i32
    %dma_start3A_31 = arith.constant 0 : i32
    %dma_start3A_32 = tpu.memref_slice %arg2[%add3A, %dma_start3A_30, %dma_start3A_31] : memref<32x80x128xi32, #tpu.memory_space<hbm>> -> memref<1x80x128xi32, #tpu.memory_space<hbm>>
    %dma_start3A_33 = tpu.memref_squeeze %dma_start3A_32 : memref<1x80x128xi32, #tpu.memory_space<hbm>> -> memref<80x128xi32, #tpu.memory_space<hbm>>
    %dma_start3A_34 = arith.constant 0 : i32
    %dma_start3A_35 = arith.constant 0 : i32
    %dma_start3A_36 = tpu.memref_slice %arg2[%add3A, %dma_start3A_34, %dma_start3A_35] : memref<32x80x128xi32, #tpu.memory_space<hbm>> -> memref<1x80x128xi32, #tpu.memory_space<hbm>>
    %dma_start3A_37 = tpu.memref_squeeze %dma_start3A_36 : memref<1x80x128xi32, #tpu.memory_space<hbm>> -> memref<80x128xi32, #tpu.memory_space<hbm>>
    tpu.enqueue_dma source(%dma_start3A_37 : memref<80x128xi32, #tpu.memory_space<hbm>>) target(%arg6 : memref<80x128xi32, #tpu.memory_space<vmem>>) target_semaphore(%arg14 : memref<!tpu.dma_semaphore, #tpu.memory_space<semaphore_mem>>)
    %mul3A_38 = arith.constant 640 : i32
    %mul3A_39 = arith.muli %arg1, %mul3A_38 : i32
    %add3A_40 = arith.constant 0 : i32
    %add3A_41 = arith.addi %mul3A_39, %add3A_40 : i32
    %dma_wait3A = arith.constant 0 : i32
    %dma_wait3A_42 = tpu.memref_slice %arg16[%add3A_41, %dma_wait3A] : memref<10240x16xf32, #tpu.memory_space<vmem_shared>> -> memref<128x16xf32, #tpu.memory_space<vmem_shared>>
    tpu.wait_dma2 semaphore(%arg8 : memref<!tpu.dma_semaphore, #tpu.memory_space<semaphore_mem>>) src(%arg3 : memref<128x16xf32, #tpu.memory_space<hbm>>) dst(%dma_wait3A_42 : memref<128x16xf32, #tpu.memory_space<vmem_shared>>)
    %mul3A_43 = arith.constant 640 : i32
    %mul3A_44 = arith.muli %arg1, %mul3A_43 : i32
    %add3A_45 = arith.constant 128 : i32
    %add3A_46 = arith.addi %mul3A_44, %add3A_45 : i32
    %dma_wait3A_47 = arith.constant 0 : i32
    %dma_wait3A_48 = tpu.memref_slice %arg16[%add3A_46, %dma_wait3A_47] : memref<10240x16xf32, #tpu.memory_space<vmem_shared>> -> memref<128x16xf32, #tpu.memory_space<vmem_shared>>
    tpu.wait_dma2 semaphore(%arg9 : memref<!tpu.dma_semaphore, #tpu.memory_space<semaphore_mem>>) src(%arg3 : memref<128x16xf32, #tpu.memory_space<hbm>>) dst(%dma_wait3A_48 : memref<128x16xf32, #tpu.memory_space<vmem_shared>>)
    %mul3A_49 = arith.constant 640 : i32
    %mul3A_50 = arith.muli %arg1, %mul3A_49 : i32
    %add3A_51 = arith.constant 256 : i32
    %add3A_52 = arith.addi %mul3A_50, %add3A_51 : i32
    %dma_wait3A_53 = arith.constant 0 : i32
    %dma_wait3A_54 = tpu.memref_slice %arg16[%add3A_52, %dma_wait3A_53] : memref<10240x16xf32, #tpu.memory_space<vmem_shared>> -> memref<128x16xf32, #tpu.memory_space<vmem_shared>>
    tpu.wait_dma2 semaphore(%arg10 : memref<!tpu.dma_semaphore, #tpu.memory_space<semaphore_mem>>) src(%arg3 : memref<128x16xf32, #tpu.memory_space<hbm>>) dst(%dma_wait3A_54 : memref<128x16xf32, #tpu.memory_space<vmem_shared>>)
    %mul3A_55 = arith.constant 640 : i32
    %mul3A_56 = arith.muli %arg1, %mul3A_55 : i32
    %add3A_57 = arith.constant 384 : i32
    %add3A_58 = arith.addi %mul3A_56, %add3A_57 : i32
    %dma_wait3A_59 = arith.constant 0 : i32
    %dma_wait3A_60 = tpu.memref_slice %arg16[%add3A_58, %dma_wait3A_59] : memref<10240x16xf32, #tpu.memory_space<vmem_shared>> -> memref<128x16xf32, #tpu.memory_space<vmem_shared>>
    tpu.wait_dma2 semaphore(%arg11 : memref<!tpu.dma_semaphore, #tpu.memory_space<semaphore_mem>>) src(%arg3 : memref<128x16xf32, #tpu.memory_space<hbm>>) dst(%dma_wait3A_60 : memref<128x16xf32, #tpu.memory_space<vmem_shared>>)
    %mul3A_61 = arith.constant 640 : i32
    %mul3A_62 = arith.muli %arg1, %mul3A_61 : i32
    %add3A_63 = arith.constant 512 : i32
    %add3A_64 = arith.addi %mul3A_62, %add3A_63 : i32
    %dma_wait3A_65 = arith.constant 0 : i32
    %dma_wait3A_66 = tpu.memref_slice %arg16[%add3A_64, %dma_wait3A_65] : memref<10240x16xf32, #tpu.memory_space<vmem_shared>> -> memref<128x16xf32, #tpu.memory_space<vmem_shared>>
    tpu.wait_dma2 semaphore(%arg12 : memref<!tpu.dma_semaphore, #tpu.memory_space<semaphore_mem>>) src(%arg3 : memref<128x16xf32, #tpu.memory_space<hbm>>) dst(%dma_wait3A_66 : memref<128x16xf32, #tpu.memory_space<vmem_shared>>)
    tpu.wait_dma2 semaphore(%arg13 : memref<!tpu.dma_semaphore, #tpu.memory_space<semaphore_mem>>) src(%arg4 : memref<128x16xf32, #tpu.memory_space<hbm>>) dst(%arg7 : memref<128x16xf32, #tpu.memory_space<vmem>>)
    %dma_wait3A_67 = arith.constant 0 : i32
    %dma_wait3A_68 = arith.constant 0 : i32
    %dma_wait3A_69 = tpu.memref_slice %arg2[%add3A, %dma_wait3A_67, %dma_wait3A_68] : memref<32x80x128xi32, #tpu.memory_space<hbm>> -> memref<1x80x128xi32, #tpu.memory_space<hbm>>
    %dma_wait3A_70 = tpu.memref_squeeze %dma_wait3A_69 : memref<1x80x128xi32, #tpu.memory_space<hbm>> -> memref<80x128xi32, #tpu.memory_space<hbm>>
    %dma_wait3A_71 = arith.constant 0 : i32
    %dma_wait3A_72 = arith.constant 0 : i32
    %dma_wait3A_73 = tpu.memref_slice %arg2[%add3A, %dma_wait3A_71, %dma_wait3A_72] : memref<32x80x128xi32, #tpu.memory_space<hbm>> -> memref<1x80x128xi32, #tpu.memory_space<hbm>>
    %dma_wait3A_74 = tpu.memref_squeeze %dma_wait3A_73 : memref<1x80x128xi32, #tpu.memory_space<hbm>> -> memref<80x128xi32, #tpu.memory_space<hbm>>
    tpu.wait_dma2 semaphore(%arg14 : memref<!tpu.dma_semaphore, #tpu.memory_space<semaphore_mem>>) src(%dma_wait3A_74 : memref<80x128xi32, #tpu.memory_space<hbm>>) dst(%arg6 : memref<80x128xi32, #tpu.memory_space<vmem>>)
    %barrier3A = arith.constant 0 : index
    tpu.barrier barrier_id(%barrier3A)
    %scan3A = arith.constant 0 : i32
    %scan3A_75 = arith.constant 0 : i32
    %scan3A_76 = arith.constant 10 : i32
    %scan3A_77 = arith.addi %scan3A_75, %scan3A_76 : i32
    %scan3A_78 = arith.constant 1 : i32
    scf.for %scan3A_227 = %scan3A_75 to %scan3A_77 step %scan3A_78  : i32 {
      %mul3A_228 = arith.constant 8 : i32
      %mul3A_229 = arith.muli %scan3A_227, %mul3A_228 : i32
      %add3A_230 = arith.constant 0 : i32
      %add3A_231 = arith.addi %mul3A_229, %add3A_230 : i32
      %ge3A = arith.constant 8 : i32
      %ge3A_232 = arith.cmpi sge, %add3A_231, %ge3A : i32
      %convert_element_type3A = arith.extui %ge3A_232 : i1 to i32
      %cond3A = arith.constant 0 : i32
      %cond3A_233 = arith.cmpi ne, %convert_element_type3A, %cond3A : i32
      scf.if %cond3A_233 {
        %sub3A = arith.constant 8 : i32
        %sub3A_345 = arith.subi %add3A_231, %sub3A : i32
        %dma_wait3A_346 = arith.constant 0 : i32
        %dma_wait3A_347 = tpu.memref_slice %arg6[%sub3A_345, %dma_wait3A_346] : memref<80x128xi32, #tpu.memory_space<vmem>> -> memref<1x128xi32, #tpu.memory_space<vmem>>
        %dma_wait3A_348 = tpu.memref_squeeze %dma_wait3A_347 : memref<1x128xi32, #tpu.memory_space<vmem>> -> memref<128xi32, #tpu.memory_space<vmem>>
        %dma_wait3A_349 = arith.constant 0 : i32
        %dma_wait3A_350 = arith.constant 0 : i32
        %dma_wait3A_351 = tpu.memref_slice %arg16[%dma_wait3A_349, %dma_wait3A_350] : memref<10240x16xf32, #tpu.memory_space<vmem_shared>> -> memref<10240x16xf32, #tpu.memory_space<vmem_shared>>
        tpu.wait_indirect_dma semaphore(%arg8 : memref<!tpu.dma_semaphore, #tpu.memory_space<semaphore_mem>>) src(%arg7 : memref<128x16xf32, #tpu.memory_space<vmem>>) dst(%dma_wait3A_351 : memref<10240x16xf32, #tpu.memory_space<vmem_shared>>)
      } else {
      }
      %dma_start3A_234 = arith.constant 0 : i32
      %dma_start3A_235 = tpu.memref_slice %arg6[%add3A_231, %dma_start3A_234] : memref<80x128xi32, #tpu.memory_space<vmem>> -> memref<1x128xi32, #tpu.memory_space<vmem>>
      %dma_start3A_236 = tpu.memref_squeeze %dma_start3A_235 : memref<1x128xi32, #tpu.memory_space<vmem>> -> memref<128xi32, #tpu.memory_space<vmem>>
      %dma_start3A_237 = arith.constant 0 : i32
      %dma_start3A_238 = arith.constant 0 : i32
      %dma_start3A_239 = tpu.memref_slice %arg16[%dma_start3A_237, %dma_start3A_238] : memref<10240x16xf32, #tpu.memory_space<vmem_shared>> -> memref<10240x16xf32, #tpu.memory_space<vmem_shared>>
      tpu.enqueue_indirect_dma source(%arg7 : memref<128x16xf32, #tpu.memory_space<vmem>>) target(%dma_start3A_239 : memref<10240x16xf32, #tpu.memory_space<vmem_shared>>) offsets(%dma_start3A_236 : memref<128xi32, #tpu.memory_space<vmem>>) semaphore(%arg8 : memref<!tpu.dma_semaphore, #tpu.memory_space<semaphore_mem>>) {add = true}
      %mul3A_240 = arith.constant 8 : i32
      %mul3A_241 = arith.muli %scan3A_227, %mul3A_240 : i32
      %add3A_242 = arith.constant 1 : i32
      %add3A_243 = arith.addi %mul3A_241, %add3A_242 : i32
      %ge3A_244 = arith.constant 8 : i32
      %ge3A_245 = arith.cmpi sge, %add3A_243, %ge3A_244 : i32
      %convert_element_type3A_246 = arith.extui %ge3A_245 : i1 to i32
      %cond3A_247 = arith.constant 0 : i32
      %cond3A_248 = arith.cmpi ne, %convert_element_type3A_246, %cond3A_247 : i32
      scf.if %cond3A_248 {
        %sub3A = arith.constant 8 : i32
        %sub3A_345 = arith.subi %add3A_243, %sub3A : i32
        %dma_wait3A_346 = arith.constant 0 : i32
        %dma_wait3A_347 = tpu.memref_slice %arg6[%sub3A_345, %dma_wait3A_346] : memref<80x128xi32, #tpu.memory_space<vmem>> -> memref<1x128xi32, #tpu.memory_space<vmem>>
        %dma_wait3A_348 = tpu.memref_squeeze %dma_wait3A_347 : memref<1x128xi32, #tpu.memory_space<vmem>> -> memref<128xi32, #tpu.memory_space<vmem>>
        %dma_wait3A_349 = arith.constant 0 : i32
        %dma_wait3A_350 = arith.constant 0 : i32
        %dma_wait3A_351 = tpu.memref_slice %arg16[%dma_wait3A_349, %dma_wait3A_350] : memref<10240x16xf32, #tpu.memory_space<vmem_shared>> -> memref<10240x16xf32, #tpu.memory_space<vmem_shared>>
        tpu.wait_indirect_dma semaphore(%arg9 : memref<!tpu.dma_semaphore, #tpu.memory_space<semaphore_mem>>) src(%arg7 : memref<128x16xf32, #tpu.memory_space<vmem>>) dst(%dma_wait3A_351 : memref<10240x16xf32, #tpu.memory_space<vmem_shared>>)
      } else {
      }
      %dma_start3A_249 = arith.constant 0 : i32
      %dma_start3A_250 = tpu.memref_slice %arg6[%add3A_243, %dma_start3A_249] : memref<80x128xi32, #tpu.memory_space<vmem>> -> memref<1x128xi32, #tpu.memory_space<vmem>>
      %dma_start3A_251 = tpu.memref_squeeze %dma_start3A_250 : memref<1x128xi32, #tpu.memory_space<vmem>> -> memref<128xi32, #tpu.memory_space<vmem>>
      %dma_start3A_252 = arith.constant 0 : i32
      %dma_start3A_253 = arith.constant 0 : i32
      %dma_start3A_254 = tpu.memref_slice %arg16[%dma_start3A_252, %dma_start3A_253] : memref<10240x16xf32, #tpu.memory_space<vmem_shared>> -> memref<10240x16xf32, #tpu.memory_space<vmem_shared>>
      tpu.enqueue_indirect_dma source(%arg7 : memref<128x16xf32, #tpu.memory_space<vmem>>) target(%dma_start3A_254 : memref<10240x16xf32, #tpu.memory_space<vmem_shared>>) offsets(%dma_start3A_251 : memref<128xi32, #tpu.memory_space<vmem>>) semaphore(%arg9 : memref<!tpu.dma_semaphore, #tpu.memory_space<semaphore_mem>>) {add = true}
      %mul3A_255 = arith.constant 8 : i32
      %mul3A_256 = arith.muli %scan3A_227, %mul3A_255 : i32
      %add3A_257 = arith.constant 2 : i32
      %add3A_258 = arith.addi %mul3A_256, %add3A_257 : i32
      %ge3A_259 = arith.constant 8 : i32
      %ge3A_260 = arith.cmpi sge, %add3A_258, %ge3A_259 : i32
      %convert_element_type3A_261 = arith.extui %ge3A_260 : i1 to i32
      %cond3A_262 = arith.constant 0 : i32
      %cond3A_263 = arith.cmpi ne, %convert_element_type3A_261, %cond3A_262 : i32
      scf.if %cond3A_263 {
        %sub3A = arith.constant 8 : i32
        %sub3A_345 = arith.subi %add3A_258, %sub3A : i32
        %dma_wait3A_346 = arith.constant 0 : i32
        %dma_wait3A_347 = tpu.memref_slice %arg6[%sub3A_345, %dma_wait3A_346] : memref<80x128xi32, #tpu.memory_space<vmem>> -> memref<1x128xi32, #tpu.memory_space<vmem>>
        %dma_wait3A_348 = tpu.memref_squeeze %dma_wait3A_347 : memref<1x128xi32, #tpu.memory_space<vmem>> -> memref<128xi32, #tpu.memory_space<vmem>>
        %dma_wait3A_349 = arith.constant 0 : i32
        %dma_wait3A_350 = arith.constant 0 : i32
        %dma_wait3A_351 = tpu.memref_slice %arg16[%dma_wait3A_349, %dma_wait3A_350] : memref<10240x16xf32, #tpu.memory_space<vmem_shared>> -> memref<10240x16xf32, #tpu.memory_space<vmem_shared>>
        tpu.wait_indirect_dma semaphore(%arg10 : memref<!tpu.dma_semaphore, #tpu.memory_space<semaphore_mem>>) src(%arg7 : memref<128x16xf32, #tpu.memory_space<vmem>>) dst(%dma_wait3A_351 : memref<10240x16xf32, #tpu.memory_space<vmem_shared>>)
      } else {
      }
      %dma_start3A_264 = arith.constant 0 : i32
      %dma_start3A_265 = tpu.memref_slice %arg6[%add3A_258, %dma_start3A_264] : memref<80x128xi32, #tpu.memory_space<vmem>> -> memref<1x128xi32, #tpu.memory_space<vmem>>
      %dma_start3A_266 = tpu.memref_squeeze %dma_start3A_265 : memref<1x128xi32, #tpu.memory_space<vmem>> -> memref<128xi32, #tpu.memory_space<vmem>>
      %dma_start3A_267 = arith.constant 0 : i32
      %dma_start3A_268 = arith.constant 0 : i32
      %dma_start3A_269 = tpu.memref_slice %arg16[%dma_start3A_267, %dma_start3A_268] : memref<10240x16xf32, #tpu.memory_space<vmem_shared>> -> memref<10240x16xf32, #tpu.memory_space<vmem_shared>>
      tpu.enqueue_indirect_dma source(%arg7 : memref<128x16xf32, #tpu.memory_space<vmem>>) target(%dma_start3A_269 : memref<10240x16xf32, #tpu.memory_space<vmem_shared>>) offsets(%dma_start3A_266 : memref<128xi32, #tpu.memory_space<vmem>>) semaphore(%arg10 : memref<!tpu.dma_semaphore, #tpu.memory_space<semaphore_mem>>) {add = true}
      %mul3A_270 = arith.constant 8 : i32
      %mul3A_271 = arith.muli %scan3A_227, %mul3A_270 : i32
      %add3A_272 = arith.constant 3 : i32
      %add3A_273 = arith.addi %mul3A_271, %add3A_272 : i32
      %ge3A_274 = arith.constant 8 : i32
      %ge3A_275 = arith.cmpi sge, %add3A_273, %ge3A_274 : i32
      %convert_element_type3A_276 = arith.extui %ge3A_275 : i1 to i32
      %cond3A_277 = arith.constant 0 : i32
      %cond3A_278 = arith.cmpi ne, %convert_element_type3A_276, %cond3A_277 : i32
      scf.if %cond3A_278 {
        %sub3A = arith.constant 8 : i32
        %sub3A_345 = arith.subi %add3A_273, %sub3A : i32
        %dma_wait3A_346 = arith.constant 0 : i32
        %dma_wait3A_347 = tpu.memref_slice %arg6[%sub3A_345, %dma_wait3A_346] : memref<80x128xi32, #tpu.memory_space<vmem>> -> memref<1x128xi32, #tpu.memory_space<vmem>>
        %dma_wait3A_348 = tpu.memref_squeeze %dma_wait3A_347 : memref<1x128xi32, #tpu.memory_space<vmem>> -> memref<128xi32, #tpu.memory_space<vmem>>
        %dma_wait3A_349 = arith.constant 0 : i32
        %dma_wait3A_350 = arith.constant 0 : i32
        %dma_wait3A_351 = tpu.memref_slice %arg16[%dma_wait3A_349, %dma_wait3A_350] : memref<10240x16xf32, #tpu.memory_space<vmem_shared>> -> memref<10240x16xf32, #tpu.memory_space<vmem_shared>>
        tpu.wait_indirect_dma semaphore(%arg11 : memref<!tpu.dma_semaphore, #tpu.memory_space<semaphore_mem>>) src(%arg7 : memref<128x16xf32, #tpu.memory_space<vmem>>) dst(%dma_wait3A_351 : memref<10240x16xf32, #tpu.memory_space<vmem_shared>>)
      } else {
      }
      %dma_start3A_279 = arith.constant 0 : i32
      %dma_start3A_280 = tpu.memref_slice %arg6[%add3A_273, %dma_start3A_279] : memref<80x128xi32, #tpu.memory_space<vmem>> -> memref<1x128xi32, #tpu.memory_space<vmem>>
      %dma_start3A_281 = tpu.memref_squeeze %dma_start3A_280 : memref<1x128xi32, #tpu.memory_space<vmem>> -> memref<128xi32, #tpu.memory_space<vmem>>
      %dma_start3A_282 = arith.constant 0 : i32
      %dma_start3A_283 = arith.constant 0 : i32
      %dma_start3A_284 = tpu.memref_slice %arg16[%dma_start3A_282, %dma_start3A_283] : memref<10240x16xf32, #tpu.memory_space<vmem_shared>> -> memref<10240x16xf32, #tpu.memory_space<vmem_shared>>
      tpu.enqueue_indirect_dma source(%arg7 : memref<128x16xf32, #tpu.memory_space<vmem>>) target(%dma_start3A_284 : memref<10240x16xf32, #tpu.memory_space<vmem_shared>>) offsets(%dma_start3A_281 : memref<128xi32, #tpu.memory_space<vmem>>) semaphore(%arg11 : memref<!tpu.dma_semaphore, #tpu.memory_space<semaphore_mem>>) {add = true}
      %mul3A_285 = arith.constant 8 : i32
      %mul3A_286 = arith.muli %scan3A_227, %mul3A_285 : i32
      %add3A_287 = arith.constant 4 : i32
      %add3A_288 = arith.addi %mul3A_286, %add3A_287 : i32
      %ge3A_289 = arith.constant 8 : i32
      %ge3A_290 = arith.cmpi sge, %add3A_288, %ge3A_289 : i32
      %convert_element_type3A_291 = arith.extui %ge3A_290 : i1 to i32
      %cond3A_292 = arith.constant 0 : i32
      %cond3A_293 = arith.cmpi ne, %convert_element_type3A_291, %cond3A_292 : i32
      scf.if %cond3A_293 {
        %sub3A = arith.constant 8 : i32
        %sub3A_345 = arith.subi %add3A_288, %sub3A : i32
        %dma_wait3A_346 = arith.constant 0 : i32
        %dma_wait3A_347 = tpu.memref_slice %arg6[%sub3A_345, %dma_wait3A_346] : memref<80x128xi32, #tpu.memory_space<vmem>> -> memref<1x128xi32, #tpu.memory_space<vmem>>
        %dma_wait3A_348 = tpu.memref_squeeze %dma_wait3A_347 : memref<1x128xi32, #tpu.memory_space<vmem>> -> memref<128xi32, #tpu.memory_space<vmem>>
        %dma_wait3A_349 = arith.constant 0 : i32
        %dma_wait3A_350 = arith.constant 0 : i32
        %dma_wait3A_351 = tpu.memref_slice %arg16[%dma_wait3A_349, %dma_wait3A_350] : memref<10240x16xf32, #tpu.memory_space<vmem_shared>> -> memref<10240x16xf32, #tpu.memory_space<vmem_shared>>
        tpu.wait_indirect_dma semaphore(%arg12 : memref<!tpu.dma_semaphore, #tpu.memory_space<semaphore_mem>>) src(%arg7 : memref<128x16xf32, #tpu.memory_space<vmem>>) dst(%dma_wait3A_351 : memref<10240x16xf32, #tpu.memory_space<vmem_shared>>)
      } else {
      }
      %dma_start3A_294 = arith.constant 0 : i32
      %dma_start3A_295 = tpu.memref_slice %arg6[%add3A_288, %dma_start3A_294] : memref<80x128xi32, #tpu.memory_space<vmem>> -> memref<1x128xi32, #tpu.memory_space<vmem>>
      %dma_start3A_296 = tpu.memref_squeeze %dma_start3A_295 : memref<1x128xi32, #tpu.memory_space<vmem>> -> memref<128xi32, #tpu.memory_space<vmem>>
      %dma_start3A_297 = arith.constant 0 : i32
      %dma_start3A_298 = arith.constant 0 : i32
      %dma_start3A_299 = tpu.memref_slice %arg16[%dma_start3A_297, %dma_start3A_298] : memref<10240x16xf32, #tpu.memory_space<vmem_shared>> -> memref<10240x16xf32, #tpu.memory_space<vmem_shared>>
      tpu.enqueue_indirect_dma source(%arg7 : memref<128x16xf32, #tpu.memory_space<vmem>>) target(%dma_start3A_299 : memref<10240x16xf32, #tpu.memory_space<vmem_shared>>) offsets(%dma_start3A_296 : memref<128xi32, #tpu.memory_space<vmem>>) semaphore(%arg12 : memref<!tpu.dma_semaphore, #tpu.memory_space<semaphore_mem>>) {add = true}
      %mul3A_300 = arith.constant 8 : i32
      %mul3A_301 = arith.muli %scan3A_227, %mul3A_300 : i32
      %add3A_302 = arith.constant 5 : i32
      %add3A_303 = arith.addi %mul3A_301, %add3A_302 : i32
      %ge3A_304 = arith.constant 8 : i32
      %ge3A_305 = arith.cmpi sge, %add3A_303, %ge3A_304 : i32
      %convert_element_type3A_306 = arith.extui %ge3A_305 : i1 to i32
      %cond3A_307 = arith.constant 0 : i32
      %cond3A_308 = arith.cmpi ne, %convert_element_type3A_306, %cond3A_307 : i32
      scf.if %cond3A_308 {
        %sub3A = arith.constant 8 : i32
        %sub3A_345 = arith.subi %add3A_303, %sub3A : i32
        %dma_wait3A_346 = arith.constant 0 : i32
        %dma_wait3A_347 = tpu.memref_slice %arg6[%sub3A_345, %dma_wait3A_346] : memref<80x128xi32, #tpu.memory_space<vmem>> -> memref<1x128xi32, #tpu.memory_space<vmem>>
        %dma_wait3A_348 = tpu.memref_squeeze %dma_wait3A_347 : memref<1x128xi32, #tpu.memory_space<vmem>> -> memref<128xi32, #tpu.memory_space<vmem>>
        %dma_wait3A_349 = arith.constant 0 : i32
        %dma_wait3A_350 = arith.constant 0 : i32
        %dma_wait3A_351 = tpu.memref_slice %arg16[%dma_wait3A_349, %dma_wait3A_350] : memref<10240x16xf32, #tpu.memory_space<vmem_shared>> -> memref<10240x16xf32, #tpu.memory_space<vmem_shared>>
        tpu.wait_indirect_dma semaphore(%arg13 : memref<!tpu.dma_semaphore, #tpu.memory_space<semaphore_mem>>) src(%arg7 : memref<128x16xf32, #tpu.memory_space<vmem>>) dst(%dma_wait3A_351 : memref<10240x16xf32, #tpu.memory_space<vmem_shared>>)
      } else {
      }
      %dma_start3A_309 = arith.constant 0 : i32
      %dma_start3A_310 = tpu.memref_slice %arg6[%add3A_303, %dma_start3A_309] : memref<80x128xi32, #tpu.memory_space<vmem>> -> memref<1x128xi32, #tpu.memory_space<vmem>>
      %dma_start3A_311 = tpu.memref_squeeze %dma_start3A_310 : memref<1x128xi32, #tpu.memory_space<vmem>> -> memref<128xi32, #tpu.memory_space<vmem>>
      %dma_start3A_312 = arith.constant 0 : i32
      %dma_start3A_313 = arith.constant 0 : i32
      %dma_start3A_314 = tpu.memref_slice %arg16[%dma_start3A_312, %dma_start3A_313] : memref<10240x16xf32, #tpu.memory_space<vmem_shared>> -> memref<10240x16xf32, #tpu.memory_space<vmem_shared>>
      tpu.enqueue_indirect_dma source(%arg7 : memref<128x16xf32, #tpu.memory_space<vmem>>) target(%dma_start3A_314 : memref<10240x16xf32, #tpu.memory_space<vmem_shared>>) offsets(%dma_start3A_311 : memref<128xi32, #tpu.memory_space<vmem>>) semaphore(%arg13 : memref<!tpu.dma_semaphore, #tpu.memory_space<semaphore_mem>>) {add = true}
      %mul3A_315 = arith.constant 8 : i32
      %mul3A_316 = arith.muli %scan3A_227, %mul3A_315 : i32
      %add3A_317 = arith.constant 6 : i32
      %add3A_318 = arith.addi %mul3A_316, %add3A_317 : i32
      %ge3A_319 = arith.constant 8 : i32
      %ge3A_320 = arith.cmpi sge, %add3A_318, %ge3A_319 : i32
      %convert_element_type3A_321 = arith.extui %ge3A_320 : i1 to i32
      %cond3A_322 = arith.constant 0 : i32
      %cond3A_323 = arith.cmpi ne, %convert_element_type3A_321, %cond3A_322 : i32
      scf.if %cond3A_323 {
        %sub3A = arith.constant 8 : i32
        %sub3A_345 = arith.subi %add3A_318, %sub3A : i32
        %dma_wait3A_346 = arith.constant 0 : i32
        %dma_wait3A_347 = tpu.memref_slice %arg6[%sub3A_345, %dma_wait3A_346] : memref<80x128xi32, #tpu.memory_space<vmem>> -> memref<1x128xi32, #tpu.memory_space<vmem>>
        %dma_wait3A_348 = tpu.memref_squeeze %dma_wait3A_347 : memref<1x128xi32, #tpu.memory_space<vmem>> -> memref<128xi32, #tpu.memory_space<vmem>>
        %dma_wait3A_349 = arith.constant 0 : i32
        %dma_wait3A_350 = arith.constant 0 : i32
        %dma_wait3A_351 = tpu.memref_slice %arg16[%dma_wait3A_349, %dma_wait3A_350] : memref<10240x16xf32, #tpu.memory_space<vmem_shared>> -> memref<10240x16xf32, #tpu.memory_space<vmem_shared>>
        tpu.wait_indirect_dma semaphore(%arg14 : memref<!tpu.dma_semaphore, #tpu.memory_space<semaphore_mem>>) src(%arg7 : memref<128x16xf32, #tpu.memory_space<vmem>>) dst(%dma_wait3A_351 : memref<10240x16xf32, #tpu.memory_space<vmem_shared>>)
      } else {
      }
      %dma_start3A_324 = arith.constant 0 : i32
      %dma_start3A_325 = tpu.memref_slice %arg6[%add3A_318, %dma_start3A_324] : memref<80x128xi32, #tpu.memory_space<vmem>> -> memref<1x128xi32, #tpu.memory_space<vmem>>
      %dma_start3A_326 = tpu.memref_squeeze %dma_start3A_325 : memref<1x128xi32, #tpu.memory_space<vmem>> -> memref<128xi32, #tpu.memory_space<vmem>>
      %dma_start3A_327 = arith.constant 0 : i32
      %dma_start3A_328 = arith.constant 0 : i32
      %dma_start3A_329 = tpu.memref_slice %arg16[%dma_start3A_327, %dma_start3A_328] : memref<10240x16xf32, #tpu.memory_space<vmem_shared>> -> memref<10240x16xf32, #tpu.memory_space<vmem_shared>>
      tpu.enqueue_indirect_dma source(%arg7 : memref<128x16xf32, #tpu.memory_space<vmem>>) target(%dma_start3A_329 : memref<10240x16xf32, #tpu.memory_space<vmem_shared>>) offsets(%dma_start3A_326 : memref<128xi32, #tpu.memory_space<vmem>>) semaphore(%arg14 : memref<!tpu.dma_semaphore, #tpu.memory_space<semaphore_mem>>) {add = true}
      %mul3A_330 = arith.constant 8 : i32
      %mul3A_331 = arith.muli %scan3A_227, %mul3A_330 : i32
      %add3A_332 = arith.constant 7 : i32
      %add3A_333 = arith.addi %mul3A_331, %add3A_332 : i32
      %ge3A_334 = arith.constant 8 : i32
      %ge3A_335 = arith.cmpi sge, %add3A_333, %ge3A_334 : i32
      %convert_element_type3A_336 = arith.extui %ge3A_335 : i1 to i32
      %cond3A_337 = arith.constant 0 : i32
      %cond3A_338 = arith.cmpi ne, %convert_element_type3A_336, %cond3A_337 : i32
      scf.if %cond3A_338 {
        %sub3A = arith.constant 8 : i32
        %sub3A_345 = arith.subi %add3A_333, %sub3A : i32
        %dma_wait3A_346 = arith.constant 0 : i32
        %dma_wait3A_347 = tpu.memref_slice %arg6[%sub3A_345, %dma_wait3A_346] : memref<80x128xi32, #tpu.memory_space<vmem>> -> memref<1x128xi32, #tpu.memory_space<vmem>>
        %dma_wait3A_348 = tpu.memref_squeeze %dma_wait3A_347 : memref<1x128xi32, #tpu.memory_space<vmem>> -> memref<128xi32, #tpu.memory_space<vmem>>
        %dma_wait3A_349 = arith.constant 0 : i32
        %dma_wait3A_350 = arith.constant 0 : i32
        %dma_wait3A_351 = tpu.memref_slice %arg16[%dma_wait3A_349, %dma_wait3A_350] : memref<10240x16xf32, #tpu.memory_space<vmem_shared>> -> memref<10240x16xf32, #tpu.memory_space<vmem_shared>>
        tpu.wait_indirect_dma semaphore(%arg15 : memref<!tpu.dma_semaphore, #tpu.memory_space<semaphore_mem>>) src(%arg7 : memref<128x16xf32, #tpu.memory_space<vmem>>) dst(%dma_wait3A_351 : memref<10240x16xf32, #tpu.memory_space<vmem_shared>>)
      } else {
      }
      %dma_start3A_339 = arith.constant 0 : i32
      %dma_start3A_340 = tpu.memref_slice %arg6[%add3A_333, %dma_start3A_339] : memref<80x128xi32, #tpu.memory_space<vmem>> -> memref<1x128xi32, #tpu.memory_space<vmem>>
      %dma_start3A_341 = tpu.memref_squeeze %dma_start3A_340 : memref<1x128xi32, #tpu.memory_space<vmem>> -> memref<128xi32, #tpu.memory_space<vmem>>
      %dma_start3A_342 = arith.constant 0 : i32
      %dma_start3A_343 = arith.constant 0 : i32
      %dma_start3A_344 = tpu.memref_slice %arg16[%dma_start3A_342, %dma_start3A_343] : memref<10240x16xf32, #tpu.memory_space<vmem_shared>> -> memref<10240x16xf32, #tpu.memory_space<vmem_shared>>
      tpu.enqueue_indirect_dma source(%arg7 : memref<128x16xf32, #tpu.memory_space<vmem>>) target(%dma_start3A_344 : memref<10240x16xf32, #tpu.memory_space<vmem_shared>>) offsets(%dma_start3A_341 : memref<128xi32, #tpu.memory_space<vmem>>) semaphore(%arg15 : memref<!tpu.dma_semaphore, #tpu.memory_space<semaphore_mem>>) {add = true}
    }
    %scan3A_79 = arith.constant 10 : i32
    %dma_wait3A_80 = arith.constant 72 : i32
    %dma_wait3A_81 = arith.constant 0 : i32
    %dma_wait3A_82 = tpu.memref_slice %arg6[%dma_wait3A_80, %dma_wait3A_81] : memref<80x128xi32, #tpu.memory_space<vmem>> -> memref<1x128xi32, #tpu.memory_space<vmem>>
    %dma_wait3A_83 = tpu.memref_squeeze %dma_wait3A_82 : memref<1x128xi32, #tpu.memory_space<vmem>> -> memref<128xi32, #tpu.memory_space<vmem>>
    %dma_wait3A_84 = arith.constant 0 : i32
    %dma_wait3A_85 = arith.constant 0 : i32
    %dma_wait3A_86 = tpu.memref_slice %arg16[%dma_wait3A_84, %dma_wait3A_85] : memref<10240x16xf32, #tpu.memory_space<vmem_shared>> -> memref<10240x16xf32, #tpu.memory_space<vmem_shared>>
    tpu.wait_indirect_dma semaphore(%arg8 : memref<!tpu.dma_semaphore, #tpu.memory_space<semaphore_mem>>) src(%arg7 : memref<128x16xf32, #tpu.memory_space<vmem>>) dst(%dma_wait3A_86 : memref<10240x16xf32, #tpu.memory_space<vmem_shared>>)
    %dma_wait3A_87 = arith.constant 73 : i32
    %dma_wait3A_88 = arith.constant 0 : i32
    %dma_wait3A_89 = tpu.memref_slice %arg6[%dma_wait3A_87, %dma_wait3A_88] : memref<80x128xi32, #tpu.memory_space<vmem>> -> memref<1x128xi32, #tpu.memory_space<vmem>>
    %dma_wait3A_90 = tpu.memref_squeeze %dma_wait3A_89 : memref<1x128xi32, #tpu.memory_space<vmem>> -> memref<128xi32, #tpu.memory_space<vmem>>
    %dma_wait3A_91 = arith.constant 0 : i32
    %dma_wait3A_92 = arith.constant 0 : i32
    %dma_wait3A_93 = tpu.memref_slice %arg16[%dma_wait3A_91, %dma_wait3A_92] : memref<10240x16xf32, #tpu.memory_space<vmem_shared>> -> memref<10240x16xf32, #tpu.memory_space<vmem_shared>>
    tpu.wait_indirect_dma semaphore(%arg9 : memref<!tpu.dma_semaphore, #tpu.memory_space<semaphore_mem>>) src(%arg7 : memref<128x16xf32, #tpu.memory_space<vmem>>) dst(%dma_wait3A_93 : memref<10240x16xf32, #tpu.memory_space<vmem_shared>>)
    %dma_wait3A_94 = arith.constant 74 : i32
    %dma_wait3A_95 = arith.constant 0 : i32
    %dma_wait3A_96 = tpu.memref_slice %arg6[%dma_wait3A_94, %dma_wait3A_95] : memref<80x128xi32, #tpu.memory_space<vmem>> -> memref<1x128xi32, #tpu.memory_space<vmem>>
    %dma_wait3A_97 = tpu.memref_squeeze %dma_wait3A_96 : memref<1x128xi32, #tpu.memory_space<vmem>> -> memref<128xi32, #tpu.memory_space<vmem>>
    %dma_wait3A_98 = arith.constant 0 : i32
    %dma_wait3A_99 = arith.constant 0 : i32
    %dma_wait3A_100 = tpu.memref_slice %arg16[%dma_wait3A_98, %dma_wait3A_99] : memref<10240x16xf32, #tpu.memory_space<vmem_shared>> -> memref<10240x16xf32, #tpu.memory_space<vmem_shared>>
    tpu.wait_indirect_dma semaphore(%arg10 : memref<!tpu.dma_semaphore, #tpu.memory_space<semaphore_mem>>) src(%arg7 : memref<128x16xf32, #tpu.memory_space<vmem>>) dst(%dma_wait3A_100 : memref<10240x16xf32, #tpu.memory_space<vmem_shared>>)
    %dma_wait3A_101 = arith.constant 75 : i32
    %dma_wait3A_102 = arith.constant 0 : i32
    %dma_wait3A_103 = tpu.memref_slice %arg6[%dma_wait3A_101, %dma_wait3A_102] : memref<80x128xi32, #tpu.memory_space<vmem>> -> memref<1x128xi32, #tpu.memory_space<vmem>>
    %dma_wait3A_104 = tpu.memref_squeeze %dma_wait3A_103 : memref<1x128xi32, #tpu.memory_space<vmem>> -> memref<128xi32, #tpu.memory_space<vmem>>
    %dma_wait3A_105 = arith.constant 0 : i32
    %dma_wait3A_106 = arith.constant 0 : i32
    %dma_wait3A_107 = tpu.memref_slice %arg16[%dma_wait3A_105, %dma_wait3A_106] : memref<10240x16xf32, #tpu.memory_space<vmem_shared>> -> memref<10240x16xf32, #tpu.memory_space<vmem_shared>>
    tpu.wait_indirect_dma semaphore(%arg11 : memref<!tpu.dma_semaphore, #tpu.memory_space<semaphore_mem>>) src(%arg7 : memref<128x16xf32, #tpu.memory_space<vmem>>) dst(%dma_wait3A_107 : memref<10240x16xf32, #tpu.memory_space<vmem_shared>>)
    %dma_wait3A_108 = arith.constant 76 : i32
    %dma_wait3A_109 = arith.constant 0 : i32
    %dma_wait3A_110 = tpu.memref_slice %arg6[%dma_wait3A_108, %dma_wait3A_109] : memref<80x128xi32, #tpu.memory_space<vmem>> -> memref<1x128xi32, #tpu.memory_space<vmem>>
    %dma_wait3A_111 = tpu.memref_squeeze %dma_wait3A_110 : memref<1x128xi32, #tpu.memory_space<vmem>> -> memref<128xi32, #tpu.memory_space<vmem>>
    %dma_wait3A_112 = arith.constant 0 : i32
    %dma_wait3A_113 = arith.constant 0 : i32
    %dma_wait3A_114 = tpu.memref_slice %arg16[%dma_wait3A_112, %dma_wait3A_113] : memref<10240x16xf32, #tpu.memory_space<vmem_shared>> -> memref<10240x16xf32, #tpu.memory_space<vmem_shared>>
    tpu.wait_indirect_dma semaphore(%arg12 : memref<!tpu.dma_semaphore, #tpu.memory_space<semaphore_mem>>) src(%arg7 : memref<128x16xf32, #tpu.memory_space<vmem>>) dst(%dma_wait3A_114 : memref<10240x16xf32, #tpu.memory_space<vmem_shared>>)
    %dma_wait3A_115 = arith.constant 77 : i32
    %dma_wait3A_116 = arith.constant 0 : i32
    %dma_wait3A_117 = tpu.memref_slice %arg6[%dma_wait3A_115, %dma_wait3A_116] : memref<80x128xi32, #tpu.memory_space<vmem>> -> memref<1x128xi32, #tpu.memory_space<vmem>>
    %dma_wait3A_118 = tpu.memref_squeeze %dma_wait3A_117 : memref<1x128xi32, #tpu.memory_space<vmem>> -> memref<128xi32, #tpu.memory_space<vmem>>
    %dma_wait3A_119 = arith.constant 0 : i32
    %dma_wait3A_120 = arith.constant 0 : i32
    %dma_wait3A_121 = tpu.memref_slice %arg16[%dma_wait3A_119, %dma_wait3A_120] : memref<10240x16xf32, #tpu.memory_space<vmem_shared>> -> memref<10240x16xf32, #tpu.memory_space<vmem_shared>>
    tpu.wait_indirect_dma semaphore(%arg13 : memref<!tpu.dma_semaphore, #tpu.memory_space<semaphore_mem>>) src(%arg7 : memref<128x16xf32, #tpu.memory_space<vmem>>) dst(%dma_wait3A_121 : memref<10240x16xf32, #tpu.memory_space<vmem_shared>>)
    %dma_wait3A_122 = arith.constant 78 : i32
    %dma_wait3A_123 = arith.constant 0 : i32
    %dma_wait3A_124 = tpu.memref_slice %arg6[%dma_wait3A_122, %dma_wait3A_123] : memref<80x128xi32, #tpu.memory_space<vmem>> -> memref<1x128xi32, #tpu.memory_space<vmem>>
    %dma_wait3A_125 = tpu.memref_squeeze %dma_wait3A_124 : memref<1x128xi32, #tpu.memory_space<vmem>> -> memref<128xi32, #tpu.memory_space<vmem>>
    %dma_wait3A_126 = arith.constant 0 : i32
    %dma_wait3A_127 = arith.constant 0 : i32
    %dma_wait3A_128 = tpu.memref_slice %arg16[%dma_wait3A_126, %dma_wait3A_127] : memref<10240x16xf32, #tpu.memory_space<vmem_shared>> -> memref<10240x16xf32, #tpu.memory_space<vmem_shared>>
    tpu.wait_indirect_dma semaphore(%arg14 : memref<!tpu.dma_semaphore, #tpu.memory_space<semaphore_mem>>) src(%arg7 : memref<128x16xf32, #tpu.memory_space<vmem>>) dst(%dma_wait3A_128 : memref<10240x16xf32, #tpu.memory_space<vmem_shared>>)
    %dma_wait3A_129 = arith.constant 79 : i32
    %dma_wait3A_130 = arith.constant 0 : i32
    %dma_wait3A_131 = tpu.memref_slice %arg6[%dma_wait3A_129, %dma_wait3A_130] : memref<80x128xi32, #tpu.memory_space<vmem>> -> memref<1x128xi32, #tpu.memory_space<vmem>>
    %dma_wait3A_132 = tpu.memref_squeeze %dma_wait3A_131 : memref<1x128xi32, #tpu.memory_space<vmem>> -> memref<128xi32, #tpu.memory_space<vmem>>
    %dma_wait3A_133 = arith.constant 0 : i32
    %dma_wait3A_134 = arith.constant 0 : i32
    %dma_wait3A_135 = tpu.memref_slice %arg16[%dma_wait3A_133, %dma_wait3A_134] : memref<10240x16xf32, #tpu.memory_space<vmem_shared>> -> memref<10240x16xf32, #tpu.memory_space<vmem_shared>>
    tpu.wait_indirect_dma semaphore(%arg15 : memref<!tpu.dma_semaphore, #tpu.memory_space<semaphore_mem>>) src(%arg7 : memref<128x16xf32, #tpu.memory_space<vmem>>) dst(%dma_wait3A_135 : memref<10240x16xf32, #tpu.memory_space<vmem_shared>>)
    %barrier3A_136 = arith.constant 0 : index
    tpu.barrier barrier_id(%barrier3A_136)
    %mul3A_137 = arith.constant 640 : i32
    %mul3A_138 = arith.muli %arg1, %mul3A_137 : i32
    %add3A_139 = arith.constant 0 : i32
    %add3A_140 = arith.addi %mul3A_138, %add3A_139 : i32
    %dma_start3A_141 = arith.constant 0 : i32
    %dma_start3A_142 = tpu.memref_slice %arg5[%arg0, %add3A_140, %dma_start3A_141] : memref<2x10240x16xf32, #tpu.memory_space<hbm>> -> memref<1x128x16xf32, #tpu.memory_space<hbm>>
    %dma_start3A_143 = tpu.memref_squeeze %dma_start3A_142 : memref<1x128x16xf32, #tpu.memory_space<hbm>> -> memref<128x16xf32, #tpu.memory_space<hbm>>
    %dma_start3A_144 = arith.constant 0 : i32
    %dma_start3A_145 = tpu.memref_slice %arg16[%add3A_140, %dma_start3A_144] : memref<10240x16xf32, #tpu.memory_space<vmem_shared>> -> memref<128x16xf32, #tpu.memory_space<vmem_shared>>
    tpu.enqueue_dma source(%dma_start3A_145 : memref<128x16xf32, #tpu.memory_space<vmem_shared>>) target(%dma_start3A_143 : memref<128x16xf32, #tpu.memory_space<hbm>>) target_semaphore(%arg8 : memref<!tpu.dma_semaphore, #tpu.memory_space<semaphore_mem>>)
    %mul3A_146 = arith.constant 640 : i32
    %mul3A_147 = arith.muli %arg1, %mul3A_146 : i32
    %add3A_148 = arith.constant 128 : i32
    %add3A_149 = arith.addi %mul3A_147, %add3A_148 : i32
    %dma_start3A_150 = arith.constant 0 : i32
    %dma_start3A_151 = tpu.memref_slice %arg5[%arg0, %add3A_149, %dma_start3A_150] : memref<2x10240x16xf32, #tpu.memory_space<hbm>> -> memref<1x128x16xf32, #tpu.memory_space<hbm>>
    %dma_start3A_152 = tpu.memref_squeeze %dma_start3A_151 : memref<1x128x16xf32, #tpu.memory_space<hbm>> -> memref<128x16xf32, #tpu.memory_space<hbm>>
    %dma_start3A_153 = arith.constant 0 : i32
    %dma_start3A_154 = tpu.memref_slice %arg16[%add3A_149, %dma_start3A_153] : memref<10240x16xf32, #tpu.memory_space<vmem_shared>> -> memref<128x16xf32, #tpu.memory_space<vmem_shared>>
    tpu.enqueue_dma source(%dma_start3A_154 : memref<128x16xf32, #tpu.memory_space<vmem_shared>>) target(%dma_start3A_152 : memref<128x16xf32, #tpu.memory_space<hbm>>) target_semaphore(%arg9 : memref<!tpu.dma_semaphore, #tpu.memory_space<semaphore_mem>>)
    %mul3A_155 = arith.constant 640 : i32
    %mul3A_156 = arith.muli %arg1, %mul3A_155 : i32
    %add3A_157 = arith.constant 256 : i32
    %add3A_158 = arith.addi %mul3A_156, %add3A_157 : i32
    %dma_start3A_159 = arith.constant 0 : i32
    %dma_start3A_160 = tpu.memref_slice %arg5[%arg0, %add3A_158, %dma_start3A_159] : memref<2x10240x16xf32, #tpu.memory_space<hbm>> -> memref<1x128x16xf32, #tpu.memory_space<hbm>>
    %dma_start3A_161 = tpu.memref_squeeze %dma_start3A_160 : memref<1x128x16xf32, #tpu.memory_space<hbm>> -> memref<128x16xf32, #tpu.memory_space<hbm>>
    %dma_start3A_162 = arith.constant 0 : i32
    %dma_start3A_163 = tpu.memref_slice %arg16[%add3A_158, %dma_start3A_162] : memref<10240x16xf32, #tpu.memory_space<vmem_shared>> -> memref<128x16xf32, #tpu.memory_space<vmem_shared>>
    tpu.enqueue_dma source(%dma_start3A_163 : memref<128x16xf32, #tpu.memory_space<vmem_shared>>) target(%dma_start3A_161 : memref<128x16xf32, #tpu.memory_space<hbm>>) target_semaphore(%arg10 : memref<!tpu.dma_semaphore, #tpu.memory_space<semaphore_mem>>)
    %mul3A_164 = arith.constant 640 : i32
    %mul3A_165 = arith.muli %arg1, %mul3A_164 : i32
    %add3A_166 = arith.constant 384 : i32
    %add3A_167 = arith.addi %mul3A_165, %add3A_166 : i32
    %dma_start3A_168 = arith.constant 0 : i32
    %dma_start3A_169 = tpu.memref_slice %arg5[%arg0, %add3A_167, %dma_start3A_168] : memref<2x10240x16xf32, #tpu.memory_space<hbm>> -> memref<1x128x16xf32, #tpu.memory_space<hbm>>
    %dma_start3A_170 = tpu.memref_squeeze %dma_start3A_169 : memref<1x128x16xf32, #tpu.memory_space<hbm>> -> memref<128x16xf32, #tpu.memory_space<hbm>>
    %dma_start3A_171 = arith.constant 0 : i32
    %dma_start3A_172 = tpu.memref_slice %arg16[%add3A_167, %dma_start3A_171] : memref<10240x16xf32, #tpu.memory_space<vmem_shared>> -> memref<128x16xf32, #tpu.memory_space<vmem_shared>>
    tpu.enqueue_dma source(%dma_start3A_172 : memref<128x16xf32, #tpu.memory_space<vmem_shared>>) target(%dma_start3A_170 : memref<128x16xf32, #tpu.memory_space<hbm>>) target_semaphore(%arg11 : memref<!tpu.dma_semaphore, #tpu.memory_space<semaphore_mem>>)
    %mul3A_173 = arith.constant 640 : i32
    %mul3A_174 = arith.muli %arg1, %mul3A_173 : i32
    %add3A_175 = arith.constant 512 : i32
    %add3A_176 = arith.addi %mul3A_174, %add3A_175 : i32
    %dma_start3A_177 = arith.constant 0 : i32
    %dma_start3A_178 = tpu.memref_slice %arg5[%arg0, %add3A_176, %dma_start3A_177] : memref<2x10240x16xf32, #tpu.memory_space<hbm>> -> memref<1x128x16xf32, #tpu.memory_space<hbm>>
    %dma_start3A_179 = tpu.memref_squeeze %dma_start3A_178 : memref<1x128x16xf32, #tpu.memory_space<hbm>> -> memref<128x16xf32, #tpu.memory_space<hbm>>
    %dma_start3A_180 = arith.constant 0 : i32
    %dma_start3A_181 = tpu.memref_slice %arg16[%add3A_176, %dma_start3A_180] : memref<10240x16xf32, #tpu.memory_space<vmem_shared>> -> memref<128x16xf32, #tpu.memory_space<vmem_shared>>
    tpu.enqueue_dma source(%dma_start3A_181 : memref<128x16xf32, #tpu.memory_space<vmem_shared>>) target(%dma_start3A_179 : memref<128x16xf32, #tpu.memory_space<hbm>>) target_semaphore(%arg12 : memref<!tpu.dma_semaphore, #tpu.memory_space<semaphore_mem>>)
    %mul3A_182 = arith.constant 640 : i32
    %mul3A_183 = arith.muli %arg1, %mul3A_182 : i32
    %add3A_184 = arith.constant 0 : i32
    %add3A_185 = arith.addi %mul3A_183, %add3A_184 : i32
    %dma_wait3A_186 = arith.constant 0 : i32
    %dma_wait3A_187 = tpu.memref_slice %arg5[%arg0, %add3A_185, %dma_wait3A_186] : memref<2x10240x16xf32, #tpu.memory_space<hbm>> -> memref<1x128x16xf32, #tpu.memory_space<hbm>>
    %dma_wait3A_188 = tpu.memref_squeeze %dma_wait3A_187 : memref<1x128x16xf32, #tpu.memory_space<hbm>> -> memref<128x16xf32, #tpu.memory_space<hbm>>
    %dma_wait3A_189 = arith.constant 0 : i32
    %dma_wait3A_190 = tpu.memref_slice %arg16[%add3A_185, %dma_wait3A_189] : memref<10240x16xf32, #tpu.memory_space<vmem_shared>> -> memref<128x16xf32, #tpu.memory_space<vmem_shared>>
    tpu.wait_dma2 semaphore(%arg8 : memref<!tpu.dma_semaphore, #tpu.memory_space<semaphore_mem>>) src(%dma_wait3A_190 : memref<128x16xf32, #tpu.memory_space<vmem_shared>>) dst(%dma_wait3A_188 : memref<128x16xf32, #tpu.memory_space<hbm>>)
    %mul3A_191 = arith.constant 640 : i32
    %mul3A_192 = arith.muli %arg1, %mul3A_191 : i32
    %add3A_193 = arith.constant 128 : i32
    %add3A_194 = arith.addi %mul3A_192, %add3A_193 : i32
    %dma_wait3A_195 = arith.constant 0 : i32
    %dma_wait3A_196 = tpu.memref_slice %arg5[%arg0, %add3A_194, %dma_wait3A_195] : memref<2x10240x16xf32, #tpu.memory_space<hbm>> -> memref<1x128x16xf32, #tpu.memory_space<hbm>>
    %dma_wait3A_197 = tpu.memref_squeeze %dma_wait3A_196 : memref<1x128x16xf32, #tpu.memory_space<hbm>> -> memref<128x16xf32, #tpu.memory_space<hbm>>
    %dma_wait3A_198 = arith.constant 0 : i32
    %dma_wait3A_199 = tpu.memref_slice %arg16[%add3A_194, %dma_wait3A_198] : memref<10240x16xf32, #tpu.memory_space<vmem_shared>> -> memref<128x16xf32, #tpu.memory_space<vmem_shared>>
    tpu.wait_dma2 semaphore(%arg9 : memref<!tpu.dma_semaphore, #tpu.memory_space<semaphore_mem>>) src(%dma_wait3A_199 : memref<128x16xf32, #tpu.memory_space<vmem_shared>>) dst(%dma_wait3A_197 : memref<128x16xf32, #tpu.memory_space<hbm>>)
    %mul3A_200 = arith.constant 640 : i32
    %mul3A_201 = arith.muli %arg1, %mul3A_200 : i32
    %add3A_202 = arith.constant 256 : i32
    %add3A_203 = arith.addi %mul3A_201, %add3A_202 : i32
    %dma_wait3A_204 = arith.constant 0 : i32
    %dma_wait3A_205 = tpu.memref_slice %arg5[%arg0, %add3A_203, %dma_wait3A_204] : memref<2x10240x16xf32, #tpu.memory_space<hbm>> -> memref<1x128x16xf32, #tpu.memory_space<hbm>>
    %dma_wait3A_206 = tpu.memref_squeeze %dma_wait3A_205 : memref<1x128x16xf32, #tpu.memory_space<hbm>> -> memref<128x16xf32, #tpu.memory_space<hbm>>
    %dma_wait3A_207 = arith.constant 0 : i32
    %dma_wait3A_208 = tpu.memref_slice %arg16[%add3A_203, %dma_wait3A_207] : memref<10240x16xf32, #tpu.memory_space<vmem_shared>> -> memref<128x16xf32, #tpu.memory_space<vmem_shared>>
    tpu.wait_dma2 semaphore(%arg10 : memref<!tpu.dma_semaphore, #tpu.memory_space<semaphore_mem>>) src(%dma_wait3A_208 : memref<128x16xf32, #tpu.memory_space<vmem_shared>>) dst(%dma_wait3A_206 : memref<128x16xf32, #tpu.memory_space<hbm>>)
    %mul3A_209 = arith.constant 640 : i32
    %mul3A_210 = arith.muli %arg1, %mul3A_209 : i32
    %add3A_211 = arith.constant 384 : i32
    %add3A_212 = arith.addi %mul3A_210, %add3A_211 : i32
    %dma_wait3A_213 = arith.constant 0 : i32
    %dma_wait3A_214 = tpu.memref_slice %arg5[%arg0, %add3A_212, %dma_wait3A_213] : memref<2x10240x16xf32, #tpu.memory_space<hbm>> -> memref<1x128x16xf32, #tpu.memory_space<hbm>>
    %dma_wait3A_215 = tpu.memref_squeeze %dma_wait3A_214 : memref<1x128x16xf32, #tpu.memory_space<hbm>> -> memref<128x16xf32, #tpu.memory_space<hbm>>
    %dma_wait3A_216 = arith.constant 0 : i32
    %dma_wait3A_217 = tpu.memref_slice %arg16[%add3A_212, %dma_wait3A_216] : memref<10240x16xf32, #tpu.memory_space<vmem_shared>> -> memref<128x16xf32, #tpu.memory_space<vmem_shared>>
    tpu.wait_dma2 semaphore(%arg11 : memref<!tpu.dma_semaphore, #tpu.memory_space<semaphore_mem>>) src(%dma_wait3A_217 : memref<128x16xf32, #tpu.memory_space<vmem_shared>>) dst(%dma_wait3A_215 : memref<128x16xf32, #tpu.memory_space<hbm>>)
    %mul3A_218 = arith.constant 640 : i32
    %mul3A_219 = arith.muli %arg1, %mul3A_218 : i32
    %add3A_220 = arith.constant 512 : i32
    %add3A_221 = arith.addi %mul3A_219, %add3A_220 : i32
    %dma_wait3A_222 = arith.constant 0 : i32
    %dma_wait3A_223 = tpu.memref_slice %arg5[%arg0, %add3A_221, %dma_wait3A_222] : memref<2x10240x16xf32, #tpu.memory_space<hbm>> -> memref<1x128x16xf32, #tpu.memory_space<hbm>>
    %dma_wait3A_224 = tpu.memref_squeeze %dma_wait3A_223 : memref<1x128x16xf32, #tpu.memory_space<hbm>> -> memref<128x16xf32, #tpu.memory_space<hbm>>
    %dma_wait3A_225 = arith.constant 0 : i32
    %dma_wait3A_226 = tpu.memref_slice %arg16[%add3A_221, %dma_wait3A_225] : memref<10240x16xf32, #tpu.memory_space<vmem_shared>> -> memref<128x16xf32, #tpu.memory_space<vmem_shared>>
    tpu.wait_dma2 semaphore(%arg12 : memref<!tpu.dma_semaphore, #tpu.memory_space<semaphore_mem>>) src(%dma_wait3A_226 : memref<128x16xf32, #tpu.memory_space<vmem_shared>>) dst(%dma_wait3A_224 : memref<128x16xf32, #tpu.memory_space<hbm>>)
    return
  }
}

#map = affine_map<(d0, d1) -> (0, 0, 0)>
#map1 = affine_map<(d0, d1) -> (0, 0)>
module attributes {stable_mosaic.version = 14 : i64} {
  func.func @_gather_scatter_sc(%arg0: i32, %arg1: i32, %arg2: memref<2x10240x32xf32, #tpu.memory_space<hbm>>, %arg3: memref<16x160x128xi32, #tpu.memory_space<hbm>>, %arg4: memref<16x160x128xi32, #tpu.memory_space<hbm>>, %arg5: memref<128x32xf32, #tpu.memory_space<hbm>>, %arg6: memref<2x10240x32xf32, #tpu.memory_space<hbm>>, %arg7: memref<160x128xi32, #tpu.memory_space<vmem>>, %arg8: memref<160x128xi32, #tpu.memory_space<vmem>>, %arg9: memref<128x32xf32, #tpu.memory_space<vmem>>, %arg10: memref<128x32xf32, #tpu.memory_space<vmem>>, %arg11: memref<128x32xf32, #tpu.memory_space<vmem>>, %arg12: memref<128x32xf32, #tpu.memory_space<vmem>>, %arg13: memref<128x32xf32, #tpu.memory_space<vmem>>, %arg14: memref<128x32xf32, #tpu.memory_space<vmem>>, %arg15: memref<128x32xf32, #tpu.memory_space<vmem>>, %arg16: memref<128x32xf32, #tpu.memory_space<vmem>>, %arg17: memref<!tpu.dma_semaphore, #tpu.memory_space<semaphore_mem>>, %arg18: memref<!tpu.dma_semaphore, #tpu.memory_space<semaphore_mem>>, %arg19: memref<!tpu.dma_semaphore, #tpu.memory_space<semaphore_mem>>, %arg20: memref<!tpu.dma_semaphore, #tpu.memory_space<semaphore_mem>>, %arg21: memref<!tpu.dma_semaphore, #tpu.memory_space<semaphore_mem>>, %arg22: memref<!tpu.dma_semaphore, #tpu.memory_space<semaphore_mem>>, %arg23: memref<!tpu.dma_semaphore, #tpu.memory_space<semaphore_mem>>, %arg24: memref<!tpu.dma_semaphore, #tpu.memory_space<semaphore_mem>>, %arg25: memref<!tpu.dma_semaphore, #tpu.memory_space<semaphore_mem>>, %arg26: memref<!tpu.dma_semaphore, #tpu.memory_space<semaphore_mem>>, %arg27: memref<!tpu.dma_semaphore, #tpu.memory_space<semaphore_mem>>, %arg28: memref<!tpu.dma_semaphore, #tpu.memory_space<semaphore_mem>>, %arg29: memref<!tpu.dma_semaphore, #tpu.memory_space<semaphore_mem>>, %arg30: memref<!tpu.dma_semaphore, #tpu.memory_space<semaphore_mem>>, %arg31: memref<!tpu.dma_semaphore, #tpu.memory_space<semaphore_mem>>, %arg32: memref<!tpu.dma_semaphore, #tpu.memory_space<semaphore_mem>>, %arg33: memref<10240x32xf32, #tpu.memory_space<vmem_shared>>, %arg34: memref<10240x32xf32, #tpu.memory_space<vmem_shared>>) attributes {dimension_semantics = [#tpu.dimension_semantics<core_parallel>, #tpu.dimension_semantics<subcore_parallel>], iteration_bounds = array<i64: 2, 16>, scalar_prefetch = 0 : i64, scratch_operands = 28 : i64, tpu.core_type = #tpu.core_type<sc_vector_subcore>, window_params = [{transform_indices = #map}, {transform_indices = #map}, {transform_indices = #map}, {transform_indices = #map1}, {transform_indices = #map}]} {
    %mul3A = arith.constant 640 : i32
    %mul3A_0 = arith.muli %arg1, %mul3A : i32
    %add3A = arith.constant 0 : i32
    %add3A_1 = arith.addi %mul3A_0, %add3A : i32
    %dma_start3A = arith.constant 0 : i32
    %dma_start3A_2 = tpu.memref_slice %arg34[%add3A_1, %dma_start3A] : memref<10240x32xf32, #tpu.memory_space<vmem_shared>> -> memref<128x32xf32, #tpu.memory_space<vmem_shared>>
    %dma_start3A_3 = arith.constant 0 : i32
    %dma_start3A_4 = tpu.memref_slice %arg2[%arg0, %add3A_1, %dma_start3A_3] : memref<2x10240x32xf32, #tpu.memory_space<hbm>> -> memref<1x128x32xf32, #tpu.memory_space<hbm>>
    %dma_start3A_5 = tpu.memref_squeeze %dma_start3A_4 : memref<1x128x32xf32, #tpu.memory_space<hbm>> -> memref<128x32xf32, #tpu.memory_space<hbm>>
    tpu.enqueue_dma source(%dma_start3A_5 : memref<128x32xf32, #tpu.memory_space<hbm>>) target(%dma_start3A_2 : memref<128x32xf32, #tpu.memory_space<vmem_shared>>) target_semaphore(%arg17 : memref<!tpu.dma_semaphore, #tpu.memory_space<semaphore_mem>>)
    %dma_start3A_6 = arith.constant 0 : i32
    %dma_start3A_7 = tpu.memref_slice %arg33[%add3A_1, %dma_start3A_6] : memref<10240x32xf32, #tpu.memory_space<vmem_shared>> -> memref<128x32xf32, #tpu.memory_space<vmem_shared>>
    tpu.enqueue_dma source(%arg5 : memref<128x32xf32, #tpu.memory_space<hbm>>) target(%dma_start3A_7 : memref<128x32xf32, #tpu.memory_space<vmem_shared>>) target_semaphore(%arg25 : memref<!tpu.dma_semaphore, #tpu.memory_space<semaphore_mem>>)
    %mul3A_8 = arith.constant 640 : i32
    %mul3A_9 = arith.muli %arg1, %mul3A_8 : i32
    %add3A_10 = arith.constant 128 : i32
    %add3A_11 = arith.addi %mul3A_9, %add3A_10 : i32
    %dma_start3A_12 = arith.constant 0 : i32
    %dma_start3A_13 = tpu.memref_slice %arg34[%add3A_11, %dma_start3A_12] : memref<10240x32xf32, #tpu.memory_space<vmem_shared>> -> memref<128x32xf32, #tpu.memory_space<vmem_shared>>
    %dma_start3A_14 = arith.constant 0 : i32
    %dma_start3A_15 = tpu.memref_slice %arg2[%arg0, %add3A_11, %dma_start3A_14] : memref<2x10240x32xf32, #tpu.memory_space<hbm>> -> memref<1x128x32xf32, #tpu.memory_space<hbm>>
    %dma_start3A_16 = tpu.memref_squeeze %dma_start3A_15 : memref<1x128x32xf32, #tpu.memory_space<hbm>> -> memref<128x32xf32, #tpu.memory_space<hbm>>
    tpu.enqueue_dma source(%dma_start3A_16 : memref<128x32xf32, #tpu.memory_space<hbm>>) target(%dma_start3A_13 : memref<128x32xf32, #tpu.memory_space<vmem_shared>>) target_semaphore(%arg18 : memref<!tpu.dma_semaphore, #tpu.memory_space<semaphore_mem>>)
    %dma_start3A_17 = arith.constant 0 : i32
    %dma_start3A_18 = tpu.memref_slice %arg33[%add3A_11, %dma_start3A_17] : memref<10240x32xf32, #tpu.memory_space<vmem_shared>> -> memref<128x32xf32, #tpu.memory_space<vmem_shared>>
    tpu.enqueue_dma source(%arg5 : memref<128x32xf32, #tpu.memory_space<hbm>>) target(%dma_start3A_18 : memref<128x32xf32, #tpu.memory_space<vmem_shared>>) target_semaphore(%arg26 : memref<!tpu.dma_semaphore, #tpu.memory_space<semaphore_mem>>)
    %mul3A_19 = arith.constant 640 : i32
    %mul3A_20 = arith.muli %arg1, %mul3A_19 : i32
    %add3A_21 = arith.constant 256 : i32
    %add3A_22 = arith.addi %mul3A_20, %add3A_21 : i32
    %dma_start3A_23 = arith.constant 0 : i32
    %dma_start3A_24 = tpu.memref_slice %arg34[%add3A_22, %dma_start3A_23] : memref<10240x32xf32, #tpu.memory_space<vmem_shared>> -> memref<128x32xf32, #tpu.memory_space<vmem_shared>>
    %dma_start3A_25 = arith.constant 0 : i32
    %dma_start3A_26 = tpu.memref_slice %arg2[%arg0, %add3A_22, %dma_start3A_25] : memref<2x10240x32xf32, #tpu.memory_space<hbm>> -> memref<1x128x32xf32, #tpu.memory_space<hbm>>
    %dma_start3A_27 = tpu.memref_squeeze %dma_start3A_26 : memref<1x128x32xf32, #tpu.memory_space<hbm>> -> memref<128x32xf32, #tpu.memory_space<hbm>>
    tpu.enqueue_dma source(%dma_start3A_27 : memref<128x32xf32, #tpu.memory_space<hbm>>) target(%dma_start3A_24 : memref<128x32xf32, #tpu.memory_space<vmem_shared>>) target_semaphore(%arg19 : memref<!tpu.dma_semaphore, #tpu.memory_space<semaphore_mem>>)
    %dma_start3A_28 = arith.constant 0 : i32
    %dma_start3A_29 = tpu.memref_slice %arg33[%add3A_22, %dma_start3A_28] : memref<10240x32xf32, #tpu.memory_space<vmem_shared>> -> memref<128x32xf32, #tpu.memory_space<vmem_shared>>
    tpu.enqueue_dma source(%arg5 : memref<128x32xf32, #tpu.memory_space<hbm>>) target(%dma_start3A_29 : memref<128x32xf32, #tpu.memory_space<vmem_shared>>) target_semaphore(%arg27 : memref<!tpu.dma_semaphore, #tpu.memory_space<semaphore_mem>>)
    %mul3A_30 = arith.constant 640 : i32
    %mul3A_31 = arith.muli %arg1, %mul3A_30 : i32
    %add3A_32 = arith.constant 384 : i32
    %add3A_33 = arith.addi %mul3A_31, %add3A_32 : i32
    %dma_start3A_34 = arith.constant 0 : i32
    %dma_start3A_35 = tpu.memref_slice %arg34[%add3A_33, %dma_start3A_34] : memref<10240x32xf32, #tpu.memory_space<vmem_shared>> -> memref<128x32xf32, #tpu.memory_space<vmem_shared>>
    %dma_start3A_36 = arith.constant 0 : i32
    %dma_start3A_37 = tpu.memref_slice %arg2[%arg0, %add3A_33, %dma_start3A_36] : memref<2x10240x32xf32, #tpu.memory_space<hbm>> -> memref<1x128x32xf32, #tpu.memory_space<hbm>>
    %dma_start3A_38 = tpu.memref_squeeze %dma_start3A_37 : memref<1x128x32xf32, #tpu.memory_space<hbm>> -> memref<128x32xf32, #tpu.memory_space<hbm>>
    tpu.enqueue_dma source(%dma_start3A_38 : memref<128x32xf32, #tpu.memory_space<hbm>>) target(%dma_start3A_35 : memref<128x32xf32, #tpu.memory_space<vmem_shared>>) target_semaphore(%arg20 : memref<!tpu.dma_semaphore, #tpu.memory_space<semaphore_mem>>)
    %dma_start3A_39 = arith.constant 0 : i32
    %dma_start3A_40 = tpu.memref_slice %arg33[%add3A_33, %dma_start3A_39] : memref<10240x32xf32, #tpu.memory_space<vmem_shared>> -> memref<128x32xf32, #tpu.memory_space<vmem_shared>>
    tpu.enqueue_dma source(%arg5 : memref<128x32xf32, #tpu.memory_space<hbm>>) target(%dma_start3A_40 : memref<128x32xf32, #tpu.memory_space<vmem_shared>>) target_semaphore(%arg28 : memref<!tpu.dma_semaphore, #tpu.memory_space<semaphore_mem>>)
    %mul3A_41 = arith.constant 640 : i32
    %mul3A_42 = arith.muli %arg1, %mul3A_41 : i32
    %add3A_43 = arith.constant 512 : i32
    %add3A_44 = arith.addi %mul3A_42, %add3A_43 : i32
    %dma_start3A_45 = arith.constant 0 : i32
    %dma_start3A_46 = tpu.memref_slice %arg34[%add3A_44, %dma_start3A_45] : memref<10240x32xf32, #tpu.memory_space<vmem_shared>> -> memref<128x32xf32, #tpu.memory_space<vmem_shared>>
    %dma_start3A_47 = arith.constant 0 : i32
    %dma_start3A_48 = tpu.memref_slice %arg2[%arg0, %add3A_44, %dma_start3A_47] : memref<2x10240x32xf32, #tpu.memory_space<hbm>> -> memref<1x128x32xf32, #tpu.memory_space<hbm>>
    %dma_start3A_49 = tpu.memref_squeeze %dma_start3A_48 : memref<1x128x32xf32, #tpu.memory_space<hbm>> -> memref<128x32xf32, #tpu.memory_space<hbm>>
    tpu.enqueue_dma source(%dma_start3A_49 : memref<128x32xf32, #tpu.memory_space<hbm>>) target(%dma_start3A_46 : memref<128x32xf32, #tpu.memory_space<vmem_shared>>) target_semaphore(%arg21 : memref<!tpu.dma_semaphore, #tpu.memory_space<semaphore_mem>>)
    %dma_start3A_50 = arith.constant 0 : i32
    %dma_start3A_51 = tpu.memref_slice %arg33[%add3A_44, %dma_start3A_50] : memref<10240x32xf32, #tpu.memory_space<vmem_shared>> -> memref<128x32xf32, #tpu.memory_space<vmem_shared>>
    tpu.enqueue_dma source(%arg5 : memref<128x32xf32, #tpu.memory_space<hbm>>) target(%dma_start3A_51 : memref<128x32xf32, #tpu.memory_space<vmem_shared>>) target_semaphore(%arg29 : memref<!tpu.dma_semaphore, #tpu.memory_space<semaphore_mem>>)
    %dma_start3A_52 = arith.constant 0 : i32
    %dma_start3A_53 = arith.constant 0 : i32
    %dma_start3A_54 = tpu.memref_slice %arg3[%arg1, %dma_start3A_52, %dma_start3A_53] : memref<16x160x128xi32, #tpu.memory_space<hbm>> -> memref<1x160x128xi32, #tpu.memory_space<hbm>>
    %dma_start3A_55 = tpu.memref_squeeze %dma_start3A_54 : memref<1x160x128xi32, #tpu.memory_space<hbm>> -> memref<160x128xi32, #tpu.memory_space<hbm>>
    %dma_start3A_56 = arith.constant 0 : i32
    %dma_start3A_57 = arith.constant 0 : i32
    %dma_start3A_58 = tpu.memref_slice %arg3[%arg1, %dma_start3A_56, %dma_start3A_57] : memref<16x160x128xi32, #tpu.memory_space<hbm>> -> memref<1x160x128xi32, #tpu.memory_space<hbm>>
    %dma_start3A_59 = tpu.memref_squeeze %dma_start3A_58 : memref<1x160x128xi32, #tpu.memory_space<hbm>> -> memref<160x128xi32, #tpu.memory_space<hbm>>
    tpu.enqueue_dma source(%dma_start3A_59 : memref<160x128xi32, #tpu.memory_space<hbm>>) target(%arg7 : memref<160x128xi32, #tpu.memory_space<vmem>>) target_semaphore(%arg22 : memref<!tpu.dma_semaphore, #tpu.memory_space<semaphore_mem>>)
    %dma_start3A_60 = arith.constant 0 : i32
    %dma_start3A_61 = arith.constant 0 : i32
    %dma_start3A_62 = tpu.memref_slice %arg4[%arg1, %dma_start3A_60, %dma_start3A_61] : memref<16x160x128xi32, #tpu.memory_space<hbm>> -> memref<1x160x128xi32, #tpu.memory_space<hbm>>
    %dma_start3A_63 = tpu.memref_squeeze %dma_start3A_62 : memref<1x160x128xi32, #tpu.memory_space<hbm>> -> memref<160x128xi32, #tpu.memory_space<hbm>>
    %dma_start3A_64 = arith.constant 0 : i32
    %dma_start3A_65 = arith.constant 0 : i32
    %dma_start3A_66 = tpu.memref_slice %arg4[%arg1, %dma_start3A_64, %dma_start3A_65] : memref<16x160x128xi32, #tpu.memory_space<hbm>> -> memref<1x160x128xi32, #tpu.memory_space<hbm>>
    %dma_start3A_67 = tpu.memref_squeeze %dma_start3A_66 : memref<1x160x128xi32, #tpu.memory_space<hbm>> -> memref<160x128xi32, #tpu.memory_space<hbm>>
    tpu.enqueue_dma source(%dma_start3A_67 : memref<160x128xi32, #tpu.memory_space<hbm>>) target(%arg8 : memref<160x128xi32, #tpu.memory_space<vmem>>) target_semaphore(%arg23 : memref<!tpu.dma_semaphore, #tpu.memory_space<semaphore_mem>>)
    %mul3A_68 = arith.constant 640 : i32
    %mul3A_69 = arith.muli %arg1, %mul3A_68 : i32
    %add3A_70 = arith.constant 0 : i32
    %add3A_71 = arith.addi %mul3A_69, %add3A_70 : i32
    %dma_wait3A = arith.constant 0 : i32
    %dma_wait3A_72 = tpu.memref_slice %arg34[%add3A_71, %dma_wait3A] : memref<10240x32xf32, #tpu.memory_space<vmem_shared>> -> memref<128x32xf32, #tpu.memory_space<vmem_shared>>
    %dma_wait3A_73 = arith.constant 0 : i32
    %dma_wait3A_74 = tpu.memref_slice %arg2[%arg0, %add3A_71, %dma_wait3A_73] : memref<2x10240x32xf32, #tpu.memory_space<hbm>> -> memref<1x128x32xf32, #tpu.memory_space<hbm>>
    %dma_wait3A_75 = tpu.memref_squeeze %dma_wait3A_74 : memref<1x128x32xf32, #tpu.memory_space<hbm>> -> memref<128x32xf32, #tpu.memory_space<hbm>>
    tpu.wait_dma2 semaphore(%arg17 : memref<!tpu.dma_semaphore, #tpu.memory_space<semaphore_mem>>) src(%dma_wait3A_75 : memref<128x32xf32, #tpu.memory_space<hbm>>) dst(%dma_wait3A_72 : memref<128x32xf32, #tpu.memory_space<vmem_shared>>)
    %dma_wait3A_76 = arith.constant 0 : i32
    %dma_wait3A_77 = tpu.memref_slice %arg33[%add3A_71, %dma_wait3A_76] : memref<10240x32xf32, #tpu.memory_space<vmem_shared>> -> memref<128x32xf32, #tpu.memory_space<vmem_shared>>
    tpu.wait_dma2 semaphore(%arg25 : memref<!tpu.dma_semaphore, #tpu.memory_space<semaphore_mem>>) src(%arg5 : memref<128x32xf32, #tpu.memory_space<hbm>>) dst(%dma_wait3A_77 : memref<128x32xf32, #tpu.memory_space<vmem_shared>>)
    %mul3A_78 = arith.constant 640 : i32
    %mul3A_79 = arith.muli %arg1, %mul3A_78 : i32
    %add3A_80 = arith.constant 128 : i32
    %add3A_81 = arith.addi %mul3A_79, %add3A_80 : i32
    %dma_wait3A_82 = arith.constant 0 : i32
    %dma_wait3A_83 = tpu.memref_slice %arg34[%add3A_81, %dma_wait3A_82] : memref<10240x32xf32, #tpu.memory_space<vmem_shared>> -> memref<128x32xf32, #tpu.memory_space<vmem_shared>>
    %dma_wait3A_84 = arith.constant 0 : i32
    %dma_wait3A_85 = tpu.memref_slice %arg2[%arg0, %add3A_81, %dma_wait3A_84] : memref<2x10240x32xf32, #tpu.memory_space<hbm>> -> memref<1x128x32xf32, #tpu.memory_space<hbm>>
    %dma_wait3A_86 = tpu.memref_squeeze %dma_wait3A_85 : memref<1x128x32xf32, #tpu.memory_space<hbm>> -> memref<128x32xf32, #tpu.memory_space<hbm>>
    tpu.wait_dma2 semaphore(%arg18 : memref<!tpu.dma_semaphore, #tpu.memory_space<semaphore_mem>>) src(%dma_wait3A_86 : memref<128x32xf32, #tpu.memory_space<hbm>>) dst(%dma_wait3A_83 : memref<128x32xf32, #tpu.memory_space<vmem_shared>>)
    %dma_wait3A_87 = arith.constant 0 : i32
    %dma_wait3A_88 = tpu.memref_slice %arg33[%add3A_81, %dma_wait3A_87] : memref<10240x32xf32, #tpu.memory_space<vmem_shared>> -> memref<128x32xf32, #tpu.memory_space<vmem_shared>>
    tpu.wait_dma2 semaphore(%arg26 : memref<!tpu.dma_semaphore, #tpu.memory_space<semaphore_mem>>) src(%arg5 : memref<128x32xf32, #tpu.memory_space<hbm>>) dst(%dma_wait3A_88 : memref<128x32xf32, #tpu.memory_space<vmem_shared>>)
    %mul3A_89 = arith.constant 640 : i32
    %mul3A_90 = arith.muli %arg1, %mul3A_89 : i32
    %add3A_91 = arith.constant 256 : i32
    %add3A_92 = arith.addi %mul3A_90, %add3A_91 : i32
    %dma_wait3A_93 = arith.constant 0 : i32
    %dma_wait3A_94 = tpu.memref_slice %arg34[%add3A_92, %dma_wait3A_93] : memref<10240x32xf32, #tpu.memory_space<vmem_shared>> -> memref<128x32xf32, #tpu.memory_space<vmem_shared>>
    %dma_wait3A_95 = arith.constant 0 : i32
    %dma_wait3A_96 = tpu.memref_slice %arg2[%arg0, %add3A_92, %dma_wait3A_95] : memref<2x10240x32xf32, #tpu.memory_space<hbm>> -> memref<1x128x32xf32, #tpu.memory_space<hbm>>
    %dma_wait3A_97 = tpu.memref_squeeze %dma_wait3A_96 : memref<1x128x32xf32, #tpu.memory_space<hbm>> -> memref<128x32xf32, #tpu.memory_space<hbm>>
    tpu.wait_dma2 semaphore(%arg19 : memref<!tpu.dma_semaphore, #tpu.memory_space<semaphore_mem>>) src(%dma_wait3A_97 : memref<128x32xf32, #tpu.memory_space<hbm>>) dst(%dma_wait3A_94 : memref<128x32xf32, #tpu.memory_space<vmem_shared>>)
    %dma_wait3A_98 = arith.constant 0 : i32
    %dma_wait3A_99 = tpu.memref_slice %arg33[%add3A_92, %dma_wait3A_98] : memref<10240x32xf32, #tpu.memory_space<vmem_shared>> -> memref<128x32xf32, #tpu.memory_space<vmem_shared>>
    tpu.wait_dma2 semaphore(%arg27 : memref<!tpu.dma_semaphore, #tpu.memory_space<semaphore_mem>>) src(%arg5 : memref<128x32xf32, #tpu.memory_space<hbm>>) dst(%dma_wait3A_99 : memref<128x32xf32, #tpu.memory_space<vmem_shared>>)
    %mul3A_100 = arith.constant 640 : i32
    %mul3A_101 = arith.muli %arg1, %mul3A_100 : i32
    %add3A_102 = arith.constant 384 : i32
    %add3A_103 = arith.addi %mul3A_101, %add3A_102 : i32
    %dma_wait3A_104 = arith.constant 0 : i32
    %dma_wait3A_105 = tpu.memref_slice %arg34[%add3A_103, %dma_wait3A_104] : memref<10240x32xf32, #tpu.memory_space<vmem_shared>> -> memref<128x32xf32, #tpu.memory_space<vmem_shared>>
    %dma_wait3A_106 = arith.constant 0 : i32
    %dma_wait3A_107 = tpu.memref_slice %arg2[%arg0, %add3A_103, %dma_wait3A_106] : memref<2x10240x32xf32, #tpu.memory_space<hbm>> -> memref<1x128x32xf32, #tpu.memory_space<hbm>>
    %dma_wait3A_108 = tpu.memref_squeeze %dma_wait3A_107 : memref<1x128x32xf32, #tpu.memory_space<hbm>> -> memref<128x32xf32, #tpu.memory_space<hbm>>
    tpu.wait_dma2 semaphore(%arg20 : memref<!tpu.dma_semaphore, #tpu.memory_space<semaphore_mem>>) src(%dma_wait3A_108 : memref<128x32xf32, #tpu.memory_space<hbm>>) dst(%dma_wait3A_105 : memref<128x32xf32, #tpu.memory_space<vmem_shared>>)
    %dma_wait3A_109 = arith.constant 0 : i32
    %dma_wait3A_110 = tpu.memref_slice %arg33[%add3A_103, %dma_wait3A_109] : memref<10240x32xf32, #tpu.memory_space<vmem_shared>> -> memref<128x32xf32, #tpu.memory_space<vmem_shared>>
    tpu.wait_dma2 semaphore(%arg28 : memref<!tpu.dma_semaphore, #tpu.memory_space<semaphore_mem>>) src(%arg5 : memref<128x32xf32, #tpu.memory_space<hbm>>) dst(%dma_wait3A_110 : memref<128x32xf32, #tpu.memory_space<vmem_shared>>)
    %mul3A_111 = arith.constant 640 : i32
    %mul3A_112 = arith.muli %arg1, %mul3A_111 : i32
    %add3A_113 = arith.constant 512 : i32
    %add3A_114 = arith.addi %mul3A_112, %add3A_113 : i32
    %dma_wait3A_115 = arith.constant 0 : i32
    %dma_wait3A_116 = tpu.memref_slice %arg34[%add3A_114, %dma_wait3A_115] : memref<10240x32xf32, #tpu.memory_space<vmem_shared>> -> memref<128x32xf32, #tpu.memory_space<vmem_shared>>
    %dma_wait3A_117 = arith.constant 0 : i32
    %dma_wait3A_118 = tpu.memref_slice %arg2[%arg0, %add3A_114, %dma_wait3A_117] : memref<2x10240x32xf32, #tpu.memory_space<hbm>> -> memref<1x128x32xf32, #tpu.memory_space<hbm>>
    %dma_wait3A_119 = tpu.memref_squeeze %dma_wait3A_118 : memref<1x128x32xf32, #tpu.memory_space<hbm>> -> memref<128x32xf32, #tpu.memory_space<hbm>>
    tpu.wait_dma2 semaphore(%arg21 : memref<!tpu.dma_semaphore, #tpu.memory_space<semaphore_mem>>) src(%dma_wait3A_119 : memref<128x32xf32, #tpu.memory_space<hbm>>) dst(%dma_wait3A_116 : memref<128x32xf32, #tpu.memory_space<vmem_shared>>)
    %dma_wait3A_120 = arith.constant 0 : i32
    %dma_wait3A_121 = tpu.memref_slice %arg33[%add3A_114, %dma_wait3A_120] : memref<10240x32xf32, #tpu.memory_space<vmem_shared>> -> memref<128x32xf32, #tpu.memory_space<vmem_shared>>
    tpu.wait_dma2 semaphore(%arg29 : memref<!tpu.dma_semaphore, #tpu.memory_space<semaphore_mem>>) src(%arg5 : memref<128x32xf32, #tpu.memory_space<hbm>>) dst(%dma_wait3A_121 : memref<128x32xf32, #tpu.memory_space<vmem_shared>>)
    %dma_wait3A_122 = arith.constant 0 : i32
    %dma_wait3A_123 = arith.constant 0 : i32
    %dma_wait3A_124 = tpu.memref_slice %arg3[%arg1, %dma_wait3A_122, %dma_wait3A_123] : memref<16x160x128xi32, #tpu.memory_space<hbm>> -> memref<1x160x128xi32, #tpu.memory_space<hbm>>
    %dma_wait3A_125 = tpu.memref_squeeze %dma_wait3A_124 : memref<1x160x128xi32, #tpu.memory_space<hbm>> -> memref<160x128xi32, #tpu.memory_space<hbm>>
    %dma_wait3A_126 = arith.constant 0 : i32
    %dma_wait3A_127 = arith.constant 0 : i32
    %dma_wait3A_128 = tpu.memref_slice %arg3[%arg1, %dma_wait3A_126, %dma_wait3A_127] : memref<16x160x128xi32, #tpu.memory_space<hbm>> -> memref<1x160x128xi32, #tpu.memory_space<hbm>>
    %dma_wait3A_129 = tpu.memref_squeeze %dma_wait3A_128 : memref<1x160x128xi32, #tpu.memory_space<hbm>> -> memref<160x128xi32, #tpu.memory_space<hbm>>
    tpu.wait_dma2 semaphore(%arg22 : memref<!tpu.dma_semaphore, #tpu.memory_space<semaphore_mem>>) src(%dma_wait3A_129 : memref<160x128xi32, #tpu.memory_space<hbm>>) dst(%arg7 : memref<160x128xi32, #tpu.memory_space<vmem>>)
    %dma_wait3A_130 = arith.constant 0 : i32
    %dma_wait3A_131 = arith.constant 0 : i32
    %dma_wait3A_132 = tpu.memref_slice %arg4[%arg1, %dma_wait3A_130, %dma_wait3A_131] : memref<16x160x128xi32, #tpu.memory_space<hbm>> -> memref<1x160x128xi32, #tpu.memory_space<hbm>>
    %dma_wait3A_133 = tpu.memref_squeeze %dma_wait3A_132 : memref<1x160x128xi32, #tpu.memory_space<hbm>> -> memref<160x128xi32, #tpu.memory_space<hbm>>
    %dma_wait3A_134 = arith.constant 0 : i32
    %dma_wait3A_135 = arith.constant 0 : i32
    %dma_wait3A_136 = tpu.memref_slice %arg4[%arg1, %dma_wait3A_134, %dma_wait3A_135] : memref<16x160x128xi32, #tpu.memory_space<hbm>> -> memref<1x160x128xi32, #tpu.memory_space<hbm>>
    %dma_wait3A_137 = tpu.memref_squeeze %dma_wait3A_136 : memref<1x160x128xi32, #tpu.memory_space<hbm>> -> memref<160x128xi32, #tpu.memory_space<hbm>>
    tpu.wait_dma2 semaphore(%arg23 : memref<!tpu.dma_semaphore, #tpu.memory_space<semaphore_mem>>) src(%dma_wait3A_137 : memref<160x128xi32, #tpu.memory_space<hbm>>) dst(%arg8 : memref<160x128xi32, #tpu.memory_space<vmem>>)
    %barrier3A = arith.constant 0 : index
    tpu.barrier barrier_id(%barrier3A)
    %dma_start3A_138 = arith.constant 0 : i32
    %dma_start3A_139 = arith.constant 0 : i32
    %dma_start3A_140 = tpu.memref_slice %arg7[%dma_start3A_138, %dma_start3A_139] : memref<160x128xi32, #tpu.memory_space<vmem>> -> memref<1x128xi32, #tpu.memory_space<vmem>>
    %dma_start3A_141 = tpu.memref_squeeze %dma_start3A_140 : memref<1x128xi32, #tpu.memory_space<vmem>> -> memref<128xi32, #tpu.memory_space<vmem>>
    %dma_start3A_142 = arith.constant 0 : i32
    %dma_start3A_143 = arith.constant 0 : i32
    %dma_start3A_144 = tpu.memref_slice %arg34[%dma_start3A_142, %dma_start3A_143] : memref<10240x32xf32, #tpu.memory_space<vmem_shared>> -> memref<10240x32xf32, #tpu.memory_space<vmem_shared>>
    tpu.enqueue_indirect_dma source(%dma_start3A_144 : memref<10240x32xf32, #tpu.memory_space<vmem_shared>>) target(%arg9 : memref<128x32xf32, #tpu.memory_space<vmem>>) offsets(%dma_start3A_141 : memref<128xi32, #tpu.memory_space<vmem>>) semaphore(%arg17 : memref<!tpu.dma_semaphore, #tpu.memory_space<semaphore_mem>>)
    %dma_start3A_145 = arith.constant 1 : i32
    %dma_start3A_146 = arith.constant 0 : i32
    %dma_start3A_147 = tpu.memref_slice %arg7[%dma_start3A_145, %dma_start3A_146] : memref<160x128xi32, #tpu.memory_space<vmem>> -> memref<1x128xi32, #tpu.memory_space<vmem>>
    %dma_start3A_148 = tpu.memref_squeeze %dma_start3A_147 : memref<1x128xi32, #tpu.memory_space<vmem>> -> memref<128xi32, #tpu.memory_space<vmem>>
    %dma_start3A_149 = arith.constant 0 : i32
    %dma_start3A_150 = arith.constant 0 : i32
    %dma_start3A_151 = tpu.memref_slice %arg34[%dma_start3A_149, %dma_start3A_150] : memref<10240x32xf32, #tpu.memory_space<vmem_shared>> -> memref<10240x32xf32, #tpu.memory_space<vmem_shared>>
    tpu.enqueue_indirect_dma source(%dma_start3A_151 : memref<10240x32xf32, #tpu.memory_space<vmem_shared>>) target(%arg10 : memref<128x32xf32, #tpu.memory_space<vmem>>) offsets(%dma_start3A_148 : memref<128xi32, #tpu.memory_space<vmem>>) semaphore(%arg18 : memref<!tpu.dma_semaphore, #tpu.memory_space<semaphore_mem>>)
    %dma_start3A_152 = arith.constant 2 : i32
    %dma_start3A_153 = arith.constant 0 : i32
    %dma_start3A_154 = tpu.memref_slice %arg7[%dma_start3A_152, %dma_start3A_153] : memref<160x128xi32, #tpu.memory_space<vmem>> -> memref<1x128xi32, #tpu.memory_space<vmem>>
    %dma_start3A_155 = tpu.memref_squeeze %dma_start3A_154 : memref<1x128xi32, #tpu.memory_space<vmem>> -> memref<128xi32, #tpu.memory_space<vmem>>
    %dma_start3A_156 = arith.constant 0 : i32
    %dma_start3A_157 = arith.constant 0 : i32
    %dma_start3A_158 = tpu.memref_slice %arg34[%dma_start3A_156, %dma_start3A_157] : memref<10240x32xf32, #tpu.memory_space<vmem_shared>> -> memref<10240x32xf32, #tpu.memory_space<vmem_shared>>
    tpu.enqueue_indirect_dma source(%dma_start3A_158 : memref<10240x32xf32, #tpu.memory_space<vmem_shared>>) target(%arg11 : memref<128x32xf32, #tpu.memory_space<vmem>>) offsets(%dma_start3A_155 : memref<128xi32, #tpu.memory_space<vmem>>) semaphore(%arg19 : memref<!tpu.dma_semaphore, #tpu.memory_space<semaphore_mem>>)
    %dma_start3A_159 = arith.constant 3 : i32
    %dma_start3A_160 = arith.constant 0 : i32
    %dma_start3A_161 = tpu.memref_slice %arg7[%dma_start3A_159, %dma_start3A_160] : memref<160x128xi32, #tpu.memory_space<vmem>> -> memref<1x128xi32, #tpu.memory_space<vmem>>
    %dma_start3A_162 = tpu.memref_squeeze %dma_start3A_161 : memref<1x128xi32, #tpu.memory_space<vmem>> -> memref<128xi32, #tpu.memory_space<vmem>>
    %dma_start3A_163 = arith.constant 0 : i32
    %dma_start3A_164 = arith.constant 0 : i32
    %dma_start3A_165 = tpu.memref_slice %arg34[%dma_start3A_163, %dma_start3A_164] : memref<10240x32xf32, #tpu.memory_space<vmem_shared>> -> memref<10240x32xf32, #tpu.memory_space<vmem_shared>>
    tpu.enqueue_indirect_dma source(%dma_start3A_165 : memref<10240x32xf32, #tpu.memory_space<vmem_shared>>) target(%arg12 : memref<128x32xf32, #tpu.memory_space<vmem>>) offsets(%dma_start3A_162 : memref<128xi32, #tpu.memory_space<vmem>>) semaphore(%arg20 : memref<!tpu.dma_semaphore, #tpu.memory_space<semaphore_mem>>)
    %scan3A = arith.constant 0 : i32
    %scan3A_166 = arith.constant 0 : i32
    %scan3A_167 = arith.constant 20 : i32
    %scan3A_168 = arith.addi %scan3A_166, %scan3A_167 : i32
    %scan3A_169 = arith.constant 1 : i32
    scf.for %scan3A_318 = %scan3A_166 to %scan3A_168 step %scan3A_169  : i32 {
      %mul3A_319 = arith.constant 8 : i32
      %mul3A_320 = arith.muli %scan3A_318, %mul3A_319 : i32
      %add3A_321 = arith.constant 0 : i32
      %add3A_322 = arith.addi %mul3A_320, %add3A_321 : i32
      %dma_wait3A_323 = arith.constant 0 : i32
      %dma_wait3A_324 = tpu.memref_slice %arg7[%add3A_322, %dma_wait3A_323] : memref<160x128xi32, #tpu.memory_space<vmem>> -> memref<1x128xi32, #tpu.memory_space<vmem>>
      %dma_wait3A_325 = tpu.memref_squeeze %dma_wait3A_324 : memref<1x128xi32, #tpu.memory_space<vmem>> -> memref<128xi32, #tpu.memory_space<vmem>>
      %dma_wait3A_326 = arith.constant 0 : i32
      %dma_wait3A_327 = arith.constant 0 : i32
      %dma_wait3A_328 = tpu.memref_slice %arg34[%dma_wait3A_326, %dma_wait3A_327] : memref<10240x32xf32, #tpu.memory_space<vmem_shared>> -> memref<10240x32xf32, #tpu.memory_space<vmem_shared>>
      tpu.wait_indirect_dma semaphore(%arg17 : memref<!tpu.dma_semaphore, #tpu.memory_space<semaphore_mem>>) src(%dma_wait3A_328 : memref<10240x32xf32, #tpu.memory_space<vmem_shared>>) dst(%arg9 : memref<128x32xf32, #tpu.memory_space<vmem>>)
      %dma_start3A_329 = arith.constant 0 : i32
      %dma_start3A_330 = tpu.memref_slice %arg8[%add3A_322, %dma_start3A_329] : memref<160x128xi32, #tpu.memory_space<vmem>> -> memref<1x128xi32, #tpu.memory_space<vmem>>
      %dma_start3A_331 = tpu.memref_squeeze %dma_start3A_330 : memref<1x128xi32, #tpu.memory_space<vmem>> -> memref<128xi32, #tpu.memory_space<vmem>>
      %dma_start3A_332 = arith.constant 0 : i32
      %dma_start3A_333 = arith.constant 0 : i32
      %dma_start3A_334 = tpu.memref_slice %arg33[%dma_start3A_332, %dma_start3A_333] : memref<10240x32xf32, #tpu.memory_space<vmem_shared>> -> memref<10240x32xf32, #tpu.memory_space<vmem_shared>>
      tpu.enqueue_indirect_dma source(%arg9 : memref<128x32xf32, #tpu.memory_space<vmem>>) target(%dma_start3A_334 : memref<10240x32xf32, #tpu.memory_space<vmem_shared>>) offsets(%dma_start3A_331 : memref<128xi32, #tpu.memory_space<vmem>>) semaphore(%arg25 : memref<!tpu.dma_semaphore, #tpu.memory_space<semaphore_mem>>) {add = true}
      %add3A_335 = arith.constant 4 : i32
      %add3A_336 = arith.addi %add3A_322, %add3A_335 : i32
      %lt3A = arith.constant 160 : i32
      %lt3A_337 = arith.cmpi slt, %add3A_336, %lt3A : i32
      %convert_element_type3A = arith.extui %lt3A_337 : i1 to i32
      %cond3A = arith.constant 0 : i32
      %cond3A_338 = arith.cmpi ne, %convert_element_type3A, %cond3A : i32
      scf.if %cond3A_338 {
        %ge3A = arith.constant 8 : i32
        %ge3A_500 = arith.cmpi sge, %add3A_336, %ge3A : i32
        %convert_element_type3A_501 = arith.extui %ge3A_500 : i1 to i32
        %cond3A_502 = arith.constant 0 : i32
        %cond3A_503 = arith.cmpi ne, %convert_element_type3A_501, %cond3A_502 : i32
        scf.if %cond3A_503 {
          %sub3A = arith.constant 8 : i32
          %sub3A_510 = arith.subi %add3A_336, %sub3A : i32
          %dma_wait3A_511 = arith.constant 0 : i32
          %dma_wait3A_512 = tpu.memref_slice %arg8[%sub3A_510, %dma_wait3A_511] : memref<160x128xi32, #tpu.memory_space<vmem>> -> memref<1x128xi32, #tpu.memory_space<vmem>>
          %dma_wait3A_513 = tpu.memref_squeeze %dma_wait3A_512 : memref<1x128xi32, #tpu.memory_space<vmem>> -> memref<128xi32, #tpu.memory_space<vmem>>
          %dma_wait3A_514 = arith.constant 0 : i32
          %dma_wait3A_515 = arith.constant 0 : i32
          %dma_wait3A_516 = tpu.memref_slice %arg33[%dma_wait3A_514, %dma_wait3A_515] : memref<10240x32xf32, #tpu.memory_space<vmem_shared>> -> memref<10240x32xf32, #tpu.memory_space<vmem_shared>>
          tpu.wait_indirect_dma semaphore(%arg29 : memref<!tpu.dma_semaphore, #tpu.memory_space<semaphore_mem>>) src(%arg13 : memref<128x32xf32, #tpu.memory_space<vmem>>) dst(%dma_wait3A_516 : memref<10240x32xf32, #tpu.memory_space<vmem_shared>>)
        } else {
        }
        %dma_start3A_504 = arith.constant 0 : i32
        %dma_start3A_505 = tpu.memref_slice %arg7[%add3A_336, %dma_start3A_504] : memref<160x128xi32, #tpu.memory_space<vmem>> -> memref<1x128xi32, #tpu.memory_space<vmem>>
        %dma_start3A_506 = tpu.memref_squeeze %dma_start3A_505 : memref<1x128xi32, #tpu.memory_space<vmem>> -> memref<128xi32, #tpu.memory_space<vmem>>
        %dma_start3A_507 = arith.constant 0 : i32
        %dma_start3A_508 = arith.constant 0 : i32
        %dma_start3A_509 = tpu.memref_slice %arg34[%dma_start3A_507, %dma_start3A_508] : memref<10240x32xf32, #tpu.memory_space<vmem_shared>> -> memref<10240x32xf32, #tpu.memory_space<vmem_shared>>
        tpu.enqueue_indirect_dma source(%dma_start3A_509 : memref<10240x32xf32, #tpu.memory_space<vmem_shared>>) target(%arg13 : memref<128x32xf32, #tpu.memory_space<vmem>>) offsets(%dma_start3A_506 : memref<128xi32, #tpu.memory_space<vmem>>) semaphore(%arg21 : memref<!tpu.dma_semaphore, #tpu.memory_space<semaphore_mem>>)
      } else {
      }
      %mul3A_339 = arith.constant 8 : i32
      %mul3A_340 = arith.muli %scan3A_318, %mul3A_339 : i32
      %add3A_341 = arith.constant 1 : i32
      %add3A_342 = arith.addi %mul3A_340, %add3A_341 : i32
      %dma_wait3A_343 = arith.constant 0 : i32
      %dma_wait3A_344 = tpu.memref_slice %arg7[%add3A_342, %dma_wait3A_343] : memref<160x128xi32, #tpu.memory_space<vmem>> -> memref<1x128xi32, #tpu.memory_space<vmem>>
      %dma_wait3A_345 = tpu.memref_squeeze %dma_wait3A_344 : memref<1x128xi32, #tpu.memory_space<vmem>> -> memref<128xi32, #tpu.memory_space<vmem>>
      %dma_wait3A_346 = arith.constant 0 : i32
      %dma_wait3A_347 = arith.constant 0 : i32
      %dma_wait3A_348 = tpu.memref_slice %arg34[%dma_wait3A_346, %dma_wait3A_347] : memref<10240x32xf32, #tpu.memory_space<vmem_shared>> -> memref<10240x32xf32, #tpu.memory_space<vmem_shared>>
      tpu.wait_indirect_dma semaphore(%arg18 : memref<!tpu.dma_semaphore, #tpu.memory_space<semaphore_mem>>) src(%dma_wait3A_348 : memref<10240x32xf32, #tpu.memory_space<vmem_shared>>) dst(%arg10 : memref<128x32xf32, #tpu.memory_space<vmem>>)
      %dma_start3A_349 = arith.constant 0 : i32
      %dma_start3A_350 = tpu.memref_slice %arg8[%add3A_342, %dma_start3A_349] : memref<160x128xi32, #tpu.memory_space<vmem>> -> memref<1x128xi32, #tpu.memory_space<vmem>>
      %dma_start3A_351 = tpu.memref_squeeze %dma_start3A_350 : memref<1x128xi32, #tpu.memory_space<vmem>> -> memref<128xi32, #tpu.memory_space<vmem>>
      %dma_start3A_352 = arith.constant 0 : i32
      %dma_start3A_353 = arith.constant 0 : i32
      %dma_start3A_354 = tpu.memref_slice %arg33[%dma_start3A_352, %dma_start3A_353] : memref<10240x32xf32, #tpu.memory_space<vmem_shared>> -> memref<10240x32xf32, #tpu.memory_space<vmem_shared>>
      tpu.enqueue_indirect_dma source(%arg10 : memref<128x32xf32, #tpu.memory_space<vmem>>) target(%dma_start3A_354 : memref<10240x32xf32, #tpu.memory_space<vmem_shared>>) offsets(%dma_start3A_351 : memref<128xi32, #tpu.memory_space<vmem>>) semaphore(%arg26 : memref<!tpu.dma_semaphore, #tpu.memory_space<semaphore_mem>>) {add = true}
      %add3A_355 = arith.constant 4 : i32
      %add3A_356 = arith.addi %add3A_342, %add3A_355 : i32
      %lt3A_357 = arith.constant 160 : i32
      %lt3A_358 = arith.cmpi slt, %add3A_356, %lt3A_357 : i32
      %convert_element_type3A_359 = arith.extui %lt3A_358 : i1 to i32
      %cond3A_360 = arith.constant 0 : i32
      %cond3A_361 = arith.cmpi ne, %convert_element_type3A_359, %cond3A_360 : i32
      scf.if %cond3A_361 {
        %ge3A = arith.constant 8 : i32
        %ge3A_500 = arith.cmpi sge, %add3A_356, %ge3A : i32
        %convert_element_type3A_501 = arith.extui %ge3A_500 : i1 to i32
        %cond3A_502 = arith.constant 0 : i32
        %cond3A_503 = arith.cmpi ne, %convert_element_type3A_501, %cond3A_502 : i32
        scf.if %cond3A_503 {
          %sub3A = arith.constant 8 : i32
          %sub3A_510 = arith.subi %add3A_356, %sub3A : i32
          %dma_wait3A_511 = arith.constant 0 : i32
          %dma_wait3A_512 = tpu.memref_slice %arg8[%sub3A_510, %dma_wait3A_511] : memref<160x128xi32, #tpu.memory_space<vmem>> -> memref<1x128xi32, #tpu.memory_space<vmem>>
          %dma_wait3A_513 = tpu.memref_squeeze %dma_wait3A_512 : memref<1x128xi32, #tpu.memory_space<vmem>> -> memref<128xi32, #tpu.memory_space<vmem>>
          %dma_wait3A_514 = arith.constant 0 : i32
          %dma_wait3A_515 = arith.constant 0 : i32
          %dma_wait3A_516 = tpu.memref_slice %arg33[%dma_wait3A_514, %dma_wait3A_515] : memref<10240x32xf32, #tpu.memory_space<vmem_shared>> -> memref<10240x32xf32, #tpu.memory_space<vmem_shared>>
          tpu.wait_indirect_dma semaphore(%arg30 : memref<!tpu.dma_semaphore, #tpu.memory_space<semaphore_mem>>) src(%arg14 : memref<128x32xf32, #tpu.memory_space<vmem>>) dst(%dma_wait3A_516 : memref<10240x32xf32, #tpu.memory_space<vmem_shared>>)
        } else {
        }
        %dma_start3A_504 = arith.constant 0 : i32
        %dma_start3A_505 = tpu.memref_slice %arg7[%add3A_356, %dma_start3A_504] : memref<160x128xi32, #tpu.memory_space<vmem>> -> memref<1x128xi32, #tpu.memory_space<vmem>>
        %dma_start3A_506 = tpu.memref_squeeze %dma_start3A_505 : memref<1x128xi32, #tpu.memory_space<vmem>> -> memref<128xi32, #tpu.memory_space<vmem>>
        %dma_start3A_507 = arith.constant 0 : i32
        %dma_start3A_508 = arith.constant 0 : i32
        %dma_start3A_509 = tpu.memref_slice %arg34[%dma_start3A_507, %dma_start3A_508] : memref<10240x32xf32, #tpu.memory_space<vmem_shared>> -> memref<10240x32xf32, #tpu.memory_space<vmem_shared>>
        tpu.enqueue_indirect_dma source(%dma_start3A_509 : memref<10240x32xf32, #tpu.memory_space<vmem_shared>>) target(%arg14 : memref<128x32xf32, #tpu.memory_space<vmem>>) offsets(%dma_start3A_506 : memref<128xi32, #tpu.memory_space<vmem>>) semaphore(%arg22 : memref<!tpu.dma_semaphore, #tpu.memory_space<semaphore_mem>>)
      } else {
      }
      %mul3A_362 = arith.constant 8 : i32
      %mul3A_363 = arith.muli %scan3A_318, %mul3A_362 : i32
      %add3A_364 = arith.constant 2 : i32
      %add3A_365 = arith.addi %mul3A_363, %add3A_364 : i32
      %dma_wait3A_366 = arith.constant 0 : i32
      %dma_wait3A_367 = tpu.memref_slice %arg7[%add3A_365, %dma_wait3A_366] : memref<160x128xi32, #tpu.memory_space<vmem>> -> memref<1x128xi32, #tpu.memory_space<vmem>>
      %dma_wait3A_368 = tpu.memref_squeeze %dma_wait3A_367 : memref<1x128xi32, #tpu.memory_space<vmem>> -> memref<128xi32, #tpu.memory_space<vmem>>
      %dma_wait3A_369 = arith.constant 0 : i32
      %dma_wait3A_370 = arith.constant 0 : i32
      %dma_wait3A_371 = tpu.memref_slice %arg34[%dma_wait3A_369, %dma_wait3A_370] : memref<10240x32xf32, #tpu.memory_space<vmem_shared>> -> memref<10240x32xf32, #tpu.memory_space<vmem_shared>>
      tpu.wait_indirect_dma semaphore(%arg19 : memref<!tpu.dma_semaphore, #tpu.memory_space<semaphore_mem>>) src(%dma_wait3A_371 : memref<10240x32xf32, #tpu.memory_space<vmem_shared>>) dst(%arg11 : memref<128x32xf32, #tpu.memory_space<vmem>>)
      %dma_start3A_372 = arith.constant 0 : i32
      %dma_start3A_373 = tpu.memref_slice %arg8[%add3A_365, %dma_start3A_372] : memref<160x128xi32, #tpu.memory_space<vmem>> -> memref<1x128xi32, #tpu.memory_space<vmem>>
      %dma_start3A_374 = tpu.memref_squeeze %dma_start3A_373 : memref<1x128xi32, #tpu.memory_space<vmem>> -> memref<128xi32, #tpu.memory_space<vmem>>
      %dma_start3A_375 = arith.constant 0 : i32
      %dma_start3A_376 = arith.constant 0 : i32
      %dma_start3A_377 = tpu.memref_slice %arg33[%dma_start3A_375, %dma_start3A_376] : memref<10240x32xf32, #tpu.memory_space<vmem_shared>> -> memref<10240x32xf32, #tpu.memory_space<vmem_shared>>
      tpu.enqueue_indirect_dma source(%arg11 : memref<128x32xf32, #tpu.memory_space<vmem>>) target(%dma_start3A_377 : memref<10240x32xf32, #tpu.memory_space<vmem_shared>>) offsets(%dma_start3A_374 : memref<128xi32, #tpu.memory_space<vmem>>) semaphore(%arg27 : memref<!tpu.dma_semaphore, #tpu.memory_space<semaphore_mem>>) {add = true}
      %add3A_378 = arith.constant 4 : i32
      %add3A_379 = arith.addi %add3A_365, %add3A_378 : i32
      %lt3A_380 = arith.constant 160 : i32
      %lt3A_381 = arith.cmpi slt, %add3A_379, %lt3A_380 : i32
      %convert_element_type3A_382 = arith.extui %lt3A_381 : i1 to i32
      %cond3A_383 = arith.constant 0 : i32
      %cond3A_384 = arith.cmpi ne, %convert_element_type3A_382, %cond3A_383 : i32
      scf.if %cond3A_384 {
        %ge3A = arith.constant 8 : i32
        %ge3A_500 = arith.cmpi sge, %add3A_379, %ge3A : i32
        %convert_element_type3A_501 = arith.extui %ge3A_500 : i1 to i32
        %cond3A_502 = arith.constant 0 : i32
        %cond3A_503 = arith.cmpi ne, %convert_element_type3A_501, %cond3A_502 : i32
        scf.if %cond3A_503 {
          %sub3A = arith.constant 8 : i32
          %sub3A_510 = arith.subi %add3A_379, %sub3A : i32
          %dma_wait3A_511 = arith.constant 0 : i32
          %dma_wait3A_512 = tpu.memref_slice %arg8[%sub3A_510, %dma_wait3A_511] : memref<160x128xi32, #tpu.memory_space<vmem>> -> memref<1x128xi32, #tpu.memory_space<vmem>>
          %dma_wait3A_513 = tpu.memref_squeeze %dma_wait3A_512 : memref<1x128xi32, #tpu.memory_space<vmem>> -> memref<128xi32, #tpu.memory_space<vmem>>
          %dma_wait3A_514 = arith.constant 0 : i32
          %dma_wait3A_515 = arith.constant 0 : i32
          %dma_wait3A_516 = tpu.memref_slice %arg33[%dma_wait3A_514, %dma_wait3A_515] : memref<10240x32xf32, #tpu.memory_space<vmem_shared>> -> memref<10240x32xf32, #tpu.memory_space<vmem_shared>>
          tpu.wait_indirect_dma semaphore(%arg31 : memref<!tpu.dma_semaphore, #tpu.memory_space<semaphore_mem>>) src(%arg15 : memref<128x32xf32, #tpu.memory_space<vmem>>) dst(%dma_wait3A_516 : memref<10240x32xf32, #tpu.memory_space<vmem_shared>>)
        } else {
        }
        %dma_start3A_504 = arith.constant 0 : i32
        %dma_start3A_505 = tpu.memref_slice %arg7[%add3A_379, %dma_start3A_504] : memref<160x128xi32, #tpu.memory_space<vmem>> -> memref<1x128xi32, #tpu.memory_space<vmem>>
        %dma_start3A_506 = tpu.memref_squeeze %dma_start3A_505 : memref<1x128xi32, #tpu.memory_space<vmem>> -> memref<128xi32, #tpu.memory_space<vmem>>
        %dma_start3A_507 = arith.constant 0 : i32
        %dma_start3A_508 = arith.constant 0 : i32
        %dma_start3A_509 = tpu.memref_slice %arg34[%dma_start3A_507, %dma_start3A_508] : memref<10240x32xf32, #tpu.memory_space<vmem_shared>> -> memref<10240x32xf32, #tpu.memory_space<vmem_shared>>
        tpu.enqueue_indirect_dma source(%dma_start3A_509 : memref<10240x32xf32, #tpu.memory_space<vmem_shared>>) target(%arg15 : memref<128x32xf32, #tpu.memory_space<vmem>>) offsets(%dma_start3A_506 : memref<128xi32, #tpu.memory_space<vmem>>) semaphore(%arg23 : memref<!tpu.dma_semaphore, #tpu.memory_space<semaphore_mem>>)
      } else {
      }
      %mul3A_385 = arith.constant 8 : i32
      %mul3A_386 = arith.muli %scan3A_318, %mul3A_385 : i32
      %add3A_387 = arith.constant 3 : i32
      %add3A_388 = arith.addi %mul3A_386, %add3A_387 : i32
      %dma_wait3A_389 = arith.constant 0 : i32
      %dma_wait3A_390 = tpu.memref_slice %arg7[%add3A_388, %dma_wait3A_389] : memref<160x128xi32, #tpu.memory_space<vmem>> -> memref<1x128xi32, #tpu.memory_space<vmem>>
      %dma_wait3A_391 = tpu.memref_squeeze %dma_wait3A_390 : memref<1x128xi32, #tpu.memory_space<vmem>> -> memref<128xi32, #tpu.memory_space<vmem>>
      %dma_wait3A_392 = arith.constant 0 : i32
      %dma_wait3A_393 = arith.constant 0 : i32
      %dma_wait3A_394 = tpu.memref_slice %arg34[%dma_wait3A_392, %dma_wait3A_393] : memref<10240x32xf32, #tpu.memory_space<vmem_shared>> -> memref<10240x32xf32, #tpu.memory_space<vmem_shared>>
      tpu.wait_indirect_dma semaphore(%arg20 : memref<!tpu.dma_semaphore, #tpu.memory_space<semaphore_mem>>) src(%dma_wait3A_394 : memref<10240x32xf32, #tpu.memory_space<vmem_shared>>) dst(%arg12 : memref<128x32xf32, #tpu.memory_space<vmem>>)
      %dma_start3A_395 = arith.constant 0 : i32
      %dma_start3A_396 = tpu.memref_slice %arg8[%add3A_388, %dma_start3A_395] : memref<160x128xi32, #tpu.memory_space<vmem>> -> memref<1x128xi32, #tpu.memory_space<vmem>>
      %dma_start3A_397 = tpu.memref_squeeze %dma_start3A_396 : memref<1x128xi32, #tpu.memory_space<vmem>> -> memref<128xi32, #tpu.memory_space<vmem>>
      %dma_start3A_398 = arith.constant 0 : i32
      %dma_start3A_399 = arith.constant 0 : i32
      %dma_start3A_400 = tpu.memref_slice %arg33[%dma_start3A_398, %dma_start3A_399] : memref<10240x32xf32, #tpu.memory_space<vmem_shared>> -> memref<10240x32xf32, #tpu.memory_space<vmem_shared>>
      tpu.enqueue_indirect_dma source(%arg12 : memref<128x32xf32, #tpu.memory_space<vmem>>) target(%dma_start3A_400 : memref<10240x32xf32, #tpu.memory_space<vmem_shared>>) offsets(%dma_start3A_397 : memref<128xi32, #tpu.memory_space<vmem>>) semaphore(%arg28 : memref<!tpu.dma_semaphore, #tpu.memory_space<semaphore_mem>>) {add = true}
      %add3A_401 = arith.constant 4 : i32
      %add3A_402 = arith.addi %add3A_388, %add3A_401 : i32
      %lt3A_403 = arith.constant 160 : i32
      %lt3A_404 = arith.cmpi slt, %add3A_402, %lt3A_403 : i32
      %convert_element_type3A_405 = arith.extui %lt3A_404 : i1 to i32
      %cond3A_406 = arith.constant 0 : i32
      %cond3A_407 = arith.cmpi ne, %convert_element_type3A_405, %cond3A_406 : i32
      scf.if %cond3A_407 {
        %ge3A = arith.constant 8 : i32
        %ge3A_500 = arith.cmpi sge, %add3A_402, %ge3A : i32
        %convert_element_type3A_501 = arith.extui %ge3A_500 : i1 to i32
        %cond3A_502 = arith.constant 0 : i32
        %cond3A_503 = arith.cmpi ne, %convert_element_type3A_501, %cond3A_502 : i32
        scf.if %cond3A_503 {
          %sub3A = arith.constant 8 : i32
          %sub3A_510 = arith.subi %add3A_402, %sub3A : i32
          %dma_wait3A_511 = arith.constant 0 : i32
          %dma_wait3A_512 = tpu.memref_slice %arg8[%sub3A_510, %dma_wait3A_511] : memref<160x128xi32, #tpu.memory_space<vmem>> -> memref<1x128xi32, #tpu.memory_space<vmem>>
          %dma_wait3A_513 = tpu.memref_squeeze %dma_wait3A_512 : memref<1x128xi32, #tpu.memory_space<vmem>> -> memref<128xi32, #tpu.memory_space<vmem>>
          %dma_wait3A_514 = arith.constant 0 : i32
          %dma_wait3A_515 = arith.constant 0 : i32
          %dma_wait3A_516 = tpu.memref_slice %arg33[%dma_wait3A_514, %dma_wait3A_515] : memref<10240x32xf32, #tpu.memory_space<vmem_shared>> -> memref<10240x32xf32, #tpu.memory_space<vmem_shared>>
          tpu.wait_indirect_dma semaphore(%arg32 : memref<!tpu.dma_semaphore, #tpu.memory_space<semaphore_mem>>) src(%arg16 : memref<128x32xf32, #tpu.memory_space<vmem>>) dst(%dma_wait3A_516 : memref<10240x32xf32, #tpu.memory_space<vmem_shared>>)
        } else {
        }
        %dma_start3A_504 = arith.constant 0 : i32
        %dma_start3A_505 = tpu.memref_slice %arg7[%add3A_402, %dma_start3A_504] : memref<160x128xi32, #tpu.memory_space<vmem>> -> memref<1x128xi32, #tpu.memory_space<vmem>>
        %dma_start3A_506 = tpu.memref_squeeze %dma_start3A_505 : memref<1x128xi32, #tpu.memory_space<vmem>> -> memref<128xi32, #tpu.memory_space<vmem>>
        %dma_start3A_507 = arith.constant 0 : i32
        %dma_start3A_508 = arith.constant 0 : i32
        %dma_start3A_509 = tpu.memref_slice %arg34[%dma_start3A_507, %dma_start3A_508] : memref<10240x32xf32, #tpu.memory_space<vmem_shared>> -> memref<10240x32xf32, #tpu.memory_space<vmem_shared>>
        tpu.enqueue_indirect_dma source(%dma_start3A_509 : memref<10240x32xf32, #tpu.memory_space<vmem_shared>>) target(%arg16 : memref<128x32xf32, #tpu.memory_space<vmem>>) offsets(%dma_start3A_506 : memref<128xi32, #tpu.memory_space<vmem>>) semaphore(%arg24 : memref<!tpu.dma_semaphore, #tpu.memory_space<semaphore_mem>>)
      } else {
      }
      %mul3A_408 = arith.constant 8 : i32
      %mul3A_409 = arith.muli %scan3A_318, %mul3A_408 : i32
      %add3A_410 = arith.constant 4 : i32
      %add3A_411 = arith.addi %mul3A_409, %add3A_410 : i32
      %dma_wait3A_412 = arith.constant 0 : i32
      %dma_wait3A_413 = tpu.memref_slice %arg7[%add3A_411, %dma_wait3A_412] : memref<160x128xi32, #tpu.memory_space<vmem>> -> memref<1x128xi32, #tpu.memory_space<vmem>>
      %dma_wait3A_414 = tpu.memref_squeeze %dma_wait3A_413 : memref<1x128xi32, #tpu.memory_space<vmem>> -> memref<128xi32, #tpu.memory_space<vmem>>
      %dma_wait3A_415 = arith.constant 0 : i32
      %dma_wait3A_416 = arith.constant 0 : i32
      %dma_wait3A_417 = tpu.memref_slice %arg34[%dma_wait3A_415, %dma_wait3A_416] : memref<10240x32xf32, #tpu.memory_space<vmem_shared>> -> memref<10240x32xf32, #tpu.memory_space<vmem_shared>>
      tpu.wait_indirect_dma semaphore(%arg21 : memref<!tpu.dma_semaphore, #tpu.memory_space<semaphore_mem>>) src(%dma_wait3A_417 : memref<10240x32xf32, #tpu.memory_space<vmem_shared>>) dst(%arg13 : memref<128x32xf32, #tpu.memory_space<vmem>>)
      %dma_start3A_418 = arith.constant 0 : i32
      %dma_start3A_419 = tpu.memref_slice %arg8[%add3A_411, %dma_start3A_418] : memref<160x128xi32, #tpu.memory_space<vmem>> -> memref<1x128xi32, #tpu.memory_space<vmem>>
      %dma_start3A_420 = tpu.memref_squeeze %dma_start3A_419 : memref<1x128xi32, #tpu.memory_space<vmem>> -> memref<128xi32, #tpu.memory_space<vmem>>
      %dma_start3A_421 = arith.constant 0 : i32
      %dma_start3A_422 = arith.constant 0 : i32
      %dma_start3A_423 = tpu.memref_slice %arg33[%dma_start3A_421, %dma_start3A_422] : memref<10240x32xf32, #tpu.memory_space<vmem_shared>> -> memref<10240x32xf32, #tpu.memory_space<vmem_shared>>
      tpu.enqueue_indirect_dma source(%arg13 : memref<128x32xf32, #tpu.memory_space<vmem>>) target(%dma_start3A_423 : memref<10240x32xf32, #tpu.memory_space<vmem_shared>>) offsets(%dma_start3A_420 : memref<128xi32, #tpu.memory_space<vmem>>) semaphore(%arg29 : memref<!tpu.dma_semaphore, #tpu.memory_space<semaphore_mem>>) {add = true}
      %add3A_424 = arith.constant 4 : i32
      %add3A_425 = arith.addi %add3A_411, %add3A_424 : i32
      %lt3A_426 = arith.constant 160 : i32
      %lt3A_427 = arith.cmpi slt, %add3A_425, %lt3A_426 : i32
      %convert_element_type3A_428 = arith.extui %lt3A_427 : i1 to i32
      %cond3A_429 = arith.constant 0 : i32
      %cond3A_430 = arith.cmpi ne, %convert_element_type3A_428, %cond3A_429 : i32
      scf.if %cond3A_430 {
        %ge3A = arith.constant 8 : i32
        %ge3A_500 = arith.cmpi sge, %add3A_425, %ge3A : i32
        %convert_element_type3A_501 = arith.extui %ge3A_500 : i1 to i32
        %cond3A_502 = arith.constant 0 : i32
        %cond3A_503 = arith.cmpi ne, %convert_element_type3A_501, %cond3A_502 : i32
        scf.if %cond3A_503 {
          %sub3A = arith.constant 8 : i32
          %sub3A_510 = arith.subi %add3A_425, %sub3A : i32
          %dma_wait3A_511 = arith.constant 0 : i32
          %dma_wait3A_512 = tpu.memref_slice %arg8[%sub3A_510, %dma_wait3A_511] : memref<160x128xi32, #tpu.memory_space<vmem>> -> memref<1x128xi32, #tpu.memory_space<vmem>>
          %dma_wait3A_513 = tpu.memref_squeeze %dma_wait3A_512 : memref<1x128xi32, #tpu.memory_space<vmem>> -> memref<128xi32, #tpu.memory_space<vmem>>
          %dma_wait3A_514 = arith.constant 0 : i32
          %dma_wait3A_515 = arith.constant 0 : i32
          %dma_wait3A_516 = tpu.memref_slice %arg33[%dma_wait3A_514, %dma_wait3A_515] : memref<10240x32xf32, #tpu.memory_space<vmem_shared>> -> memref<10240x32xf32, #tpu.memory_space<vmem_shared>>
          tpu.wait_indirect_dma semaphore(%arg25 : memref<!tpu.dma_semaphore, #tpu.memory_space<semaphore_mem>>) src(%arg9 : memref<128x32xf32, #tpu.memory_space<vmem>>) dst(%dma_wait3A_516 : memref<10240x32xf32, #tpu.memory_space<vmem_shared>>)
        } else {
        }
        %dma_start3A_504 = arith.constant 0 : i32
        %dma_start3A_505 = tpu.memref_slice %arg7[%add3A_425, %dma_start3A_504] : memref<160x128xi32, #tpu.memory_space<vmem>> -> memref<1x128xi32, #tpu.memory_space<vmem>>
        %dma_start3A_506 = tpu.memref_squeeze %dma_start3A_505 : memref<1x128xi32, #tpu.memory_space<vmem>> -> memref<128xi32, #tpu.memory_space<vmem>>
        %dma_start3A_507 = arith.constant 0 : i32
        %dma_start3A_508 = arith.constant 0 : i32
        %dma_start3A_509 = tpu.memref_slice %arg34[%dma_start3A_507, %dma_start3A_508] : memref<10240x32xf32, #tpu.memory_space<vmem_shared>> -> memref<10240x32xf32, #tpu.memory_space<vmem_shared>>
        tpu.enqueue_indirect_dma source(%dma_start3A_509 : memref<10240x32xf32, #tpu.memory_space<vmem_shared>>) target(%arg9 : memref<128x32xf32, #tpu.memory_space<vmem>>) offsets(%dma_start3A_506 : memref<128xi32, #tpu.memory_space<vmem>>) semaphore(%arg17 : memref<!tpu.dma_semaphore, #tpu.memory_space<semaphore_mem>>)
      } else {
      }
      %mul3A_431 = arith.constant 8 : i32
      %mul3A_432 = arith.muli %scan3A_318, %mul3A_431 : i32
      %add3A_433 = arith.constant 5 : i32
      %add3A_434 = arith.addi %mul3A_432, %add3A_433 : i32
      %dma_wait3A_435 = arith.constant 0 : i32
      %dma_wait3A_436 = tpu.memref_slice %arg7[%add3A_434, %dma_wait3A_435] : memref<160x128xi32, #tpu.memory_space<vmem>> -> memref<1x128xi32, #tpu.memory_space<vmem>>
      %dma_wait3A_437 = tpu.memref_squeeze %dma_wait3A_436 : memref<1x128xi32, #tpu.memory_space<vmem>> -> memref<128xi32, #tpu.memory_space<vmem>>
      %dma_wait3A_438 = arith.constant 0 : i32
      %dma_wait3A_439 = arith.constant 0 : i32
      %dma_wait3A_440 = tpu.memref_slice %arg34[%dma_wait3A_438, %dma_wait3A_439] : memref<10240x32xf32, #tpu.memory_space<vmem_shared>> -> memref<10240x32xf32, #tpu.memory_space<vmem_shared>>
      tpu.wait_indirect_dma semaphore(%arg22 : memref<!tpu.dma_semaphore, #tpu.memory_space<semaphore_mem>>) src(%dma_wait3A_440 : memref<10240x32xf32, #tpu.memory_space<vmem_shared>>) dst(%arg14 : memref<128x32xf32, #tpu.memory_space<vmem>>)
      %dma_start3A_441 = arith.constant 0 : i32
      %dma_start3A_442 = tpu.memref_slice %arg8[%add3A_434, %dma_start3A_441] : memref<160x128xi32, #tpu.memory_space<vmem>> -> memref<1x128xi32, #tpu.memory_space<vmem>>
      %dma_start3A_443 = tpu.memref_squeeze %dma_start3A_442 : memref<1x128xi32, #tpu.memory_space<vmem>> -> memref<128xi32, #tpu.memory_space<vmem>>
      %dma_start3A_444 = arith.constant 0 : i32
      %dma_start3A_445 = arith.constant 0 : i32
      %dma_start3A_446 = tpu.memref_slice %arg33[%dma_start3A_444, %dma_start3A_445] : memref<10240x32xf32, #tpu.memory_space<vmem_shared>> -> memref<10240x32xf32, #tpu.memory_space<vmem_shared>>
      tpu.enqueue_indirect_dma source(%arg14 : memref<128x32xf32, #tpu.memory_space<vmem>>) target(%dma_start3A_446 : memref<10240x32xf32, #tpu.memory_space<vmem_shared>>) offsets(%dma_start3A_443 : memref<128xi32, #tpu.memory_space<vmem>>) semaphore(%arg30 : memref<!tpu.dma_semaphore, #tpu.memory_space<semaphore_mem>>) {add = true}
      %add3A_447 = arith.constant 4 : i32
      %add3A_448 = arith.addi %add3A_434, %add3A_447 : i32
      %lt3A_449 = arith.constant 160 : i32
      %lt3A_450 = arith.cmpi slt, %add3A_448, %lt3A_449 : i32
      %convert_element_type3A_451 = arith.extui %lt3A_450 : i1 to i32
      %cond3A_452 = arith.constant 0 : i32
      %cond3A_453 = arith.cmpi ne, %convert_element_type3A_451, %cond3A_452 : i32
      scf.if %cond3A_453 {
        %ge3A = arith.constant 8 : i32
        %ge3A_500 = arith.cmpi sge, %add3A_448, %ge3A : i32
        %convert_element_type3A_501 = arith.extui %ge3A_500 : i1 to i32
        %cond3A_502 = arith.constant 0 : i32
        %cond3A_503 = arith.cmpi ne, %convert_element_type3A_501, %cond3A_502 : i32
        scf.if %cond3A_503 {
          %sub3A = arith.constant 8 : i32
          %sub3A_510 = arith.subi %add3A_448, %sub3A : i32
          %dma_wait3A_511 = arith.constant 0 : i32
          %dma_wait3A_512 = tpu.memref_slice %arg8[%sub3A_510, %dma_wait3A_511] : memref<160x128xi32, #tpu.memory_space<vmem>> -> memref<1x128xi32, #tpu.memory_space<vmem>>
          %dma_wait3A_513 = tpu.memref_squeeze %dma_wait3A_512 : memref<1x128xi32, #tpu.memory_space<vmem>> -> memref<128xi32, #tpu.memory_space<vmem>>
          %dma_wait3A_514 = arith.constant 0 : i32
          %dma_wait3A_515 = arith.constant 0 : i32
          %dma_wait3A_516 = tpu.memref_slice %arg33[%dma_wait3A_514, %dma_wait3A_515] : memref<10240x32xf32, #tpu.memory_space<vmem_shared>> -> memref<10240x32xf32, #tpu.memory_space<vmem_shared>>
          tpu.wait_indirect_dma semaphore(%arg26 : memref<!tpu.dma_semaphore, #tpu.memory_space<semaphore_mem>>) src(%arg10 : memref<128x32xf32, #tpu.memory_space<vmem>>) dst(%dma_wait3A_516 : memref<10240x32xf32, #tpu.memory_space<vmem_shared>>)
        } else {
        }
        %dma_start3A_504 = arith.constant 0 : i32
        %dma_start3A_505 = tpu.memref_slice %arg7[%add3A_448, %dma_start3A_504] : memref<160x128xi32, #tpu.memory_space<vmem>> -> memref<1x128xi32, #tpu.memory_space<vmem>>
        %dma_start3A_506 = tpu.memref_squeeze %dma_start3A_505 : memref<1x128xi32, #tpu.memory_space<vmem>> -> memref<128xi32, #tpu.memory_space<vmem>>
        %dma_start3A_507 = arith.constant 0 : i32
        %dma_start3A_508 = arith.constant 0 : i32
        %dma_start3A_509 = tpu.memref_slice %arg34[%dma_start3A_507, %dma_start3A_508] : memref<10240x32xf32, #tpu.memory_space<vmem_shared>> -> memref<10240x32xf32, #tpu.memory_space<vmem_shared>>
        tpu.enqueue_indirect_dma source(%dma_start3A_509 : memref<10240x32xf32, #tpu.memory_space<vmem_shared>>) target(%arg10 : memref<128x32xf32, #tpu.memory_space<vmem>>) offsets(%dma_start3A_506 : memref<128xi32, #tpu.memory_space<vmem>>) semaphore(%arg18 : memref<!tpu.dma_semaphore, #tpu.memory_space<semaphore_mem>>)
      } else {
      }
      %mul3A_454 = arith.constant 8 : i32
      %mul3A_455 = arith.muli %scan3A_318, %mul3A_454 : i32
      %add3A_456 = arith.constant 6 : i32
      %add3A_457 = arith.addi %mul3A_455, %add3A_456 : i32
      %dma_wait3A_458 = arith.constant 0 : i32
      %dma_wait3A_459 = tpu.memref_slice %arg7[%add3A_457, %dma_wait3A_458] : memref<160x128xi32, #tpu.memory_space<vmem>> -> memref<1x128xi32, #tpu.memory_space<vmem>>
      %dma_wait3A_460 = tpu.memref_squeeze %dma_wait3A_459 : memref<1x128xi32, #tpu.memory_space<vmem>> -> memref<128xi32, #tpu.memory_space<vmem>>
      %dma_wait3A_461 = arith.constant 0 : i32
      %dma_wait3A_462 = arith.constant 0 : i32
      %dma_wait3A_463 = tpu.memref_slice %arg34[%dma_wait3A_461, %dma_wait3A_462] : memref<10240x32xf32, #tpu.memory_space<vmem_shared>> -> memref<10240x32xf32, #tpu.memory_space<vmem_shared>>
      tpu.wait_indirect_dma semaphore(%arg23 : memref<!tpu.dma_semaphore, #tpu.memory_space<semaphore_mem>>) src(%dma_wait3A_463 : memref<10240x32xf32, #tpu.memory_space<vmem_shared>>) dst(%arg15 : memref<128x32xf32, #tpu.memory_space<vmem>>)
      %dma_start3A_464 = arith.constant 0 : i32
      %dma_start3A_465 = tpu.memref_slice %arg8[%add3A_457, %dma_start3A_464] : memref<160x128xi32, #tpu.memory_space<vmem>> -> memref<1x128xi32, #tpu.memory_space<vmem>>
      %dma_start3A_466 = tpu.memref_squeeze %dma_start3A_465 : memref<1x128xi32, #tpu.memory_space<vmem>> -> memref<128xi32, #tpu.memory_space<vmem>>
      %dma_start3A_467 = arith.constant 0 : i32
      %dma_start3A_468 = arith.constant 0 : i32
      %dma_start3A_469 = tpu.memref_slice %arg33[%dma_start3A_467, %dma_start3A_468] : memref<10240x32xf32, #tpu.memory_space<vmem_shared>> -> memref<10240x32xf32, #tpu.memory_space<vmem_shared>>
      tpu.enqueue_indirect_dma source(%arg15 : memref<128x32xf32, #tpu.memory_space<vmem>>) target(%dma_start3A_469 : memref<10240x32xf32, #tpu.memory_space<vmem_shared>>) offsets(%dma_start3A_466 : memref<128xi32, #tpu.memory_space<vmem>>) semaphore(%arg31 : memref<!tpu.dma_semaphore, #tpu.memory_space<semaphore_mem>>) {add = true}
      %add3A_470 = arith.constant 4 : i32
      %add3A_471 = arith.addi %add3A_457, %add3A_470 : i32
      %lt3A_472 = arith.constant 160 : i32
      %lt3A_473 = arith.cmpi slt, %add3A_471, %lt3A_472 : i32
      %convert_element_type3A_474 = arith.extui %lt3A_473 : i1 to i32
      %cond3A_475 = arith.constant 0 : i32
      %cond3A_476 = arith.cmpi ne, %convert_element_type3A_474, %cond3A_475 : i32
      scf.if %cond3A_476 {
        %ge3A = arith.constant 8 : i32
        %ge3A_500 = arith.cmpi sge, %add3A_471, %ge3A : i32
        %convert_element_type3A_501 = arith.extui %ge3A_500 : i1 to i32
        %cond3A_502 = arith.constant 0 : i32
        %cond3A_503 = arith.cmpi ne, %convert_element_type3A_501, %cond3A_502 : i32
        scf.if %cond3A_503 {
          %sub3A = arith.constant 8 : i32
          %sub3A_510 = arith.subi %add3A_471, %sub3A : i32
          %dma_wait3A_511 = arith.constant 0 : i32
          %dma_wait3A_512 = tpu.memref_slice %arg8[%sub3A_510, %dma_wait3A_511] : memref<160x128xi32, #tpu.memory_space<vmem>> -> memref<1x128xi32, #tpu.memory_space<vmem>>
          %dma_wait3A_513 = tpu.memref_squeeze %dma_wait3A_512 : memref<1x128xi32, #tpu.memory_space<vmem>> -> memref<128xi32, #tpu.memory_space<vmem>>
          %dma_wait3A_514 = arith.constant 0 : i32
          %dma_wait3A_515 = arith.constant 0 : i32
          %dma_wait3A_516 = tpu.memref_slice %arg33[%dma_wait3A_514, %dma_wait3A_515] : memref<10240x32xf32, #tpu.memory_space<vmem_shared>> -> memref<10240x32xf32, #tpu.memory_space<vmem_shared>>
          tpu.wait_indirect_dma semaphore(%arg27 : memref<!tpu.dma_semaphore, #tpu.memory_space<semaphore_mem>>) src(%arg11 : memref<128x32xf32, #tpu.memory_space<vmem>>) dst(%dma_wait3A_516 : memref<10240x32xf32, #tpu.memory_space<vmem_shared>>)
        } else {
        }
        %dma_start3A_504 = arith.constant 0 : i32
        %dma_start3A_505 = tpu.memref_slice %arg7[%add3A_471, %dma_start3A_504] : memref<160x128xi32, #tpu.memory_space<vmem>> -> memref<1x128xi32, #tpu.memory_space<vmem>>
        %dma_start3A_506 = tpu.memref_squeeze %dma_start3A_505 : memref<1x128xi32, #tpu.memory_space<vmem>> -> memref<128xi32, #tpu.memory_space<vmem>>
        %dma_start3A_507 = arith.constant 0 : i32
        %dma_start3A_508 = arith.constant 0 : i32
        %dma_start3A_509 = tpu.memref_slice %arg34[%dma_start3A_507, %dma_start3A_508] : memref<10240x32xf32, #tpu.memory_space<vmem_shared>> -> memref<10240x32xf32, #tpu.memory_space<vmem_shared>>
        tpu.enqueue_indirect_dma source(%dma_start3A_509 : memref<10240x32xf32, #tpu.memory_space<vmem_shared>>) target(%arg11 : memref<128x32xf32, #tpu.memory_space<vmem>>) offsets(%dma_start3A_506 : memref<128xi32, #tpu.memory_space<vmem>>) semaphore(%arg19 : memref<!tpu.dma_semaphore, #tpu.memory_space<semaphore_mem>>)
      } else {
      }
      %mul3A_477 = arith.constant 8 : i32
      %mul3A_478 = arith.muli %scan3A_318, %mul3A_477 : i32
      %add3A_479 = arith.constant 7 : i32
      %add3A_480 = arith.addi %mul3A_478, %add3A_479 : i32
      %dma_wait3A_481 = arith.constant 0 : i32
      %dma_wait3A_482 = tpu.memref_slice %arg7[%add3A_480, %dma_wait3A_481] : memref<160x128xi32, #tpu.memory_space<vmem>> -> memref<1x128xi32, #tpu.memory_space<vmem>>
      %dma_wait3A_483 = tpu.memref_squeeze %dma_wait3A_482 : memref<1x128xi32, #tpu.memory_space<vmem>> -> memref<128xi32, #tpu.memory_space<vmem>>
      %dma_wait3A_484 = arith.constant 0 : i32
      %dma_wait3A_485 = arith.constant 0 : i32
      %dma_wait3A_486 = tpu.memref_slice %arg34[%dma_wait3A_484, %dma_wait3A_485] : memref<10240x32xf32, #tpu.memory_space<vmem_shared>> -> memref<10240x32xf32, #tpu.memory_space<vmem_shared>>
      tpu.wait_indirect_dma semaphore(%arg24 : memref<!tpu.dma_semaphore, #tpu.memory_space<semaphore_mem>>) src(%dma_wait3A_486 : memref<10240x32xf32, #tpu.memory_space<vmem_shared>>) dst(%arg16 : memref<128x32xf32, #tpu.memory_space<vmem>>)
      %dma_start3A_487 = arith.constant 0 : i32
      %dma_start3A_488 = tpu.memref_slice %arg8[%add3A_480, %dma_start3A_487] : memref<160x128xi32, #tpu.memory_space<vmem>> -> memref<1x128xi32, #tpu.memory_space<vmem>>
      %dma_start3A_489 = tpu.memref_squeeze %dma_start3A_488 : memref<1x128xi32, #tpu.memory_space<vmem>> -> memref<128xi32, #tpu.memory_space<vmem>>
      %dma_start3A_490 = arith.constant 0 : i32
      %dma_start3A_491 = arith.constant 0 : i32
      %dma_start3A_492 = tpu.memref_slice %arg33[%dma_start3A_490, %dma_start3A_491] : memref<10240x32xf32, #tpu.memory_space<vmem_shared>> -> memref<10240x32xf32, #tpu.memory_space<vmem_shared>>
      tpu.enqueue_indirect_dma source(%arg16 : memref<128x32xf32, #tpu.memory_space<vmem>>) target(%dma_start3A_492 : memref<10240x32xf32, #tpu.memory_space<vmem_shared>>) offsets(%dma_start3A_489 : memref<128xi32, #tpu.memory_space<vmem>>) semaphore(%arg32 : memref<!tpu.dma_semaphore, #tpu.memory_space<semaphore_mem>>) {add = true}
      %add3A_493 = arith.constant 4 : i32
      %add3A_494 = arith.addi %add3A_480, %add3A_493 : i32
      %lt3A_495 = arith.constant 160 : i32
      %lt3A_496 = arith.cmpi slt, %add3A_494, %lt3A_495 : i32
      %convert_element_type3A_497 = arith.extui %lt3A_496 : i1 to i32
      %cond3A_498 = arith.constant 0 : i32
      %cond3A_499 = arith.cmpi ne, %convert_element_type3A_497, %cond3A_498 : i32
      scf.if %cond3A_499 {
        %ge3A = arith.constant 8 : i32
        %ge3A_500 = arith.cmpi sge, %add3A_494, %ge3A : i32
        %convert_element_type3A_501 = arith.extui %ge3A_500 : i1 to i32
        %cond3A_502 = arith.constant 0 : i32
        %cond3A_503 = arith.cmpi ne, %convert_element_type3A_501, %cond3A_502 : i32
        scf.if %cond3A_503 {
          %sub3A = arith.constant 8 : i32
          %sub3A_510 = arith.subi %add3A_494, %sub3A : i32
          %dma_wait3A_511 = arith.constant 0 : i32
          %dma_wait3A_512 = tpu.memref_slice %arg8[%sub3A_510, %dma_wait3A_511] : memref<160x128xi32, #tpu.memory_space<vmem>> -> memref<1x128xi32, #tpu.memory_space<vmem>>
          %dma_wait3A_513 = tpu.memref_squeeze %dma_wait3A_512 : memref<1x128xi32, #tpu.memory_space<vmem>> -> memref<128xi32, #tpu.memory_space<vmem>>
          %dma_wait3A_514 = arith.constant 0 : i32
          %dma_wait3A_515 = arith.constant 0 : i32
          %dma_wait3A_516 = tpu.memref_slice %arg33[%dma_wait3A_514, %dma_wait3A_515] : memref<10240x32xf32, #tpu.memory_space<vmem_shared>> -> memref<10240x32xf32, #tpu.memory_space<vmem_shared>>
          tpu.wait_indirect_dma semaphore(%arg28 : memref<!tpu.dma_semaphore, #tpu.memory_space<semaphore_mem>>) src(%arg12 : memref<128x32xf32, #tpu.memory_space<vmem>>) dst(%dma_wait3A_516 : memref<10240x32xf32, #tpu.memory_space<vmem_shared>>)
        } else {
        }
        %dma_start3A_504 = arith.constant 0 : i32
        %dma_start3A_505 = tpu.memref_slice %arg7[%add3A_494, %dma_start3A_504] : memref<160x128xi32, #tpu.memory_space<vmem>> -> memref<1x128xi32, #tpu.memory_space<vmem>>
        %dma_start3A_506 = tpu.memref_squeeze %dma_start3A_505 : memref<1x128xi32, #tpu.memory_space<vmem>> -> memref<128xi32, #tpu.memory_space<vmem>>
        %dma_start3A_507 = arith.constant 0 : i32
        %dma_start3A_508 = arith.constant 0 : i32
        %dma_start3A_509 = tpu.memref_slice %arg34[%dma_start3A_507, %dma_start3A_508] : memref<10240x32xf32, #tpu.memory_space<vmem_shared>> -> memref<10240x32xf32, #tpu.memory_space<vmem_shared>>
        tpu.enqueue_indirect_dma source(%dma_start3A_509 : memref<10240x32xf32, #tpu.memory_space<vmem_shared>>) target(%arg12 : memref<128x32xf32, #tpu.memory_space<vmem>>) offsets(%dma_start3A_506 : memref<128xi32, #tpu.memory_space<vmem>>) semaphore(%arg20 : memref<!tpu.dma_semaphore, #tpu.memory_space<semaphore_mem>>)
      } else {
      }
    }
    %scan3A_170 = arith.constant 20 : i32
    %dma_wait3A_171 = arith.constant 152 : i32
    %dma_wait3A_172 = arith.constant 0 : i32
    %dma_wait3A_173 = tpu.memref_slice %arg8[%dma_wait3A_171, %dma_wait3A_172] : memref<160x128xi32, #tpu.memory_space<vmem>> -> memref<1x128xi32, #tpu.memory_space<vmem>>
    %dma_wait3A_174 = tpu.memref_squeeze %dma_wait3A_173 : memref<1x128xi32, #tpu.memory_space<vmem>> -> memref<128xi32, #tpu.memory_space<vmem>>
    %dma_wait3A_175 = arith.constant 0 : i32
    %dma_wait3A_176 = arith.constant 0 : i32
    %dma_wait3A_177 = tpu.memref_slice %arg33[%dma_wait3A_175, %dma_wait3A_176] : memref<10240x32xf32, #tpu.memory_space<vmem_shared>> -> memref<10240x32xf32, #tpu.memory_space<vmem_shared>>
    tpu.wait_indirect_dma semaphore(%arg25 : memref<!tpu.dma_semaphore, #tpu.memory_space<semaphore_mem>>) src(%arg9 : memref<128x32xf32, #tpu.memory_space<vmem>>) dst(%dma_wait3A_177 : memref<10240x32xf32, #tpu.memory_space<vmem_shared>>)
    %dma_wait3A_178 = arith.constant 153 : i32
    %dma_wait3A_179 = arith.constant 0 : i32
    %dma_wait3A_180 = tpu.memref_slice %arg8[%dma_wait3A_178, %dma_wait3A_179] : memref<160x128xi32, #tpu.memory_space<vmem>> -> memref<1x128xi32, #tpu.memory_space<vmem>>
    %dma_wait3A_181 = tpu.memref_squeeze %dma_wait3A_180 : memref<1x128xi32, #tpu.memory_space<vmem>> -> memref<128xi32, #tpu.memory_space<vmem>>
    %dma_wait3A_182 = arith.constant 0 : i32
    %dma_wait3A_183 = arith.constant 0 : i32
    %dma_wait3A_184 = tpu.memref_slice %arg33[%dma_wait3A_182, %dma_wait3A_183] : memref<10240x32xf32, #tpu.memory_space<vmem_shared>> -> memref<10240x32xf32, #tpu.memory_space<vmem_shared>>
    tpu.wait_indirect_dma semaphore(%arg26 : memref<!tpu.dma_semaphore, #tpu.memory_space<semaphore_mem>>) src(%arg10 : memref<128x32xf32, #tpu.memory_space<vmem>>) dst(%dma_wait3A_184 : memref<10240x32xf32, #tpu.memory_space<vmem_shared>>)
    %dma_wait3A_185 = arith.constant 154 : i32
    %dma_wait3A_186 = arith.constant 0 : i32
    %dma_wait3A_187 = tpu.memref_slice %arg8[%dma_wait3A_185, %dma_wait3A_186] : memref<160x128xi32, #tpu.memory_space<vmem>> -> memref<1x128xi32, #tpu.memory_space<vmem>>
    %dma_wait3A_188 = tpu.memref_squeeze %dma_wait3A_187 : memref<1x128xi32, #tpu.memory_space<vmem>> -> memref<128xi32, #tpu.memory_space<vmem>>
    %dma_wait3A_189 = arith.constant 0 : i32
    %dma_wait3A_190 = arith.constant 0 : i32
    %dma_wait3A_191 = tpu.memref_slice %arg33[%dma_wait3A_189, %dma_wait3A_190] : memref<10240x32xf32, #tpu.memory_space<vmem_shared>> -> memref<10240x32xf32, #tpu.memory_space<vmem_shared>>
    tpu.wait_indirect_dma semaphore(%arg27 : memref<!tpu.dma_semaphore, #tpu.memory_space<semaphore_mem>>) src(%arg11 : memref<128x32xf32, #tpu.memory_space<vmem>>) dst(%dma_wait3A_191 : memref<10240x32xf32, #tpu.memory_space<vmem_shared>>)
    %dma_wait3A_192 = arith.constant 155 : i32
    %dma_wait3A_193 = arith.constant 0 : i32
    %dma_wait3A_194 = tpu.memref_slice %arg8[%dma_wait3A_192, %dma_wait3A_193] : memref<160x128xi32, #tpu.memory_space<vmem>> -> memref<1x128xi32, #tpu.memory_space<vmem>>
    %dma_wait3A_195 = tpu.memref_squeeze %dma_wait3A_194 : memref<1x128xi32, #tpu.memory_space<vmem>> -> memref<128xi32, #tpu.memory_space<vmem>>
    %dma_wait3A_196 = arith.constant 0 : i32
    %dma_wait3A_197 = arith.constant 0 : i32
    %dma_wait3A_198 = tpu.memref_slice %arg33[%dma_wait3A_196, %dma_wait3A_197] : memref<10240x32xf32, #tpu.memory_space<vmem_shared>> -> memref<10240x32xf32, #tpu.memory_space<vmem_shared>>
    tpu.wait_indirect_dma semaphore(%arg28 : memref<!tpu.dma_semaphore, #tpu.memory_space<semaphore_mem>>) src(%arg12 : memref<128x32xf32, #tpu.memory_space<vmem>>) dst(%dma_wait3A_198 : memref<10240x32xf32, #tpu.memory_space<vmem_shared>>)
    %dma_wait3A_199 = arith.constant 156 : i32
    %dma_wait3A_200 = arith.constant 0 : i32
    %dma_wait3A_201 = tpu.memref_slice %arg8[%dma_wait3A_199, %dma_wait3A_200] : memref<160x128xi32, #tpu.memory_space<vmem>> -> memref<1x128xi32, #tpu.memory_space<vmem>>
    %dma_wait3A_202 = tpu.memref_squeeze %dma_wait3A_201 : memref<1x128xi32, #tpu.memory_space<vmem>> -> memref<128xi32, #tpu.memory_space<vmem>>
    %dma_wait3A_203 = arith.constant 0 : i32
    %dma_wait3A_204 = arith.constant 0 : i32
    %dma_wait3A_205 = tpu.memref_slice %arg33[%dma_wait3A_203, %dma_wait3A_204] : memref<10240x32xf32, #tpu.memory_space<vmem_shared>> -> memref<10240x32xf32, #tpu.memory_space<vmem_shared>>
    tpu.wait_indirect_dma semaphore(%arg29 : memref<!tpu.dma_semaphore, #tpu.memory_space<semaphore_mem>>) src(%arg13 : memref<128x32xf32, #tpu.memory_space<vmem>>) dst(%dma_wait3A_205 : memref<10240x32xf32, #tpu.memory_space<vmem_shared>>)
    %dma_wait3A_206 = arith.constant 157 : i32
    %dma_wait3A_207 = arith.constant 0 : i32
    %dma_wait3A_208 = tpu.memref_slice %arg8[%dma_wait3A_206, %dma_wait3A_207] : memref<160x128xi32, #tpu.memory_space<vmem>> -> memref<1x128xi32, #tpu.memory_space<vmem>>
    %dma_wait3A_209 = tpu.memref_squeeze %dma_wait3A_208 : memref<1x128xi32, #tpu.memory_space<vmem>> -> memref<128xi32, #tpu.memory_space<vmem>>
    %dma_wait3A_210 = arith.constant 0 : i32
    %dma_wait3A_211 = arith.constant 0 : i32
    %dma_wait3A_212 = tpu.memref_slice %arg33[%dma_wait3A_210, %dma_wait3A_211] : memref<10240x32xf32, #tpu.memory_space<vmem_shared>> -> memref<10240x32xf32, #tpu.memory_space<vmem_shared>>
    tpu.wait_indirect_dma semaphore(%arg30 : memref<!tpu.dma_semaphore, #tpu.memory_space<semaphore_mem>>) src(%arg14 : memref<128x32xf32, #tpu.memory_space<vmem>>) dst(%dma_wait3A_212 : memref<10240x32xf32, #tpu.memory_space<vmem_shared>>)
    %dma_wait3A_213 = arith.constant 158 : i32
    %dma_wait3A_214 = arith.constant 0 : i32
    %dma_wait3A_215 = tpu.memref_slice %arg8[%dma_wait3A_213, %dma_wait3A_214] : memref<160x128xi32, #tpu.memory_space<vmem>> -> memref<1x128xi32, #tpu.memory_space<vmem>>
    %dma_wait3A_216 = tpu.memref_squeeze %dma_wait3A_215 : memref<1x128xi32, #tpu.memory_space<vmem>> -> memref<128xi32, #tpu.memory_space<vmem>>
    %dma_wait3A_217 = arith.constant 0 : i32
    %dma_wait3A_218 = arith.constant 0 : i32
    %dma_wait3A_219 = tpu.memref_slice %arg33[%dma_wait3A_217, %dma_wait3A_218] : memref<10240x32xf32, #tpu.memory_space<vmem_shared>> -> memref<10240x32xf32, #tpu.memory_space<vmem_shared>>
    tpu.wait_indirect_dma semaphore(%arg31 : memref<!tpu.dma_semaphore, #tpu.memory_space<semaphore_mem>>) src(%arg15 : memref<128x32xf32, #tpu.memory_space<vmem>>) dst(%dma_wait3A_219 : memref<10240x32xf32, #tpu.memory_space<vmem_shared>>)
    %dma_wait3A_220 = arith.constant 159 : i32
    %dma_wait3A_221 = arith.constant 0 : i32
    %dma_wait3A_222 = tpu.memref_slice %arg8[%dma_wait3A_220, %dma_wait3A_221] : memref<160x128xi32, #tpu.memory_space<vmem>> -> memref<1x128xi32, #tpu.memory_space<vmem>>
    %dma_wait3A_223 = tpu.memref_squeeze %dma_wait3A_222 : memref<1x128xi32, #tpu.memory_space<vmem>> -> memref<128xi32, #tpu.memory_space<vmem>>
    %dma_wait3A_224 = arith.constant 0 : i32
    %dma_wait3A_225 = arith.constant 0 : i32
    %dma_wait3A_226 = tpu.memref_slice %arg33[%dma_wait3A_224, %dma_wait3A_225] : memref<10240x32xf32, #tpu.memory_space<vmem_shared>> -> memref<10240x32xf32, #tpu.memory_space<vmem_shared>>
    tpu.wait_indirect_dma semaphore(%arg32 : memref<!tpu.dma_semaphore, #tpu.memory_space<semaphore_mem>>) src(%arg16 : memref<128x32xf32, #tpu.memory_space<vmem>>) dst(%dma_wait3A_226 : memref<10240x32xf32, #tpu.memory_space<vmem_shared>>)
    %barrier3A_227 = arith.constant 0 : index
    tpu.barrier barrier_id(%barrier3A_227)
    %mul3A_228 = arith.constant 640 : i32
    %mul3A_229 = arith.muli %arg1, %mul3A_228 : i32
    %add3A_230 = arith.constant 0 : i32
    %add3A_231 = arith.addi %mul3A_229, %add3A_230 : i32
    %dma_start3A_232 = arith.constant 0 : i32
    %dma_start3A_233 = tpu.memref_slice %arg6[%arg0, %add3A_231, %dma_start3A_232] : memref<2x10240x32xf32, #tpu.memory_space<hbm>> -> memref<1x128x32xf32, #tpu.memory_space<hbm>>
    %dma_start3A_234 = tpu.memref_squeeze %dma_start3A_233 : memref<1x128x32xf32, #tpu.memory_space<hbm>> -> memref<128x32xf32, #tpu.memory_space<hbm>>
    %dma_start3A_235 = arith.constant 0 : i32
    %dma_start3A_236 = tpu.memref_slice %arg33[%add3A_231, %dma_start3A_235] : memref<10240x32xf32, #tpu.memory_space<vmem_shared>> -> memref<128x32xf32, #tpu.memory_space<vmem_shared>>
    tpu.enqueue_dma source(%dma_start3A_236 : memref<128x32xf32, #tpu.memory_space<vmem_shared>>) target(%dma_start3A_234 : memref<128x32xf32, #tpu.memory_space<hbm>>) target_semaphore(%arg17 : memref<!tpu.dma_semaphore, #tpu.memory_space<semaphore_mem>>)
    %mul3A_237 = arith.constant 640 : i32
    %mul3A_238 = arith.muli %arg1, %mul3A_237 : i32
    %add3A_239 = arith.constant 128 : i32
    %add3A_240 = arith.addi %mul3A_238, %add3A_239 : i32
    %dma_start3A_241 = arith.constant 0 : i32
    %dma_start3A_242 = tpu.memref_slice %arg6[%arg0, %add3A_240, %dma_start3A_241] : memref<2x10240x32xf32, #tpu.memory_space<hbm>> -> memref<1x128x32xf32, #tpu.memory_space<hbm>>
    %dma_start3A_243 = tpu.memref_squeeze %dma_start3A_242 : memref<1x128x32xf32, #tpu.memory_space<hbm>> -> memref<128x32xf32, #tpu.memory_space<hbm>>
    %dma_start3A_244 = arith.constant 0 : i32
    %dma_start3A_245 = tpu.memref_slice %arg33[%add3A_240, %dma_start3A_244] : memref<10240x32xf32, #tpu.memory_space<vmem_shared>> -> memref<128x32xf32, #tpu.memory_space<vmem_shared>>
    tpu.enqueue_dma source(%dma_start3A_245 : memref<128x32xf32, #tpu.memory_space<vmem_shared>>) target(%dma_start3A_243 : memref<128x32xf32, #tpu.memory_space<hbm>>) target_semaphore(%arg18 : memref<!tpu.dma_semaphore, #tpu.memory_space<semaphore_mem>>)
    %mul3A_246 = arith.constant 640 : i32
    %mul3A_247 = arith.muli %arg1, %mul3A_246 : i32
    %add3A_248 = arith.constant 256 : i32
    %add3A_249 = arith.addi %mul3A_247, %add3A_248 : i32
    %dma_start3A_250 = arith.constant 0 : i32
    %dma_start3A_251 = tpu.memref_slice %arg6[%arg0, %add3A_249, %dma_start3A_250] : memref<2x10240x32xf32, #tpu.memory_space<hbm>> -> memref<1x128x32xf32, #tpu.memory_space<hbm>>
    %dma_start3A_252 = tpu.memref_squeeze %dma_start3A_251 : memref<1x128x32xf32, #tpu.memory_space<hbm>> -> memref<128x32xf32, #tpu.memory_space<hbm>>
    %dma_start3A_253 = arith.constant 0 : i32
    %dma_start3A_254 = tpu.memref_slice %arg33[%add3A_249, %dma_start3A_253] : memref<10240x32xf32, #tpu.memory_space<vmem_shared>> -> memref<128x32xf32, #tpu.memory_space<vmem_shared>>
    tpu.enqueue_dma source(%dma_start3A_254 : memref<128x32xf32, #tpu.memory_space<vmem_shared>>) target(%dma_start3A_252 : memref<128x32xf32, #tpu.memory_space<hbm>>) target_semaphore(%arg19 : memref<!tpu.dma_semaphore, #tpu.memory_space<semaphore_mem>>)
    %mul3A_255 = arith.constant 640 : i32
    %mul3A_256 = arith.muli %arg1, %mul3A_255 : i32
    %add3A_257 = arith.constant 384 : i32
    %add3A_258 = arith.addi %mul3A_256, %add3A_257 : i32
    %dma_start3A_259 = arith.constant 0 : i32
    %dma_start3A_260 = tpu.memref_slice %arg6[%arg0, %add3A_258, %dma_start3A_259] : memref<2x10240x32xf32, #tpu.memory_space<hbm>> -> memref<1x128x32xf32, #tpu.memory_space<hbm>>
    %dma_start3A_261 = tpu.memref_squeeze %dma_start3A_260 : memref<1x128x32xf32, #tpu.memory_space<hbm>> -> memref<128x32xf32, #tpu.memory_space<hbm>>
    %dma_start3A_262 = arith.constant 0 : i32
    %dma_start3A_263 = tpu.memref_slice %arg33[%add3A_258, %dma_start3A_262] : memref<10240x32xf32, #tpu.memory_space<vmem_shared>> -> memref<128x32xf32, #tpu.memory_space<vmem_shared>>
    tpu.enqueue_dma source(%dma_start3A_263 : memref<128x32xf32, #tpu.memory_space<vmem_shared>>) target(%dma_start3A_261 : memref<128x32xf32, #tpu.memory_space<hbm>>) target_semaphore(%arg20 : memref<!tpu.dma_semaphore, #tpu.memory_space<semaphore_mem>>)
    %mul3A_264 = arith.constant 640 : i32
    %mul3A_265 = arith.muli %arg1, %mul3A_264 : i32
    %add3A_266 = arith.constant 512 : i32
    %add3A_267 = arith.addi %mul3A_265, %add3A_266 : i32
    %dma_start3A_268 = arith.constant 0 : i32
    %dma_start3A_269 = tpu.memref_slice %arg6[%arg0, %add3A_267, %dma_start3A_268] : memref<2x10240x32xf32, #tpu.memory_space<hbm>> -> memref<1x128x32xf32, #tpu.memory_space<hbm>>
    %dma_start3A_270 = tpu.memref_squeeze %dma_start3A_269 : memref<1x128x32xf32, #tpu.memory_space<hbm>> -> memref<128x32xf32, #tpu.memory_space<hbm>>
    %dma_start3A_271 = arith.constant 0 : i32
    %dma_start3A_272 = tpu.memref_slice %arg33[%add3A_267, %dma_start3A_271] : memref<10240x32xf32, #tpu.memory_space<vmem_shared>> -> memref<128x32xf32, #tpu.memory_space<vmem_shared>>
    tpu.enqueue_dma source(%dma_start3A_272 : memref<128x32xf32, #tpu.memory_space<vmem_shared>>) target(%dma_start3A_270 : memref<128x32xf32, #tpu.memory_space<hbm>>) target_semaphore(%arg21 : memref<!tpu.dma_semaphore, #tpu.memory_space<semaphore_mem>>)
    %mul3A_273 = arith.constant 640 : i32
    %mul3A_274 = arith.muli %arg1, %mul3A_273 : i32
    %add3A_275 = arith.constant 0 : i32
    %add3A_276 = arith.addi %mul3A_274, %add3A_275 : i32
    %dma_wait3A_277 = arith.constant 0 : i32
    %dma_wait3A_278 = tpu.memref_slice %arg6[%arg0, %add3A_276, %dma_wait3A_277] : memref<2x10240x32xf32, #tpu.memory_space<hbm>> -> memref<1x128x32xf32, #tpu.memory_space<hbm>>
    %dma_wait3A_279 = tpu.memref_squeeze %dma_wait3A_278 : memref<1x128x32xf32, #tpu.memory_space<hbm>> -> memref<128x32xf32, #tpu.memory_space<hbm>>
    %dma_wait3A_280 = arith.constant 0 : i32
    %dma_wait3A_281 = tpu.memref_slice %arg33[%add3A_276, %dma_wait3A_280] : memref<10240x32xf32, #tpu.memory_space<vmem_shared>> -> memref<128x32xf32, #tpu.memory_space<vmem_shared>>
    tpu.wait_dma2 semaphore(%arg17 : memref<!tpu.dma_semaphore, #tpu.memory_space<semaphore_mem>>) src(%dma_wait3A_281 : memref<128x32xf32, #tpu.memory_space<vmem_shared>>) dst(%dma_wait3A_279 : memref<128x32xf32, #tpu.memory_space<hbm>>)
    %mul3A_282 = arith.constant 640 : i32
    %mul3A_283 = arith.muli %arg1, %mul3A_282 : i32
    %add3A_284 = arith.constant 128 : i32
    %add3A_285 = arith.addi %mul3A_283, %add3A_284 : i32
    %dma_wait3A_286 = arith.constant 0 : i32
    %dma_wait3A_287 = tpu.memref_slice %arg6[%arg0, %add3A_285, %dma_wait3A_286] : memref<2x10240x32xf32, #tpu.memory_space<hbm>> -> memref<1x128x32xf32, #tpu.memory_space<hbm>>
    %dma_wait3A_288 = tpu.memref_squeeze %dma_wait3A_287 : memref<1x128x32xf32, #tpu.memory_space<hbm>> -> memref<128x32xf32, #tpu.memory_space<hbm>>
    %dma_wait3A_289 = arith.constant 0 : i32
    %dma_wait3A_290 = tpu.memref_slice %arg33[%add3A_285, %dma_wait3A_289] : memref<10240x32xf32, #tpu.memory_space<vmem_shared>> -> memref<128x32xf32, #tpu.memory_space<vmem_shared>>
    tpu.wait_dma2 semaphore(%arg18 : memref<!tpu.dma_semaphore, #tpu.memory_space<semaphore_mem>>) src(%dma_wait3A_290 : memref<128x32xf32, #tpu.memory_space<vmem_shared>>) dst(%dma_wait3A_288 : memref<128x32xf32, #tpu.memory_space<hbm>>)
    %mul3A_291 = arith.constant 640 : i32
    %mul3A_292 = arith.muli %arg1, %mul3A_291 : i32
    %add3A_293 = arith.constant 256 : i32
    %add3A_294 = arith.addi %mul3A_292, %add3A_293 : i32
    %dma_wait3A_295 = arith.constant 0 : i32
    %dma_wait3A_296 = tpu.memref_slice %arg6[%arg0, %add3A_294, %dma_wait3A_295] : memref<2x10240x32xf32, #tpu.memory_space<hbm>> -> memref<1x128x32xf32, #tpu.memory_space<hbm>>
    %dma_wait3A_297 = tpu.memref_squeeze %dma_wait3A_296 : memref<1x128x32xf32, #tpu.memory_space<hbm>> -> memref<128x32xf32, #tpu.memory_space<hbm>>
    %dma_wait3A_298 = arith.constant 0 : i32
    %dma_wait3A_299 = tpu.memref_slice %arg33[%add3A_294, %dma_wait3A_298] : memref<10240x32xf32, #tpu.memory_space<vmem_shared>> -> memref<128x32xf32, #tpu.memory_space<vmem_shared>>
    tpu.wait_dma2 semaphore(%arg19 : memref<!tpu.dma_semaphore, #tpu.memory_space<semaphore_mem>>) src(%dma_wait3A_299 : memref<128x32xf32, #tpu.memory_space<vmem_shared>>) dst(%dma_wait3A_297 : memref<128x32xf32, #tpu.memory_space<hbm>>)
    %mul3A_300 = arith.constant 640 : i32
    %mul3A_301 = arith.muli %arg1, %mul3A_300 : i32
    %add3A_302 = arith.constant 384 : i32
    %add3A_303 = arith.addi %mul3A_301, %add3A_302 : i32
    %dma_wait3A_304 = arith.constant 0 : i32
    %dma_wait3A_305 = tpu.memref_slice %arg6[%arg0, %add3A_303, %dma_wait3A_304] : memref<2x10240x32xf32, #tpu.memory_space<hbm>> -> memref<1x128x32xf32, #tpu.memory_space<hbm>>
    %dma_wait3A_306 = tpu.memref_squeeze %dma_wait3A_305 : memref<1x128x32xf32, #tpu.memory_space<hbm>> -> memref<128x32xf32, #tpu.memory_space<hbm>>
    %dma_wait3A_307 = arith.constant 0 : i32
    %dma_wait3A_308 = tpu.memref_slice %arg33[%add3A_303, %dma_wait3A_307] : memref<10240x32xf32, #tpu.memory_space<vmem_shared>> -> memref<128x32xf32, #tpu.memory_space<vmem_shared>>
    tpu.wait_dma2 semaphore(%arg20 : memref<!tpu.dma_semaphore, #tpu.memory_space<semaphore_mem>>) src(%dma_wait3A_308 : memref<128x32xf32, #tpu.memory_space<vmem_shared>>) dst(%dma_wait3A_306 : memref<128x32xf32, #tpu.memory_space<hbm>>)
    %mul3A_309 = arith.constant 640 : i32
    %mul3A_310 = arith.muli %arg1, %mul3A_309 : i32
    %add3A_311 = arith.constant 512 : i32
    %add3A_312 = arith.addi %mul3A_310, %add3A_311 : i32
    %dma_wait3A_313 = arith.constant 0 : i32
    %dma_wait3A_314 = tpu.memref_slice %arg6[%arg0, %add3A_312, %dma_wait3A_313] : memref<2x10240x32xf32, #tpu.memory_space<hbm>> -> memref<1x128x32xf32, #tpu.memory_space<hbm>>
    %dma_wait3A_315 = tpu.memref_squeeze %dma_wait3A_314 : memref<1x128x32xf32, #tpu.memory_space<hbm>> -> memref<128x32xf32, #tpu.memory_space<hbm>>
    %dma_wait3A_316 = arith.constant 0 : i32
    %dma_wait3A_317 = tpu.memref_slice %arg33[%add3A_312, %dma_wait3A_316] : memref<10240x32xf32, #tpu.memory_space<vmem_shared>> -> memref<128x32xf32, #tpu.memory_space<vmem_shared>>
    tpu.wait_dma2 semaphore(%arg21 : memref<!tpu.dma_semaphore, #tpu.memory_space<semaphore_mem>>) src(%dma_wait3A_317 : memref<128x32xf32, #tpu.memory_space<vmem_shared>>) dst(%dma_wait3A_315 : memref<128x32xf32, #tpu.memory_space<hbm>>)
    return
  }
}

module attributes {stable_mosaic.version = 14 : i64} {
  func.func @_tc_prep(%arg0: memref<2x10240x16xf32, #tpu.memory_space<vmem>>, %arg1: memref<10000x128xf32, #tpu.memory_space<vmem>>, %arg2: memref<128x64xf32, #tpu.memory_space<vmem>>, %arg3: memref<1x64xf32, #tpu.memory_space<vmem>>, %arg4: memref<64x64xf32, #tpu.memory_space<vmem>>, %arg5: memref<10240x1xf32, #tpu.memory_space<vmem>>, %arg6: memref<2x10240x32xf32, #tpu.memory_space<vmem>>) attributes {dimension_semantics = [], scalar_prefetch = 0 : i64, scratch_operands = 0 : i64, tpu.core_type = #tpu.core_type<tc>} {
    %get3A = arith.constant 0 : index
    %get3A_0 = arith.constant 0 : index
    %get3A_1 = arith.constant 0 : index
    %get3A_2 = vector.load %arg0[%get3A, %get3A_0, %get3A_1] : memref<2x10240x16xf32, #tpu.memory_space<vmem>>, vector<2x10240x16xf32>
    %reduce_sum3A = arith.constant dense<0.000000e+00> : vector<10240xf32>
    %reduce_sum3A_3 = vector.multi_reduction <add>, %get3A_2, %reduce_sum3A [0, 2] : vector<2x10240x16xf32> to vector<10240xf32>
    %mul3A = arith.constant 6.250000e-02 : f32
    %mul3A_4 = vector.broadcast %mul3A : f32 to vector<10240xf32>
    %mul3A_5 = arith.mulf %reduce_sum3A_3, %mul3A_4 : vector<10240xf32>
    %add3A = arith.constant 1.000000e+00 : f32
    %add3A_6 = vector.broadcast %add3A : f32 to vector<10240xf32>
    %add3A_7 = arith.addf %mul3A_5, %add3A_6 : vector<10240xf32>
    %rsqrt3A = math.rsqrt %add3A_7 : vector<10240xf32>
    %broadcast_in_dim3A = vector.shape_cast %rsqrt3A : vector<10240xf32> to vector<10240x1xf32>
    %swap3A = arith.constant 0 : index
    %swap3A_8 = arith.constant 0 : index
    %swap3A_9 = vector.load %arg5[%swap3A, %swap3A_8] : memref<10240x1xf32, #tpu.memory_space<vmem>>, vector<10240x1xf32>
    tpu.vector_store %arg5[%swap3A, %swap3A_8], %broadcast_in_dim3A {strides = array<i32>} : memref<10240x1xf32, #tpu.memory_space<vmem>>, vector<10240x1xf32>,
    %get3A_10 = arith.constant 0 : index
    %get3A_11 = arith.constant 0 : index
    %get3A_12 = vector.load %arg1[%get3A_10, %get3A_11] : memref<10000x128xf32, #tpu.memory_space<vmem>>, vector<10000x128xf32>
    %get3A_13 = arith.constant 0 : index
    %get3A_14 = arith.constant 0 : index
    %get3A_15 = vector.load %arg2[%get3A_13, %get3A_14] : memref<128x64xf32, #tpu.memory_space<vmem>>, vector<128x64xf32>
    %dot_general3A = arith.constant dense<0.000000e+00> : vector<10000x64xf32>
    %dot_general3A_16 = tpu.matmul %get3A_12, %get3A_15, %dot_general3A {dimension_numbers = #tpu.dot_dimension_numbers<[1], [0], [0], [1], [0, 0, 1, 1], [], []>, transpose_lhs_hint = false} : vector<10000x128xf32>, vector<128x64xf32>, vector<10000x64xf32> -> vector<10000x64xf32>
    %get3A_17 = arith.constant 0 : index
    %get3A_18 = arith.constant 0 : index
    %get3A_19 = vector.load %arg3[%get3A_17, %get3A_18] : memref<1x64xf32, #tpu.memory_space<vmem>>, vector<1x64xf32>
    %add3A_20 = vector.broadcast %get3A_19 : vector<1x64xf32> to vector<10000x64xf32>
    %add3A_21 = arith.addf %dot_general3A_16, %add3A_20 : vector<10000x64xf32>
    %get3A_22 = arith.constant 0 : index
    %get3A_23 = arith.constant 0 : index
    %get3A_24 = vector.load %arg4[%get3A_22, %get3A_23] : memref<64x64xf32, #tpu.memory_space<vmem>>, vector<64x64xf32>
    %dot_general3A_25 = arith.constant dense<0.000000e+00> : vector<10000x64xf32>
    %dot_general3A_26 = tpu.matmul %add3A_21, %get3A_24, %dot_general3A_25 {dimension_numbers = #tpu.dot_dimension_numbers<[1], [0], [0], [1], [0, 0, 1, 1], [], []>, transpose_lhs_hint = false} : vector<10000x64xf32>, vector<64x64xf32>, vector<10000x64xf32> -> vector<10000x64xf32>
    %slice3A = vector.extract_strided_slice %broadcast_in_dim3A {offsets = [0, 0], sizes = [10000, 1], strides = [1, 1]} : vector<10240x1xf32> to vector<10000x1xf32>
    %mul3A_27 = vector.broadcast %slice3A : vector<10000x1xf32> to vector<10000x64xf32>
    %mul3A_28 = arith.mulf %dot_general3A_26, %mul3A_27 : vector<10000x64xf32>
    %broadcast_in_dim3A_29 = arith.constant 0.000000e+00 : f32
    %broadcast_in_dim3A_30 = vector.broadcast %broadcast_in_dim3A_29 : f32 to vector<240x32xf32>
    %slice3A_31 = vector.extract_strided_slice %mul3A_28 {offsets = [0, 0], sizes = [10000, 32], strides = [1, 1]} : vector<10000x64xf32> to vector<10000x32xf32>
    %swap3A_32 = arith.constant 0 : index
    %swap3A_33 = arith.constant 0 : index
    %swap3A_34 = arith.constant 0 : index
    %swap3A_35 = vector.load %arg6[%swap3A_32, %swap3A_33, %swap3A_34] : memref<2x10240x32xf32, #tpu.memory_space<vmem>>, vector<1x10000x32xf32>
    %swap3A_36 = vector.shape_cast %swap3A_35 : vector<1x10000x32xf32> to vector<10000x32xf32>
    %swap3A_37 = vector.shape_cast %slice3A_31 : vector<10000x32xf32> to vector<1x10000x32xf32>
    tpu.vector_store %arg6[%swap3A_32, %swap3A_33, %swap3A_34], %swap3A_37 {strides = array<i32>} : memref<2x10240x32xf32, #tpu.memory_space<vmem>>, vector<1x10000x32xf32>,
    %slice3A_38 = vector.extract_strided_slice %mul3A_28 {offsets = [0, 32], sizes = [10000, 32], strides = [1, 1]} : vector<10000x64xf32> to vector<10000x32xf32>
    %swap3A_39 = arith.constant 1 : index
    %swap3A_40 = arith.constant 0 : index
    %swap3A_41 = arith.constant 0 : index
    %swap3A_42 = vector.load %arg6[%swap3A_39, %swap3A_40, %swap3A_41] : memref<2x10240x32xf32, #tpu.memory_space<vmem>>, vector<1x10000x32xf32>
    %swap3A_43 = vector.shape_cast %swap3A_42 : vector<1x10000x32xf32> to vector<10000x32xf32>
    %swap3A_44 = vector.shape_cast %slice3A_38 : vector<10000x32xf32> to vector<1x10000x32xf32>
    tpu.vector_store %arg6[%swap3A_39, %swap3A_40, %swap3A_41], %swap3A_44 {strides = array<i32>} : memref<2x10240x32xf32, #tpu.memory_space<vmem>>, vector<1x10000x32xf32>,
    %swap3A_45 = arith.constant 0 : index
    %swap3A_46 = arith.constant 10000 : index
    %swap3A_47 = arith.constant 0 : index
    %swap3A_48 = vector.load %arg6[%swap3A_45, %swap3A_46, %swap3A_47] : memref<2x10240x32xf32, #tpu.memory_space<vmem>>, vector<1x240x32xf32>
    %swap3A_49 = vector.shape_cast %swap3A_48 : vector<1x240x32xf32> to vector<240x32xf32>
    %swap3A_50 = vector.shape_cast %broadcast_in_dim3A_30 : vector<240x32xf32> to vector<1x240x32xf32>
    tpu.vector_store %arg6[%swap3A_45, %swap3A_46, %swap3A_47], %swap3A_50 {strides = array<i32>} : memref<2x10240x32xf32, #tpu.memory_space<vmem>>, vector<1x240x32xf32>,
    %swap3A_51 = arith.constant 1 : index
    %swap3A_52 = arith.constant 10000 : index
    %swap3A_53 = arith.constant 0 : index
    %swap3A_54 = vector.load %arg6[%swap3A_51, %swap3A_52, %swap3A_53] : memref<2x10240x32xf32, #tpu.memory_space<vmem>>, vector<1x240x32xf32>
    %swap3A_55 = vector.shape_cast %swap3A_54 : vector<1x240x32xf32> to vector<240x32xf32>
    %swap3A_56 = vector.shape_cast %broadcast_in_dim3A_30 : vector<240x32xf32> to vector<1x240x32xf32>
    tpu.vector_store %arg6[%swap3A_51, %swap3A_52, %swap3A_53], %swap3A_56 {strides = array<i32>} : memref<2x10240x32xf32, #tpu.memory_space<vmem>>, vector<1x240x32xf32>,
    return
  }
}

module attributes {stable_mosaic.version = 14 : i64} {
  func.func @_tc_mid(%arg0: memref<2x10240x32xf32, #tpu.memory_space<vmem>>, %arg1: memref<2x10240x32xf32, #tpu.memory_space<vmem>>, %arg2: memref<10240x1xf32, #tpu.memory_space<vmem>>, %arg3: memref<1x64xf32, #tpu.memory_space<vmem>>, %arg4: memref<64x64xf32, #tpu.memory_space<vmem>>, %arg5: memref<2x10240x32xf32, #tpu.memory_space<vmem>>) attributes {dimension_semantics = [], scalar_prefetch = 0 : i64, scratch_operands = 0 : i64, tpu.core_type = #tpu.core_type<tc>} {
    %get3A = arith.constant 0 : index
    %get3A_0 = arith.constant 0 : index
    %get3A_1 = vector.load %arg2[%get3A, %get3A_0] : memref<10240x1xf32, #tpu.memory_space<vmem>>, vector<10240x1xf32>
    %slice3A = vector.extract_strided_slice %get3A_1 {offsets = [0, 0], sizes = [10000, 1], strides = [1, 1]} : vector<10240x1xf32> to vector<10000x1xf32>
    %get3A_2 = arith.constant 0 : index
    %get3A_3 = arith.constant 0 : index
    %get3A_4 = arith.constant 0 : index
    %get3A_5 = vector.load %arg0[%get3A_2, %get3A_3, %get3A_4] : memref<2x10240x32xf32, #tpu.memory_space<vmem>>, vector<2x10240x32xf32>
    %get3A_6 = arith.constant 0 : index
    %get3A_7 = arith.constant 0 : index
    %get3A_8 = arith.constant 0 : index
    %get3A_9 = vector.load %arg1[%get3A_6, %get3A_7, %get3A_8] : memref<2x10240x32xf32, #tpu.memory_space<vmem>>, vector<2x10240x32xf32>
    %slice3A_10 = vector.extract_strided_slice %get3A_5 {offsets = [0, 0, 0], sizes = [1, 10000, 32], strides = [1, 1, 1]} : vector<2x10240x32xf32> to vector<1x10000x32xf32>
    %squeeze3A = vector.shape_cast %slice3A_10 : vector<1x10000x32xf32> to vector<10000x32xf32>
    %slice3A_11 = vector.extract_strided_slice %get3A_5 {offsets = [1, 0, 0], sizes = [1, 10000, 32], strides = [1, 1, 1]} : vector<2x10240x32xf32> to vector<1x10000x32xf32>
    %squeeze3A_12 = vector.shape_cast %slice3A_11 : vector<1x10000x32xf32> to vector<10000x32xf32>
    %concatenate3A = tpu.concatenate %squeeze3A, %squeeze3A_12 in 1 : vector<10000x32xf32>, vector<10000x32xf32> -> vector<10000x64xf32>
    %slice3A_13 = vector.extract_strided_slice %get3A_9 {offsets = [0, 0, 0], sizes = [1, 10000, 32], strides = [1, 1, 1]} : vector<2x10240x32xf32> to vector<1x10000x32xf32>
    %squeeze3A_14 = vector.shape_cast %slice3A_13 : vector<1x10000x32xf32> to vector<10000x32xf32>
    %slice3A_15 = vector.extract_strided_slice %get3A_9 {offsets = [1, 0, 0], sizes = [1, 10000, 32], strides = [1, 1, 1]} : vector<2x10240x32xf32> to vector<1x10000x32xf32>
    %squeeze3A_16 = vector.shape_cast %slice3A_15 : vector<1x10000x32xf32> to vector<10000x32xf32>
    %concatenate3A_17 = tpu.concatenate %squeeze3A_14, %squeeze3A_16 in 1 : vector<10000x32xf32>, vector<10000x32xf32> -> vector<10000x64xf32>
    %add3A = arith.addf %concatenate3A, %concatenate3A_17 : vector<10000x64xf32>
    %mul3A = vector.broadcast %slice3A : vector<10000x1xf32> to vector<10000x64xf32>
    %mul3A_18 = arith.mulf %mul3A, %add3A : vector<10000x64xf32>
    %get3A_19 = arith.constant 0 : index
    %get3A_20 = arith.constant 0 : index
    %get3A_21 = vector.load %arg3[%get3A_19, %get3A_20] : memref<1x64xf32, #tpu.memory_space<vmem>>, vector<1x64xf32>
    %add3A_22 = vector.broadcast %get3A_21 : vector<1x64xf32> to vector<10000x64xf32>
    %add3A_23 = arith.addf %mul3A_18, %add3A_22 : vector<10000x64xf32>
    %max3A = arith.constant 0.000000e+00 : f32
    %max3A_24 = vector.broadcast %max3A : f32 to vector<10000x64xf32>
    %max3A_25 = arith.maximumf %add3A_23, %max3A_24 : vector<10000x64xf32>
    %get3A_26 = arith.constant 0 : index
    %get3A_27 = arith.constant 0 : index
    %get3A_28 = vector.load %arg4[%get3A_26, %get3A_27] : memref<64x64xf32, #tpu.memory_space<vmem>>, vector<64x64xf32>
    %dot_general3A = arith.constant dense<0.000000e+00> : vector<10000x64xf32>
    %dot_general3A_29 = tpu.matmul %max3A_25, %get3A_28, %dot_general3A {dimension_numbers = #tpu.dot_dimension_numbers<[1], [0], [0], [1], [0, 0, 1, 1], [], []>, transpose_lhs_hint = false} : vector<10000x64xf32>, vector<64x64xf32>, vector<10000x64xf32> -> vector<10000x64xf32>
    %mul3A_30 = vector.broadcast %slice3A : vector<10000x1xf32> to vector<10000x64xf32>
    %mul3A_31 = arith.mulf %dot_general3A_29, %mul3A_30 : vector<10000x64xf32>
    %broadcast_in_dim3A = arith.constant 0.000000e+00 : f32
    %broadcast_in_dim3A_32 = vector.broadcast %broadcast_in_dim3A : f32 to vector<240x32xf32>
    %slice3A_33 = vector.extract_strided_slice %mul3A_31 {offsets = [0, 0], sizes = [10000, 32], strides = [1, 1]} : vector<10000x64xf32> to vector<10000x32xf32>
    %swap3A = arith.constant 0 : index
    %swap3A_34 = arith.constant 0 : index
    %swap3A_35 = arith.constant 0 : index
    %swap3A_36 = vector.load %arg5[%swap3A, %swap3A_34, %swap3A_35] : memref<2x10240x32xf32, #tpu.memory_space<vmem>>, vector<1x10000x32xf32>
    %swap3A_37 = vector.shape_cast %swap3A_36 : vector<1x10000x32xf32> to vector<10000x32xf32>
    %swap3A_38 = vector.shape_cast %slice3A_33 : vector<10000x32xf32> to vector<1x10000x32xf32>
    tpu.vector_store %arg5[%swap3A, %swap3A_34, %swap3A_35], %swap3A_38 {strides = array<i32>} : memref<2x10240x32xf32, #tpu.memory_space<vmem>>, vector<1x10000x32xf32>,
    %slice3A_39 = vector.extract_strided_slice %mul3A_31 {offsets = [0, 32], sizes = [10000, 32], strides = [1, 1]} : vector<10000x64xf32> to vector<10000x32xf32>
    %swap3A_40 = arith.constant 1 : index
    %swap3A_41 = arith.constant 0 : index
    %swap3A_42 = arith.constant 0 : index
    %swap3A_43 = vector.load %arg5[%swap3A_40, %swap3A_41, %swap3A_42] : memref<2x10240x32xf32, #tpu.memory_space<vmem>>, vector<1x10000x32xf32>
    %swap3A_44 = vector.shape_cast %swap3A_43 : vector<1x10000x32xf32> to vector<10000x32xf32>
    %swap3A_45 = vector.shape_cast %slice3A_39 : vector<10000x32xf32> to vector<1x10000x32xf32>
    tpu.vector_store %arg5[%swap3A_40, %swap3A_41, %swap3A_42], %swap3A_45 {strides = array<i32>} : memref<2x10240x32xf32, #tpu.memory_space<vmem>>, vector<1x10000x32xf32>,
    %swap3A_46 = arith.constant 0 : index
    %swap3A_47 = arith.constant 10000 : index
    %swap3A_48 = arith.constant 0 : index
    %swap3A_49 = vector.load %arg5[%swap3A_46, %swap3A_47, %swap3A_48] : memref<2x10240x32xf32, #tpu.memory_space<vmem>>, vector<1x240x32xf32>
    %swap3A_50 = vector.shape_cast %swap3A_49 : vector<1x240x32xf32> to vector<240x32xf32>
    %swap3A_51 = vector.shape_cast %broadcast_in_dim3A_32 : vector<240x32xf32> to vector<1x240x32xf32>
    tpu.vector_store %arg5[%swap3A_46, %swap3A_47, %swap3A_48], %swap3A_51 {strides = array<i32>} : memref<2x10240x32xf32, #tpu.memory_space<vmem>>, vector<1x240x32xf32>,
    %swap3A_52 = arith.constant 1 : index
    %swap3A_53 = arith.constant 10000 : index
    %swap3A_54 = arith.constant 0 : index
    %swap3A_55 = vector.load %arg5[%swap3A_52, %swap3A_53, %swap3A_54] : memref<2x10240x32xf32, #tpu.memory_space<vmem>>, vector<1x240x32xf32>
    %swap3A_56 = vector.shape_cast %swap3A_55 : vector<1x240x32xf32> to vector<240x32xf32>
    %swap3A_57 = vector.shape_cast %broadcast_in_dim3A_32 : vector<240x32xf32> to vector<1x240x32xf32>
    tpu.vector_store %arg5[%swap3A_52, %swap3A_53, %swap3A_54], %swap3A_57 {strides = array<i32>} : memref<2x10240x32xf32, #tpu.memory_space<vmem>>, vector<1x240x32xf32>,
    return
  }
}

module attributes {stable_mosaic.version = 14 : i64} {
  func.func @_tc_final(%arg0: memref<2x10240x32xf32, #tpu.memory_space<vmem>>, %arg1: memref<2x10240x32xf32, #tpu.memory_space<vmem>>, %arg2: memref<10240x1xf32, #tpu.memory_space<vmem>>, %arg3: memref<1x64xf32, #tpu.memory_space<vmem>>, %arg4: memref<64x64xf32, #tpu.memory_space<vmem>>, %arg5: memref<1x64xf32, #tpu.memory_space<vmem>>, %arg6: memref<10000x1xi32, #tpu.memory_space<vmem>>, %arg7: memref<64x1xf32, #tpu.memory_space<vmem>>, %arg8: memref<1x1xf32, #tpu.memory_space<vmem>>, %arg9: memref<64x1xf32, #tpu.memory_space<vmem>>) attributes {dimension_semantics = [], scalar_prefetch = 0 : i64, scratch_operands = 0 : i64, tpu.core_type = #tpu.core_type<tc>} {
    %get3A = arith.constant 0 : index
    %get3A_0 = arith.constant 0 : index
    %get3A_1 = vector.load %arg2[%get3A, %get3A_0] : memref<10240x1xf32, #tpu.memory_space<vmem>>, vector<10240x1xf32>
    %slice3A = vector.extract_strided_slice %get3A_1 {offsets = [0, 0], sizes = [10000, 1], strides = [1, 1]} : vector<10240x1xf32> to vector<10000x1xf32>
    %get3A_2 = arith.constant 0 : index
    %get3A_3 = arith.constant 0 : index
    %get3A_4 = arith.constant 0 : index
    %get3A_5 = vector.load %arg0[%get3A_2, %get3A_3, %get3A_4] : memref<2x10240x32xf32, #tpu.memory_space<vmem>>, vector<2x10240x32xf32>
    %get3A_6 = arith.constant 0 : index
    %get3A_7 = arith.constant 0 : index
    %get3A_8 = arith.constant 0 : index
    %get3A_9 = vector.load %arg1[%get3A_6, %get3A_7, %get3A_8] : memref<2x10240x32xf32, #tpu.memory_space<vmem>>, vector<2x10240x32xf32>
    %slice3A_10 = vector.extract_strided_slice %get3A_5 {offsets = [0, 0, 0], sizes = [1, 10000, 32], strides = [1, 1, 1]} : vector<2x10240x32xf32> to vector<1x10000x32xf32>
    %squeeze3A = vector.shape_cast %slice3A_10 : vector<1x10000x32xf32> to vector<10000x32xf32>
    %slice3A_11 = vector.extract_strided_slice %get3A_5 {offsets = [1, 0, 0], sizes = [1, 10000, 32], strides = [1, 1, 1]} : vector<2x10240x32xf32> to vector<1x10000x32xf32>
    %squeeze3A_12 = vector.shape_cast %slice3A_11 : vector<1x10000x32xf32> to vector<10000x32xf32>
    %concatenate3A = tpu.concatenate %squeeze3A, %squeeze3A_12 in 1 : vector<10000x32xf32>, vector<10000x32xf32> -> vector<10000x64xf32>
    %slice3A_13 = vector.extract_strided_slice %get3A_9 {offsets = [0, 0, 0], sizes = [1, 10000, 32], strides = [1, 1, 1]} : vector<2x10240x32xf32> to vector<1x10000x32xf32>
    %squeeze3A_14 = vector.shape_cast %slice3A_13 : vector<1x10000x32xf32> to vector<10000x32xf32>
    %slice3A_15 = vector.extract_strided_slice %get3A_9 {offsets = [1, 0, 0], sizes = [1, 10000, 32], strides = [1, 1, 1]} : vector<2x10240x32xf32> to vector<1x10000x32xf32>
    %squeeze3A_16 = vector.shape_cast %slice3A_15 : vector<1x10000x32xf32> to vector<10000x32xf32>
    %concatenate3A_17 = tpu.concatenate %squeeze3A_14, %squeeze3A_16 in 1 : vector<10000x32xf32>, vector<10000x32xf32> -> vector<10000x64xf32>
    %add3A = arith.addf %concatenate3A, %concatenate3A_17 : vector<10000x64xf32>
    %mul3A = vector.broadcast %slice3A : vector<10000x1xf32> to vector<10000x64xf32>
    %mul3A_18 = arith.mulf %mul3A, %add3A : vector<10000x64xf32>
    %get3A_19 = arith.constant 0 : index
    %get3A_20 = arith.constant 0 : index
    %get3A_21 = vector.load %arg3[%get3A_19, %get3A_20] : memref<1x64xf32, #tpu.memory_space<vmem>>, vector<1x64xf32>
    %add3A_22 = vector.broadcast %get3A_21 : vector<1x64xf32> to vector<10000x64xf32>
    %add3A_23 = arith.addf %mul3A_18, %add3A_22 : vector<10000x64xf32>
    %max3A = arith.constant 0.000000e+00 : f32
    %max3A_24 = vector.broadcast %max3A : f32 to vector<10000x64xf32>
    %max3A_25 = arith.maximumf %add3A_23, %max3A_24 : vector<10000x64xf32>
    %get3A_26 = arith.constant 0 : index
    %get3A_27 = arith.constant 0 : index
    %get3A_28 = vector.load %arg4[%get3A_26, %get3A_27] : memref<64x64xf32, #tpu.memory_space<vmem>>, vector<64x64xf32>
    %dot_general3A = arith.constant dense<0.000000e+00> : vector<10000x64xf32>
    %dot_general3A_29 = tpu.matmul %max3A_25, %get3A_28, %dot_general3A {dimension_numbers = #tpu.dot_dimension_numbers<[1], [0], [0], [1], [0, 0, 1, 1], [], []>, transpose_lhs_hint = false} : vector<10000x64xf32>, vector<64x64xf32>, vector<10000x64xf32> -> vector<10000x64xf32>
    %get3A_30 = arith.constant 0 : index
    %get3A_31 = arith.constant 0 : index
    %get3A_32 = vector.load %arg5[%get3A_30, %get3A_31] : memref<1x64xf32, #tpu.memory_space<vmem>>, vector<1x64xf32>
    %add3A_33 = vector.broadcast %get3A_32 : vector<1x64xf32> to vector<10000x64xf32>
    %add3A_34 = arith.addf %dot_general3A_29, %add3A_33 : vector<10000x64xf32>
    %max3A_35 = arith.constant 0.000000e+00 : f32
    %max3A_36 = vector.broadcast %max3A_35 : f32 to vector<10000x64xf32>
    %max3A_37 = arith.maximumf %add3A_34, %max3A_36 : vector<10000x64xf32>
    %iota3A = tpu.iota {dimensions = array<i32: 1>} : vector<10000x64xi32>
    %get3A_38 = arith.constant 0 : index
    %get3A_39 = arith.constant 0 : index
    %get3A_40 = vector.load %arg6[%get3A_38, %get3A_39] : memref<10000x1xi32, #tpu.memory_space<vmem>>, vector<10000x1xi32>
    %eq3A = vector.broadcast %get3A_40 : vector<10000x1xi32> to vector<10000x64xi32>
    %eq3A_41 = arith.cmpi eq, %eq3A, %iota3A : vector<10000x64xi32>
    %convert_element_type3A = arith.extui %eq3A_41 : vector<10000x64xi1> to vector<10000x64xi32>
    %convert_element_type3A_42 = arith.sitofp %convert_element_type3A : vector<10000x64xi32> to vector<10000x64xf32>
    %dot_general3A_43 = arith.constant dense<0.000000e+00> : vector<64x64xf32>
    %dot_general3A_44 = tpu.matmul %convert_element_type3A_42, %max3A_37, %dot_general3A_43 {dimension_numbers = #tpu.dot_dimension_numbers<[0], [0], [1], [1], [0, 1, 1, 1], [], []>, transpose_lhs_hint = false} : vector<10000x64xf32>, vector<10000x64xf32>, vector<64x64xf32> -> vector<64x64xf32>
    %get3A_45 = arith.constant 0 : index
    %get3A_46 = arith.constant 0 : index
    %get3A_47 = vector.load %arg7[%get3A_45, %get3A_46] : memref<64x1xf32, #tpu.memory_space<vmem>>, vector<64x1xf32>
    %dot_general3A_48 = arith.constant dense<0.000000e+00> : vector<64x1xf32>
    %dot_general3A_49 = tpu.matmul %dot_general3A_44, %get3A_47, %dot_general3A_48 {dimension_numbers = #tpu.dot_dimension_numbers<[1], [0], [0], [1], [0, 0, 1, 1], [], []>, transpose_lhs_hint = false} : vector<64x64xf32>, vector<64x1xf32>, vector<64x1xf32> -> vector<64x1xf32>
    %get3A_50 = arith.constant 0 : index
    %get3A_51 = arith.constant 0 : index
    %get3A_52 = vector.load %arg8[%get3A_50, %get3A_51] : memref<1x1xf32, #tpu.memory_space<vmem>>, vector<1x1xf32>
    %add3A_53 = vector.broadcast %get3A_52 : vector<1x1xf32> to vector<64x1xf32>
    %add3A_54 = arith.addf %dot_general3A_49, %add3A_53 : vector<64x1xf32>
    %swap3A = arith.constant 0 : index
    %swap3A_55 = arith.constant 0 : index
    %swap3A_56 = vector.load %arg9[%swap3A, %swap3A_55] : memref<64x1xf32, #tpu.memory_space<vmem>>, vector<64x1xf32>
    tpu.vector_store %arg9[%swap3A, %swap3A_55], %add3A_54 {strides = array<i32>} : memref<64x1xf32, #tpu.memory_space<vmem>>, vector<64x1xf32>,
    return
  }
}

</mosaic_0001>

<sc_bundles>
// kernel: kernel.10.cloned.1.call-start
scs
__scs_entry_jumppad:
0x0: {  	(pc) =	sbr.rel $0x88, $3  }
0x1: {  	(tag) =	ssettag $0x0;
	lr =	simm.s32 $0x1  }
0x2: {  	[smem:$0x3F92] =	sst lr;
	_ =	strace $0xD0000000  }
0x3: {  	_ = 	snop  }
0x4: {  	_ = 	snop  }
0x5: {  	_ = 	snop  }
0x6: {  	_ = 	snop  }
0x7: {  	_ = 	snop  }
__scs_overlays_trampoline_lowered:
0x8: {  	[smem:$0x3FA1] =	sst s0  }
0x9: {  	[smem:$0x3FA2] =	sst s1  }
0xa: {  	[smem:$0x3FA3] =	sst s2  }
0xb: {  	[smem:$0x3FA4] =	sst s3  }
0xc: {  	[smem:$0x3FA5] =	sst s4  }
0xd: {  	[smem:$0x3FA6] =	sst s5  }
0xe: {  	[smem:$0x3FA7] =	sst s6  }
0xf: {  	[smem:$0x3FA8] =	sst s7  }
0x10: {  	[smem:$0x3FA9] =	sst s8  }
0x11: {  	[smem:$0x3FAA] =	sst s9;
	s0 =	simm.s32 @!p0 $0x0  }
0x12: {  	s1 =	sld [smem:$0x3F90];
	s0 =	simm.s32 @p0 $0x1  }
0x13: {  	[smem:$0x3FAB] =	sst s0;
	s0 =	simm.s32 @!p1 $0x0  }
0x14: {  	s2 =	sld [smem:$0x3F8F];
	s0 =	simm.s32 @p1 $0x1  }
0x15: {  	[smem:$0x3FAC] =	sst s0;
	s0 =	simm.s32 @!p2 $0x0  }
0x16: {  	s3 =	sld [smem:$0x3FDB];
	s0 =	simm.s32 @p2 $0x1  }
0x17: {  	s4 =	simm.s32 $0x1BF5;
	[smem:$0x3FAE] =	sst s0  }
0x18: {  	s0 =	sld [smem:$0x3F91];
	_ =	swait.ge [sflag:s4], $0x0  }
0x19: {  	s7 =	sld [smem:$0x3F92]  }
0x1a: {  	s8 =	sadd.s32 $0xFFFFE003, lr  }
0x1b: {  	s9 =	sadd.s32 $0xFFFFFEF7, lr;
	s5 =	simm.s32 $0xFFFFFFFF;
	p2 =	slt.u32 s8, $0xFFFFF086  }
0x1c: {  	p1 =	slt.u32 s9, $0xF7A;
	s5 =	simm.s32 @!p2 $0x0  }
0x1d: {  	s5 =	simm.s32 @p1 $0x1;
	p0 =	seq.s32 s7, s2  }
0x1e: {  	s7 =	smul.u32 @!p0 $0xF7A, s2;
	p2 =	seq.s32 @!p0 s5, $0x0  }
0x1f: {  	s9 =	smul.u32 $0xF7A, s1;
	s8 =	simm.s32 @!p0 $0x1BF5;
	p2 =	por !p2, p0  }
0x20: {  	[sflag:s8] =	ssyncset.s32 @!p0 $0xFFFFF086;
	s6 =	sadd.s32 @!p0 s3, s7;
	s7 =	simm.s32 @!p0 $0x108  }
0x21: {  	s3 =	sadd.s32 s3, s9;
	s6 =	sadd.s32 @!p0 $0x88, s6;
	s7 =	simm.s32 @p2 $0x1082  }
0x22: {  	[simem:s7], [sflag:s8] =	dma.local @!p0 [hbm:s6], $0xF7A  }
0x23: {  	s9 =	sor.u32 $0xD0000000, s2;
	s6 =	simm.s32 $0x108;
	_ =	swait.ge @!p0 [sflag:s8], $0x0  }
0x24: {  	s3 =	sadd.s32 $0x88, s3;
	s6 =	simm.s32 @!p1 $0x1082;
	[sflag:s4] =	ssyncset.s32 $0xFFFFF086  }
0x25: {  	[simem:s6], [sflag:s4] =	dma.local [hbm:s3], $0xF7A  }
0x26: {  	[smem:$0x3F92] =	sst s1;
	(tag) =	ssettag s2;
	_ =	strace s9  }
0x27: {  	s1 =	sld [smem:$0x3FA2]  }
0x28: {  	s2 =	sld [smem:$0x3FA3]  }
0x29: {  	s4 =	sld [smem:$0x3FA5]  }
0x2a: {  	p0 =	seq.s32 s5, $0x0;
	s5 =	sld [smem:$0x3FA6]  }
0x2b: {  	s6 =	sld [smem:$0x3FA7]  }
0x2c: {  	s7 =	sld [smem:$0x3FA8]  }
0x2d: {  	s3 =	simm.s32 $0x108;
	s8 =	sld [smem:$0x3FA9]  }
0x2e: {  	s3 =	simm.s32 @!p0 $0x1082;
	s9 =	sld [smem:$0x3FAA]  }
0x2f: {  	lr =	sadd.s32 s0, s3;
	s0 =	sld [smem:$0x3FA1]  }
0x30: {  	s3 =	sld [smem:$0x3FA4]  }
0x31: {  	[smem:$0x3FAD] =	sst s10  }
0x32: {  	s10 =	sld [smem:$0x3FAB];
	_ =	sdelay $0x3  }
0x33: {  	p0 =	seq.s32 s10, $0x1;
	s10 =	sld [smem:$0x3FAD];
	_ =	sdelay $0x3  }
0x34: {  	[smem:$0x3FAD] =	sst s10  }
0x35: {  	s10 =	sld [smem:$0x3FAC];
	_ =	sdelay $0x3  }
0x36: {  	p1 =	seq.s32 s10, $0x1;
	s10 =	sld [smem:$0x3FAD];
	_ =	sdelay $0x3  }
0x37: {  	[smem:$0x3FAD] =	sst s10  }
0x38: {  	s10 =	sld [smem:$0x3FAE]  }
0x39: {  	_ = 	snop;
	(pc) =	sbr.ind lr, $3  }
0x3a: {  	_ = 	snop  }
0x3b: {  	_ = 	snop  }
0x3c: {  	p2 =	seq.s32 s10, $0x1;
	s10 =	sld [smem:$0x3FAD]  }
0x3d: {  	_ =	shalt  }
0x3e: {  	_ =	shalt  }
0x3f: {  	_ =	shalt  }
0x40: {  	_ =	shalt  }
0x41: {  	_ =	shalt  }
0x42: {  	_ =	shalt  }
0x43: {  	_ =	shalt  }
0x44: {  	_ =	shalt  }
0x45: {  	_ =	shalt  }
0x46: {  	_ =	shalt  }
0x47: {  	_ =	shalt  }
0x48: {  	_ =	shalt  }
0x49: {  	_ =	shalt  }
0x4a: {  	_ =	shalt  }
0x4b: {  	_ =	shalt  }
0x4c: {  	_ =	shalt  }
0x4d: {  	_ =	shalt  }
0x4e: {  	_ =	shalt  }
0x4f: {  	_ =	shalt  }
0x50: {  	_ =	shalt  }
0x51: {  	_ =	shalt  }
0x52: {  	_ =	shalt  }
0x53: {  	_ =	shalt  }
0x54: {  	_ =	shalt  }
0x55: {  	_ =	shalt  }
0x56: {  	_ =	shalt  }
0x57: {  	_ =	shalt  }
0x58: {  	_ =	shalt  }
0x59: {  	_ =	shalt  }
0x5a: {  	_ =	shalt  }
0x5b: {  	_ =	shalt  }
0x5c: {  	_ =	shalt  }
0x5d: {  	_ =	shalt  }
0x5e: {  	_ =	shalt  }
0x5f: {  	_ =	shalt  }
0x60: {  	_ =	shalt  }
0x61: {  	_ =	shalt  }
0x62: {  	_ =	shalt  }
0x63: {  	_ =	shalt  }
0x64: {  	_ =	shalt  }
0x65: {  	_ =	shalt  }
0x66: {  	_ =	shalt  }
0x67: {  	_ =	shalt  }
0x68: {  	_ =	shalt  }
0x69: {  	_ =	shalt  }
0x6a: {  	_ =	shalt  }
0x6b: {  	_ =	shalt  }
0x6c: {  	_ =	shalt  }
0x6d: {  	_ =	shalt  }
0x6e: {  	_ =	shalt  }
0x6f: {  	_ =	shalt  }
0x70: {  	_ =	shalt  }
0x71: {  	_ =	shalt  }
0x72: {  	_ =	shalt  }
0x73: {  	_ =	shalt  }
0x74: {  	_ =	shalt  }
0x75: {  	_ =	shalt  }
0x76: {  	_ =	shalt  }
0x77: {  	_ =	shalt  }
0x78: {  	_ =	shalt  }
0x79: {  	_ =	shalt  }
0x7a: {  	_ =	shalt  }
0x7b: {  	_ =	shalt  }
0x7c: {  	_ =	shalt  }
0x7d: {  	_ =	shalt  }
0x7e: {  	_ =	shalt  }
0x7f: {  	_ =	shalt  }
0x80: {  	_ =	shalt  }
0x81: {  	_ =	shalt  }
0x82: {  	_ =	shalt  }
0x83: {  	_ =	shalt  }
0x84: {  	_ =	shalt  }
0x85: {  	_ =	shalt  }
0x86: {  	_ =	shalt  }
0x87: {  	_ =	shalt  }
.Lfunc_end0:
.L_simem_size_0:
called_computation_lowered:
.L_overlay_start_0:
0x88: {  	s2 =	sld [smem:$0x3FD9]  }
0x89: {  	s3 =	sld [smem:$0x3FFE];
	_ =	sdelay $0x1  }
0x8a: {  	s1 =	srdreg.scid  }
0x8b: {  	s0 =	sand.u32 $0x1, s1  }
0x8c: {  	s16 =	sshll.u32 s0, $0xA;
	s2 =	sadd.s32 s3, s2  }
0x8d: {  	s2 =	sadd.s32 s2, s16  }
0x8e: {  	[smem:$0x3FB9] =	sst s2  }
0x8f: {  	_ = 	snop  }
0x90: {  	(tm) =	ssettm $0x1  }
0x91: {  	s17 =	sld [smem:$0x3FFB];
	_ =	sdelay $0x3  }
0x92: {  	_ =	strace s17  }
0x93: {  	s2 =	sld [smem:$0x3FFC];
	_ =	sdelay $0x3  }
0x94: {  	_ =	strace s2  }
0x95: {  	s2 =	sld [smem:$0x3FFD];
	_ =	sdelay $0x3  }
0x96: {  	_ =	strace s2  }
0x97: {  	_ =	strace $0x8FFFFFFF  }
0x98: {  	s18 =	sld [smem:$0x3FDB];
	_ =	sdelay $0x1  }
0x99: {  	s19 =	simm.s32 $_scs_section_size  }
0x9a: {  	s4 =	simm.s32 $_size__tile_overlayer_lowered;
	s5 =	simm.s32 $_tile_overlayer_lowered  }
0x9b: {  	s22 =	simm.s32 $0x1BFF;
	s21 =	sshll.u32 s5, $0x1;
	s2 =	sadd.s32 s19, s18  }
0x9c: {  	s6 =	simm.s32 $0x0;
	s20 =	sshll.u32 s4, $0x1;
	s4 =	sadd.s32 s21, s2  }
0x9d: {  	[timem:s6], [sflag:s22] =	dma.local [hbm:s4], s20  }
0x9e: {  	_ =	swait.ge [sflag:s22], s20  }
0x9f: {  	s3 =	ssub.s32 $0x0, s20;
	[sflag:s22] =	ssyncset.done $0x0  }
0xa0: {  	[sflag:s22] =	ssyncadd.s32 s3;
	_ =	sdelay $0x1  }
0xa1: {  	s23 =	simm.s32 $0x1B8B  }
0xa2: {  	_ =	swait.ge [sflag:s23], $0x1  }
0xa3: {  	[sflag:s23] =	ssyncset.done $0x0  }
0xa4: {  	s25 =	simm.s32 $0x1B8E;
	s24 =	sld [smem:$0x3FFE];
	[sflag:s23] =	ssyncadd.s32 $0xFFFFFFFF  }
0xa5: {  	s26 =	simm.s32 $execute0_lowered;
	[smem:$0x3FD2] =	sst s25  }
0xa6: {  	s4 =	sshll.u32 s26, $0x1;
	_ =	strace $0x80000046;
	[dreg:$0x1] =	wrdreg $0xFFFFFFFF  }
0xa7: {  	s28 =	simm.s32 $_size_execute0_lowered;
	s2 =	sadd.s32 s2, s4;
	[dreg:$0x0] =	wrdreg $0x0  }
0xa8: {  	s4 =	sshll.u32 s28, $0x1;
	[dreg:$0x2] =	wrdreg s2  }
0xa9: {  	[dreg:$0x3] =	wrdreg s4  }
0xaa: {  	[dreg:$0x4] =	wrdreg $0xC0  }
0xab: {  	_ =	task [dreg:s6], $0x5FFFF  }
0xac: {  	[dreg:$0x1] =	wrdreg $0xFFFFFFFF  }
0xad: {  	[dreg:$0x0] =	wrdreg $0x60  }
0xae: {  	[dreg:$0x2] =	wrdreg s24  }
0xaf: {  	[dreg:$0x3] =	wrdreg $0x30000  }
0xb0: {  	[dreg:$0x4] =	wrdreg $0x9  }
0xb1: {  	_ =	task.clear_ibuf [dreg:s6], $0x5FFFF;
	_ =	strace $0x90000046  }
0xb2: {  	s29 =	simm.s32 $0x9;
	_ =	strace $0x80000048  }
0xb3: {  	_ =	swait.ge [sflag:s29], $0x1  }
0xb4: {  	[sflag:s29] =	ssyncadd.s32 $0xFFFFFFFF  }
0xb5: {  	_ =	strace $0x90000048  }
0xb6: {  	_ =	sfence  }
0xb7: {  	s30 =	sld [smem:$0x0];
	_ =	sdelay $0x2  }
0xb8: {  	s31 =	sshll.u32 s1, $0xD;
	s1 =	sshrl.u32 s1, $0x2  }
0xb9: {  	s3 =	sand.u32 $0x4000, s31;
	s1 =	sadd.s32 s1, s30  }
0xba: {  	s0 =	sor.u32 s3, s0;
	s1 =	sshll.u32 s1, $0x11  }
0xbb: {  	s0 =	sor.u32 s1, s0  }
0xbc: {  	s0 =	sadd.s32 $0x8F2B, s0  }
0xbd: {  	[sflag:s0] =	ssyncadd.remote.s32 $0x1  }
0xbe: {  	_ =	sfence.sel $0xFFFF  }
0xbf: {  	[dreg:$0x0] =	wrdreg $0xFFFFFFFF;
	(pc) =	sbr.abs _section_cstart, $3  }
0xc0: {  	[dreg:$0x1] =	wrdreg $0xFFFFFFFF  }
0xc1: {  	_ =	task.clear_ibuf [dreg:s6], $0x2FFFF;
	_ =	strace $0x9FFFFFFF  }
0xc2: {  	(tm) =	ssettm $0x7FFFFFFF  }
0xc3: {  	_ =	shalt  }
tec
execute0_lowered:
.L_overlay_start_1:
0x0: {  	(tag) =	ssettag $0x1  }
0x1: {  	s0 =	srdreg.scid;
	s1 =	rddreg [dreg:$0x0]  }
0x2: {  	s6 =	stileid.u32;
	s2 =	rddreg [dreg:$0x1]  }
0x3: {  	s28 =	simm.s32 $0x6;
	s29 =	simm.s32 $0x7;
	s30 =	simm.s32 $0x80  }
0x4: {  	s31 =	simm.s32 $0x8;
	s0 =	sand.u32 $0x1, s0;
	s3 =	sshll.u32 s6, $0x1  }
0x5: {  	s7 =	sadd.s32 $0xD400, s1;
	s8 =	smul.u32 $0x2800, s6;
	s4 =	sor.u32 s0, s3  }
0x6: {  	s3 =	simm.s32 $0x0;
	s19 =	ssub.s32 $0x2, s0;
	s0 =	smul.u32 $0x28000, s0  }
0x7: {  	s6 =	sshll.u32 s6, $0x6;
	s4 =	smul.u32 $0x500, s4;
	[smem:$0x7FF] =	sst s3  }
0x8: {  	s9 =	sshrl.u32 s19, $0x1;
	s10 =	sadd.s32 s8, s2;
	s11 =	sadd.s32 $0x800, s8  }
0x9: {  	s12 =	sadd.s32 $0x1000, s8;
	s21 =	sadd.s32 $0x1800, s8;
	s22 =	sadd.s32 $0x2000, s8  }
0xa: {  	_ =	strace $0x80000047;
	[dreg:$0x3] =	wrdreg s7;
	s9 =	ssub.s32 s19, s9  }
0xb: {  	s7 =	sor.u32 $0x1C01, s6;
	s13 =	sadd.s32 s11, s2;
	s20 =	sadd.s32 s12, s2  }
0xc: {  	s14 =	sadd.s32 s21, s2;
	s8 =	sadd.s32 s8, s0;
	s15 =	sadd.s32 s22, s2  }
0xd: {  	s11 =	sadd.s32 s0, s11;
	s25 =	sadd.s32 s0, s12;
	s26 =	sadd.s32 s0, s21  }
0xe: {  	s0 =	sadd.s32 s0, s22;
	s19 =	sshrl.u32 s10, $0x3;
	[dreg:$0x4] =	wrdreg s13  }
0xf: {  	s21 =	simm.s32 $0x2800;
	s22 =	simm.s32 $0x1;
	[dreg:$0x5] =	wrdreg s20  }
0x10: {  	s5 =	sadd.s32 s4, s1;
	s4 =	sadd.s32 $0xD600, s1;
	[dreg:$0x6] =	wrdreg s14  }
0x11: {  	s1 =	sadd.s32 $0xD800, s1;
	[dreg:$0x7] =	wrdreg s15;
	s8 =	sshrl.u32 s8, $0x3  }
0x12: {  	s24 =	sshrl.u32 s11, $0x3;
	s0 =	sshrl.u32 s0, $0x3;
	s18 =	smax.u32 s9, $0x1  }
0x13: {  	s20 =	sor.u32 $0x1C02, s6;
	s5 =	sadd.s32 $0x3400, s5;
	s23 =	sadd.s32 s1, s8  }
0x14: {  	s8 =	sshrl.u32 s26, $0x3;
	s17 =	sadd.s32 s1, s0;
	[dreg:$0x8] =	wrdreg s5  }
0x15: {  	s26 =	simm.s32 $0x5;
	[dreg:$0x9] =	wrdreg s23;
	s5 =	sadd.s32 s1, s24  }
0x16: {  	s16 =	sadd.s32 s1, s8;
	[dreg:$0xa] =	wrdreg s5;
	s5 =	sshrl.u32 s25, $0x3  }
0x17: {  	s23 =	simm.s32 $0x2;
	s24 =	simm.s32 $0x3;
	s5 =	sadd.s32 s1, s5  }
0x18: {  	s25 =	simm.s32 $0x4;
	s1 =	simm.s32 $0x0;
	[dreg:$0xb] =	wrdreg s5  }
.LBB2_1:
0x19: {  	[spmem:s19], [sflag:s7] =	dma.local [hbm:s4], $0x100  }
0x1a: {  	s0 =	rddreg [dreg:$0x4]  }
0x1b: {  	s0 =	sshrl.u32 s0, $0x3  }
0x1c: {  	[spmem:s0], [sflag:s20] =	dma.local [hbm:s4], $0x100  }
0x1d: {  	s8 =	rddreg [dreg:$0x5]  }
0x1e: {  	s5 =	sor.u32 $0x1C03, s6;
	s8 =	sshrl.u32 s8, $0x3  }
0x1f: {  	[spmem:s8], [sflag:s5] =	dma.local [hbm:s4], $0x100  }
0x20: {  	s10 =	rddreg [dreg:$0x6]  }
0x21: {  	s9 =	sor.u32 $0x1C04, s6;
	s10 =	sshrl.u32 s10, $0x3  }
0x22: {  	[spmem:s10], [sflag:s9] =	dma.local [hbm:s4], $0x100  }
0x23: {  	s12 =	rddreg [dreg:$0x7]  }
0x24: {  	s11 =	sor.u32 $0x1C05, s6;
	s12 =	sshrl.u32 s12, $0x3  }
0x25: {  	[spmem:s12], [sflag:s11] =	dma.local [hbm:s4], $0x100  }
0x26: {  	s13 =	rddreg [dreg:$0x3]  }
0x27: {  	[tilespmem:s21], [sflag:$0x6] =	stream.linear.gather [hbm4b:s13+s3], $0x800, $0x38;
	[tilespmem:$0x5800] =	vst v63  }
0x28: {  	s14 =	rddreg [dreg:$0x8]  }
0x29: {  	[tilespmem:s3], [sflag:$0x7] =	stream.linear.gather [hbm4b:s14+s3], $0x2800, $0x38;
	[tilespmem:$0x5800] =	vst v63  }
0x2a: {  	_ =	swait.ge [sflag:s22], $0x100  }
0x2b: {  	[sflag:s22] =	ssyncset.done $0x0  }
0x2c: {  	[sflag:s22] =	ssyncadd.s32 $0xFFFFFF00  }
0x2d: {  	_ =	swait.ge [sflag:s23], $0x100  }
0x2e: {  	[sflag:s23] =	ssyncset.done $0x0  }
0x2f: {  	[sflag:s23] =	ssyncadd.s32 $0xFFFFFF00  }
0x30: {  	_ =	swait.ge [sflag:s24], $0x100  }
0x31: {  	[sflag:s24] =	ssyncset.done $0x0  }
0x32: {  	[sflag:s24] =	ssyncadd.s32 $0xFFFFFF00  }
0x33: {  	_ =	swait.ge [sflag:s25], $0x100  }
0x34: {  	[sflag:s25] =	ssyncset.done $0x0  }
0x35: {  	[sflag:s25] =	ssyncadd.s32 $0xFFFFFF00  }
0x36: {  	_ =	swait.ge [sflag:s26], $0x100  }
0x37: {  	[sflag:s26] =	ssyncset.done $0x0  }
0x38: {  	[sflag:s26] =	ssyncadd.s32 $0xFFFFFF00  }
0x39: {  	_ =	swait.ge [sflag:s28], $0x800  }
0x3a: {  	[sflag:s28] =	ssyncset.done $0x0  }
0x3b: {  	[sflag:s28] =	ssyncadd.s32 $0xFFFFF800  }
0x3c: {  	_ =	swait.ge [sflag:s29], $0x2800  }
0x3d: {  	[sflag:s29] =	ssyncset.done $0x0  }
0x3e: {  	[sflag:s29] =	ssyncadd.s32 $0xFFFFD800  }
0x3f: {  	[bflag:$0x0] =	sbarrier.arrive $0xFFFF  }
0x40: {  	[spmem:s2] =	stream.indirect.scatter.add.f32 [tilespmem:s21], [sflag:$0x1], $0x10, s3, s30, $0xb8;
	[tilespmem:$0x5800] =	vst v63  }
0x41: {  	_ = 	snop  }
0x42: {  	[spmem:s2] =	stream.indirect.scatter.add.f32 [tilespmem:s21], [sflag:$0x2], $0x10, s30, s30, $0xb8;
	[tilespmem:$0x5800] =	vst v63  }
0x43: {  	s15 =	simm.s32 $0x100  }
0x44: {  	[spmem:s2] =	stream.indirect.scatter.add.f32 [tilespmem:s21], [sflag:$0x3], $0x10, s15, s30, $0xb8;
	[tilespmem:$0x5800] =	vst v63  }
0x45: {  	s14 =	simm.s32 $0x180  }
0x46: {  	[spmem:s2] =	stream.indirect.scatter.add.f32 [tilespmem:s21], [sflag:$0x4], $0x10, s14, s30, $0xb8;
	[tilespmem:$0x5800] =	vst v63  }
0x47: {  	s15 =	simm.s32 $0x200  }
0x48: {  	[spmem:s2] =	stream.indirect.scatter.add.f32 [tilespmem:s21], [sflag:$0x5], $0x10, s15, s30, $0xb8;
	[tilespmem:$0x5800] =	vst v63  }
0x49: {  	s14 =	simm.s32 $0x280  }
0x4a: {  	[spmem:s2] =	stream.indirect.scatter.add.f32 [tilespmem:s21], [sflag:$0x6], $0x10, s14, s30, $0xb8;
	[tilespmem:$0x5800] =	vst v63  }
0x4b: {  	s15 =	simm.s32 $0x300  }
0x4c: {  	[spmem:s2] =	stream.indirect.scatter.add.f32 [tilespmem:s21], [sflag:$0x7], $0x10, s15, s30, $0xb8;
	[tilespmem:$0x5800] =	vst v63  }
0x4d: {  	s14 =	simm.s32 $0x380  }
0x4e: {  	[spmem:s2] =	stream.indirect.scatter.add.f32 [tilespmem:s21], [sflag:$0x8], $0x10, s14, s30, $0xb8;
	[tilespmem:$0x5800] =	vst v63  }
0x4f: {  	_ =	swait.ge [sflag:s22], $0x800  }
0x50: {  	[sflag:s22] =	ssyncset.done $0x0  }
0x51: {  	s15 =	simm.s32 $0x400;
	[sflag:s22] =	ssyncadd.s32 $0xFFFFF800  }
0x52: {  	[spmem:s2] =	stream.indirect.scatter.add.f32 [tilespmem:s21], [sflag:$0x1], $0x10, s15, s30, $0xb8;
	[tilespmem:$0x5800] =	vst v63  }
0x53: {  	_ =	swait.ge [sflag:s23], $0x800  }
0x54: {  	[sflag:s23] =	ssyncset.done $0x0  }
0x55: {  	s14 =	simm.s32 $0x480;
	[sflag:s23] =	ssyncadd.s32 $0xFFFFF800  }
0x56: {  	[spmem:s2] =	stream.indirect.scatter.add.f32 [tilespmem:s21], [sflag:$0x2], $0x10, s14, s30, $0xb8;
	[tilespmem:$0x5800] =	vst v63  }
0x57: {  	_ =	swait.ge [sflag:s24], $0x800  }
0x58: {  	[sflag:s24] =	ssyncset.done $0x0  }
0x59: {  	s15 =	simm.s32 $0x500;
	[sflag:s24] =	ssyncadd.s32 $0xFFFFF800  }
0x5a: {  	[spmem:s2] =	stream.indirect.scatter.add.f32 [tilespmem:s21], [sflag:$0x3], $0x10, s15, s30, $0xb8;
	[tilespmem:$0x5800] =	vst v63  }
0x5b: {  	_ =	swait.ge [sflag:s25], $0x800  }
0x5c: {  	[sflag:s25] =	ssyncset.done $0x0  }
0x5d: {  	s14 =	simm.s32 $0x580;
	[sflag:s25] =	ssyncadd.s32 $0xFFFFF800  }
0x5e: {  	[spmem:s2] =	stream.indirect.scatter.add.f32 [tilespmem:s21], [sflag:$0x4], $0x10, s14, s30, $0xb8;
	[tilespmem:$0x5800] =	vst v63  }
0x5f: {  	_ =	swait.ge [sflag:s26], $0x800  }
0x60: {  	[sflag:s26] =	ssyncset.done $0x0  }
0x61: {  	s15 =	simm.s32 $0x600;
	[sflag:s26] =	ssyncadd.s32 $0xFFFFF800  }
0x62: {  	[spmem:s2] =	stream.indirect.scatter.add.f32 [tilespmem:s21], [sflag:$0x5], $0x10, s15, s30, $0xb8;
	[tilespmem:$0x5800] =	vst v63  }
0x63: {  	_ =	swait.ge [sflag:s28], $0x800  }
0x64: {  	[sflag:s28] =	ssyncset.done $0x0  }
0x65: {  	s14 =	simm.s32 $0x680;
	[sflag:s28] =	ssyncadd.s32 $0xFFFFF800  }
0x66: {  	[spmem:s2] =	stream.indirect.scatter.add.f32 [tilespmem:s21], [sflag:$0x6], $0x10, s14, s30, $0xb8;
	[tilespmem:$0x5800] =	vst v63  }
0x67: {  	_ =	swait.ge [sflag:s29], $0x800  }
0x68: {  	[sflag:s29] =	ssyncset.done $0x0  }
0x69: {  	s15 =	simm.s32 $0x700;
	[sflag:s29] =	ssyncadd.s32 $0xFFFFF800  }
0x6a: {  	[spmem:s2] =	stream.indirect.scatter.add.f32 [tilespmem:s21], [sflag:$0x7], $0x10, s15, s30, $0xb8;
	[tilespmem:$0x5800] =	vst v63  }
0x6b: {  	_ =	swait.ge [sflag:s31], $0x800  }
0x6c: {  	[sflag:s31] =	ssyncset.done $0x0  }
0x6d: {  	s13 =	simm.s32 $0x1000;
	s14 =	simm.s32 $0x780;
	[sflag:s31] =	ssyncadd.s32 $0xFFFFF800  }
.LBB2_2:
0x6e: {  	[spmem:s2] =	stream.indirect.scatter.add.f32 [tilespmem:s21], [sflag:$0x8], $0x10, s14, s30, $0xb8;
	[tilespmem:$0x5800] =	vst v63  }
0x6f: {  	s14 =	smov.u32 s13  }
0x70: {  	p0 =	sne.s32 s13, $0x8000;
	s13 =	sadd.s32 $0x1000, s13;
	_ =	swait.ge [sflag:s22], $0x800  }
0x71: {  	s14 =	sshra.s32 s14, $0x2;
	[sflag:s22] =	ssyncset.done $0x0  }
0x72: {  	s15 =	sadd.s32 $0x400, s14;
	[sflag:s22] =	ssyncadd.s32 $0xFFFFF800  }
0x73: {  	[spmem:s2] =	stream.indirect.scatter.add.f32 [tilespmem:s21], [sflag:$0x1], $0x10, s15, s30, $0xb8;
	[tilespmem:$0x5800] =	vst v63  }
0x74: {  	_ =	swait.ge [sflag:s23], $0x800  }
0x75: {  	[sflag:s23] =	ssyncset.done $0x0  }
0x76: {  	s15 =	sadd.s32 $0x480, s14;
	[sflag:s23] =	ssyncadd.s32 $0xFFFFF800  }
0x77: {  	[spmem:s2] =	stream.indirect.scatter.add.f32 [tilespmem:s21], [sflag:$0x2], $0x10, s15, s30, $0xb8;
	[tilespmem:$0x5800] =	vst v63  }
0x78: {  	_ =	swait.ge [sflag:s24], $0x800  }
0x79: {  	[sflag:s24] =	ssyncset.done $0x0  }
0x7a: {  	s15 =	sadd.s32 $0x500, s14;
	[sflag:s24] =	ssyncadd.s32 $0xFFFFF800  }
0x7b: {  	[spmem:s2] =	stream.indirect.scatter.add.f32 [tilespmem:s21], [sflag:$0x3], $0x10, s15, s30, $0xb8;
	[tilespmem:$0x5800] =	vst v63  }
0x7c: {  	_ =	swait.ge [sflag:s25], $0x800  }
0x7d: {  	[sflag:s25] =	ssyncset.done $0x0  }
0x7e: {  	s15 =	sadd.s32 $0x580, s14;
	[sflag:s25] =	ssyncadd.s32 $0xFFFFF800  }
0x7f: {  	[spmem:s2] =	stream.indirect.scatter.add.f32 [tilespmem:s21], [sflag:$0x4], $0x10, s15, s30, $0xb8;
	[tilespmem:$0x5800] =	vst v63  }
0x80: {  	_ =	swait.ge [sflag:s26], $0x800  }
0x81: {  	[sflag:s26] =	ssyncset.done $0x0  }
0x82: {  	s15 =	sadd.s32 $0x600, s14;
	[sflag:s26] =	ssyncadd.s32 $0xFFFFF800  }
0x83: {  	[spmem:s2] =	stream.indirect.scatter.add.f32 [tilespmem:s21], [sflag:$0x5], $0x10, s15, s30, $0xb8;
	[tilespmem:$0x5800] =	vst v63  }
0x84: {  	_ =	swait.ge [sflag:s28], $0x800  }
0x85: {  	[sflag:s28] =	ssyncset.done $0x0  }
0x86: {  	s15 =	sadd.s32 $0x680, s14;
	[sflag:s28] =	ssyncadd.s32 $0xFFFFF800  }
0x87: {  	[spmem:s2] =	stream.indirect.scatter.add.f32 [tilespmem:s21], [sflag:$0x6], $0x10, s15, s30, $0xb8;
	[tilespmem:$0x5800] =	vst v63  }
0x88: {  	_ =	swait.ge [sflag:s29], $0x800  }
0x89: {  	[sflag:s29] =	ssyncset.done $0x0  }
.Ltmp0:
0x8a: {  	s15 =	sadd.s32 $0x700, s14;
	[sflag:s29] =	ssyncadd.s32 $0xFFFFF800;
	(pc) =	sbr.rel @p0 .LBB2_2-.Ltmp0, $4  }
0x8b: {  	[spmem:s2] =	stream.indirect.scatter.add.f32 [tilespmem:s21], [sflag:$0x7], $0x10, s15, s30, $0xb8;
	[tilespmem:$0x5800] =	vst v63  }
0x8c: {  	_ =	swait.ge [sflag:s31], $0x800  }
0x8d: {  	[sflag:s31] =	ssyncset.done $0x0  }
0x8e: {  	s14 =	sadd.s32 $0x780, s14;
	[sflag:s31] =	ssyncadd.s32 $0xFFFFF800  }
0x8f: {  	[spmem:s2] =	stream.indirect.scatter.add.f32 [tilespmem:s21], [sflag:$0x8], $0x10, s14, s30, $0xb8;
	[tilespmem:$0x5800] =	vst v63  }
0x90: {  	_ =	swait.ge [sflag:s22], $0x800  }
0x91: {  	[sflag:s22] =	ssyncset.done $0x0  }
0x92: {  	[sflag:s22] =	ssyncadd.s32 $0xFFFFF800  }
0x93: {  	_ =	swait.ge [sflag:s23], $0x800  }
0x94: {  	[sflag:s23] =	ssyncset.done $0x0  }
0x95: {  	[sflag:s23] =	ssyncadd.s32 $0xFFFFF800  }
0x96: {  	_ =	swait.ge [sflag:s24], $0x800  }
0x97: {  	[sflag:s24] =	ssyncset.done $0x0  }
0x98: {  	[sflag:s24] =	ssyncadd.s32 $0xFFFFF800  }
0x99: {  	_ =	swait.ge [sflag:s25], $0x800  }
0x9a: {  	[sflag:s25] =	ssyncset.done $0x0  }
0x9b: {  	[sflag:s25] =	ssyncadd.s32 $0xFFFFF800  }
0x9c: {  	_ =	swait.ge [sflag:s26], $0x800  }
0x9d: {  	[sflag:s26] =	ssyncset.done $0x0  }
0x9e: {  	[sflag:s26] =	ssyncadd.s32 $0xFFFFF800  }
0x9f: {  	_ =	swait.ge [sflag:s28], $0x800  }
0xa0: {  	[sflag:s28] =	ssyncset.done $0x0  }
0xa1: {  	[sflag:s28] =	ssyncadd.s32 $0xFFFFF800  }
0xa2: {  	_ =	swait.ge [sflag:s29], $0x800  }
0xa3: {  	[sflag:s29] =	ssyncset.done $0x0  }
0xa4: {  	[sflag:s29] =	ssyncadd.s32 $0xFFFFF800  }
0xa5: {  	_ =	swait.ge [sflag:s31], $0x800  }
0xa6: {  	[sflag:s31] =	ssyncset.done $0x0  }
0xa7: {  	[sflag:s31] =	ssyncadd.s32 $0xFFFFF800  }
0xa8: {  	[bflag:$0x0] =	sbarrier.arrive $0xFFFF  }
0xa9: {  	s13 =	rddreg [dreg:$0x9]  }
0xaa: {  	[hbm:s13], [sflag:s7] =	dma.local [spmem:s19], $0x100  }
0xab: {  	s13 =	rddreg [dreg:$0xa]  }
0xac: {  	[hbm:s13], [sflag:s20] =	dma.local [spmem:s0], $0x100  }
0xad: {  	s0 =	rddreg [dreg:$0xb]  }
0xae: {  	[hbm:s0], [sflag:s5] =	dma.local [spmem:s8], $0x100  }
0xaf: {  	[hbm:s16], [sflag:s9] =	dma.local [spmem:s10], $0x100  }
0xb0: {  	[hbm:s17], [sflag:s11] =	dma.local [spmem:s12], $0x100  }
0xb1: {  	_ =	swait.ge [sflag:s22], $0x100  }
0xb2: {  	[sflag:s22] =	ssyncset.done $0x0  }
0xb3: {  	[sflag:s22] =	ssyncadd.s32 $0xFFFFFF00  }
0xb4: {  	_ =	swait.ge [sflag:s23], $0x100  }
0xb5: {  	[sflag:s23] =	ssyncset.done $0x0  }
0xb6: {  	[sflag:s23] =	ssyncadd.s32 $0xFFFFFF00  }
0xb7: {  	_ =	swait.ge [sflag:s24], $0x100  }
0xb8: {  	[sflag:s24] =	ssyncset.done $0x0  }
0xb9: {  	s1 =	sadd.s32 $0x1, s1;
	[sflag:s24] =	ssyncadd.s32 $0xFFFFFF00  }
0xba: {  	p0 =	sne.s32 s1, s18;
	_ =	swait.ge [sflag:s25], $0x100  }
.Ltmp1:
0xbb: {  	[sflag:s25] =	ssyncset.done $0x0;
	(pc) =	sbr.rel @p0 .LBB2_1-.Ltmp1, $4  }
0xbc: {  	[sflag:s25] =	ssyncadd.s32 $0xFFFFFF00  }
0xbd: {  	_ =	swait.ge [sflag:s26], $0x100  }
0xbe: {  	[sflag:s26] =	ssyncset.done $0x0  }
0xbf: {  	[sflag:s26] =	ssyncadd.s32 $0xFFFFFF00  }
0xc0: {  	_ =	sfence.sel $0x180000  }
0xc1: {  	[bflag:$0x0] =	sbarrier.arrive $0xFFFF  }
0xc2: {  	_ =	strace $0x90000047  }
0xc3: {  	s0 =	stileid.u32;
	[bflag:$0x2] =	sbarrier.arrive $0xFFFF  }
0xc4: {  	p0 =	sne.s32 s0, $0x0;
	s0 =	rddreg [dreg:$0x2]  }
0xc5: {  	s0 =	sadd.s32 @!p0 $0x100000, s0  }
0xc6: {  	[sflag:s0] =	ssyncadd.tile.s32 @!p0 $0x1;
	_ =	shalt  }
.Lfunc_end2:
_tile_overlayer_lowered:
.L_overlay_start_2:
0xc7: {  	(tag) =	ssettag $0x2  }
0xc8: {  	s0 =	rddreg [dreg:$0x0];
	s2 =	stileid.u32  }
0xc9: {  	s1 =	rddreg [dreg:$0x1];
	p0 =	sne.s32 s2, $0x0  }
0xca: {  	s3 =	rddreg [dreg:$0x2];
	[bflag:$0x3] =	sbarrier.arrive $0xFFFF;
	s2 =	simm.s32 @!p0 $0x1C09  }
0xcb: {  	[timem:s3], [sflag:s2] =	dma.local @!p0 [hbm:s0], s1  }
0xcc: {  	s0 =	simm.s32 @!p0 $0x9  }
0xcd: {  	_ =	swait.ge @!p0 [sflag:s0], s1  }
0xce: {  	s1 =	ssub.s32 @!p0 $0x0, s1;
	[sflag:s0] =	ssyncset.done @!p0 $0x0  }
0xcf: {  	[sflag:s0] =	ssyncadd.s32 @!p0 s1  }
0xd0: {  	[bflag:$0x3] =	sbarrier.arrive $0xFFFF  }
0xd1: {  	_ =	shalt  }

// kernel: kernel.13.cloned.1.call-start
scs
__scs_entry_jumppad:
0x0: {  	(pc) =	sbr.rel $0x88, $3  }
0x1: {  	(tag) =	ssettag $0x0;
	lr =	simm.s32 $0x1  }
0x2: {  	[smem:$0x3F92] =	sst lr;
	_ =	strace $0xD0000000  }
0x3: {  	_ = 	snop  }
0x4: {  	_ = 	snop  }
0x5: {  	_ = 	snop  }
0x6: {  	_ = 	snop  }
0x7: {  	_ = 	snop  }
__scs_overlays_trampoline_lowered:
0x8: {  	[smem:$0x3FA1] =	sst s0  }
0x9: {  	[smem:$0x3FA2] =	sst s1  }
0xa: {  	[smem:$0x3FA3] =	sst s2  }
0xb: {  	[smem:$0x3FA4] =	sst s3  }
0xc: {  	[smem:$0x3FA5] =	sst s4  }
0xd: {  	[smem:$0x3FA6] =	sst s5  }
0xe: {  	[smem:$0x3FA7] =	sst s6  }
0xf: {  	[smem:$0x3FA8] =	sst s7  }
0x10: {  	[smem:$0x3FA9] =	sst s8  }
0x11: {  	[smem:$0x3FAA] =	sst s9;
	s0 =	simm.s32 @!p0 $0x0  }
0x12: {  	s1 =	sld [smem:$0x3F90];
	s0 =	simm.s32 @p0 $0x1  }
0x13: {  	[smem:$0x3FAB] =	sst s0;
	s0 =	simm.s32 @!p1 $0x0  }
0x14: {  	s2 =	sld [smem:$0x3F8F];
	s0 =	simm.s32 @p1 $0x1  }
0x15: {  	[smem:$0x3FAC] =	sst s0;
	s0 =	simm.s32 @!p2 $0x0  }
0x16: {  	s3 =	sld [smem:$0x3FDB];
	s0 =	simm.s32 @p2 $0x1  }
0x17: {  	s4 =	simm.s32 $0x1BF5;
	[smem:$0x3FAE] =	sst s0  }
0x18: {  	s0 =	sld [smem:$0x3F91];
	_ =	swait.ge [sflag:s4], $0x0  }
0x19: {  	s7 =	sld [smem:$0x3F92]  }
0x1a: {  	s8 =	sadd.s32 $0xFFFFE003, lr  }
0x1b: {  	s9 =	sadd.s32 $0xFFFFFEF7, lr;
	s5 =	simm.s32 $0xFFFFFFFF;
	p2 =	slt.u32 s8, $0xFFFFF086  }
0x1c: {  	p1 =	slt.u32 s9, $0xF7A;
	s5 =	simm.s32 @!p2 $0x0  }
0x1d: {  	s5 =	simm.s32 @p1 $0x1;
	p0 =	seq.s32 s7, s2  }
0x1e: {  	s7 =	smul.u32 @!p0 $0xF7A, s2;
	p2 =	seq.s32 @!p0 s5, $0x0  }
0x1f: {  	s9 =	smul.u32 $0xF7A, s1;
	s8 =	simm.s32 @!p0 $0x1BF5;
	p2 =	por !p2, p0  }
0x20: {  	[sflag:s8] =	ssyncset.s32 @!p0 $0xFFFFF086;
	s6 =	sadd.s32 @!p0 s3, s7;
	s7 =	simm.s32 @!p0 $0x108  }
0x21: {  	s3 =	sadd.s32 s3, s9;
	s6 =	sadd.s32 @!p0 $0x88, s6;
	s7 =	simm.s32 @p2 $0x1082  }
0x22: {  	[simem:s7], [sflag:s8] =	dma.local @!p0 [hbm:s6], $0xF7A  }
0x23: {  	s9 =	sor.u32 $0xD0000000, s2;
	s6 =	simm.s32 $0x108;
	_ =	swait.ge @!p0 [sflag:s8], $0x0  }
0x24: {  	s3 =	sadd.s32 $0x88, s3;
	s6 =	simm.s32 @!p1 $0x1082;
	[sflag:s4] =	ssyncset.s32 $0xFFFFF086  }
0x25: {  	[simem:s6], [sflag:s4] =	dma.local [hbm:s3], $0xF7A  }
0x26: {  	[smem:$0x3F92] =	sst s1;
	(tag) =	ssettag s2;
	_ =	strace s9  }
0x27: {  	s1 =	sld [smem:$0x3FA2]  }
0x28: {  	s2 =	sld [smem:$0x3FA3]  }
0x29: {  	s4 =	sld [smem:$0x3FA5]  }
0x2a: {  	p0 =	seq.s32 s5, $0x0;
	s5 =	sld [smem:$0x3FA6]  }
0x2b: {  	s6 =	sld [smem:$0x3FA7]  }
0x2c: {  	s7 =	sld [smem:$0x3FA8]  }
0x2d: {  	s3 =	simm.s32 $0x108;
	s8 =	sld [smem:$0x3FA9]  }
0x2e: {  	s3 =	simm.s32 @!p0 $0x1082;
	s9 =	sld [smem:$0x3FAA]  }
0x2f: {  	lr =	sadd.s32 s0, s3;
	s0 =	sld [smem:$0x3FA1]  }
0x30: {  	s3 =	sld [smem:$0x3FA4]  }
0x31: {  	[smem:$0x3FAD] =	sst s10  }
0x32: {  	s10 =	sld [smem:$0x3FAB];
	_ =	sdelay $0x3  }
0x33: {  	p0 =	seq.s32 s10, $0x1;
	s10 =	sld [smem:$0x3FAD];
	_ =	sdelay $0x3  }
0x34: {  	[smem:$0x3FAD] =	sst s10  }
0x35: {  	s10 =	sld [smem:$0x3FAC];
	_ =	sdelay $0x3  }
0x36: {  	p1 =	seq.s32 s10, $0x1;
	s10 =	sld [smem:$0x3FAD];
	_ =	sdelay $0x3  }
0x37: {  	[smem:$0x3FAD] =	sst s10  }
0x38: {  	s10 =	sld [smem:$0x3FAE]  }
0x39: {  	_ = 	snop;
	(pc) =	sbr.ind lr, $3  }
0x3a: {  	_ = 	snop  }
0x3b: {  	_ = 	snop  }
0x3c: {  	p2 =	seq.s32 s10, $0x1;
	s10 =	sld [smem:$0x3FAD]  }
0x3d: {  	_ =	shalt  }
0x3e: {  	_ =	shalt  }
0x3f: {  	_ =	shalt  }
0x40: {  	_ =	shalt  }
0x41: {  	_ =	shalt  }
0x42: {  	_ =	shalt  }
0x43: {  	_ =	shalt  }
0x44: {  	_ =	shalt  }
0x45: {  	_ =	shalt  }
0x46: {  	_ =	shalt  }
0x47: {  	_ =	shalt  }
0x48: {  	_ =	shalt  }
0x49: {  	_ =	shalt  }
0x4a: {  	_ =	shalt  }
0x4b: {  	_ =	shalt  }
0x4c: {  	_ =	shalt  }
0x4d: {  	_ =	shalt  }
0x4e: {  	_ =	shalt  }
0x4f: {  	_ =	shalt  }
0x50: {  	_ =	shalt  }
0x51: {  	_ =	shalt  }
0x52: {  	_ =	shalt  }
0x53: {  	_ =	shalt  }
0x54: {  	_ =	shalt  }
0x55: {  	_ =	shalt  }
0x56: {  	_ =	shalt  }
0x57: {  	_ =	shalt  }
0x58: {  	_ =	shalt  }
0x59: {  	_ =	shalt  }
0x5a: {  	_ =	shalt  }
0x5b: {  	_ =	shalt  }
0x5c: {  	_ =	shalt  }
0x5d: {  	_ =	shalt  }
0x5e: {  	_ =	shalt  }
0x5f: {  	_ =	shalt  }
0x60: {  	_ =	shalt  }
0x61: {  	_ =	shalt  }
0x62: {  	_ =	shalt  }
0x63: {  	_ =	shalt  }
0x64: {  	_ =	shalt  }
0x65: {  	_ =	shalt  }
0x66: {  	_ =	shalt  }
0x67: {  	_ =	shalt  }
0x68: {  	_ =	shalt  }
0x69: {  	_ =	shalt  }
0x6a: {  	_ =	shalt  }
0x6b: {  	_ =	shalt  }
0x6c: {  	_ =	shalt  }
0x6d: {  	_ =	shalt  }
0x6e: {  	_ =	shalt  }
0x6f: {  	_ =	shalt  }
0x70: {  	_ =	shalt  }
0x71: {  	_ =	shalt  }
0x72: {  	_ =	shalt  }
0x73: {  	_ =	shalt  }
0x74: {  	_ =	shalt  }
0x75: {  	_ =	shalt  }
0x76: {  	_ =	shalt  }
0x77: {  	_ =	shalt  }
0x78: {  	_ =	shalt  }
0x79: {  	_ =	shalt  }
0x7a: {  	_ =	shalt  }
0x7b: {  	_ =	shalt  }
0x7c: {  	_ =	shalt  }
0x7d: {  	_ =	shalt  }
0x7e: {  	_ =	shalt  }
0x7f: {  	_ =	shalt  }
0x80: {  	_ =	shalt  }
0x81: {  	_ =	shalt  }
0x82: {  	_ =	shalt  }
0x83: {  	_ =	shalt  }
0x84: {  	_ =	shalt  }
0x85: {  	_ =	shalt  }
0x86: {  	_ =	shalt  }
0x87: {  	_ =	shalt  }
.Lfunc_end0:
.L_simem_size_0:
called_computation.1_lowered:
.L_overlay_start_0:
0x88: {  	s2 =	sld [smem:$0x3FD9]  }
0x89: {  	s3 =	sld [smem:$0x3FFE];
	_ =	sdelay $0x1  }
0x8a: {  	s1 =	srdreg.scid  }
0x8b: {  	s0 =	sand.u32 $0x1, s1  }
0x8c: {  	s16 =	sshll.u32 s0, $0xA;
	s2 =	sadd.s32 s3, s2  }
0x8d: {  	s2 =	sadd.s32 s2, s16  }
0x8e: {  	[smem:$0x3FB9] =	sst s2  }
0x8f: {  	_ = 	snop  }
0x90: {  	(tm) =	ssettm $0x1  }
0x91: {  	s17 =	sld [smem:$0x3FFB];
	_ =	sdelay $0x3  }
0x92: {  	_ =	strace s17  }
0x93: {  	s2 =	sld [smem:$0x3FFC];
	_ =	sdelay $0x3  }
0x94: {  	_ =	strace s2  }
0x95: {  	s2 =	sld [smem:$0x3FFD];
	_ =	sdelay $0x3  }
0x96: {  	_ =	strace s2  }
0x97: {  	_ =	strace $0x8FFFFFFF  }
0x98: {  	s18 =	sld [smem:$0x3FDB];
	_ =	sdelay $0x1  }
0x99: {  	s19 =	simm.s32 $_scs_section_size  }
0x9a: {  	s4 =	simm.s32 $_size__tile_overlayer_lowered;
	s5 =	simm.s32 $_tile_overlayer_lowered  }
0x9b: {  	s22 =	simm.s32 $0x1BFF;
	s21 =	sshll.u32 s5, $0x1;
	s2 =	sadd.s32 s19, s18  }
0x9c: {  	s6 =	simm.s32 $0x0;
	s20 =	sshll.u32 s4, $0x1;
	s4 =	sadd.s32 s21, s2  }
0x9d: {  	[timem:s6], [sflag:s22] =	dma.local [hbm:s4], s20  }
0x9e: {  	_ =	swait.ge [sflag:s22], s20  }
0x9f: {  	s3 =	ssub.s32 $0x0, s20;
	[sflag:s22] =	ssyncset.done $0x0  }
0xa0: {  	[sflag:s22] =	ssyncadd.s32 s3;
	_ =	sdelay $0x1  }
0xa1: {  	s23 =	simm.s32 $0x1B8B  }
0xa2: {  	_ =	swait.ge [sflag:s23], $0x1  }
0xa3: {  	[sflag:s23] =	ssyncset.done $0x0  }
0xa4: {  	s25 =	simm.s32 $0x1B8E;
	s24 =	sld [smem:$0x3FFE];
	[sflag:s23] =	ssyncadd.s32 $0xFFFFFFFF  }
0xa5: {  	s26 =	simm.s32 $execute0_lowered;
	[smem:$0x3FD2] =	sst s25  }
0xa6: {  	s4 =	sshll.u32 s26, $0x1;
	_ =	strace $0x80000049;
	[dreg:$0x1] =	wrdreg $0xFFFFFFFF  }
0xa7: {  	s28 =	simm.s32 $_size_execute0_lowered;
	s2 =	sadd.s32 s2, s4;
	[dreg:$0x0] =	wrdreg $0x0  }
0xa8: {  	s4 =	sshll.u32 s28, $0x1;
	[dreg:$0x2] =	wrdreg s2  }
0xa9: {  	[dreg:$0x3] =	wrdreg s4  }
0xaa: {  	[dreg:$0x4] =	wrdreg $0xC0  }
0xab: {  	_ =	task [dreg:s6], $0x5FFFF  }
0xac: {  	[dreg:$0x1] =	wrdreg $0xFFFFFFFF  }
0xad: {  	[dreg:$0x0] =	wrdreg $0x60  }
0xae: {  	[dreg:$0x2] =	wrdreg s24  }
0xaf: {  	[dreg:$0x3] =	wrdreg $0x170000  }
0xb0: {  	[dreg:$0x4] =	wrdreg $0x120000  }
0xb1: {  	[dreg:$0x5] =	wrdreg $0x9  }
0xb2: {  	_ =	task.clear_ibuf [dreg:s6], $0x6FFFF;
	_ =	strace $0x90000049  }
0xb3: {  	s29 =	simm.s32 $0x9;
	_ =	strace $0x8000004B  }
0xb4: {  	_ =	swait.ge [sflag:s29], $0x1  }
0xb5: {  	[sflag:s29] =	ssyncadd.s32 $0xFFFFFFFF  }
0xb6: {  	_ =	strace $0x9000004B  }
0xb7: {  	_ =	sfence  }
0xb8: {  	s30 =	sld [smem:$0x0];
	_ =	sdelay $0x2  }
0xb9: {  	s31 =	sshll.u32 s1, $0xD;
	s1 =	sshrl.u32 s1, $0x2  }
0xba: {  	s3 =	sand.u32 $0x4000, s31;
	s1 =	sadd.s32 s1, s30  }
0xbb: {  	s0 =	sor.u32 s3, s0;
	s1 =	sshll.u32 s1, $0x11  }
0xbc: {  	s0 =	sor.u32 s1, s0  }
0xbd: {  	s0 =	sadd.s32 $0x8F2B, s0  }
0xbe: {  	[sflag:s0] =	ssyncadd.remote.s32 $0x1  }
0xbf: {  	_ =	sfence.sel $0xFFFF  }
0xc0: {  	[dreg:$0x0] =	wrdreg $0xFFFFFFFF;
	(pc) =	sbr.abs _section_cstart, $3  }
0xc1: {  	[dreg:$0x1] =	wrdreg $0xFFFFFFFF  }
0xc2: {  	_ =	task.clear_ibuf [dreg:s6], $0x2FFFF;
	_ =	strace $0x9FFFFFFF  }
0xc3: {  	(tm) =	ssettm $0x7FFFFFFF  }
tec
execute0_lowered:
.L_overlay_start_1:
0x0: {  	(tag) =	ssettag $0x1  }
0x1: {  	s0 =	rddreg [dreg:$0x0]  }
0x2: {  	s2 =	rddreg [dreg:$0x1]  }
0x3: {  	s3 =	rddreg [dreg:$0x2];
	s4 =	simm.s32 $0x0;
	s17 =	stileid.u32  }
0x4: {  	s1 =	srdreg.scid;
	s28 =	simm.s32 $0x9;
	s29 =	simm.s32 $0xA  }
0x5: {  	s31 =	simm.s32 $0xD;
	[smem:$0x7FF] =	sst s4;
	s19 =	smul.u32 $0xA00, s17  }
0x6: {  	s1 =	sand.u32 $0x1, s1;
	s7 =	sadd.s32 $0x3400, s0;
	s8 =	smul.u32 $0x5000, s17  }
0x7: {  	s5 =	sadd.s32 $0x17400, s0;
	s30 =	sshll.u32 s17, $0x6;
	s17 =	simm.s32 $0xA000  }
0x8: {  	_ =	strace $0x8000004A;
	s6 =	smul.u32 $0x50000, s1;
	s1 =	ssub.s32 $0x2, s1  }
0x9: {  	s4 =	sadd.s32 s19, s0;
	s0 =	sadd.s32 $0xA3800, s0;
	s9 =	sshrl.u32 s1, $0x1  }
0xa: {  	s11 =	sadd.s32 $0x1000, s8;
	s12 =	sadd.s32 s8, s2;
	s22 =	sadd.s32 s8, s3  }
0xb: {  	s23 =	sadd.s32 $0x2000, s8;
	s24 =	sadd.s32 $0x3000, s8;
	s10 =	sadd.s32 s8, s6  }
0xc: {  	s1 =	ssub.s32 s1, s9;
	s21 =	sadd.s32 s6, s11;
	[dreg:$0x5] =	wrdreg s22  }
0xd: {  	s15 =	sadd.s32 s6, s23;
	s16 =	sadd.s32 s6, s24;
	s8 =	sadd.s32 $0x4000, s8  }
0xe: {  	s19 =	sadd.s32 s24, s2;
	s22 =	sadd.s32 $0x21800, s4;
	s4 =	sadd.s32 $0x17800, s4  }
0xf: {  	s20 =	sshrl.u32 s10, $0x3;
	s10 =	sshrl.u32 s21, $0x3;
	s15 =	sshrl.u32 s15, $0x3  }
0x10: {  	s16 =	sshrl.u32 s16, $0x3;
	s6 =	sadd.s32 s6, s8;
	[dreg:$0x13] =	wrdreg s22  }
0x11: {  	s21 =	sadd.s32 s8, s2;
	s8 =	sadd.s32 s8, s3;
	[dreg:$0x14] =	wrdreg s4  }
0x12: {  	s1 =	smax.u32 s1, $0x1;
	s22 =	simm.s32 $0xF000;
	[dreg:$0x12] =	wrdreg s8  }
0x13: {  	s4 =	simm.s32 $0x0;
	s13 =	sadd.s32 s7, s20;
	[dreg:$0x15] =	wrdreg s1  }
0x14: {  	s14 =	sadd.s32 s7, s10;
	s18 =	sadd.s32 s7, s15;
	[dreg:$0x4] =	wrdreg s13  }
0x15: {  	s25 =	sadd.s32 s7, s16;
	s6 =	sshrl.u32 s6, $0x3;
	[dreg:$0x6] =	wrdreg s14  }
0x16: {  	s26 =	sadd.s32 s0, s20;
	s9 =	sadd.s32 s0, s10;
	[dreg:$0x8] =	wrdreg s18  }
0x17: {  	s10 =	sadd.s32 s0, s15;
	s15 =	sadd.s32 s0, s16;
	[dreg:$0x9] =	wrdreg s25  }
0x18: {  	s16 =	sadd.s32 s23, s2;
	s20 =	sadd.s32 s24, s3;
	[dreg:$0xb] =	wrdreg s26  }
0x19: {  	s1 =	simm.s32 $0x1;
	s8 =	simm.s32 $0x3;
	[dreg:$0xc] =	wrdreg s9  }
0x1a: {  	s13 =	sadd.s32 s11, s2;
	s11 =	sadd.s32 s11, s3;
	[dreg:$0xd] =	wrdreg s10  }
0x1b: {  	s7 =	sadd.s32 s7, s6;
	[dreg:$0xe] =	wrdreg s15;
	s0 =	sadd.s32 s0, s6  }
0x1c: {  	s18 =	sadd.s32 s23, s3;
	[dreg:$0x11] =	wrdreg s20;
	s23 =	sshrl.u32 s12, $0x3  }
0x1d: {  	s25 =	sshrl.u32 s19, $0x3;
	s26 =	sshrl.u32 s21, $0x3;
	[dreg:$0x7] =	wrdreg s11  }
0x1e: {  	s6 =	simm.s32 $0x2;
	s9 =	simm.s32 $0xB;
	[dreg:$0xa] =	wrdreg s7  }
0x1f: {  	s10 =	simm.s32 $0x4;
	s12 =	simm.s32 $0x5;
	[dreg:$0xf] =	wrdreg s0  }
0x20: {  	s15 =	simm.s32 $0x7;
	s19 =	simm.s32 $0xC000;
	[dreg:$0x10] =	wrdreg s18  }
0x21: {  	s20 =	simm.s32 $0xD000;
	s21 =	simm.s32 $0xE000;
	[dreg:$0x16] =	wrdreg s23  }
.Ltmp0:
0x22: {  	s24 =	sshrl.u32 s13, $0x3;
	[dreg:$0x19] =	wrdreg s25;
	(pc) =	sbr.rel .LBB2_1-.Ltmp0, $4  }
0x23: {  	s0 =	sshrl.u32 s16, $0x3;
	[dreg:$0x1a] =	wrdreg s26;
	s26 =	sor.u32 $0x1C01, s30  }
0x24: {  	s11 =	simm.s32 $0xC;
	s16 =	simm.s32 $0x80;
	[dreg:$0x17] =	wrdreg s24  }
0x25: {  	s18 =	simm.s32 $0xB000;
	s23 =	simm.s32 $0x10000;
	[dreg:$0x18] =	wrdreg s0  }
0x26: {  	s25 =	simm.s32 $0x8;
	s24 =	simm.s32 $0x11000;
	[dreg:$0x1b] =	wrdreg s26  }
.LBB2_4:
0x27: {  	_ =	swait.ge [sflag:s25], $0x1000  }
0x28: {  	[sflag:s25] =	ssyncset.done $0x0  }
0x29: {  	s28 =	simm.s32 $0x9;
	[sflag:s25] =	ssyncadd.s32 $0xFFFFF000  }
0x2a: {  	[spmem:s3] =	stream.indirect.scatter.add.f32 [tilespmem:s24], [sflag:$0x10], $0x20, s29, s16, $0xb8;
	[tilespmem:$0x1C000] =	vst v63  }
0x2b: {  	_ =	swait.ge [sflag:s28], $0x1000  }
0x2c: {  	[sflag:s28] =	ssyncset.done $0x0  }
0x2d: {  	s29 =	simm.s32 $0xA;
	[sflag:s28] =	ssyncadd.s32 $0xFFFFF000  }
0x2e: {  	_ =	swait.ge [sflag:s29], $0x1000  }
0x2f: {  	[sflag:s29] =	ssyncset.done $0x0  }
0x30: {  	[sflag:s29] =	ssyncadd.s32 $0xFFFFF000  }
0x31: {  	_ =	swait.ge [sflag:s9], $0x1000  }
0x32: {  	[sflag:s9] =	ssyncset.done $0x0  }
0x33: {  	[sflag:s9] =	ssyncadd.s32 $0xFFFFF000  }
0x34: {  	_ =	swait.ge [sflag:s11], $0x1000  }
0x35: {  	[sflag:s11] =	ssyncset.done $0x0  }
0x36: {  	s31 =	simm.s32 $0xD;
	[sflag:s11] =	ssyncadd.s32 $0xFFFFF000  }
0x37: {  	_ =	swait.ge [sflag:s31], $0x1000  }
0x38: {  	[sflag:s31] =	ssyncset.done $0x0  }
0x39: {  	s0 =	simm.s32 $0xE;
	[sflag:s31] =	ssyncadd.s32 $0xFFFFF000  }
0x3a: {  	_ =	swait.ge [sflag:s0], $0x1000  }
0x3b: {  	[sflag:s0] =	ssyncset.done $0x0  }
0x3c: {  	s26 =	simm.s32 $0xF;
	[sflag:s0] =	ssyncadd.s32 $0xFFFFF000  }
0x3d: {  	_ =	swait.ge [sflag:s26], $0x1000  }
0x3e: {  	[sflag:s26] =	ssyncset.done $0x0  }
0x3f: {  	s7 =	simm.s32 $0x10;
	[sflag:s26] =	ssyncadd.s32 $0xFFFFF000  }
0x40: {  	_ =	swait.ge [sflag:s7], $0x1000  }
0x41: {  	[sflag:s7] =	ssyncset.done $0x0  }
0x42: {  	[sflag:s7] =	ssyncadd.s32 $0xFFFFF000  }
0x43: {  	[bflag:$0x0] =	sbarrier.arrive $0xFFFF  }
0x44: {  	s13 =	rddreg [dreg:$0xb]  }
0x45: {  	s26 =	rddreg [dreg:$0x1b]  }
0x46: {  	s7 =	rddreg [dreg:$0x1c]  }
0x47: {  	[hbm:s13], [sflag:s26] =	dma.local [spmem:s7], $0x200  }
0x48: {  	s0 =	rddreg [dreg:$0xc]  }
0x49: {  	s7 =	rddreg [dreg:$0x1d]  }
0x4a: {  	s13 =	rddreg [dreg:$0x1e]  }
0x4b: {  	[hbm:s0], [sflag:s7] =	dma.local [spmem:s13], $0x200  }
0x4c: {  	s13 =	sld [smem:$0x7FA]  }
0x4d: {  	s0 =	rddreg [dreg:$0xd]  }
0x4e: {  	s7 =	rddreg [dreg:$0x1f]  }
0x4f: {  	[hbm:s0], [sflag:s7] =	dma.local [spmem:s13], $0x200  }
0x50: {  	s7 =	sld [smem:$0x7FB]  }
0x51: {  	s13 =	sld [smem:$0x7FC];
	_ =	sdelay $0x1  }
0x52: {  	s0 =	rddreg [dreg:$0xe]  }
0x53: {  	[hbm:s0], [sflag:s7] =	dma.local [spmem:s13], $0x200  }
0x54: {  	s7 =	sld [smem:$0x7FD];
	_ =	sdelay $0x1  }
0x55: {  	s0 =	rddreg [dreg:$0xf]  }
0x56: {  	[hbm:s0], [sflag:s7] =	dma.local [spmem:s14], $0x200  }
0x57: {  	_ =	swait.ge [sflag:s1], $0x200  }
0x58: {  	[sflag:s1] =	ssyncset.done $0x0  }
0x59: {  	[sflag:s1] =	ssyncadd.s32 $0xFFFFFE00  }
0x5a: {  	_ =	swait.ge [sflag:s6], $0x200  }
0x5b: {  	[sflag:s6] =	ssyncset.done $0x0  }
0x5c: {  	[sflag:s6] =	ssyncadd.s32 $0xFFFFFE00  }
0x5d: {  	_ =	swait.ge [sflag:s8], $0x200  }
0x5e: {  	[sflag:s8] =	ssyncset.done $0x0  }
0x5f: {  	[sflag:s8] =	ssyncadd.s32 $0xFFFFFE00  }
0x60: {  	_ =	swait.ge [sflag:s10], $0x200  }
0x61: {  	[sflag:s10] =	ssyncset.done $0x0  }
0x62: {  	[sflag:s10] =	ssyncadd.s32 $0xFFFFFE00  }
0x63: {  	_ =	swait.ge [sflag:s12], $0x200  }
0x64: {  	s4 =	sadd.s32 $0x1, s4;
	s14 =	rddreg [dreg:$0x15]  }
0x65: {  	p0 =	sne.s32 s4, s14  }
.Ltmp1:
0x66: {  	_ = 	snop;
	(pc) =	sbr.rel @!p0 .LBB2_5-.Ltmp1, $3  }
0x67: {  	_ =	sdelay $0x1  }
0x68: {  	[sflag:s12] =	ssyncset.done $0x0  }
0x69: {  	[sflag:s12] =	ssyncadd.s32 $0xFFFFFE00  }
.LBB2_1:
0x6a: {  	s0 =	rddreg [dreg:$0x4]  }
0x6b: {  	s7 =	rddreg [dreg:$0x16]  }
0x6c: {  	[spmem:s7], [sflag:s26] =	dma.local [hbm:s0], $0x200  }
0x6d: {  	s7 =	rddreg [dreg:$0x5]  }
0x6e: {  	s7 =	sshrl.u32 s7, $0x3  }
0x6f: {  	s13 =	sor.u32 $0x1C09, s30;
	[dreg:$0x1c] =	wrdreg s7  }
0x70: {  	[spmem:s7], [sflag:s13] =	dma.local [hbm:s5], $0x200  }
0x71: {  	s0 =	rddreg [dreg:$0x6]  }
0x72: {  	s13 =	sor.u32 $0x1C02, s30;
	s7 =	rddreg [dreg:$0x17]  }
0x73: {  	[dreg:$0x1d] =	wrdreg s13  }
0x74: {  	[spmem:s7], [sflag:s13] =	dma.local [hbm:s0], $0x200  }
0x75: {  	s7 =	rddreg [dreg:$0x7]  }
0x76: {  	s7 =	sshrl.u32 s7, $0x3  }
0x77: {  	s14 =	sor.u32 $0x1C0A, s30;
	s26 =	sor.u32 $0x1C03, s30;
	[dreg:$0x1e] =	wrdreg s7  }
0x78: {  	[spmem:s7], [sflag:s14] =	dma.local [hbm:s5], $0x200  }
0x79: {  	[dreg:$0x1f] =	wrdreg s26  }
0x7a: {  	s0 =	rddreg [dreg:$0x8]  }
0x7b: {  	s7 =	rddreg [dreg:$0x18]  }
0x7c: {  	[spmem:s7], [sflag:s26] =	dma.local [hbm:s0], $0x200  }
0x7d: {  	s7 =	rddreg [dreg:$0x10]  }
0x7e: {  	s7 =	sshrl.u32 s7, $0x3  }
0x7f: {  	s14 =	sor.u32 $0x1C0B, s30;
	s26 =	sor.u32 $0x1C04, s30;
	[smem:$0x7FA] =	sst s7  }
0x80: {  	[spmem:s7], [sflag:s14] =	dma.local [hbm:s5], $0x200  }
0x81: {  	[smem:$0x7FB] =	sst s26  }
0x82: {  	s0 =	rddreg [dreg:$0x9]  }
0x83: {  	s7 =	rddreg [dreg:$0x19]  }
0x84: {  	[spmem:s7], [sflag:s26] =	dma.local [hbm:s0], $0x200  }
0x85: {  	s0 =	rddreg [dreg:$0x11]  }
0x86: {  	s0 =	sshrl.u32 s0, $0x3  }
0x87: {  	s14 =	sor.u32 $0x1C05, s30;
	s7 =	sor.u32 $0x1C0C, s30;
	[smem:$0x7FC] =	sst s0  }
0x88: {  	[spmem:s0], [sflag:s7] =	dma.local [hbm:s5], $0x200  }
0x89: {  	[smem:$0x7FD] =	sst s14  }
0x8a: {  	s0 =	rddreg [dreg:$0xa]  }
0x8b: {  	s26 =	rddreg [dreg:$0x1a]  }
0x8c: {  	[spmem:s26], [sflag:s14] =	dma.local [hbm:s0], $0x200  }
0x8d: {  	s0 =	rddreg [dreg:$0x12]  }
0x8e: {  	s7 =	sor.u32 $0x1C0D, s30;
	s14 =	sshrl.u32 s0, $0x3  }
0x8f: {  	[spmem:s14], [sflag:s7] =	dma.local [hbm:s5], $0x200  }
0x90: {  	s0 =	simm.s32 $0x0;
	s13 =	rddreg [dreg:$0x13]  }
0x91: {  	[tilespmem:s0], [sflag:$0x6] =	stream.linear.gather [hbm4b:s13+s0], $0x5000, $0x38;
	[tilespmem:$0x1C000] =	vst v63  }
0x92: {  	s26 =	rddreg [dreg:$0x14];
	s13 =	simm.s32 $0x5000  }
0x93: {  	[tilespmem:s13], [sflag:$0x7] =	stream.linear.gather [hbm4b:s26+s0], $0x5000, $0x38;
	[tilespmem:$0x1C000] =	vst v63  }
0x94: {  	_ =	swait.ge [sflag:s1], $0x200  }
0x95: {  	[sflag:s1] =	ssyncset.done $0x0  }
0x96: {  	[sflag:s1] =	ssyncadd.s32 $0xFFFFFE00  }
0x97: {  	_ =	swait.ge [sflag:s28], $0x200  }
0x98: {  	[sflag:s28] =	ssyncset.done $0x0  }
0x99: {  	[sflag:s28] =	ssyncadd.s32 $0xFFFFFE00  }
0x9a: {  	_ =	swait.ge [sflag:s6], $0x200  }
0x9b: {  	[sflag:s6] =	ssyncset.done $0x0  }
0x9c: {  	[sflag:s6] =	ssyncadd.s32 $0xFFFFFE00  }
0x9d: {  	_ =	swait.ge [sflag:s29], $0x200  }
0x9e: {  	[sflag:s29] =	ssyncset.done $0x0  }
0x9f: {  	[sflag:s29] =	ssyncadd.s32 $0xFFFFFE00  }
0xa0: {  	_ =	swait.ge [sflag:s8], $0x200  }
0xa1: {  	[sflag:s8] =	ssyncset.done $0x0  }
0xa2: {  	[sflag:s8] =	ssyncadd.s32 $0xFFFFFE00  }
0xa3: {  	_ =	swait.ge [sflag:s9], $0x200  }
0xa4: {  	[sflag:s9] =	ssyncset.done $0x0  }
0xa5: {  	[sflag:s9] =	ssyncadd.s32 $0xFFFFFE00  }
0xa6: {  	_ =	swait.ge [sflag:s10], $0x200  }
0xa7: {  	[sflag:s10] =	ssyncset.done $0x0  }
0xa8: {  	[sflag:s10] =	ssyncadd.s32 $0xFFFFFE00  }
0xa9: {  	_ =	swait.ge [sflag:s11], $0x200  }
0xaa: {  	[sflag:s11] =	ssyncset.done $0x0  }
0xab: {  	[sflag:s11] =	ssyncadd.s32 $0xFFFFFE00  }
0xac: {  	_ =	swait.ge [sflag:s12], $0x200  }
0xad: {  	[sflag:s12] =	ssyncset.done $0x0  }
0xae: {  	[sflag:s12] =	ssyncadd.s32 $0xFFFFFE00  }
0xaf: {  	_ =	swait.ge [sflag:s31], $0x200  }
0xb0: {  	[sflag:s31] =	ssyncset.done $0x0  }
0xb1: {  	s28 =	simm.s32 $0x6;
	[sflag:s31] =	ssyncadd.s32 $0xFFFFFE00  }
0xb2: {  	_ =	swait.ge [sflag:s28], $0x5000  }
0xb3: {  	[sflag:s28] =	ssyncset.done $0x0  }
0xb4: {  	[sflag:s28] =	ssyncadd.s32 $0xFFFFB000  }
0xb5: {  	_ =	swait.ge [sflag:s15], $0x5000  }
0xb6: {  	[sflag:s15] =	ssyncset.done $0x0  }
0xb7: {  	[sflag:s15] =	ssyncadd.s32 $0xFFFFB000  }
0xb8: {  	[bflag:$0x0] =	sbarrier.arrive $0xFFFF  }
0xb9: {  	[tilespmem:s17], [sflag:$0x1] =	stream.indirect.gather [spmem:s2], $0x20, s0, s16, $0xb8;
	[tilespmem:$0x1C000] =	vst v63  }
0xba: {  	_ = 	snop  }
0xbb: {  	[tilespmem:s18], [sflag:$0x2] =	stream.indirect.gather [spmem:s2], $0x20, s16, s16, $0xb8;
	[tilespmem:$0x1C000] =	vst v63  }
0xbc: {  	s29 =	simm.s32 $0x100  }
0xbd: {  	[tilespmem:s19], [sflag:$0x3] =	stream.indirect.gather [spmem:s2], $0x20, s29, s16, $0xb8;
	[tilespmem:$0x1C000] =	vst v63  }
0xbe: {  	s26 =	simm.s32 $0x0;
	s31 =	simm.s32 $0x180  }
0xbf: {  	[tilespmem:s20], [sflag:$0x4] =	stream.indirect.gather [spmem:s2], $0x20, s31, s16, $0xb8;
	[tilespmem:$0x1C000] =	vst v63  }
.LBB2_2:
0xc0: {  	_ =	swait.ge [sflag:s1], $0x1000  }
0xc1: {  	s28 =	sshra.s32 s26, $0x2;
	[sflag:s1] =	ssyncset.done $0x0  }
0xc2: {  	p0 =	seq.s32 s26, $0x0;
	s29 =	sadd.s32 $0x5000, s28;
	[sflag:s1] =	ssyncadd.s32 $0xFFFFF000  }
0xc3: {  	[spmem:s3] =	stream.indirect.scatter.add.f32 [tilespmem:s17], [sflag:$0x9], $0x20, s29, s16, $0xb8;
	[tilespmem:$0x1C000] =	vst v63  }
0xc4: {  	s29 =	simm.s32 @!p0 $0xD  }
0xc5: {  	_ =	swait.ge @!p0 [sflag:s29], $0x1000  }
0xc6: {  	[sflag:s29] =	ssyncset.done @!p0 $0x0  }
0xc7: {  	[sflag:s29] =	ssyncadd.s32 @!p0 $0xFFFFF000;
	s29 =	sadd.s32 $0x200, s28  }
0xc8: {  	[tilespmem:s21], [sflag:$0x5] =	stream.indirect.gather [spmem:s2], $0x20, s29, s16, $0xb8;
	[tilespmem:$0x1C000] =	vst v63  }
0xc9: {  	_ =	swait.ge [sflag:s6], $0x1000  }
0xca: {  	[sflag:s6] =	ssyncset.done $0x0  }
0xcb: {  	s29 =	sadd.s32 $0x5080, s28;
	[sflag:s6] =	ssyncadd.s32 $0xFFFFF000  }
0xcc: {  	[spmem:s3] =	stream.indirect.scatter.add.f32 [tilespmem:s18], [sflag:$0xA], $0x20, s29, s16, $0xb8;
	[tilespmem:$0x1C000] =	vst v63  }
0xcd: {  	s29 =	simm.s32 @!p0 $0xE  }
0xce: {  	_ =	swait.ge @!p0 [sflag:s29], $0x1000  }
0xcf: {  	[sflag:s29] =	ssyncset.done @!p0 $0x0  }
0xd0: {  	[sflag:s29] =	ssyncadd.s32 @!p0 $0xFFFFF000;
	s29 =	sadd.s32 $0x280, s28  }
0xd1: {  	[tilespmem:s22], [sflag:$0x6] =	stream.indirect.gather [spmem:s2], $0x20, s29, s16, $0xb8;
	[tilespmem:$0x1C000] =	vst v63  }
0xd2: {  	_ =	swait.ge [sflag:s8], $0x1000  }
0xd3: {  	[sflag:s8] =	ssyncset.done $0x0  }
0xd4: {  	s29 =	sadd.s32 $0x5100, s28;
	[sflag:s8] =	ssyncadd.s32 $0xFFFFF000  }
0xd5: {  	[spmem:s3] =	stream.indirect.scatter.add.f32 [tilespmem:s19], [sflag:$0xB], $0x20, s29, s16, $0xb8;
	[tilespmem:$0x1C000] =	vst v63  }
0xd6: {  	s29 =	simm.s32 @!p0 $0xF  }
0xd7: {  	_ =	swait.ge @!p0 [sflag:s29], $0x1000  }
0xd8: {  	[sflag:s29] =	ssyncset.done @!p0 $0x0  }
0xd9: {  	[sflag:s29] =	ssyncadd.s32 @!p0 $0xFFFFF000;
	s29 =	sadd.s32 $0x300, s28  }
0xda: {  	[tilespmem:s23], [sflag:$0x7] =	stream.indirect.gather [spmem:s2], $0x20, s29, s16, $0xb8;
	[tilespmem:$0x1C000] =	vst v63  }
0xdb: {  	_ =	swait.ge [sflag:s10], $0x1000  }
0xdc: {  	[sflag:s10] =	ssyncset.done $0x0  }
0xdd: {  	s29 =	sadd.s32 $0x5180, s28;
	[sflag:s10] =	ssyncadd.s32 $0xFFFFF000  }
0xde: {  	[spmem:s3] =	stream.indirect.scatter.add.f32 [tilespmem:s20], [sflag:$0xC], $0x20, s29, s16, $0xb8;
	[tilespmem:$0x1C000] =	vst v63  }
0xdf: {  	s29 =	simm.s32 @!p0 $0x10  }
0xe0: {  	_ =	swait.ge @!p0 [sflag:s29], $0x1000  }
0xe1: {  	[sflag:s29] =	ssyncset.done @!p0 $0x0  }
0xe2: {  	[sflag:s29] =	ssyncadd.s32 @!p0 $0xFFFFF000;
	s29 =	sadd.s32 $0x380, s28  }
0xe3: {  	[tilespmem:s24], [sflag:$0x8] =	stream.indirect.gather [spmem:s2], $0x20, s29, s16, $0xb8;
	[tilespmem:$0x1C000] =	vst v63  }
0xe4: {  	_ =	swait.ge [sflag:s12], $0x1000  }
0xe5: {  	[sflag:s12] =	ssyncset.done $0x0  }
0xe6: {  	p0 =	seq.s32 s26, $0x13000;
	s29 =	sadd.s32 $0x5200, s28;
	[sflag:s12] =	ssyncadd.s32 $0xFFFFF000  }
0xe7: {  	[spmem:s3] =	stream.indirect.scatter.add.f32 [tilespmem:s21], [sflag:$0xD], $0x20, s29, s16, $0xb8;
	[tilespmem:$0x1C000] =	vst v63  }
0xe8: {  	s29 =	simm.s32 @p0 $0x6  }
0xe9: {  	_ =	swait.ge @p0 [sflag:s29], $0x1000  }
0xea: {  	[sflag:s29] =	ssyncset.done @p0 $0x0  }
0xeb: {  	[sflag:s29] =	ssyncadd.s32 @p0 $0xFFFFF000;
	s29 =	sshra.s32 @p0 s26, $0x2  }
0xec: {  	s31 =	simm.s32 @p0 $0x80;
	s0 =	simm.s32 @p0 $0xF000;
	s29 =	sadd.s32 @p0 $0x5280, s29  }
0xed: {  	[spmem:s3] =	stream.indirect.scatter.add.f32 @p0 [tilespmem:s0], [sflag:$0xE], $0x20, s29, s31, $0xb8;
	[tilespmem:$0x1C000] =	vst v63  }
0xee: {  	s0 =	simm.s32 @!p0 $0x9  }
0xef: {  	_ =	swait.ge @!p0 [sflag:s0], $0x1000  }
0xf0: {  	[sflag:s0] =	ssyncset.done @!p0 $0x0  }
0xf1: {  	[sflag:s0] =	ssyncadd.s32 @!p0 $0xFFFFF000;
	s0 =	sshra.s32 @!p0 s26, $0x2  }
0xf2: {  	s7 =	simm.s32 @!p0 $0xA000;
	s31 =	simm.s32 @!p0 $0x80;
	s29 =	sadd.s32 @!p0 $0x400, s0  }
0xf3: {  	[tilespmem:s7], [sflag:$0x1] =	stream.indirect.gather @!p0 [spmem:s2], $0x20, s29, s31, $0xb8;
	[tilespmem:$0x1C000] =	vst v63  }
0xf4: {  	s7 =	simm.s32 @!p0 $0x6  }
0xf5: {  	_ =	swait.ge @!p0 [sflag:s7], $0x1000  }
0xf6: {  	[sflag:s7] =	ssyncset.done @!p0 $0x0  }
0xf7: {  	s29 =	simm.s32 @!p0 $0xF000;
	[sflag:s7] =	ssyncadd.s32 @!p0 $0xFFFFF000;
	s7 =	sadd.s32 @!p0 $0x5280, s0  }
0xf8: {  	[spmem:s3] =	stream.indirect.scatter.add.f32 @!p0 [tilespmem:s29], [sflag:$0xE], $0x20, s7, s31, $0xb8;
	[tilespmem:$0x1C000] =	vst v63  }
0xf9: {  	s7 =	simm.s32 @!p0 $0xA  }
0xfa: {  	_ =	swait.ge @!p0 [sflag:s7], $0x1000  }
0xfb: {  	[sflag:s7] =	ssyncset.done @!p0 $0x0  }
0xfc: {  	s0 =	sadd.s32 @!p0 $0x480, s0;
	[sflag:s7] =	ssyncadd.s32 @!p0 $0xFFFFF000;
	s7 =	simm.s32 @!p0 $0xB000  }
0xfd: {  	[tilespmem:s7], [sflag:$0x2] =	stream.indirect.gather @!p0 [spmem:s2], $0x20, s0, s31, $0xb8;
	[tilespmem:$0x1C000] =	vst v63  }
.Ltmp2:
0xfe: {  	_ = 	snop;
	(pc) =	sbr.rel @p0 .LBB2_4-.Ltmp2, $4  }
0xff: {  	_ =	swait.ge [sflag:s15], $0x1000  }
0x100: {  	[sflag:s15] =	ssyncset.done $0x0  }
0x101: {  	s29 =	sadd.s32 $0x5380, s28;
	s31 =	sadd.s32 $0x5300, s28;
	[sflag:s15] =	ssyncadd.s32 $0xFFFFF000  }
0x102: {  	[spmem:s3] =	stream.indirect.scatter.add.f32 [tilespmem:s23], [sflag:$0xF], $0x20, s31, s16, $0xb8;
	[tilespmem:$0x1C000] =	vst v63  }
0x103: {  	_ =	swait.ge [sflag:s9], $0x1000  }
0x104: {  	[sflag:s9] =	ssyncset.done $0x0  }
0x105: {  	s0 =	sadd.s32 $0x500, s28;
	[sflag:s9] =	ssyncadd.s32 $0xFFFFF000  }
0x106: {  	[tilespmem:s19], [sflag:$0x3] =	stream.indirect.gather [spmem:s2], $0x20, s0, s16, $0xb8;
	[tilespmem:$0x1C000] =	vst v63  }
0x107: {  	_ =	swait.ge [sflag:s25], $0x1000  }
0x108: {  	[sflag:s25] =	ssyncset.done $0x0  }
0x109: {  	[sflag:s25] =	ssyncadd.s32 $0xFFFFF000  }
0x10a: {  	[spmem:s3] =	stream.indirect.scatter.add.f32 [tilespmem:s24], [sflag:$0x10], $0x20, s29, s16, $0xb8;
	[tilespmem:$0x1C000] =	vst v63  }
.Ltmp3:
0x10b: {  	_ = 	snop;
	(pc) =	sbr.rel .LBB2_2-.Ltmp3, $4  }
0x10c: {  	_ =	swait.ge [sflag:s11], $0x1000  }
0x10d: {  	[sflag:s11] =	ssyncset.done $0x0  }
0x10e: {  	s31 =	sadd.s32 $0x580, s28;
	s26 =	sadd.s32 $0x1000, s26;
	[sflag:s11] =	ssyncadd.s32 $0xFFFFF000  }
0x10f: {  	[tilespmem:s20], [sflag:$0x4] =	stream.indirect.gather [spmem:s2], $0x20, s31, s16, $0xb8;
	[tilespmem:$0x1C000] =	vst v63  }
.LBB2_5:
0x110: {  	_ =	sfence.sel $0x180000  }
0x111: {  	[bflag:$0x0] =	sbarrier.arrive $0xFFFF  }
0x112: {  	_ =	strace $0x9000004A  }
0x113: {  	s0 =	stileid.u32;
	[bflag:$0x2] =	sbarrier.arrive $0xFFFF  }
0x114: {  	p0 =	sne.s32 s0, $0x0;
	s0 =	rddreg [dreg:$0x3]  }
0x115: {  	s0 =	sadd.s32 @!p0 $0x100000, s0  }
0x116: {  	[sflag:s0] =	ssyncadd.tile.s32 @!p0 $0x1;
	_ =	shalt  }
.Lfunc_end2:
_tile_overlayer_lowered:
.L_overlay_start_2:
0x117: {  	(tag) =	ssettag $0x2  }
0x118: {  	s0 =	rddreg [dreg:$0x0];
	s2 =	stileid.u32  }
0x119: {  	s1 =	rddreg [dreg:$0x1];
	p0 =	sne.s32 s2, $0x0  }
0x11a: {  	s3 =	rddreg [dreg:$0x2];
	[bflag:$0x3] =	sbarrier.arrive $0xFFFF;
	s2 =	simm.s32 @!p0 $0x1C11  }
0x11b: {  	[timem:s3], [sflag:s2] =	dma.local @!p0 [hbm:s0], s1  }
0x11c: {  	s0 =	simm.s32 @!p0 $0x11  }
0x11d: {  	_ =	swait.ge @!p0 [sflag:s0], s1  }
0x11e: {  	s1 =	ssub.s32 @!p0 $0x0, s1;
	[sflag:s0] =	ssyncset.done @!p0 $0x0  }
0x11f: {  	[sflag:s0] =	ssyncadd.s32 @!p0 s1  }
0x120: {  	[bflag:$0x3] =	sbarrier.arrive $0xFFFF  }
0x121: {  	_ =	shalt  }

// kernel: kernel.16.cloned.1.call-start
scs
__scs_entry_jumppad:
0x0: {  	(pc) =	sbr.rel $0x88, $3  }
0x1: {  	(tag) =	ssettag $0x0;
	lr =	simm.s32 $0x1  }
0x2: {  	[smem:$0x3F92] =	sst lr;
	_ =	strace $0xD0000000  }
0x3: {  	_ = 	snop  }
0x4: {  	_ = 	snop  }
0x5: {  	_ = 	snop  }
0x6: {  	_ = 	snop  }
0x7: {  	_ = 	snop  }
__scs_overlays_trampoline_lowered:
0x8: {  	[smem:$0x3FA1] =	sst s0  }
0x9: {  	[smem:$0x3FA2] =	sst s1  }
0xa: {  	[smem:$0x3FA3] =	sst s2  }
0xb: {  	[smem:$0x3FA4] =	sst s3  }
0xc: {  	[smem:$0x3FA5] =	sst s4  }
0xd: {  	[smem:$0x3FA6] =	sst s5  }
0xe: {  	[smem:$0x3FA7] =	sst s6  }
0xf: {  	[smem:$0x3FA8] =	sst s7  }
0x10: {  	[smem:$0x3FA9] =	sst s8  }
0x11: {  	[smem:$0x3FAA] =	sst s9;
	s0 =	simm.s32 @!p0 $0x0  }
0x12: {  	s1 =	sld [smem:$0x3F90];
	s0 =	simm.s32 @p0 $0x1  }
0x13: {  	[smem:$0x3FAB] =	sst s0;
	s0 =	simm.s32 @!p1 $0x0  }
0x14: {  	s2 =	sld [smem:$0x3F8F];
	s0 =	simm.s32 @p1 $0x1  }
0x15: {  	[smem:$0x3FAC] =	sst s0;
	s0 =	simm.s32 @!p2 $0x0  }
0x16: {  	s3 =	sld [smem:$0x3FDB];
	s0 =	simm.s32 @p2 $0x1  }
0x17: {  	s4 =	simm.s32 $0x1BF5;
	[smem:$0x3FAE] =	sst s0  }
0x18: {  	s0 =	sld [smem:$0x3F91];
	_ =	swait.ge [sflag:s4], $0x0  }
0x19: {  	s7 =	sld [smem:$0x3F92]  }
0x1a: {  	s8 =	sadd.s32 $0xFFFFE003, lr  }
0x1b: {  	s9 =	sadd.s32 $0xFFFFFEF7, lr;
	s5 =	simm.s32 $0xFFFFFFFF;
	p2 =	slt.u32 s8, $0xFFFFF086  }
0x1c: {  	p1 =	slt.u32 s9, $0xF7A;
	s5 =	simm.s32 @!p2 $0x0  }
0x1d: {  	s5 =	simm.s32 @p1 $0x1;
	p0 =	seq.s32 s7, s2  }
0x1e: {  	s7 =	smul.u32 @!p0 $0xF7A, s2;
	p2 =	seq.s32 @!p0 s5, $0x0  }
0x1f: {  	s9 =	smul.u32 $0xF7A, s1;
	s8 =	simm.s32 @!p0 $0x1BF5;
	p2 =	por !p2, p0  }
0x20: {  	[sflag:s8] =	ssyncset.s32 @!p0 $0xFFFFF086;
	s6 =	sadd.s32 @!p0 s3, s7;
	s7 =	simm.s32 @!p0 $0x108  }
0x21: {  	s3 =	sadd.s32 s3, s9;
	s6 =	sadd.s32 @!p0 $0x88, s6;
	s7 =	simm.s32 @p2 $0x1082  }
0x22: {  	[simem:s7], [sflag:s8] =	dma.local @!p0 [hbm:s6], $0xF7A  }
0x23: {  	s9 =	sor.u32 $0xD0000000, s2;
	s6 =	simm.s32 $0x108;
	_ =	swait.ge @!p0 [sflag:s8], $0x0  }
0x24: {  	s3 =	sadd.s32 $0x88, s3;
	s6 =	simm.s32 @!p1 $0x1082;
	[sflag:s4] =	ssyncset.s32 $0xFFFFF086  }
0x25: {  	[simem:s6], [sflag:s4] =	dma.local [hbm:s3], $0xF7A  }
0x26: {  	[smem:$0x3F92] =	sst s1;
	(tag) =	ssettag s2;
	_ =	strace s9  }
0x27: {  	s1 =	sld [smem:$0x3FA2]  }
0x28: {  	s2 =	sld [smem:$0x3FA3]  }
0x29: {  	s4 =	sld [smem:$0x3FA5]  }
0x2a: {  	p0 =	seq.s32 s5, $0x0;
	s5 =	sld [smem:$0x3FA6]  }
0x2b: {  	s6 =	sld [smem:$0x3FA7]  }
0x2c: {  	s7 =	sld [smem:$0x3FA8]  }
0x2d: {  	s3 =	simm.s32 $0x108;
	s8 =	sld [smem:$0x3FA9]  }
0x2e: {  	s3 =	simm.s32 @!p0 $0x1082;
	s9 =	sld [smem:$0x3FAA]  }
0x2f: {  	lr =	sadd.s32 s0, s3;
	s0 =	sld [smem:$0x3FA1]  }
0x30: {  	s3 =	sld [smem:$0x3FA4]  }
0x31: {  	[smem:$0x3FAD] =	sst s10  }
0x32: {  	s10 =	sld [smem:$0x3FAB];
	_ =	sdelay $0x3  }
0x33: {  	p0 =	seq.s32 s10, $0x1;
	s10 =	sld [smem:$0x3FAD];
	_ =	sdelay $0x3  }
0x34: {  	[smem:$0x3FAD] =	sst s10  }
0x35: {  	s10 =	sld [smem:$0x3FAC];
	_ =	sdelay $0x3  }
0x36: {  	p1 =	seq.s32 s10, $0x1;
	s10 =	sld [smem:$0x3FAD];
	_ =	sdelay $0x3  }
0x37: {  	[smem:$0x3FAD] =	sst s10  }
0x38: {  	s10 =	sld [smem:$0x3FAE]  }
0x39: {  	_ = 	snop;
	(pc) =	sbr.ind lr, $3  }
0x3a: {  	_ = 	snop  }
0x3b: {  	_ = 	snop  }
0x3c: {  	p2 =	seq.s32 s10, $0x1;
	s10 =	sld [smem:$0x3FAD]  }
0x3d: {  	_ =	shalt  }
0x3e: {  	_ =	shalt  }
0x3f: {  	_ =	shalt  }
0x40: {  	_ =	shalt  }
0x41: {  	_ =	shalt  }
0x42: {  	_ =	shalt  }
0x43: {  	_ =	shalt  }
0x44: {  	_ =	shalt  }
0x45: {  	_ =	shalt  }
0x46: {  	_ =	shalt  }
0x47: {  	_ =	shalt  }
0x48: {  	_ =	shalt  }
0x49: {  	_ =	shalt  }
0x4a: {  	_ =	shalt  }
0x4b: {  	_ =	shalt  }
0x4c: {  	_ =	shalt  }
0x4d: {  	_ =	shalt  }
0x4e: {  	_ =	shalt  }
0x4f: {  	_ =	shalt  }
0x50: {  	_ =	shalt  }
0x51: {  	_ =	shalt  }
0x52: {  	_ =	shalt  }
0x53: {  	_ =	shalt  }
0x54: {  	_ =	shalt  }
0x55: {  	_ =	shalt  }
0x56: {  	_ =	shalt  }
0x57: {  	_ =	shalt  }
0x58: {  	_ =	shalt  }
0x59: {  	_ =	shalt  }
0x5a: {  	_ =	shalt  }
0x5b: {  	_ =	shalt  }
0x5c: {  	_ =	shalt  }
0x5d: {  	_ =	shalt  }
0x5e: {  	_ =	shalt  }
0x5f: {  	_ =	shalt  }
0x60: {  	_ =	shalt  }
0x61: {  	_ =	shalt  }
0x62: {  	_ =	shalt  }
0x63: {  	_ =	shalt  }
0x64: {  	_ =	shalt  }
0x65: {  	_ =	shalt  }
0x66: {  	_ =	shalt  }
0x67: {  	_ =	shalt  }
0x68: {  	_ =	shalt  }
0x69: {  	_ =	shalt  }
0x6a: {  	_ =	shalt  }
0x6b: {  	_ =	shalt  }
0x6c: {  	_ =	shalt  }
0x6d: {  	_ =	shalt  }
0x6e: {  	_ =	shalt  }
0x6f: {  	_ =	shalt  }
0x70: {  	_ =	shalt  }
0x71: {  	_ =	shalt  }
0x72: {  	_ =	shalt  }
0x73: {  	_ =	shalt  }
0x74: {  	_ =	shalt  }
0x75: {  	_ =	shalt  }
0x76: {  	_ =	shalt  }
0x77: {  	_ =	shalt  }
0x78: {  	_ =	shalt  }
0x79: {  	_ =	shalt  }
0x7a: {  	_ =	shalt  }
0x7b: {  	_ =	shalt  }
0x7c: {  	_ =	shalt  }
0x7d: {  	_ =	shalt  }
0x7e: {  	_ =	shalt  }
0x7f: {  	_ =	shalt  }
0x80: {  	_ =	shalt  }
0x81: {  	_ =	shalt  }
0x82: {  	_ =	shalt  }
0x83: {  	_ =	shalt  }
0x84: {  	_ =	shalt  }
0x85: {  	_ =	shalt  }
0x86: {  	_ =	shalt  }
0x87: {  	_ =	shalt  }
.Lfunc_end0:
.L_simem_size_0:
called_computation.2_lowered:
.L_overlay_start_0:
0x88: {  	s2 =	sld [smem:$0x3FD9]  }
0x89: {  	s3 =	sld [smem:$0x3FFE];
	_ =	sdelay $0x1  }
0x8a: {  	s1 =	srdreg.scid  }
0x8b: {  	s0 =	sand.u32 $0x1, s1  }
0x8c: {  	s16 =	sshll.u32 s0, $0xA;
	s2 =	sadd.s32 s3, s2  }
0x8d: {  	s2 =	sadd.s32 s2, s16  }
0x8e: {  	[smem:$0x3FB9] =	sst s2  }
0x8f: {  	_ = 	snop  }
0x90: {  	(tm) =	ssettm $0x1  }
0x91: {  	s17 =	sld [smem:$0x3FFB];
	_ =	sdelay $0x3  }
0x92: {  	_ =	strace s17  }
0x93: {  	s2 =	sld [smem:$0x3FFC];
	_ =	sdelay $0x3  }
0x94: {  	_ =	strace s2  }
0x95: {  	s2 =	sld [smem:$0x3FFD];
	_ =	sdelay $0x3  }
0x96: {  	_ =	strace s2  }
0x97: {  	_ =	strace $0x8FFFFFFF  }
0x98: {  	s18 =	sld [smem:$0x3FDB];
	_ =	sdelay $0x1  }
0x99: {  	s19 =	simm.s32 $_scs_section_size  }
0x9a: {  	s4 =	simm.s32 $_size__tile_overlayer_lowered;
	s5 =	simm.s32 $_tile_overlayer_lowered  }
0x9b: {  	s22 =	simm.s32 $0x1BFF;
	s21 =	sshll.u32 s5, $0x1;
	s2 =	sadd.s32 s19, s18  }
0x9c: {  	s6 =	simm.s32 $0x0;
	s20 =	sshll.u32 s4, $0x1;
	s4 =	sadd.s32 s21, s2  }
0x9d: {  	[timem:s6], [sflag:s22] =	dma.local [hbm:s4], s20  }
0x9e: {  	_ =	swait.ge [sflag:s22], s20  }
0x9f: {  	s3 =	ssub.s32 $0x0, s20;
	[sflag:s22] =	ssyncset.done $0x0  }
0xa0: {  	[sflag:s22] =	ssyncadd.s32 s3;
	_ =	sdelay $0x1  }
0xa1: {  	s23 =	simm.s32 $0x1B8B  }
0xa2: {  	_ =	swait.ge [sflag:s23], $0x1  }
0xa3: {  	[sflag:s23] =	ssyncset.done $0x0  }
0xa4: {  	s25 =	simm.s32 $0x1B8E;
	s24 =	sld [smem:$0x3FFE];
	[sflag:s23] =	ssyncadd.s32 $0xFFFFFFFF  }
0xa5: {  	s26 =	simm.s32 $execute0_lowered;
	[smem:$0x3FD2] =	sst s25  }
0xa6: {  	s4 =	sshll.u32 s26, $0x1;
	_ =	strace $0x8000004C;
	[dreg:$0x1] =	wrdreg $0xFFFFFFFF  }
0xa7: {  	s28 =	simm.s32 $_size_execute0_lowered;
	s2 =	sadd.s32 s2, s4;
	[dreg:$0x0] =	wrdreg $0x0  }
0xa8: {  	s4 =	sshll.u32 s28, $0x1;
	[dreg:$0x2] =	wrdreg s2  }
0xa9: {  	[dreg:$0x3] =	wrdreg s4  }
0xaa: {  	[dreg:$0x4] =	wrdreg $0xC0  }
0xab: {  	_ =	task [dreg:s6], $0x5FFFF  }
0xac: {  	[dreg:$0x1] =	wrdreg $0xFFFFFFFF  }
0xad: {  	[dreg:$0x0] =	wrdreg $0x60  }
0xae: {  	[dreg:$0x2] =	wrdreg s24  }
0xaf: {  	[dreg:$0x3] =	wrdreg $0x170000  }
0xb0: {  	[dreg:$0x4] =	wrdreg $0x120000  }
0xb1: {  	[dreg:$0x5] =	wrdreg $0x9  }
0xb2: {  	_ =	task.clear_ibuf [dreg:s6], $0x6FFFF;
	_ =	strace $0x9000004C  }
0xb3: {  	s29 =	simm.s32 $0x9;
	_ =	strace $0x8000004E  }
0xb4: {  	_ =	swait.ge [sflag:s29], $0x1  }
0xb5: {  	[sflag:s29] =	ssyncadd.s32 $0xFFFFFFFF  }
0xb6: {  	_ =	strace $0x9000004E  }
0xb7: {  	_ =	sfence  }
0xb8: {  	s30 =	sld [smem:$0x0];
	_ =	sdelay $0x2  }
0xb9: {  	s31 =	sshll.u32 s1, $0xD;
	s1 =	sshrl.u32 s1, $0x2  }
0xba: {  	s3 =	sand.u32 $0x4000, s31;
	s1 =	sadd.s32 s1, s30  }
0xbb: {  	s0 =	sor.u32 s3, s0;
	s1 =	sshll.u32 s1, $0x11  }
0xbc: {  	s0 =	sor.u32 s1, s0  }
0xbd: {  	s0 =	sadd.s32 $0x8F2B, s0  }
0xbe: {  	[sflag:s0] =	ssyncadd.remote.s32 $0x1  }
0xbf: {  	_ =	sfence.sel $0xFFFF  }
0xc0: {  	[dreg:$0x0] =	wrdreg $0xFFFFFFFF;
	(pc) =	sbr.abs _section_cstart, $3  }
0xc1: {  	[dreg:$0x1] =	wrdreg $0xFFFFFFFF  }
0xc2: {  	_ =	task.clear_ibuf [dreg:s6], $0x2FFFF;
	_ =	strace $0x9FFFFFFF  }
0xc3: {  	(tm) =	ssettm $0x7FFFFFFF  }
tec
execute0_lowered:
.L_overlay_start_1:
0x0: {  	(tag) =	ssettag $0x1  }
0x1: {  	s0 =	rddreg [dreg:$0x0]  }
0x2: {  	s2 =	rddreg [dreg:$0x1]  }
0x3: {  	s3 =	rddreg [dreg:$0x2];
	s4 =	simm.s32 $0x0;
	s17 =	stileid.u32  }
0x4: {  	s1 =	srdreg.scid;
	s28 =	simm.s32 $0x9;
	s29 =	simm.s32 $0xA  }
0x5: {  	s31 =	simm.s32 $0xD;
	[smem:$0x7FF] =	sst s4;
	s19 =	smul.u32 $0xA00, s17  }
0x6: {  	s1 =	sand.u32 $0x1, s1;
	s7 =	sadd.s32 $0x3400, s0;
	s8 =	smul.u32 $0x5000, s17  }
0x7: {  	s5 =	sadd.s32 $0x17400, s0;
	s30 =	sshll.u32 s17, $0x6;
	s17 =	simm.s32 $0xA000  }
0x8: {  	_ =	strace $0x8000004D;
	s6 =	smul.u32 $0x50000, s1;
	s1 =	ssub.s32 $0x2, s1  }
0x9: {  	s4 =	sadd.s32 s19, s0;
	s0 =	sadd.s32 $0xA3800, s0;
	s9 =	sshrl.u32 s1, $0x1  }
0xa: {  	s11 =	sadd.s32 $0x1000, s8;
	s12 =	sadd.s32 s8, s2;
	s22 =	sadd.s32 s8, s3  }
0xb: {  	s23 =	sadd.s32 $0x2000, s8;
	s24 =	sadd.s32 $0x3000, s8;
	s10 =	sadd.s32 s8, s6  }
0xc: {  	s1 =	ssub.s32 s1, s9;
	s21 =	sadd.s32 s6, s11;
	[dreg:$0x5] =	wrdreg s22  }
0xd: {  	s15 =	sadd.s32 s6, s23;
	s16 =	sadd.s32 s6, s24;
	s8 =	sadd.s32 $0x4000, s8  }
0xe: {  	s19 =	sadd.s32 s24, s2;
	s22 =	sadd.s32 $0x21800, s4;
	s4 =	sadd.s32 $0x17800, s4  }
0xf: {  	s20 =	sshrl.u32 s10, $0x3;
	s10 =	sshrl.u32 s21, $0x3;
	s15 =	sshrl.u32 s15, $0x3  }
0x10: {  	s16 =	sshrl.u32 s16, $0x3;
	s6 =	sadd.s32 s6, s8;
	[dreg:$0x13] =	wrdreg s22  }
0x11: {  	s21 =	sadd.s32 s8, s2;
	s8 =	sadd.s32 s8, s3;
	[dreg:$0x14] =	wrdreg s4  }
0x12: {  	s1 =	smax.u32 s1, $0x1;
	s22 =	simm.s32 $0xF000;
	[dreg:$0x12] =	wrdreg s8  }
0x13: {  	s4 =	simm.s32 $0x0;
	s13 =	sadd.s32 s7, s20;
	[dreg:$0x15] =	wrdreg s1  }
0x14: {  	s14 =	sadd.s32 s7, s10;
	s18 =	sadd.s32 s7, s15;
	[dreg:$0x4] =	wrdreg s13  }
0x15: {  	s25 =	sadd.s32 s7, s16;
	s6 =	sshrl.u32 s6, $0x3;
	[dreg:$0x6] =	wrdreg s14  }
0x16: {  	s26 =	sadd.s32 s0, s20;
	s9 =	sadd.s32 s0, s10;
	[dreg:$0x8] =	wrdreg s18  }
0x17: {  	s10 =	sadd.s32 s0, s15;
	s15 =	sadd.s32 s0, s16;
	[dreg:$0x9] =	wrdreg s25  }
0x18: {  	s16 =	sadd.s32 s23, s2;
	s20 =	sadd.s32 s24, s3;
	[dreg:$0xb] =	wrdreg s26  }
0x19: {  	s1 =	simm.s32 $0x1;
	s8 =	simm.s32 $0x3;
	[dreg:$0xc] =	wrdreg s9  }
0x1a: {  	s13 =	sadd.s32 s11, s2;
	s11 =	sadd.s32 s11, s3;
	[dreg:$0xd] =	wrdreg s10  }
0x1b: {  	s7 =	sadd.s32 s7, s6;
	[dreg:$0xe] =	wrdreg s15;
	s0 =	sadd.s32 s0, s6  }
0x1c: {  	s18 =	sadd.s32 s23, s3;
	[dreg:$0x11] =	wrdreg s20;
	s23 =	sshrl.u32 s12, $0x3  }
0x1d: {  	s25 =	sshrl.u32 s19, $0x3;
	s26 =	sshrl.u32 s21, $0x3;
	[dreg:$0x7] =	wrdreg s11  }
0x1e: {  	s6 =	simm.s32 $0x2;
	s9 =	simm.s32 $0xB;
	[dreg:$0xa] =	wrdreg s7  }
0x1f: {  	s10 =	simm.s32 $0x4;
	s12 =	simm.s32 $0x5;
	[dreg:$0xf] =	wrdreg s0  }
0x20: {  	s15 =	simm.s32 $0x7;
	s19 =	simm.s32 $0xC000;
	[dreg:$0x10] =	wrdreg s18  }
0x21: {  	s20 =	simm.s32 $0xD000;
	s21 =	simm.s32 $0xE000;
	[dreg:$0x16] =	wrdreg s23  }
.Ltmp0:
0x22: {  	s24 =	sshrl.u32 s13, $0x3;
	[dreg:$0x19] =	wrdreg s25;
	(pc) =	sbr.rel .LBB2_1-.Ltmp0, $4  }
0x23: {  	s0 =	sshrl.u32 s16, $0x3;
	[dreg:$0x1a] =	wrdreg s26;
	s26 =	sor.u32 $0x1C01, s30  }
0x24: {  	s11 =	simm.s32 $0xC;
	s16 =	simm.s32 $0x80;
	[dreg:$0x17] =	wrdreg s24  }
0x25: {  	s18 =	simm.s32 $0xB000;
	s23 =	simm.s32 $0x10000;
	[dreg:$0x18] =	wrdreg s0  }
0x26: {  	s25 =	simm.s32 $0x8;
	s24 =	simm.s32 $0x11000;
	[dreg:$0x1b] =	wrdreg s26  }
.LBB2_4:
0x27: {  	_ =	swait.ge [sflag:s25], $0x1000  }
0x28: {  	[sflag:s25] =	ssyncset.done $0x0  }
0x29: {  	s28 =	simm.s32 $0x9;
	[sflag:s25] =	ssyncadd.s32 $0xFFFFF000  }
0x2a: {  	[spmem:s3] =	stream.indirect.scatter.add.f32 [tilespmem:s24], [sflag:$0x10], $0x20, s29, s16, $0xb8;
	[tilespmem:$0x1C000] =	vst v63  }
0x2b: {  	_ =	swait.ge [sflag:s28], $0x1000  }
0x2c: {  	[sflag:s28] =	ssyncset.done $0x0  }
0x2d: {  	s29 =	simm.s32 $0xA;
	[sflag:s28] =	ssyncadd.s32 $0xFFFFF000  }
0x2e: {  	_ =	swait.ge [sflag:s29], $0x1000  }
0x2f: {  	[sflag:s29] =	ssyncset.done $0x0  }
0x30: {  	[sflag:s29] =	ssyncadd.s32 $0xFFFFF000  }
0x31: {  	_ =	swait.ge [sflag:s9], $0x1000  }
0x32: {  	[sflag:s9] =	ssyncset.done $0x0  }
0x33: {  	[sflag:s9] =	ssyncadd.s32 $0xFFFFF000  }
0x34: {  	_ =	swait.ge [sflag:s11], $0x1000  }
0x35: {  	[sflag:s11] =	ssyncset.done $0x0  }
0x36: {  	s31 =	simm.s32 $0xD;
	[sflag:s11] =	ssyncadd.s32 $0xFFFFF000  }
0x37: {  	_ =	swait.ge [sflag:s31], $0x1000  }
0x38: {  	[sflag:s31] =	ssyncset.done $0x0  }
0x39: {  	s0 =	simm.s32 $0xE;
	[sflag:s31] =	ssyncadd.s32 $0xFFFFF000  }
0x3a: {  	_ =	swait.ge [sflag:s0], $0x1000  }
0x3b: {  	[sflag:s0] =	ssyncset.done $0x0  }
0x3c: {  	s26 =	simm.s32 $0xF;
	[sflag:s0] =	ssyncadd.s32 $0xFFFFF000  }
0x3d: {  	_ =	swait.ge [sflag:s26], $0x1000  }
0x3e: {  	[sflag:s26] =	ssyncset.done $0x0  }
0x3f: {  	s7 =	simm.s32 $0x10;
	[sflag:s26] =	ssyncadd.s32 $0xFFFFF000  }
0x40: {  	_ =	swait.ge [sflag:s7], $0x1000  }
0x41: {  	[sflag:s7] =	ssyncset.done $0x0  }
0x42: {  	[sflag:s7] =	ssyncadd.s32 $0xFFFFF000  }
0x43: {  	[bflag:$0x0] =	sbarrier.arrive $0xFFFF  }
0x44: {  	s13 =	rddreg [dreg:$0xb]  }
0x45: {  	s26 =	rddreg [dreg:$0x1b]  }
0x46: {  	s7 =	rddreg [dreg:$0x1c]  }
0x47: {  	[hbm:s13], [sflag:s26] =	dma.local [spmem:s7], $0x200  }
0x48: {  	s0 =	rddreg [dreg:$0xc]  }
0x49: {  	s7 =	rddreg [dreg:$0x1d]  }
0x4a: {  	s13 =	rddreg [dreg:$0x1e]  }
0x4b: {  	[hbm:s0], [sflag:s7] =	dma.local [spmem:s13], $0x200  }
0x4c: {  	s13 =	sld [smem:$0x7FA]  }
0x4d: {  	s0 =	rddreg [dreg:$0xd]  }
0x4e: {  	s7 =	rddreg [dreg:$0x1f]  }
0x4f: {  	[hbm:s0], [sflag:s7] =	dma.local [spmem:s13], $0x200  }
0x50: {  	s7 =	sld [smem:$0x7FB]  }
0x51: {  	s13 =	sld [smem:$0x7FC];
	_ =	sdelay $0x1  }
0x52: {  	s0 =	rddreg [dreg:$0xe]  }
0x53: {  	[hbm:s0], [sflag:s7] =	dma.local [spmem:s13], $0x200  }
0x54: {  	s7 =	sld [smem:$0x7FD];
	_ =	sdelay $0x1  }
0x55: {  	s0 =	rddreg [dreg:$0xf]  }
0x56: {  	[hbm:s0], [sflag:s7] =	dma.local [spmem:s14], $0x200  }
0x57: {  	_ =	swait.ge [sflag:s1], $0x200  }
0x58: {  	[sflag:s1] =	ssyncset.done $0x0  }
0x59: {  	[sflag:s1] =	ssyncadd.s32 $0xFFFFFE00  }
0x5a: {  	_ =	swait.ge [sflag:s6], $0x200  }
0x5b: {  	[sflag:s6] =	ssyncset.done $0x0  }
0x5c: {  	[sflag:s6] =	ssyncadd.s32 $0xFFFFFE00  }
0x5d: {  	_ =	swait.ge [sflag:s8], $0x200  }
0x5e: {  	[sflag:s8] =	ssyncset.done $0x0  }
0x5f: {  	[sflag:s8] =	ssyncadd.s32 $0xFFFFFE00  }
0x60: {  	_ =	swait.ge [sflag:s10], $0x200  }
0x61: {  	[sflag:s10] =	ssyncset.done $0x0  }
0x62: {  	[sflag:s10] =	ssyncadd.s32 $0xFFFFFE00  }
0x63: {  	_ =	swait.ge [sflag:s12], $0x200  }
0x64: {  	s4 =	sadd.s32 $0x1, s4;
	s14 =	rddreg [dreg:$0x15]  }
0x65: {  	p0 =	sne.s32 s4, s14  }
.Ltmp1:
0x66: {  	_ = 	snop;
	(pc) =	sbr.rel @!p0 .LBB2_5-.Ltmp1, $3  }
0x67: {  	_ =	sdelay $0x1  }
0x68: {  	[sflag:s12] =	ssyncset.done $0x0  }
0x69: {  	[sflag:s12] =	ssyncadd.s32 $0xFFFFFE00  }
.LBB2_1:
0x6a: {  	s0 =	rddreg [dreg:$0x4]  }
0x6b: {  	s7 =	rddreg [dreg:$0x16]  }
0x6c: {  	[spmem:s7], [sflag:s26] =	dma.local [hbm:s0], $0x200  }
0x6d: {  	s7 =	rddreg [dreg:$0x5]  }
0x6e: {  	s7 =	sshrl.u32 s7, $0x3  }
0x6f: {  	s13 =	sor.u32 $0x1C09, s30;
	[dreg:$0x1c] =	wrdreg s7  }
0x70: {  	[spmem:s7], [sflag:s13] =	dma.local [hbm:s5], $0x200  }
0x71: {  	s0 =	rddreg [dreg:$0x6]  }
0x72: {  	s13 =	sor.u32 $0x1C02, s30;
	s7 =	rddreg [dreg:$0x17]  }
0x73: {  	[dreg:$0x1d] =	wrdreg s13  }
0x74: {  	[spmem:s7], [sflag:s13] =	dma.local [hbm:s0], $0x200  }
0x75: {  	s7 =	rddreg [dreg:$0x7]  }
0x76: {  	s7 =	sshrl.u32 s7, $0x3  }
0x77: {  	s14 =	sor.u32 $0x1C0A, s30;
	s26 =	sor.u32 $0x1C03, s30;
	[dreg:$0x1e] =	wrdreg s7  }
0x78: {  	[spmem:s7], [sflag:s14] =	dma.local [hbm:s5], $0x200  }
0x79: {  	[dreg:$0x1f] =	wrdreg s26  }
0x7a: {  	s0 =	rddreg [dreg:$0x8]  }
0x7b: {  	s7 =	rddreg [dreg:$0x18]  }
0x7c: {  	[spmem:s7], [sflag:s26] =	dma.local [hbm:s0], $0x200  }
0x7d: {  	s7 =	rddreg [dreg:$0x10]  }
0x7e: {  	s7 =	sshrl.u32 s7, $0x3  }
0x7f: {  	s14 =	sor.u32 $0x1C0B, s30;
	s26 =	sor.u32 $0x1C04, s30;
	[smem:$0x7FA] =	sst s7  }
0x80: {  	[spmem:s7], [sflag:s14] =	dma.local [hbm:s5], $0x200  }
0x81: {  	[smem:$0x7FB] =	sst s26  }
0x82: {  	s0 =	rddreg [dreg:$0x9]  }
0x83: {  	s7 =	rddreg [dreg:$0x19]  }
0x84: {  	[spmem:s7], [sflag:s26] =	dma.local [hbm:s0], $0x200  }
0x85: {  	s0 =	rddreg [dreg:$0x11]  }
0x86: {  	s0 =	sshrl.u32 s0, $0x3  }
0x87: {  	s14 =	sor.u32 $0x1C05, s30;
	s7 =	sor.u32 $0x1C0C, s30;
	[smem:$0x7FC] =	sst s0  }
0x88: {  	[spmem:s0], [sflag:s7] =	dma.local [hbm:s5], $0x200  }
0x89: {  	[smem:$0x7FD] =	sst s14  }
0x8a: {  	s0 =	rddreg [dreg:$0xa]  }
0x8b: {  	s26 =	rddreg [dreg:$0x1a]  }
0x8c: {  	[spmem:s26], [sflag:s14] =	dma.local [hbm:s0], $0x200  }
0x8d: {  	s0 =	rddreg [dreg:$0x12]  }
0x8e: {  	s7 =	sor.u32 $0x1C0D, s30;
	s14 =	sshrl.u32 s0, $0x3  }
0x8f: {  	[spmem:s14], [sflag:s7] =	dma.local [hbm:s5], $0x200  }
0x90: {  	s0 =	simm.s32 $0x0;
	s13 =	rddreg [dreg:$0x13]  }
0x91: {  	[tilespmem:s0], [sflag:$0x6] =	stream.linear.gather [hbm4b:s13+s0], $0x5000, $0x38;
	[tilespmem:$0x1C000] =	vst v63  }
0x92: {  	s26 =	rddreg [dreg:$0x14];
	s13 =	simm.s32 $0x5000  }
0x93: {  	[tilespmem:s13], [sflag:$0x7] =	stream.linear.gather [hbm4b:s26+s0], $0x5000, $0x38;
	[tilespmem:$0x1C000] =	vst v63  }
0x94: {  	_ =	swait.ge [sflag:s1], $0x200  }
0x95: {  	[sflag:s1] =	ssyncset.done $0x0  }
0x96: {  	[sflag:s1] =	ssyncadd.s32 $0xFFFFFE00  }
0x97: {  	_ =	swait.ge [sflag:s28], $0x200  }
0x98: {  	[sflag:s28] =	ssyncset.done $0x0  }
0x99: {  	[sflag:s28] =	ssyncadd.s32 $0xFFFFFE00  }
0x9a: {  	_ =	swait.ge [sflag:s6], $0x200  }
0x9b: {  	[sflag:s6] =	ssyncset.done $0x0  }
0x9c: {  	[sflag:s6] =	ssyncadd.s32 $0xFFFFFE00  }
0x9d: {  	_ =	swait.ge [sflag:s29], $0x200  }
0x9e: {  	[sflag:s29] =	ssyncset.done $0x0  }
0x9f: {  	[sflag:s29] =	ssyncadd.s32 $0xFFFFFE00  }
0xa0: {  	_ =	swait.ge [sflag:s8], $0x200  }
0xa1: {  	[sflag:s8] =	ssyncset.done $0x0  }
0xa2: {  	[sflag:s8] =	ssyncadd.s32 $0xFFFFFE00  }
0xa3: {  	_ =	swait.ge [sflag:s9], $0x200  }
0xa4: {  	[sflag:s9] =	ssyncset.done $0x0  }
0xa5: {  	[sflag:s9] =	ssyncadd.s32 $0xFFFFFE00  }
0xa6: {  	_ =	swait.ge [sflag:s10], $0x200  }
0xa7: {  	[sflag:s10] =	ssyncset.done $0x0  }
0xa8: {  	[sflag:s10] =	ssyncadd.s32 $0xFFFFFE00  }
0xa9: {  	_ =	swait.ge [sflag:s11], $0x200  }
0xaa: {  	[sflag:s11] =	ssyncset.done $0x0  }
0xab: {  	[sflag:s11] =	ssyncadd.s32 $0xFFFFFE00  }
0xac: {  	_ =	swait.ge [sflag:s12], $0x200  }
0xad: {  	[sflag:s12] =	ssyncset.done $0x0  }
0xae: {  	[sflag:s12] =	ssyncadd.s32 $0xFFFFFE00  }
0xaf: {  	_ =	swait.ge [sflag:s31], $0x200  }
0xb0: {  	[sflag:s31] =	ssyncset.done $0x0  }
0xb1: {  	s28 =	simm.s32 $0x6;
	[sflag:s31] =	ssyncadd.s32 $0xFFFFFE00  }
0xb2: {  	_ =	swait.ge [sflag:s28], $0x5000  }
0xb3: {  	[sflag:s28] =	ssyncset.done $0x0  }
0xb4: {  	[sflag:s28] =	ssyncadd.s32 $0xFFFFB000  }
0xb5: {  	_ =	swait.ge [sflag:s15], $0x5000  }
0xb6: {  	[sflag:s15] =	ssyncset.done $0x0  }
0xb7: {  	[sflag:s15] =	ssyncadd.s32 $0xFFFFB000  }
0xb8: {  	[bflag:$0x0] =	sbarrier.arrive $0xFFFF  }
0xb9: {  	[tilespmem:s17], [sflag:$0x1] =	stream.indirect.gather [spmem:s2], $0x20, s0, s16, $0xb8;
	[tilespmem:$0x1C000] =	vst v63  }
0xba: {  	_ = 	snop  }
0xbb: {  	[tilespmem:s18], [sflag:$0x2] =	stream.indirect.gather [spmem:s2], $0x20, s16, s16, $0xb8;
	[tilespmem:$0x1C000] =	vst v63  }
0xbc: {  	s29 =	simm.s32 $0x100  }
0xbd: {  	[tilespmem:s19], [sflag:$0x3] =	stream.indirect.gather [spmem:s2], $0x20, s29, s16, $0xb8;
	[tilespmem:$0x1C000] =	vst v63  }
0xbe: {  	s26 =	simm.s32 $0x0;
	s31 =	simm.s32 $0x180  }
0xbf: {  	[tilespmem:s20], [sflag:$0x4] =	stream.indirect.gather [spmem:s2], $0x20, s31, s16, $0xb8;
	[tilespmem:$0x1C000] =	vst v63  }
.LBB2_2:
0xc0: {  	_ =	swait.ge [sflag:s1], $0x1000  }
0xc1: {  	s28 =	sshra.s32 s26, $0x2;
	[sflag:s1] =	ssyncset.done $0x0  }
0xc2: {  	p0 =	seq.s32 s26, $0x0;
	s29 =	sadd.s32 $0x5000, s28;
	[sflag:s1] =	ssyncadd.s32 $0xFFFFF000  }
0xc3: {  	[spmem:s3] =	stream.indirect.scatter.add.f32 [tilespmem:s17], [sflag:$0x9], $0x20, s29, s16, $0xb8;
	[tilespmem:$0x1C000] =	vst v63  }
0xc4: {  	s29 =	simm.s32 @!p0 $0xD  }
0xc5: {  	_ =	swait.ge @!p0 [sflag:s29], $0x1000  }
0xc6: {  	[sflag:s29] =	ssyncset.done @!p0 $0x0  }
0xc7: {  	[sflag:s29] =	ssyncadd.s32 @!p0 $0xFFFFF000;
	s29 =	sadd.s32 $0x200, s28  }
0xc8: {  	[tilespmem:s21], [sflag:$0x5] =	stream.indirect.gather [spmem:s2], $0x20, s29, s16, $0xb8;
	[tilespmem:$0x1C000] =	vst v63  }
0xc9: {  	_ =	swait.ge [sflag:s6], $0x1000  }
0xca: {  	[sflag:s6] =	ssyncset.done $0x0  }
0xcb: {  	s29 =	sadd.s32 $0x5080, s28;
	[sflag:s6] =	ssyncadd.s32 $0xFFFFF000  }
0xcc: {  	[spmem:s3] =	stream.indirect.scatter.add.f32 [tilespmem:s18], [sflag:$0xA], $0x20, s29, s16, $0xb8;
	[tilespmem:$0x1C000] =	vst v63  }
0xcd: {  	s29 =	simm.s32 @!p0 $0xE  }
0xce: {  	_ =	swait.ge @!p0 [sflag:s29], $0x1000  }
0xcf: {  	[sflag:s29] =	ssyncset.done @!p0 $0x0  }
0xd0: {  	[sflag:s29] =	ssyncadd.s32 @!p0 $0xFFFFF000;
	s29 =	sadd.s32 $0x280, s28  }
0xd1: {  	[tilespmem:s22], [sflag:$0x6] =	stream.indirect.gather [spmem:s2], $0x20, s29, s16, $0xb8;
	[tilespmem:$0x1C000] =	vst v63  }
0xd2: {  	_ =	swait.ge [sflag:s8], $0x1000  }
0xd3: {  	[sflag:s8] =	ssyncset.done $0x0  }
0xd4: {  	s29 =	sadd.s32 $0x5100, s28;
	[sflag:s8] =	ssyncadd.s32 $0xFFFFF000  }
0xd5: {  	[spmem:s3] =	stream.indirect.scatter.add.f32 [tilespmem:s19], [sflag:$0xB], $0x20, s29, s16, $0xb8;
	[tilespmem:$0x1C000] =	vst v63  }
0xd6: {  	s29 =	simm.s32 @!p0 $0xF  }
0xd7: {  	_ =	swait.ge @!p0 [sflag:s29], $0x1000  }
0xd8: {  	[sflag:s29] =	ssyncset.done @!p0 $0x0  }
0xd9: {  	[sflag:s29] =	ssyncadd.s32 @!p0 $0xFFFFF000;
	s29 =	sadd.s32 $0x300, s28  }
0xda: {  	[tilespmem:s23], [sflag:$0x7] =	stream.indirect.gather [spmem:s2], $0x20, s29, s16, $0xb8;
	[tilespmem:$0x1C000] =	vst v63  }
0xdb: {  	_ =	swait.ge [sflag:s10], $0x1000  }
0xdc: {  	[sflag:s10] =	ssyncset.done $0x0  }
0xdd: {  	s29 =	sadd.s32 $0x5180, s28;
	[sflag:s10] =	ssyncadd.s32 $0xFFFFF000  }
0xde: {  	[spmem:s3] =	stream.indirect.scatter.add.f32 [tilespmem:s20], [sflag:$0xC], $0x20, s29, s16, $0xb8;
	[tilespmem:$0x1C000] =	vst v63  }
0xdf: {  	s29 =	simm.s32 @!p0 $0x10  }
0xe0: {  	_ =	swait.ge @!p0 [sflag:s29], $0x1000  }
0xe1: {  	[sflag:s29] =	ssyncset.done @!p0 $0x0  }
0xe2: {  	[sflag:s29] =	ssyncadd.s32 @!p0 $0xFFFFF000;
	s29 =	sadd.s32 $0x380, s28  }
0xe3: {  	[tilespmem:s24], [sflag:$0x8] =	stream.indirect.gather [spmem:s2], $0x20, s29, s16, $0xb8;
	[tilespmem:$0x1C000] =	vst v63  }
0xe4: {  	_ =	swait.ge [sflag:s12], $0x1000  }
0xe5: {  	[sflag:s12] =	ssyncset.done $0x0  }
0xe6: {  	p0 =	seq.s32 s26, $0x13000;
	s29 =	sadd.s32 $0x5200, s28;
	[sflag:s12] =	ssyncadd.s32 $0xFFFFF000  }
0xe7: {  	[spmem:s3] =	stream.indirect.scatter.add.f32 [tilespmem:s21], [sflag:$0xD], $0x20, s29, s16, $0xb8;
	[tilespmem:$0x1C000] =	vst v63  }
0xe8: {  	s29 =	simm.s32 @p0 $0x6  }
0xe9: {  	_ =	swait.ge @p0 [sflag:s29], $0x1000  }
0xea: {  	[sflag:s29] =	ssyncset.done @p0 $0x0  }
0xeb: {  	[sflag:s29] =	ssyncadd.s32 @p0 $0xFFFFF000;
	s29 =	sshra.s32 @p0 s26, $0x2  }
0xec: {  	s31 =	simm.s32 @p0 $0x80;
	s0 =	simm.s32 @p0 $0xF000;
	s29 =	sadd.s32 @p0 $0x5280, s29  }
0xed: {  	[spmem:s3] =	stream.indirect.scatter.add.f32 @p0 [tilespmem:s0], [sflag:$0xE], $0x20, s29, s31, $0xb8;
	[tilespmem:$0x1C000] =	vst v63  }
0xee: {  	s0 =	simm.s32 @!p0 $0x9  }
0xef: {  	_ =	swait.ge @!p0 [sflag:s0], $0x1000  }
0xf0: {  	[sflag:s0] =	ssyncset.done @!p0 $0x0  }
0xf1: {  	[sflag:s0] =	ssyncadd.s32 @!p0 $0xFFFFF000;
	s0 =	sshra.s32 @!p0 s26, $0x2  }
0xf2: {  	s7 =	simm.s32 @!p0 $0xA000;
	s31 =	simm.s32 @!p0 $0x80;
	s29 =	sadd.s32 @!p0 $0x400, s0  }
0xf3: {  	[tilespmem:s7], [sflag:$0x1] =	stream.indirect.gather @!p0 [spmem:s2], $0x20, s29, s31, $0xb8;
	[tilespmem:$0x1C000] =	vst v63  }
0xf4: {  	s7 =	simm.s32 @!p0 $0x6  }
0xf5: {  	_ =	swait.ge @!p0 [sflag:s7], $0x1000  }
0xf6: {  	[sflag:s7] =	ssyncset.done @!p0 $0x0  }
0xf7: {  	s29 =	simm.s32 @!p0 $0xF000;
	[sflag:s7] =	ssyncadd.s32 @!p0 $0xFFFFF000;
	s7 =	sadd.s32 @!p0 $0x5280, s0  }
0xf8: {  	[spmem:s3] =	stream.indirect.scatter.add.f32 @!p0 [tilespmem:s29], [sflag:$0xE], $0x20, s7, s31, $0xb8;
	[tilespmem:$0x1C000] =	vst v63  }
0xf9: {  	s7 =	simm.s32 @!p0 $0xA  }
0xfa: {  	_ =	swait.ge @!p0 [sflag:s7], $0x1000  }
0xfb: {  	[sflag:s7] =	ssyncset.done @!p0 $0x0  }
0xfc: {  	s0 =	sadd.s32 @!p0 $0x480, s0;
	[sflag:s7] =	ssyncadd.s32 @!p0 $0xFFFFF000;
	s7 =	simm.s32 @!p0 $0xB000  }
0xfd: {  	[tilespmem:s7], [sflag:$0x2] =	stream.indirect.gather @!p0 [spmem:s2], $0x20, s0, s31, $0xb8;
	[tilespmem:$0x1C000] =	vst v63  }
.Ltmp2:
0xfe: {  	_ = 	snop;
	(pc) =	sbr.rel @p0 .LBB2_4-.Ltmp2, $4  }
0xff: {  	_ =	swait.ge [sflag:s15], $0x1000  }
0x100: {  	[sflag:s15] =	ssyncset.done $0x0  }
0x101: {  	s29 =	sadd.s32 $0x5380, s28;
	s31 =	sadd.s32 $0x5300, s28;
	[sflag:s15] =	ssyncadd.s32 $0xFFFFF000  }
0x102: {  	[spmem:s3] =	stream.indirect.scatter.add.f32 [tilespmem:s23], [sflag:$0xF], $0x20, s31, s16, $0xb8;
	[tilespmem:$0x1C000] =	vst v63  }
0x103: {  	_ =	swait.ge [sflag:s9], $0x1000  }
0x104: {  	[sflag:s9] =	ssyncset.done $0x0  }
0x105: {  	s0 =	sadd.s32 $0x500, s28;
	[sflag:s9] =	ssyncadd.s32 $0xFFFFF000  }
0x106: {  	[tilespmem:s19], [sflag:$0x3] =	stream.indirect.gather [spmem:s2], $0x20, s0, s16, $0xb8;
	[tilespmem:$0x1C000] =	vst v63  }
0x107: {  	_ =	swait.ge [sflag:s25], $0x1000  }
0x108: {  	[sflag:s25] =	ssyncset.done $0x0  }
0x109: {  	[sflag:s25] =	ssyncadd.s32 $0xFFFFF000  }
0x10a: {  	[spmem:s3] =	stream.indirect.scatter.add.f32 [tilespmem:s24], [sflag:$0x10], $0x20, s29, s16, $0xb8;
	[tilespmem:$0x1C000] =	vst v63  }
.Ltmp3:
0x10b: {  	_ = 	snop;
	(pc) =	sbr.rel .LBB2_2-.Ltmp3, $4  }
0x10c: {  	_ =	swait.ge [sflag:s11], $0x1000  }
0x10d: {  	[sflag:s11] =	ssyncset.done $0x0  }
0x10e: {  	s31 =	sadd.s32 $0x580, s28;
	s26 =	sadd.s32 $0x1000, s26;
	[sflag:s11] =	ssyncadd.s32 $0xFFFFF000  }
0x10f: {  	[tilespmem:s20], [sflag:$0x4] =	stream.indirect.gather [spmem:s2], $0x20, s31, s16, $0xb8;
	[tilespmem:$0x1C000] =	vst v63  }
.LBB2_5:
0x110: {  	_ =	sfence.sel $0x180000  }
0x111: {  	[bflag:$0x0] =	sbarrier.arrive $0xFFFF  }
0x112: {  	_ =	strace $0x9000004D  }
0x113: {  	s0 =	stileid.u32;
	[bflag:$0x2] =	sbarrier.arrive $0xFFFF  }
0x114: {  	p0 =	sne.s32 s0, $0x0;
	s0 =	rddreg [dreg:$0x3]  }
0x115: {  	s0 =	sadd.s32 @!p0 $0x100000, s0  }
0x116: {  	[sflag:s0] =	ssyncadd.tile.s32 @!p0 $0x1;
	_ =	shalt  }
.Lfunc_end2:
_tile_overlayer_lowered:
.L_overlay_start_2:
0x117: {  	(tag) =	ssettag $0x2  }
0x118: {  	s0 =	rddreg [dreg:$0x0];
	s2 =	stileid.u32  }
0x119: {  	s1 =	rddreg [dreg:$0x1];
	p0 =	sne.s32 s2, $0x0  }
0x11a: {  	s3 =	rddreg [dreg:$0x2];
	[bflag:$0x3] =	sbarrier.arrive $0xFFFF;
	s2 =	simm.s32 @!p0 $0x1C11  }
0x11b: {  	[timem:s3], [sflag:s2] =	dma.local @!p0 [hbm:s0], s1  }
0x11c: {  	s0 =	simm.s32 @!p0 $0x11  }
0x11d: {  	_ =	swait.ge @!p0 [sflag:s0], s1  }
0x11e: {  	s1 =	ssub.s32 @!p0 $0x0, s1;
	[sflag:s0] =	ssyncset.done @!p0 $0x0  }
0x11f: {  	[sflag:s0] =	ssyncadd.s32 @!p0 s1  }
0x120: {  	[bflag:$0x3] =	sbarrier.arrive $0xFFFF  }
0x121: {  	_ =	shalt  }

// kernel: kernel.19.cloned.1.call-start
scs
__scs_entry_jumppad:
0x0: {  	(pc) =	sbr.rel $0x88, $3  }
0x1: {  	(tag) =	ssettag $0x0;
	lr =	simm.s32 $0x1  }
0x2: {  	[smem:$0x3F92] =	sst lr;
	_ =	strace $0xD0000000  }
0x3: {  	_ = 	snop  }
0x4: {  	_ = 	snop  }
0x5: {  	_ = 	snop  }
0x6: {  	_ = 	snop  }
0x7: {  	_ = 	snop  }
__scs_overlays_trampoline_lowered:
0x8: {  	[smem:$0x3FA1] =	sst s0  }
0x9: {  	[smem:$0x3FA2] =	sst s1  }
0xa: {  	[smem:$0x3FA3] =	sst s2  }
0xb: {  	[smem:$0x3FA4] =	sst s3  }
0xc: {  	[smem:$0x3FA5] =	sst s4  }
0xd: {  	[smem:$0x3FA6] =	sst s5  }
0xe: {  	[smem:$0x3FA7] =	sst s6  }
0xf: {  	[smem:$0x3FA8] =	sst s7  }
0x10: {  	[smem:$0x3FA9] =	sst s8  }
0x11: {  	[smem:$0x3FAA] =	sst s9;
	s0 =	simm.s32 @!p0 $0x0  }
0x12: {  	s1 =	sld [smem:$0x3F90];
	s0 =	simm.s32 @p0 $0x1  }
0x13: {  	[smem:$0x3FAB] =	sst s0;
	s0 =	simm.s32 @!p1 $0x0  }
0x14: {  	s2 =	sld [smem:$0x3F8F];
	s0 =	simm.s32 @p1 $0x1  }
0x15: {  	[smem:$0x3FAC] =	sst s0;
	s0 =	simm.s32 @!p2 $0x0  }
0x16: {  	s3 =	sld [smem:$0x3FDB];
	s0 =	simm.s32 @p2 $0x1  }
0x17: {  	s4 =	simm.s32 $0x1BF5;
	[smem:$0x3FAE] =	sst s0  }
0x18: {  	s0 =	sld [smem:$0x3F91];
	_ =	swait.ge [sflag:s4], $0x0  }
0x19: {  	s7 =	sld [smem:$0x3F92]  }
0x1a: {  	s8 =	sadd.s32 $0xFFFFE003, lr  }
0x1b: {  	s9 =	sadd.s32 $0xFFFFFEF7, lr;
	s5 =	simm.s32 $0xFFFFFFFF;
	p2 =	slt.u32 s8, $0xFFFFF086  }
0x1c: {  	p1 =	slt.u32 s9, $0xF7A;
	s5 =	simm.s32 @!p2 $0x0  }
0x1d: {  	s5 =	simm.s32 @p1 $0x1;
	p0 =	seq.s32 s7, s2  }
0x1e: {  	s7 =	smul.u32 @!p0 $0xF7A, s2;
	p2 =	seq.s32 @!p0 s5, $0x0  }
0x1f: {  	s9 =	smul.u32 $0xF7A, s1;
	s8 =	simm.s32 @!p0 $0x1BF5;
	p2 =	por !p2, p0  }
0x20: {  	[sflag:s8] =	ssyncset.s32 @!p0 $0xFFFFF086;
	s6 =	sadd.s32 @!p0 s3, s7;
	s7 =	simm.s32 @!p0 $0x108  }
0x21: {  	s3 =	sadd.s32 s3, s9;
	s6 =	sadd.s32 @!p0 $0x88, s6;
	s7 =	simm.s32 @p2 $0x1082  }
0x22: {  	[simem:s7], [sflag:s8] =	dma.local @!p0 [hbm:s6], $0xF7A  }
0x23: {  	s9 =	sor.u32 $0xD0000000, s2;
	s6 =	simm.s32 $0x108;
	_ =	swait.ge @!p0 [sflag:s8], $0x0  }
0x24: {  	s3 =	sadd.s32 $0x88, s3;
	s6 =	simm.s32 @!p1 $0x1082;
	[sflag:s4] =	ssyncset.s32 $0xFFFFF086  }
0x25: {  	[simem:s6], [sflag:s4] =	dma.local [hbm:s3], $0xF7A  }
0x26: {  	[smem:$0x3F92] =	sst s1;
	(tag) =	ssettag s2;
	_ =	strace s9  }
0x27: {  	s1 =	sld [smem:$0x3FA2]  }
0x28: {  	s2 =	sld [smem:$0x3FA3]  }
0x29: {  	s4 =	sld [smem:$0x3FA5]  }
0x2a: {  	p0 =	seq.s32 s5, $0x0;
	s5 =	sld [smem:$0x3FA6]  }
0x2b: {  	s6 =	sld [smem:$0x3FA7]  }
0x2c: {  	s7 =	sld [smem:$0x3FA8]  }
0x2d: {  	s3 =	simm.s32 $0x108;
	s8 =	sld [smem:$0x3FA9]  }
0x2e: {  	s3 =	simm.s32 @!p0 $0x1082;
	s9 =	sld [smem:$0x3FAA]  }
0x2f: {  	lr =	sadd.s32 s0, s3;
	s0 =	sld [smem:$0x3FA1]  }
0x30: {  	s3 =	sld [smem:$0x3FA4]  }
0x31: {  	[smem:$0x3FAD] =	sst s10  }
0x32: {  	s10 =	sld [smem:$0x3FAB];
	_ =	sdelay $0x3  }
0x33: {  	p0 =	seq.s32 s10, $0x1;
	s10 =	sld [smem:$0x3FAD];
	_ =	sdelay $0x3  }
0x34: {  	[smem:$0x3FAD] =	sst s10  }
0x35: {  	s10 =	sld [smem:$0x3FAC];
	_ =	sdelay $0x3  }
0x36: {  	p1 =	seq.s32 s10, $0x1;
	s10 =	sld [smem:$0x3FAD];
	_ =	sdelay $0x3  }
0x37: {  	[smem:$0x3FAD] =	sst s10  }
0x38: {  	s10 =	sld [smem:$0x3FAE]  }
0x39: {  	_ = 	snop;
	(pc) =	sbr.ind lr, $3  }
0x3a: {  	_ = 	snop  }
0x3b: {  	_ = 	snop  }
0x3c: {  	p2 =	seq.s32 s10, $0x1;
	s10 =	sld [smem:$0x3FAD]  }
0x3d: {  	_ =	shalt  }
0x3e: {  	_ =	shalt  }
0x3f: {  	_ =	shalt  }
0x40: {  	_ =	shalt  }
0x41: {  	_ =	shalt  }
0x42: {  	_ =	shalt  }
0x43: {  	_ =	shalt  }
0x44: {  	_ =	shalt  }
0x45: {  	_ =	shalt  }
0x46: {  	_ =	shalt  }
0x47: {  	_ =	shalt  }
0x48: {  	_ =	shalt  }
0x49: {  	_ =	shalt  }
0x4a: {  	_ =	shalt  }
0x4b: {  	_ =	shalt  }
0x4c: {  	_ =	shalt  }
0x4d: {  	_ =	shalt  }
0x4e: {  	_ =	shalt  }
0x4f: {  	_ =	shalt  }
0x50: {  	_ =	shalt  }
0x51: {  	_ =	shalt  }
0x52: {  	_ =	shalt  }
0x53: {  	_ =	shalt  }
0x54: {  	_ =	shalt  }
0x55: {  	_ =	shalt  }
0x56: {  	_ =	shalt  }
0x57: {  	_ =	shalt  }
0x58: {  	_ =	shalt  }
0x59: {  	_ =	shalt  }
0x5a: {  	_ =	shalt  }
0x5b: {  	_ =	shalt  }
0x5c: {  	_ =	shalt  }
0x5d: {  	_ =	shalt  }
0x5e: {  	_ =	shalt  }
0x5f: {  	_ =	shalt  }
0x60: {  	_ =	shalt  }
0x61: {  	_ =	shalt  }
0x62: {  	_ =	shalt  }
0x63: {  	_ =	shalt  }
0x64: {  	_ =	shalt  }
0x65: {  	_ =	shalt  }
0x66: {  	_ =	shalt  }
0x67: {  	_ =	shalt  }
0x68: {  	_ =	shalt  }
0x69: {  	_ =	shalt  }
0x6a: {  	_ =	shalt  }
0x6b: {  	_ =	shalt  }
0x6c: {  	_ =	shalt  }
0x6d: {  	_ =	shalt  }
0x6e: {  	_ =	shalt  }
0x6f: {  	_ =	shalt  }
0x70: {  	_ =	shalt  }
0x71: {  	_ =	shalt  }
0x72: {  	_ =	shalt  }
0x73: {  	_ =	shalt  }
0x74: {  	_ =	shalt  }
0x75: {  	_ =	shalt  }
0x76: {  	_ =	shalt  }
0x77: {  	_ =	shalt  }
0x78: {  	_ =	shalt  }
0x79: {  	_ =	shalt  }
0x7a: {  	_ =	shalt  }
0x7b: {  	_ =	shalt  }
0x7c: {  	_ =	shalt  }
0x7d: {  	_ =	shalt  }
0x7e: {  	_ =	shalt  }
0x7f: {  	_ =	shalt  }
0x80: {  	_ =	shalt  }
0x81: {  	_ =	shalt  }
0x82: {  	_ =	shalt  }
0x83: {  	_ =	shalt  }
0x84: {  	_ =	shalt  }
0x85: {  	_ =	shalt  }
0x86: {  	_ =	shalt  }
0x87: {  	_ =	shalt  }
.Lfunc_end0:
.L_simem_size_0:
called_computation.3_lowered:
.L_overlay_start_0:
0x88: {  	s2 =	sld [smem:$0x3FD9]  }
0x89: {  	s3 =	sld [smem:$0x3FFE];
	_ =	sdelay $0x1  }
0x8a: {  	s1 =	srdreg.scid  }
0x8b: {  	s0 =	sand.u32 $0x1, s1  }
0x8c: {  	s16 =	sshll.u32 s0, $0xA;
	s2 =	sadd.s32 s3, s2  }
0x8d: {  	s2 =	sadd.s32 s2, s16  }
0x8e: {  	[smem:$0x3FB9] =	sst s2  }
0x8f: {  	_ = 	snop  }
0x90: {  	(tm) =	ssettm $0x1  }
0x91: {  	s17 =	sld [smem:$0x3FFB];
	_ =	sdelay $0x3  }
0x92: {  	_ =	strace s17  }
0x93: {  	s2 =	sld [smem:$0x3FFC];
	_ =	sdelay $0x3  }
0x94: {  	_ =	strace s2  }
0x95: {  	s2 =	sld [smem:$0x3FFD];
	_ =	sdelay $0x3  }
0x96: {  	_ =	strace s2  }
0x97: {  	_ =	strace $0x8FFFFFFF  }
0x98: {  	s18 =	sld [smem:$0x3FDB];
	_ =	sdelay $0x1  }
0x99: {  	s19 =	simm.s32 $_scs_section_size  }
0x9a: {  	s4 =	simm.s32 $_size__tile_overlayer_lowered;
	s5 =	simm.s32 $_tile_overlayer_lowered  }
0x9b: {  	s22 =	simm.s32 $0x1BFF;
	s21 =	sshll.u32 s5, $0x1;
	s2 =	sadd.s32 s19, s18  }
0x9c: {  	s6 =	simm.s32 $0x0;
	s20 =	sshll.u32 s4, $0x1;
	s4 =	sadd.s32 s21, s2  }
0x9d: {  	[timem:s6], [sflag:s22] =	dma.local [hbm:s4], s20  }
0x9e: {  	_ =	swait.ge [sflag:s22], s20  }
0x9f: {  	s3 =	ssub.s32 $0x0, s20;
	[sflag:s22] =	ssyncset.done $0x0  }
0xa0: {  	[sflag:s22] =	ssyncadd.s32 s3;
	_ =	sdelay $0x1  }
0xa1: {  	s23 =	simm.s32 $0x1B8B  }
0xa2: {  	_ =	swait.ge [sflag:s23], $0x1  }
0xa3: {  	[sflag:s23] =	ssyncset.done $0x0  }
0xa4: {  	s25 =	simm.s32 $0x1B8E;
	s24 =	sld [smem:$0x3FFE];
	[sflag:s23] =	ssyncadd.s32 $0xFFFFFFFF  }
0xa5: {  	s26 =	simm.s32 $execute0_lowered;
	[smem:$0x3FD2] =	sst s25  }
0xa6: {  	s4 =	sshll.u32 s26, $0x1;
	_ =	strace $0x8000004F;
	[dreg:$0x1] =	wrdreg $0xFFFFFFFF  }
0xa7: {  	s28 =	simm.s32 $_size_execute0_lowered;
	s2 =	sadd.s32 s2, s4;
	[dreg:$0x0] =	wrdreg $0x0  }
0xa8: {  	s4 =	sshll.u32 s28, $0x1;
	[dreg:$0x2] =	wrdreg s2  }
0xa9: {  	[dreg:$0x3] =	wrdreg s4  }
0xaa: {  	[dreg:$0x4] =	wrdreg $0xC0  }
0xab: {  	_ =	task [dreg:s6], $0x5FFFF  }
0xac: {  	[dreg:$0x1] =	wrdreg $0xFFFFFFFF  }
0xad: {  	[dreg:$0x0] =	wrdreg $0x60  }
0xae: {  	[dreg:$0x2] =	wrdreg s24  }
0xaf: {  	[dreg:$0x3] =	wrdreg $0x170000  }
0xb0: {  	[dreg:$0x4] =	wrdreg $0x120000  }
0xb1: {  	[dreg:$0x5] =	wrdreg $0x9  }
0xb2: {  	_ =	task.clear_ibuf [dreg:s6], $0x6FFFF;
	_ =	strace $0x9000004F  }
0xb3: {  	s29 =	simm.s32 $0x9;
	_ =	strace $0x80000051  }
0xb4: {  	_ =	swait.ge [sflag:s29], $0x1  }
0xb5: {  	[sflag:s29] =	ssyncadd.s32 $0xFFFFFFFF  }
0xb6: {  	_ =	strace $0x90000051  }
0xb7: {  	_ =	sfence  }
0xb8: {  	s30 =	sld [smem:$0x0];
	_ =	sdelay $0x2  }
0xb9: {  	s31 =	sshll.u32 s1, $0xD;
	s1 =	sshrl.u32 s1, $0x2  }
0xba: {  	s3 =	sand.u32 $0x4000, s31;
	s1 =	sadd.s32 s1, s30  }
0xbb: {  	s0 =	sor.u32 s3, s0;
	s1 =	sshll.u32 s1, $0x11  }
0xbc: {  	s0 =	sor.u32 s1, s0  }
0xbd: {  	s0 =	sadd.s32 $0x8F2B, s0  }
0xbe: {  	[sflag:s0] =	ssyncadd.remote.s32 $0x1  }
0xbf: {  	_ =	sfence.sel $0xFFFF  }
0xc0: {  	[dreg:$0x0] =	wrdreg $0xFFFFFFFF;
	(pc) =	sbr.abs _section_cstart, $3  }
0xc1: {  	[dreg:$0x1] =	wrdreg $0xFFFFFFFF  }
0xc2: {  	_ =	task.clear_ibuf [dreg:s6], $0x2FFFF;
	_ =	strace $0x9FFFFFFF  }
0xc3: {  	(tm) =	ssettm $0x7FFFFFFF  }
tec
execute0_lowered:
.L_overlay_start_1:
0x0: {  	(tag) =	ssettag $0x1  }
0x1: {  	s0 =	rddreg [dreg:$0x0]  }
0x2: {  	s2 =	rddreg [dreg:$0x1]  }
0x3: {  	s3 =	rddreg [dreg:$0x2];
	s4 =	simm.s32 $0x0;
	s17 =	stileid.u32  }
0x4: {  	s1 =	srdreg.scid;
	s28 =	simm.s32 $0x9;
	s29 =	simm.s32 $0xA  }
0x5: {  	s31 =	simm.s32 $0xD;
	[smem:$0x7FF] =	sst s4;
	s19 =	smul.u32 $0xA00, s17  }
0x6: {  	s1 =	sand.u32 $0x1, s1;
	s7 =	sadd.s32 $0x3400, s0;
	s8 =	smul.u32 $0x5000, s17  }
0x7: {  	s5 =	sadd.s32 $0x17400, s0;
	s30 =	sshll.u32 s17, $0x6;
	s17 =	simm.s32 $0xA000  }
0x8: {  	_ =	strace $0x80000050;
	s6 =	smul.u32 $0x50000, s1;
	s1 =	ssub.s32 $0x2, s1  }
0x9: {  	s4 =	sadd.s32 s19, s0;
	s0 =	sadd.s32 $0x7B800, s0;
	s9 =	sshrl.u32 s1, $0x1  }
0xa: {  	s11 =	sadd.s32 $0x1000, s8;
	s12 =	sadd.s32 s8, s2;
	s22 =	sadd.s32 s8, s3  }
0xb: {  	s23 =	sadd.s32 $0x2000, s8;
	s24 =	sadd.s32 $0x3000, s8;
	s10 =	sadd.s32 s8, s6  }
0xc: {  	s1 =	ssub.s32 s1, s9;
	s21 =	sadd.s32 s6, s11;
	[dreg:$0x5] =	wrdreg s22  }
0xd: {  	s15 =	sadd.s32 s6, s23;
	s16 =	sadd.s32 s6, s24;
	s8 =	sadd.s32 $0x4000, s8  }
0xe: {  	s19 =	sadd.s32 s24, s2;
	s22 =	sadd.s32 $0x21800, s4;
	s4 =	sadd.s32 $0x17800, s4  }
0xf: {  	s20 =	sshrl.u32 s10, $0x3;
	s10 =	sshrl.u32 s21, $0x3;
	s15 =	sshrl.u32 s15, $0x3  }
0x10: {  	s16 =	sshrl.u32 s16, $0x3;
	s6 =	sadd.s32 s6, s8;
	[dreg:$0x13] =	wrdreg s22  }
0x11: {  	s21 =	sadd.s32 s8, s2;
	s8 =	sadd.s32 s8, s3;
	[dreg:$0x14] =	wrdreg s4  }
0x12: {  	s1 =	smax.u32 s1, $0x1;
	s22 =	simm.s32 $0xF000;
	[dreg:$0x12] =	wrdreg s8  }
0x13: {  	s4 =	simm.s32 $0x0;
	s13 =	sadd.s32 s7, s20;
	[dreg:$0x15] =	wrdreg s1  }
0x14: {  	s14 =	sadd.s32 s7, s10;
	s18 =	sadd.s32 s7, s15;
	[dreg:$0x4] =	wrdreg s13  }
0x15: {  	s25 =	sadd.s32 s7, s16;
	s6 =	sshrl.u32 s6, $0x3;
	[dreg:$0x6] =	wrdreg s14  }
0x16: {  	s26 =	sadd.s32 s0, s20;
	s9 =	sadd.s32 s0, s10;
	[dreg:$0x8] =	wrdreg s18  }
0x17: {  	s10 =	sadd.s32 s0, s15;
	s15 =	sadd.s32 s0, s16;
	[dreg:$0x9] =	wrdreg s25  }
0x18: {  	s16 =	sadd.s32 s23, s2;
	s20 =	sadd.s32 s24, s3;
	[dreg:$0xb] =	wrdreg s26  }
0x19: {  	s1 =	simm.s32 $0x1;
	s8 =	simm.s32 $0x3;
	[dreg:$0xc] =	wrdreg s9  }
0x1a: {  	s13 =	sadd.s32 s11, s2;
	s11 =	sadd.s32 s11, s3;
	[dreg:$0xd] =	wrdreg s10  }
0x1b: {  	s7 =	sadd.s32 s7, s6;
	[dreg:$0xe] =	wrdreg s15;
	s0 =	sadd.s32 s0, s6  }
0x1c: {  	s18 =	sadd.s32 s23, s3;
	[dreg:$0x11] =	wrdreg s20;
	s23 =	sshrl.u32 s12, $0x3  }
0x1d: {  	s25 =	sshrl.u32 s19, $0x3;
	s26 =	sshrl.u32 s21, $0x3;
	[dreg:$0x7] =	wrdreg s11  }
0x1e: {  	s6 =	simm.s32 $0x2;
	s9 =	simm.s32 $0xB;
	[dreg:$0xa] =	wrdreg s7  }
0x1f: {  	s10 =	simm.s32 $0x4;
	s12 =	simm.s32 $0x5;
	[dreg:$0xf] =	wrdreg s0  }
0x20: {  	s15 =	simm.s32 $0x7;
	s19 =	simm.s32 $0xC000;
	[dreg:$0x10] =	wrdreg s18  }
0x21: {  	s20 =	simm.s32 $0xD000;
	s21 =	simm.s32 $0xE000;
	[dreg:$0x16] =	wrdreg s23  }
.Ltmp0:
0x22: {  	s24 =	sshrl.u32 s13, $0x3;
	[dreg:$0x19] =	wrdreg s25;
	(pc) =	sbr.rel .LBB2_1-.Ltmp0, $4  }
0x23: {  	s0 =	sshrl.u32 s16, $0x3;
	[dreg:$0x1a] =	wrdreg s26;
	s26 =	sor.u32 $0x1C01, s30  }
0x24: {  	s11 =	simm.s32 $0xC;
	s16 =	simm.s32 $0x80;
	[dreg:$0x17] =	wrdreg s24  }
0x25: {  	s18 =	simm.s32 $0xB000;
	s23 =	simm.s32 $0x10000;
	[dreg:$0x18] =	wrdreg s0  }
0x26: {  	s25 =	simm.s32 $0x8;
	s24 =	simm.s32 $0x11000;
	[dreg:$0x1b] =	wrdreg s26  }
.LBB2_4:
0x27: {  	_ =	swait.ge [sflag:s25], $0x1000  }
0x28: {  	[sflag:s25] =	ssyncset.done $0x0  }
0x29: {  	s28 =	simm.s32 $0x9;
	[sflag:s25] =	ssyncadd.s32 $0xFFFFF000  }
0x2a: {  	[spmem:s3] =	stream.indirect.scatter.add.f32 [tilespmem:s24], [sflag:$0x10], $0x20, s29, s16, $0xb8;
	[tilespmem:$0x1C000] =	vst v63  }
0x2b: {  	_ =	swait.ge [sflag:s28], $0x1000  }
0x2c: {  	[sflag:s28] =	ssyncset.done $0x0  }
0x2d: {  	s29 =	simm.s32 $0xA;
	[sflag:s28] =	ssyncadd.s32 $0xFFFFF000  }
0x2e: {  	_ =	swait.ge [sflag:s29], $0x1000  }
0x2f: {  	[sflag:s29] =	ssyncset.done $0x0  }
0x30: {  	[sflag:s29] =	ssyncadd.s32 $0xFFFFF000  }
0x31: {  	_ =	swait.ge [sflag:s9], $0x1000  }
0x32: {  	[sflag:s9] =	ssyncset.done $0x0  }
0x33: {  	[sflag:s9] =	ssyncadd.s32 $0xFFFFF000  }
0x34: {  	_ =	swait.ge [sflag:s11], $0x1000  }
0x35: {  	[sflag:s11] =	ssyncset.done $0x0  }
0x36: {  	s31 =	simm.s32 $0xD;
	[sflag:s11] =	ssyncadd.s32 $0xFFFFF000  }
0x37: {  	_ =	swait.ge [sflag:s31], $0x1000  }
0x38: {  	[sflag:s31] =	ssyncset.done $0x0  }
0x39: {  	s0 =	simm.s32 $0xE;
	[sflag:s31] =	ssyncadd.s32 $0xFFFFF000  }
0x3a: {  	_ =	swait.ge [sflag:s0], $0x1000  }
0x3b: {  	[sflag:s0] =	ssyncset.done $0x0  }
0x3c: {  	s26 =	simm.s32 $0xF;
	[sflag:s0] =	ssyncadd.s32 $0xFFFFF000  }
0x3d: {  	_ =	swait.ge [sflag:s26], $0x1000  }
0x3e: {  	[sflag:s26] =	ssyncset.done $0x0  }
0x3f: {  	s7 =	simm.s32 $0x10;
	[sflag:s26] =	ssyncadd.s32 $0xFFFFF000  }
0x40: {  	_ =	swait.ge [sflag:s7], $0x1000  }
0x41: {  	[sflag:s7] =	ssyncset.done $0x0  }
0x42: {  	[sflag:s7] =	ssyncadd.s32 $0xFFFFF000  }
0x43: {  	[bflag:$0x0] =	sbarrier.arrive $0xFFFF  }
0x44: {  	s13 =	rddreg [dreg:$0xb]  }
0x45: {  	s26 =	rddreg [dreg:$0x1b]  }
0x46: {  	s7 =	rddreg [dreg:$0x1c]  }
0x47: {  	[hbm:s13], [sflag:s26] =	dma.local [spmem:s7], $0x200  }
0x48: {  	s0 =	rddreg [dreg:$0xc]  }
0x49: {  	s7 =	rddreg [dreg:$0x1d]  }
0x4a: {  	s13 =	rddreg [dreg:$0x1e]  }
0x4b: {  	[hbm:s0], [sflag:s7] =	dma.local [spmem:s13], $0x200  }
0x4c: {  	s13 =	sld [smem:$0x7FA]  }
0x4d: {  	s0 =	rddreg [dreg:$0xd]  }
0x4e: {  	s7 =	rddreg [dreg:$0x1f]  }
0x4f: {  	[hbm:s0], [sflag:s7] =	dma.local [spmem:s13], $0x200  }
0x50: {  	s7 =	sld [smem:$0x7FB]  }
0x51: {  	s13 =	sld [smem:$0x7FC];
	_ =	sdelay $0x1  }
0x52: {  	s0 =	rddreg [dreg:$0xe]  }
0x53: {  	[hbm:s0], [sflag:s7] =	dma.local [spmem:s13], $0x200  }
0x54: {  	s7 =	sld [smem:$0x7FD];
	_ =	sdelay $0x1  }
0x55: {  	s0 =	rddreg [dreg:$0xf]  }
0x56: {  	[hbm:s0], [sflag:s7] =	dma.local [spmem:s14], $0x200  }
0x57: {  	_ =	swait.ge [sflag:s1], $0x200  }
0x58: {  	[sflag:s1] =	ssyncset.done $0x0  }
0x59: {  	[sflag:s1] =	ssyncadd.s32 $0xFFFFFE00  }
0x5a: {  	_ =	swait.ge [sflag:s6], $0x200  }
0x5b: {  	[sflag:s6] =	ssyncset.done $0x0  }
0x5c: {  	[sflag:s6] =	ssyncadd.s32 $0xFFFFFE00  }
0x5d: {  	_ =	swait.ge [sflag:s8], $0x200  }
0x5e: {  	[sflag:s8] =	ssyncset.done $0x0  }
0x5f: {  	[sflag:s8] =	ssyncadd.s32 $0xFFFFFE00  }
0x60: {  	_ =	swait.ge [sflag:s10], $0x200  }
0x61: {  	[sflag:s10] =	ssyncset.done $0x0  }
0x62: {  	[sflag:s10] =	ssyncadd.s32 $0xFFFFFE00  }
0x63: {  	_ =	swait.ge [sflag:s12], $0x200  }
0x64: {  	s4 =	sadd.s32 $0x1, s4;
	s14 =	rddreg [dreg:$0x15]  }
0x65: {  	p0 =	sne.s32 s4, s14  }
.Ltmp1:
0x66: {  	_ = 	snop;
	(pc) =	sbr.rel @!p0 .LBB2_5-.Ltmp1, $3  }
0x67: {  	_ =	sdelay $0x1  }
0x68: {  	[sflag:s12] =	ssyncset.done $0x0  }
0x69: {  	[sflag:s12] =	ssyncadd.s32 $0xFFFFFE00  }
.LBB2_1:
0x6a: {  	s0 =	rddreg [dreg:$0x4]  }
0x6b: {  	s7 =	rddreg [dreg:$0x16]  }
0x6c: {  	[spmem:s7], [sflag:s26] =	dma.local [hbm:s0], $0x200  }
0x6d: {  	s7 =	rddreg [dreg:$0x5]  }
0x6e: {  	s7 =	sshrl.u32 s7, $0x3  }
0x6f: {  	s13 =	sor.u32 $0x1C09, s30;
	[dreg:$0x1c] =	wrdreg s7  }
0x70: {  	[spmem:s7], [sflag:s13] =	dma.local [hbm:s5], $0x200  }
0x71: {  	s0 =	rddreg [dreg:$0x6]  }
0x72: {  	s13 =	sor.u32 $0x1C02, s30;
	s7 =	rddreg [dreg:$0x17]  }
0x73: {  	[dreg:$0x1d] =	wrdreg s13  }
0x74: {  	[spmem:s7], [sflag:s13] =	dma.local [hbm:s0], $0x200  }
0x75: {  	s7 =	rddreg [dreg:$0x7]  }
0x76: {  	s7 =	sshrl.u32 s7, $0x3  }
0x77: {  	s14 =	sor.u32 $0x1C0A, s30;
	s26 =	sor.u32 $0x1C03, s30;
	[dreg:$0x1e] =	wrdreg s7  }
0x78: {  	[spmem:s7], [sflag:s14] =	dma.local [hbm:s5], $0x200  }
0x79: {  	[dreg:$0x1f] =	wrdreg s26  }
0x7a: {  	s0 =	rddreg [dreg:$0x8]  }
0x7b: {  	s7 =	rddreg [dreg:$0x18]  }
0x7c: {  	[spmem:s7], [sflag:s26] =	dma.local [hbm:s0], $0x200  }
0x7d: {  	s7 =	rddreg [dreg:$0x10]  }
0x7e: {  	s7 =	sshrl.u32 s7, $0x3  }
0x7f: {  	s14 =	sor.u32 $0x1C0B, s30;
	s26 =	sor.u32 $0x1C04, s30;
	[smem:$0x7FA] =	sst s7  }
0x80: {  	[spmem:s7], [sflag:s14] =	dma.local [hbm:s5], $0x200  }
0x81: {  	[smem:$0x7FB] =	sst s26  }
0x82: {  	s0 =	rddreg [dreg:$0x9]  }
0x83: {  	s7 =	rddreg [dreg:$0x19]  }
0x84: {  	[spmem:s7], [sflag:s26] =	dma.local [hbm:s0], $0x200  }
0x85: {  	s0 =	rddreg [dreg:$0x11]  }
0x86: {  	s0 =	sshrl.u32 s0, $0x3  }
0x87: {  	s14 =	sor.u32 $0x1C05, s30;
	s7 =	sor.u32 $0x1C0C, s30;
	[smem:$0x7FC] =	sst s0  }
0x88: {  	[spmem:s0], [sflag:s7] =	dma.local [hbm:s5], $0x200  }
0x89: {  	[smem:$0x7FD] =	sst s14  }
0x8a: {  	s0 =	rddreg [dreg:$0xa]  }
0x8b: {  	s26 =	rddreg [dreg:$0x1a]  }
0x8c: {  	[spmem:s26], [sflag:s14] =	dma.local [hbm:s0], $0x200  }
0x8d: {  	s0 =	rddreg [dreg:$0x12]  }
0x8e: {  	s7 =	sor.u32 $0x1C0D, s30;
	s14 =	sshrl.u32 s0, $0x3  }
0x8f: {  	[spmem:s14], [sflag:s7] =	dma.local [hbm:s5], $0x200  }
0x90: {  	s0 =	simm.s32 $0x0;
	s13 =	rddreg [dreg:$0x13]  }
0x91: {  	[tilespmem:s0], [sflag:$0x6] =	stream.linear.gather [hbm4b:s13+s0], $0x5000, $0x38;
	[tilespmem:$0x1C000] =	vst v63  }
0x92: {  	s26 =	rddreg [dreg:$0x14];
	s13 =	simm.s32 $0x5000  }
0x93: {  	[tilespmem:s13], [sflag:$0x7] =	stream.linear.gather [hbm4b:s26+s0], $0x5000, $0x38;
	[tilespmem:$0x1C000] =	vst v63  }
0x94: {  	_ =	swait.ge [sflag:s1], $0x200  }
0x95: {  	[sflag:s1] =	ssyncset.done $0x0  }
0x96: {  	[sflag:s1] =	ssyncadd.s32 $0xFFFFFE00  }
0x97: {  	_ =	swait.ge [sflag:s28], $0x200  }
0x98: {  	[sflag:s28] =	ssyncset.done $0x0  }
0x99: {  	[sflag:s28] =	ssyncadd.s32 $0xFFFFFE00  }
0x9a: {  	_ =	swait.ge [sflag:s6], $0x200  }
0x9b: {  	[sflag:s6] =	ssyncset.done $0x0  }
0x9c: {  	[sflag:s6] =	ssyncadd.s32 $0xFFFFFE00  }
0x9d: {  	_ =	swait.ge [sflag:s29], $0x200  }
0x9e: {  	[sflag:s29] =	ssyncset.done $0x0  }
0x9f: {  	[sflag:s29] =	ssyncadd.s32 $0xFFFFFE00  }
0xa0: {  	_ =	swait.ge [sflag:s8], $0x200  }
0xa1: {  	[sflag:s8] =	ssyncset.done $0x0  }
0xa2: {  	[sflag:s8] =	ssyncadd.s32 $0xFFFFFE00  }
0xa3: {  	_ =	swait.ge [sflag:s9], $0x200  }
0xa4: {  	[sflag:s9] =	ssyncset.done $0x0  }
0xa5: {  	[sflag:s9] =	ssyncadd.s32 $0xFFFFFE00  }
0xa6: {  	_ =	swait.ge [sflag:s10], $0x200  }
0xa7: {  	[sflag:s10] =	ssyncset.done $0x0  }
0xa8: {  	[sflag:s10] =	ssyncadd.s32 $0xFFFFFE00  }
0xa9: {  	_ =	swait.ge [sflag:s11], $0x200  }
0xaa: {  	[sflag:s11] =	ssyncset.done $0x0  }
0xab: {  	[sflag:s11] =	ssyncadd.s32 $0xFFFFFE00  }
0xac: {  	_ =	swait.ge [sflag:s12], $0x200  }
0xad: {  	[sflag:s12] =	ssyncset.done $0x0  }
0xae: {  	[sflag:s12] =	ssyncadd.s32 $0xFFFFFE00  }
0xaf: {  	_ =	swait.ge [sflag:s31], $0x200  }
0xb0: {  	[sflag:s31] =	ssyncset.done $0x0  }
0xb1: {  	s28 =	simm.s32 $0x6;
	[sflag:s31] =	ssyncadd.s32 $0xFFFFFE00  }
0xb2: {  	_ =	swait.ge [sflag:s28], $0x5000  }
0xb3: {  	[sflag:s28] =	ssyncset.done $0x0  }
0xb4: {  	[sflag:s28] =	ssyncadd.s32 $0xFFFFB000  }
0xb5: {  	_ =	swait.ge [sflag:s15], $0x5000  }
0xb6: {  	[sflag:s15] =	ssyncset.done $0x0  }
0xb7: {  	[sflag:s15] =	ssyncadd.s32 $0xFFFFB000  }
0xb8: {  	[bflag:$0x0] =	sbarrier.arrive $0xFFFF  }
0xb9: {  	[tilespmem:s17], [sflag:$0x1] =	stream.indirect.gather [spmem:s2], $0x20, s0, s16, $0xb8;
	[tilespmem:$0x1C000] =	vst v63  }
0xba: {  	_ = 	snop  }
0xbb: {  	[tilespmem:s18], [sflag:$0x2] =	stream.indirect.gather [spmem:s2], $0x20, s16, s16, $0xb8;
	[tilespmem:$0x1C000] =	vst v63  }
0xbc: {  	s29 =	simm.s32 $0x100  }
0xbd: {  	[tilespmem:s19], [sflag:$0x3] =	stream.indirect.gather [spmem:s2], $0x20, s29, s16, $0xb8;
	[tilespmem:$0x1C000] =	vst v63  }
0xbe: {  	s26 =	simm.s32 $0x0;
	s31 =	simm.s32 $0x180  }
0xbf: {  	[tilespmem:s20], [sflag:$0x4] =	stream.indirect.gather [spmem:s2], $0x20, s31, s16, $0xb8;
	[tilespmem:$0x1C000] =	vst v63  }
.LBB2_2:
0xc0: {  	_ =	swait.ge [sflag:s1], $0x1000  }
0xc1: {  	s28 =	sshra.s32 s26, $0x2;
	[sflag:s1] =	ssyncset.done $0x0  }
0xc2: {  	p0 =	seq.s32 s26, $0x0;
	s29 =	sadd.s32 $0x5000, s28;
	[sflag:s1] =	ssyncadd.s32 $0xFFFFF000  }
0xc3: {  	[spmem:s3] =	stream.indirect.scatter.add.f32 [tilespmem:s17], [sflag:$0x9], $0x20, s29, s16, $0xb8;
	[tilespmem:$0x1C000] =	vst v63  }
0xc4: {  	s29 =	simm.s32 @!p0 $0xD  }
0xc5: {  	_ =	swait.ge @!p0 [sflag:s29], $0x1000  }
0xc6: {  	[sflag:s29] =	ssyncset.done @!p0 $0x0  }
0xc7: {  	[sflag:s29] =	ssyncadd.s32 @!p0 $0xFFFFF000;
	s29 =	sadd.s32 $0x200, s28  }
0xc8: {  	[tilespmem:s21], [sflag:$0x5] =	stream.indirect.gather [spmem:s2], $0x20, s29, s16, $0xb8;
	[tilespmem:$0x1C000] =	vst v63  }
0xc9: {  	_ =	swait.ge [sflag:s6], $0x1000  }
0xca: {  	[sflag:s6] =	ssyncset.done $0x0  }
0xcb: {  	s29 =	sadd.s32 $0x5080, s28;
	[sflag:s6] =	ssyncadd.s32 $0xFFFFF000  }
0xcc: {  	[spmem:s3] =	stream.indirect.scatter.add.f32 [tilespmem:s18], [sflag:$0xA], $0x20, s29, s16, $0xb8;
	[tilespmem:$0x1C000] =	vst v63  }
0xcd: {  	s29 =	simm.s32 @!p0 $0xE  }
0xce: {  	_ =	swait.ge @!p0 [sflag:s29], $0x1000  }
0xcf: {  	[sflag:s29] =	ssyncset.done @!p0 $0x0  }
0xd0: {  	[sflag:s29] =	ssyncadd.s32 @!p0 $0xFFFFF000;
	s29 =	sadd.s32 $0x280, s28  }
0xd1: {  	[tilespmem:s22], [sflag:$0x6] =	stream.indirect.gather [spmem:s2], $0x20, s29, s16, $0xb8;
	[tilespmem:$0x1C000] =	vst v63  }
0xd2: {  	_ =	swait.ge [sflag:s8], $0x1000  }
0xd3: {  	[sflag:s8] =	ssyncset.done $0x0  }
0xd4: {  	s29 =	sadd.s32 $0x5100, s28;
	[sflag:s8] =	ssyncadd.s32 $0xFFFFF000  }
0xd5: {  	[spmem:s3] =	stream.indirect.scatter.add.f32 [tilespmem:s19], [sflag:$0xB], $0x20, s29, s16, $0xb8;
	[tilespmem:$0x1C000] =	vst v63  }
0xd6: {  	s29 =	simm.s32 @!p0 $0xF  }
0xd7: {  	_ =	swait.ge @!p0 [sflag:s29], $0x1000  }
0xd8: {  	[sflag:s29] =	ssyncset.done @!p0 $0x0  }
0xd9: {  	[sflag:s29] =	ssyncadd.s32 @!p0 $0xFFFFF000;
	s29 =	sadd.s32 $0x300, s28  }
0xda: {  	[tilespmem:s23], [sflag:$0x7] =	stream.indirect.gather [spmem:s2], $0x20, s29, s16, $0xb8;
	[tilespmem:$0x1C000] =	vst v63  }
0xdb: {  	_ =	swait.ge [sflag:s10], $0x1000  }
0xdc: {  	[sflag:s10] =	ssyncset.done $0x0  }
0xdd: {  	s29 =	sadd.s32 $0x5180, s28;
	[sflag:s10] =	ssyncadd.s32 $0xFFFFF000  }
0xde: {  	[spmem:s3] =	stream.indirect.scatter.add.f32 [tilespmem:s20], [sflag:$0xC], $0x20, s29, s16, $0xb8;
	[tilespmem:$0x1C000] =	vst v63  }
0xdf: {  	s29 =	simm.s32 @!p0 $0x10  }
0xe0: {  	_ =	swait.ge @!p0 [sflag:s29], $0x1000  }
0xe1: {  	[sflag:s29] =	ssyncset.done @!p0 $0x0  }
0xe2: {  	[sflag:s29] =	ssyncadd.s32 @!p0 $0xFFFFF000;
	s29 =	sadd.s32 $0x380, s28  }
0xe3: {  	[tilespmem:s24], [sflag:$0x8] =	stream.indirect.gather [spmem:s2], $0x20, s29, s16, $0xb8;
	[tilespmem:$0x1C000] =	vst v63  }
0xe4: {  	_ =	swait.ge [sflag:s12], $0x1000  }
0xe5: {  	[sflag:s12] =	ssyncset.done $0x0  }
0xe6: {  	p0 =	seq.s32 s26, $0x13000;
	s29 =	sadd.s32 $0x5200, s28;
	[sflag:s12] =	ssyncadd.s32 $0xFFFFF000  }
0xe7: {  	[spmem:s3] =	stream.indirect.scatter.add.f32 [tilespmem:s21], [sflag:$0xD], $0x20, s29, s16, $0xb8;
	[tilespmem:$0x1C000] =	vst v63  }
0xe8: {  	s29 =	simm.s32 @p0 $0x6  }
0xe9: {  	_ =	swait.ge @p0 [sflag:s29], $0x1000  }
0xea: {  	[sflag:s29] =	ssyncset.done @p0 $0x0  }
0xeb: {  	[sflag:s29] =	ssyncadd.s32 @p0 $0xFFFFF000;
	s29 =	sshra.s32 @p0 s26, $0x2  }
0xec: {  	s31 =	simm.s32 @p0 $0x80;
	s0 =	simm.s32 @p0 $0xF000;
	s29 =	sadd.s32 @p0 $0x5280, s29  }
0xed: {  	[spmem:s3] =	stream.indirect.scatter.add.f32 @p0 [tilespmem:s0], [sflag:$0xE], $0x20, s29, s31, $0xb8;
	[tilespmem:$0x1C000] =	vst v63  }
0xee: {  	s0 =	simm.s32 @!p0 $0x9  }
0xef: {  	_ =	swait.ge @!p0 [sflag:s0], $0x1000  }
0xf0: {  	[sflag:s0] =	ssyncset.done @!p0 $0x0  }
0xf1: {  	[sflag:s0] =	ssyncadd.s32 @!p0 $0xFFFFF000;
	s0 =	sshra.s32 @!p0 s26, $0x2  }
0xf2: {  	s7 =	simm.s32 @!p0 $0xA000;
	s31 =	simm.s32 @!p0 $0x80;
	s29 =	sadd.s32 @!p0 $0x400, s0  }
0xf3: {  	[tilespmem:s7], [sflag:$0x1] =	stream.indirect.gather @!p0 [spmem:s2], $0x20, s29, s31, $0xb8;
	[tilespmem:$0x1C000] =	vst v63  }
0xf4: {  	s7 =	simm.s32 @!p0 $0x6  }
0xf5: {  	_ =	swait.ge @!p0 [sflag:s7], $0x1000  }
0xf6: {  	[sflag:s7] =	ssyncset.done @!p0 $0x0  }
0xf7: {  	s29 =	simm.s32 @!p0 $0xF000;
	[sflag:s7] =	ssyncadd.s32 @!p0 $0xFFFFF000;
	s7 =	sadd.s32 @!p0 $0x5280, s0  }
0xf8: {  	[spmem:s3] =	stream.indirect.scatter.add.f32 @!p0 [tilespmem:s29], [sflag:$0xE], $0x20, s7, s31, $0xb8;
	[tilespmem:$0x1C000] =	vst v63  }
0xf9: {  	s7 =	simm.s32 @!p0 $0xA  }
0xfa: {  	_ =	swait.ge @!p0 [sflag:s7], $0x1000  }
0xfb: {  	[sflag:s7] =	ssyncset.done @!p0 $0x0  }
0xfc: {  	s0 =	sadd.s32 @!p0 $0x480, s0;
	[sflag:s7] =	ssyncadd.s32 @!p0 $0xFFFFF000;
	s7 =	simm.s32 @!p0 $0xB000  }
0xfd: {  	[tilespmem:s7], [sflag:$0x2] =	stream.indirect.gather @!p0 [spmem:s2], $0x20, s0, s31, $0xb8;
	[tilespmem:$0x1C000] =	vst v63  }
.Ltmp2:
0xfe: {  	_ = 	snop;
	(pc) =	sbr.rel @p0 .LBB2_4-.Ltmp2, $4  }
0xff: {  	_ =	swait.ge [sflag:s15], $0x1000  }
0x100: {  	[sflag:s15] =	ssyncset.done $0x0  }
0x101: {  	s29 =	sadd.s32 $0x5380, s28;
	s31 =	sadd.s32 $0x5300, s28;
	[sflag:s15] =	ssyncadd.s32 $0xFFFFF000  }
0x102: {  	[spmem:s3] =	stream.indirect.scatter.add.f32 [tilespmem:s23], [sflag:$0xF], $0x20, s31, s16, $0xb8;
	[tilespmem:$0x1C000] =	vst v63  }
0x103: {  	_ =	swait.ge [sflag:s9], $0x1000  }
0x104: {  	[sflag:s9] =	ssyncset.done $0x0  }
0x105: {  	s0 =	sadd.s32 $0x500, s28;
	[sflag:s9] =	ssyncadd.s32 $0xFFFFF000  }
0x106: {  	[tilespmem:s19], [sflag:$0x3] =	stream.indirect.gather [spmem:s2], $0x20, s0, s16, $0xb8;
	[tilespmem:$0x1C000] =	vst v63  }
0x107: {  	_ =	swait.ge [sflag:s25], $0x1000  }
0x108: {  	[sflag:s25] =	ssyncset.done $0x0  }
0x109: {  	[sflag:s25] =	ssyncadd.s32 $0xFFFFF000  }
0x10a: {  	[spmem:s3] =	stream.indirect.scatter.add.f32 [tilespmem:s24], [sflag:$0x10], $0x20, s29, s16, $0xb8;
	[tilespmem:$0x1C000] =	vst v63  }
.Ltmp3:
0x10b: {  	_ = 	snop;
	(pc) =	sbr.rel .LBB2_2-.Ltmp3, $4  }
0x10c: {  	_ =	swait.ge [sflag:s11], $0x1000  }
0x10d: {  	[sflag:s11] =	ssyncset.done $0x0  }
0x10e: {  	s31 =	sadd.s32 $0x580, s28;
	s26 =	sadd.s32 $0x1000, s26;
	[sflag:s11] =	ssyncadd.s32 $0xFFFFF000  }
0x10f: {  	[tilespmem:s20], [sflag:$0x4] =	stream.indirect.gather [spmem:s2], $0x20, s31, s16, $0xb8;
	[tilespmem:$0x1C000] =	vst v63  }
.LBB2_5:
0x110: {  	_ =	sfence.sel $0x180000  }
0x111: {  	[bflag:$0x0] =	sbarrier.arrive $0xFFFF  }
0x112: {  	_ =	strace $0x90000050  }
0x113: {  	s0 =	stileid.u32;
	[bflag:$0x2] =	sbarrier.arrive $0xFFFF  }
0x114: {  	p0 =	sne.s32 s0, $0x0;
	s0 =	rddreg [dreg:$0x3]  }
0x115: {  	s0 =	sadd.s32 @!p0 $0x100000, s0  }
0x116: {  	[sflag:s0] =	ssyncadd.tile.s32 @!p0 $0x1;
	_ =	shalt  }
.Lfunc_end2:
_tile_overlayer_lowered:
.L_overlay_start_2:
0x117: {  	(tag) =	ssettag $0x2  }
0x118: {  	s0 =	rddreg [dreg:$0x0];
	s2 =	stileid.u32  }
0x119: {  	s1 =	rddreg [dreg:$0x1];
	p0 =	sne.s32 s2, $0x0  }
0x11a: {  	s3 =	rddreg [dreg:$0x2];
	[bflag:$0x3] =	sbarrier.arrive $0xFFFF;
	s2 =	simm.s32 @!p0 $0x1C11  }
0x11b: {  	[timem:s3], [sflag:s2] =	dma.local @!p0 [hbm:s0], s1  }
0x11c: {  	s0 =	simm.s32 @!p0 $0x11  }
0x11d: {  	_ =	swait.ge @!p0 [sflag:s0], s1  }
0x11e: {  	s1 =	ssub.s32 @!p0 $0x0, s1;
	[sflag:s0] =	ssyncset.done @!p0 $0x0  }
0x11f: {  	[sflag:s0] =	ssyncadd.s32 @!p0 s1  }
0x120: {  	[bflag:$0x3] =	sbarrier.arrive $0xFFFF  }
0x121: {  	_ =	shalt  }

</sc_bundles>
